<compile_context>
chip_gen: v7x
topology: tpu7x:2x2x1
jax: 0.10.2.dev20260603
libtpu: 0.0.44.dev20260713+nightly
codegen_flags: <defaults>
</compile_context>

<pallas_src>
import jax
import jax.numpy as jnp
from jax import lax
from jax.experimental import pallas as pl
from jax.experimental.pallas import tpu as pltpu
from jax.experimental.pallas import tpu_sc as plsc

def _pack_pairs(v):
    lo = jax.lax.bitcast_convert_type(
        v[..., :64].astype(jnp.bfloat16), jnp.uint16).astype(jnp.uint32)
    hi = jax.lax.bitcast_convert_type(
        v[..., 64:].astype(jnp.bfloat16), jnp.uint16).astype(jnp.uint32)
    return jax.lax.bitcast_convert_type(lo | (hi << 16), jnp.float32)

N = 10000
E = 320000
D = 128
DE = 16
H = 128
G = 128

NC = 2
NS = 16
NW = NC * NS
EPW = E // NW
C = 80
NCHUNK = EPW // C
RPS = 624
RPS_LAST = N - RPS * (NS - 1)


def _emb_body(ea_ref, we_ref, be_ref, out_ref):
    out_ref[...] = _pack_pairs(
        jnp.dot(ea_ref[...], we_ref[...], preferred_element_type=jnp.float32)
        + be_ref[...]
    )


def _edge_emb(edge_attr, We, be2):
    BE = 8000
    return pl.pallas_call(
        _emb_body,
        grid=(E // BE,),
        in_specs=[
            pl.BlockSpec((BE, DE), lambda i: (i, 0)),
            pl.BlockSpec((DE, D), lambda i: (0, 0)),
            pl.BlockSpec((1, D), lambda i: (0, 0)),
        ],
        out_specs=pl.BlockSpec((BE, D // 2), lambda i: (i, 0)),
        out_shape=jax.ShapeDtypeStruct((E, D // 2), jnp.float32),
    )(edge_attr, We, be2)


NBUF = 2


def _sc_body(eidx_hbm, x_hbm, emb_hbm, zeros_hbm, out_hbm,
             ib, xb, eb, agg_shared, *sems):
    isems = sems[0:4]
    gsems = sems[4:4 + NBUF]
    esems = sems[4 + NBUF:4 + 2 * NBUF]
    ssems = sems[4 + 2 * NBUF:4 + 3 * NBUF]
    cid = lax.axis_index("c")
    sid = lax.axis_index("s")
    wid = sid * NC + cid
    base0 = wid * EPW

    @pl.when(sid < NS - 1)
    def _():
        pltpu.sync_copy(zeros_hbm.at[pl.ds(0, RPS)],
                        agg_shared.at[pl.ds(sid * RPS, RPS)])

    @pl.when(sid == NS - 1)
    def _():
        pltpu.sync_copy(zeros_hbm,
                        agg_shared.at[pl.ds(RPS * (NS - 1), RPS_LAST)])

    plsc.subcore_barrier()

    def idx_start(k, b):
        pltpu.async_copy(eidx_hbm.at[wid, k], ib.at[b], isems[b])

    def idx_wait(k, b):
        pltpu.make_async_copy(eidx_hbm.at[wid, k], ib.at[b],
                              isems[b]).wait()

    def inputs_start(k, b, bi):
        pltpu.async_copy(x_hbm.at[ib.at[bi, 0]], xb.at[b], gsems[b])
        pltpu.async_copy(emb_hbm.at[pl.ds(base0 + k * C, C)], eb.at[b],
                         esems[b])

    def inputs_wait(k, b, bi):
        pltpu.make_async_copy(x_hbm.at[ib.at[bi, 0]], xb.at[b],
                              gsems[b]).wait()
        pltpu.make_async_copy(emb_hbm.at[pl.ds(base0 + k * C, C)], eb.at[b],
                              esems[b]).wait()

    def scatter_wait(k, b, bi):
        pltpu.make_async_copy(xb.at[b], agg_shared.at[ib.at[bi, 1]],
                              ssems[b]).wait()

    def compute_scatter(k, b, bi):
        inputs_wait(k, b, bi)

        @plsc.parallel_loop(0, C, 1, unroll=2)
        def _(e):
            for kk in range(D // 32):
                u = jax.lax.bitcast_convert_type(
                    eb[b, e, pl.ds(16 * kk, 16)], jnp.int32)
                elo = jax.lax.bitcast_convert_type(
                    jax.lax.shift_left(u, jnp.int32(16)), jnp.float32)
                ehi = jax.lax.bitcast_convert_type(
                    jax.lax.bitwise_and(u, jnp.int32(-65536)), jnp.float32)
                slo = pl.ds(16 * kk, 16)
                shi = pl.ds(64 + 16 * kk, 16)
                xb[b, e, slo] = jnp.maximum(xb[b, e, slo] + elo, 0.0)
                xb[b, e, shi] = jnp.maximum(xb[b, e, shi] + ehi, 0.0)

        pltpu.async_copy(xb.at[b], agg_shared.at[ib.at[bi, 1]], ssems[b],
                         add=True)

    idx_start(0, 0)
    idx_start(1, 1)
    idx_start(2, 2)
    idx_wait(0, 0)
    inputs_start(0, 0, 0)
    idx_wait(1, 1)
    inputs_start(1, 1, 1)
    compute_scatter(0, 0, 0)
    idx_start(3, 3)

    def step(k, t):
        idx_wait(k + 1, (t + 2) % 4)
        scatter_wait(k - 1, t % 2, t % 4)
        inputs_start(k + 1, t % 2, (t + 2) % 4)
        compute_scatter(k, (t + 1) % 2, (t + 1) % 4)
        idx_start(k + 3, t % 4)

    def jbody(j, carry):
        for t in range(4):
            step(4 * j + 1 + t, t)
        return carry

    lax.fori_loop(0, (NCHUNK - 5) // 4, jbody, 0)

    k0 = NCHUNK - 4
    step(k0, 0)
    idx_wait(k0 + 2, 3)
    scatter_wait(k0, 1, 1)
    inputs_start(k0 + 2, 1, 3)
    compute_scatter(k0 + 1, 0, 2)
    idx_wait(k0 + 3, 0)
    scatter_wait(k0 + 1, 0, 2)
    inputs_start(k0 + 3, 0, 0)
    compute_scatter(k0 + 2, 1, 3)
    compute_scatter(k0 + 3, 0, 0)
    scatter_wait(k0 + 2, 1, 3)
    scatter_wait(k0 + 3, 0, 0)
    plsc.subcore_barrier()

    @pl.when(sid < NS - 1)
    def _():
        pltpu.sync_copy(agg_shared.at[pl.ds(sid * RPS, RPS)],
                        out_hbm.at[cid, pl.ds(sid * RPS, RPS)])

    @pl.when(sid == NS - 1)
    def _():
        pltpu.sync_copy(agg_shared.at[pl.ds(RPS * (NS - 1), RPS_LAST)],
                        out_hbm.at[cid, pl.ds(RPS * (NS - 1), RPS_LAST)])


def _sc_aggregate(eidx, x, emb, zeros):
    mesh = plsc.VectorSubcoreMesh(core_axis_name="c", subcore_axis_name="s")
    k = pl.kernel(
        _sc_body,
        out_type=jax.ShapeDtypeStruct((NC, N, D), jnp.float32),
        mesh=mesh,
        scratch_types=[
            pltpu.VMEM((4, 2, C), jnp.int32),
            pltpu.VMEM((NBUF, C, D), jnp.float32),
            pltpu.VMEM((NBUF, C, D // 2), jnp.float32),
            pltpu.VMEM_SHARED((N, D), jnp.float32),
        ] + [pltpu.SemaphoreType.DMA] * (4 + 3 * NBUF),
    )
    return k(eidx, x, emb, zeros)


def _mlp_body(x_ref, agg_ref, batch_ref, w1_ref, b1_ref, wc_ref, bc_ref,
              out_ref):
    xa = x_ref[...] + agg_ref[0] + agg_ref[1]
    h = jnp.maximum(
        jnp.dot(xa, w1_ref[...], preferred_element_type=jnp.float32)
        + b1_ref[...],
        0.0,
    )
    gids = lax.broadcasted_iota(jnp.int32, (G, N), 0)
    sel = (batch_ref[...] == gids).astype(jnp.float32)
    cnt = jnp.maximum(jnp.sum(sel, axis=1, keepdims=True), 1.0)
    pooled = jnp.dot(sel, h, preferred_element_type=jnp.float32) / cnt
    out_ref[...] = (
        jnp.dot(pooled, wc_ref[...], preferred_element_type=jnp.float32)
        + bc_ref[...]
    )


def _mlp_pool(x, agg, batch2, W1, b12, Wc, bc2):
    return pl.pallas_call(
        _mlp_body,
        out_shape=jax.ShapeDtypeStruct((G, 2), jnp.float32),
    )(x, agg, batch2, W1, b12, Wc, bc2)


def kernel(x, edge_index, edge_attr, batch, We, be, W1, b1, Wc, bc):
    eidx = edge_index.reshape(2, NW, NCHUNK, C).transpose(1, 2, 0, 3)
    emb = _edge_emb(edge_attr, We.astype(jnp.float32), be.reshape(1, D))
    zeros = jnp.zeros((RPS_LAST, D), jnp.float32)
    agg = _sc_aggregate(eidx, x, emb, zeros)
    return _mlp_pool(x, agg, batch.reshape(1, N), W1, b1.reshape(1, H),
                     Wc, bc.reshape(1, 2))

# --- scband reference (transcript-rebuilt; emitter-appended) ---
"""Pipeline reference for scband-cancer-gnn-26568667693553 (READ-ONLY COPY).

The authoritative reference and input builder live on the scoring server;
editing this copy changes nothing except your own understanding.
"""

import jax, jax.numpy as jnp
import numpy as np

N = 10000
E = 320000
D = 128
DE = 16
H = 128
G = 128


def setup_inputs(seed: int = 0) -> dict:
    key = jax.random.key(seed)
    ks = jax.random.split(key, 10)
    x = jax.random.normal(ks[0], (N, D), dtype=jnp.float32)
    edge_index = jax.random.randint(ks[1], (2, E), 0, N, dtype=jnp.int32)
    edge_attr = jax.random.normal(ks[2], (E, DE), dtype=jnp.float32)
    batch = jnp.sort(jax.random.randint(ks[3], (N,), 0, G, dtype=jnp.int32))
    # GINEConv edge linear: edge_dim -> in_channels of nn (num_node_features)
    We = jax.random.normal(ks[4], (DE, D), dtype=jnp.float32) * (1.0 / np.sqrt(DE))
    be = jnp.zeros((D,), dtype=jnp.float32)
    # nn1: Linear(num_node_features -> hidden_channels)
    W1 = jax.random.normal(ks[5], (D, H), dtype=jnp.float32) * (1.0 / np.sqrt(D))
    b1 = jnp.zeros((H,), dtype=jnp.float32)
    # classifier: Linear(hidden_channels -> 2)
    Wc = jax.random.normal(ks[6], (H, 2), dtype=jnp.float32) * (1.0 / np.sqrt(H))
    bc = jnp.zeros((2,), dtype=jnp.float32)
    return {"x": x, "edge_index": edge_index, "edge_attr": edge_attr, "batch": batch,
            "We": We, "be": be, "W1": W1, "b1": b1, "Wc": Wc, "bc": bc}


def reference(x, edge_index, edge_attr, batch, We, be, W1, b1, Wc, bc):
    # GINEConv (eps=0): m_ij = relu(x_j + lin_edge(edge_attr)); aggr = sum over incoming edges
    edge_emb = edge_attr @ We + be
    src = edge_index[0]
    dst = edge_index[1]
    m = jax.nn.relu(x[src] + edge_emb)
    agg = jax.ops.segment_sum(m, dst, num_segments=N)
    # nn1 = Linear + ReLU applied to (1+eps)*x + aggr
    h = jax.nn.relu(((1.0 + 0.0) * x + agg) @ W1 + b1)
    # outer F.relu in forward
    h = jax.nn.relu(h)
    # global_mean_pool over graph ids
    counts = jnp.maximum(jnp.bincount(batch, length=G), 1).astype(jnp.float32)
    pooled = jax.ops.segment_sum(h, batch, num_segments=G) / counts[:, None]
    return pooled @ Wc + bc

if __name__ == "__main__":
    import jax
    _d = setup_inputs()
    print(jax.jit(kernel)(*tuple(_d.values())))

</pallas_src>

<mosaic_0001>
#map = affine_map<(d0, d1) -> (0, 0, 0, 0)>
#map1 = affine_map<(d0, d1) -> (0, 0)>
#map2 = affine_map<(d0, d1) -> (0, 0, 0)>
module attributes {stable_mosaic.version = 14 : i64} {
  func.func @_sc_body(%arg0: i32, %arg1: i32, %arg2: memref<32x125x2x80xi32, #tpu.memory_space<hbm>>, %arg3: memref<10000x128xf32, #tpu.memory_space<hbm>>, %arg4: memref<320000x64xf32, #tpu.memory_space<hbm>>, %arg5: memref<640x128xf32, #tpu.memory_space<hbm>>, %arg6: memref<2x10000x128xf32, #tpu.memory_space<hbm>>, %arg7: memref<4x2x80xi32, #tpu.memory_space<vmem>>, %arg8: memref<2x80x128xf32, #tpu.memory_space<vmem>>, %arg9: memref<2x80x64xf32, #tpu.memory_space<vmem>>, %arg10: memref<10000x128xf32, #tpu.memory_space<vmem_shared>>, %arg11: memref<!tpu.dma_semaphore, #tpu.memory_space<semaphore_mem>>, %arg12: memref<!tpu.dma_semaphore, #tpu.memory_space<semaphore_mem>>, %arg13: memref<!tpu.dma_semaphore, #tpu.memory_space<semaphore_mem>>, %arg14: memref<!tpu.dma_semaphore, #tpu.memory_space<semaphore_mem>>, %arg15: memref<!tpu.dma_semaphore, #tpu.memory_space<semaphore_mem>>, %arg16: memref<!tpu.dma_semaphore, #tpu.memory_space<semaphore_mem>>, %arg17: memref<!tpu.dma_semaphore, #tpu.memory_space<semaphore_mem>>, %arg18: memref<!tpu.dma_semaphore, #tpu.memory_space<semaphore_mem>>, %arg19: memref<!tpu.dma_semaphore, #tpu.memory_space<semaphore_mem>>, %arg20: memref<!tpu.dma_semaphore, #tpu.memory_space<semaphore_mem>>) attributes {dimension_semantics = [#tpu.dimension_semantics<core_parallel>, #tpu.dimension_semantics<subcore_parallel>], iteration_bounds = array<i64: 2, 16>, scalar_prefetch = 0 : i64, scratch_operands = 14 : i64, tpu.core_type = #tpu.core_type<sc_vector_subcore>, window_params = [{transform_indices = #map}, {transform_indices = #map1}, {transform_indices = #map1}, {transform_indices = #map1}, {transform_indices = #map2}]} {
    %mul3A = arith.constant 2 : i32
    %mul3A_0 = arith.muli %arg1, %mul3A : i32
    %add3A = arith.addi %mul3A_0, %arg0 : i32
    %mul3A_1 = arith.constant 10000 : i32
    %mul3A_2 = arith.muli %add3A, %mul3A_1 : i32
    %lt3A = arith.constant 15 : i32
    %lt3A_3 = arith.cmpi slt, %arg1, %lt3A : i32
    %convert_element_type3A = arith.extui %lt3A_3 : i1 to i32
    %cond3A = arith.constant 0 : i32
    %cond3A_4 = arith.cmpi ne, %convert_element_type3A, %cond3A : i32
    scf.if %cond3A_4 {
      %mul3A_627 = arith.constant 624 : i32
      %mul3A_628 = arith.muli %arg1, %mul3A_627 : i32
      "tpu.region"() ({
        %run_scoped3A = tpu.sem_alloc : memref<!tpu.dma_semaphore, #tpu.memory_space<semaphore_mem>>
        %dma_start3A_629 = arith.constant 0 : i32
        %dma_start3A_630 = tpu.memref_slice %arg10[%mul3A_628, %dma_start3A_629] : memref<10000x128xf32, #tpu.memory_space<vmem_shared>> -> memref<624x128xf32, #tpu.memory_space<vmem_shared>>
        %dma_start3A_631 = arith.constant 0 : i32
        %dma_start3A_632 = arith.constant 0 : i32
        %dma_start3A_633 = tpu.memref_slice %arg5[%dma_start3A_631, %dma_start3A_632] : memref<640x128xf32, #tpu.memory_space<hbm>> -> memref<624x128xf32, #tpu.memory_space<hbm>>
        tpu.enqueue_dma source(%dma_start3A_633 : memref<624x128xf32, #tpu.memory_space<hbm>>) target(%dma_start3A_630 : memref<624x128xf32, #tpu.memory_space<vmem_shared>>) target_semaphore(%run_scoped3A : memref<!tpu.dma_semaphore, #tpu.memory_space<semaphore_mem>>)
        %dma_wait3A_634 = arith.constant 0 : i32
        %dma_wait3A_635 = tpu.memref_slice %arg10[%mul3A_628, %dma_wait3A_634] : memref<10000x128xf32, #tpu.memory_space<vmem_shared>> -> memref<624x128xf32, #tpu.memory_space<vmem_shared>>
        %dma_wait3A_636 = arith.constant 0 : i32
        %dma_wait3A_637 = arith.constant 0 : i32
        %dma_wait3A_638 = tpu.memref_slice %arg5[%dma_wait3A_636, %dma_wait3A_637] : memref<640x128xf32, #tpu.memory_space<hbm>> -> memref<624x128xf32, #tpu.memory_space<hbm>>
        tpu.wait_dma2 semaphore(%run_scoped3A : memref<!tpu.dma_semaphore, #tpu.memory_space<semaphore_mem>>) src(%dma_wait3A_638 : memref<624x128xf32, #tpu.memory_space<hbm>>) dst(%dma_wait3A_635 : memref<624x128xf32, #tpu.memory_space<vmem_shared>>)
        tpu.yield
      }) : () -> ()
    } else {
    }
    %eq3A = arith.constant 15 : i32
    %eq3A_5 = arith.cmpi eq, %arg1, %eq3A : i32
    %convert_element_type3A_6 = arith.extui %eq3A_5 : i1 to i32
    %cond3A_7 = arith.constant 0 : i32
    %cond3A_8 = arith.cmpi ne, %convert_element_type3A_6, %cond3A_7 : i32
    scf.if %cond3A_8 {
      "tpu.region"() ({
        %run_scoped3A = tpu.sem_alloc : memref<!tpu.dma_semaphore, #tpu.memory_space<semaphore_mem>>
        %dma_start3A_627 = arith.constant 9360 : i32
        %dma_start3A_628 = arith.constant 0 : i32
        %dma_start3A_629 = tpu.memref_slice %arg10[%dma_start3A_627, %dma_start3A_628] : memref<10000x128xf32, #tpu.memory_space<vmem_shared>> -> memref<640x128xf32, #tpu.memory_space<vmem_shared>>
        tpu.enqueue_dma source(%arg5 : memref<640x128xf32, #tpu.memory_space<hbm>>) target(%dma_start3A_629 : memref<640x128xf32, #tpu.memory_space<vmem_shared>>) target_semaphore(%run_scoped3A : memref<!tpu.dma_semaphore, #tpu.memory_space<semaphore_mem>>)
        %dma_wait3A_630 = arith.constant 9360 : i32
        %dma_wait3A_631 = arith.constant 0 : i32
        %dma_wait3A_632 = tpu.memref_slice %arg10[%dma_wait3A_630, %dma_wait3A_631] : memref<10000x128xf32, #tpu.memory_space<vmem_shared>> -> memref<640x128xf32, #tpu.memory_space<vmem_shared>>
        tpu.wait_dma2 semaphore(%run_scoped3A : memref<!tpu.dma_semaphore, #tpu.memory_space<semaphore_mem>>) src(%arg5 : memref<640x128xf32, #tpu.memory_space<hbm>>) dst(%dma_wait3A_632 : memref<640x128xf32, #tpu.memory_space<vmem_shared>>)
        tpu.yield
      }) : () -> ()
    } else {
    }
    %barrier3A = arith.constant 0 : index
    tpu.barrier barrier_id(%barrier3A)
    %dma_start3A = arith.constant 0 : i32
    %dma_start3A_9 = arith.constant 0 : i32
    %dma_start3A_10 = arith.constant 0 : i32
    %dma_start3A_11 = arith.constant 0 : i32
    %dma_start3A_12 = tpu.memref_slice %arg7[%dma_start3A_9, %dma_start3A_10, %dma_start3A_11] : memref<4x2x80xi32, #tpu.memory_space<vmem>> -> memref<1x2x80xi32, #tpu.memory_space<vmem>>
    %dma_start3A_13 = tpu.memref_squeeze %dma_start3A_12 : memref<1x2x80xi32, #tpu.memory_space<vmem>> -> memref<2x80xi32, #tpu.memory_space<vmem>>
    %dma_start3A_14 = arith.constant 0 : i32
    %dma_start3A_15 = arith.constant 0 : i32
    %dma_start3A_16 = tpu.memref_slice %arg2[%add3A, %dma_start3A, %dma_start3A_14, %dma_start3A_15] : memref<32x125x2x80xi32, #tpu.memory_space<hbm>> -> memref<1x1x2x80xi32, #tpu.memory_space<hbm>>
    %dma_start3A_17 = tpu.memref_squeeze %dma_start3A_16 : memref<1x1x2x80xi32, #tpu.memory_space<hbm>> -> memref<2x80xi32, #tpu.memory_space<hbm>>
    %dma_start3A_18 = arith.constant 0 : i32
    %dma_start3A_19 = arith.constant 0 : i32
    %dma_start3A_20 = tpu.memref_slice %arg7[%dma_start3A_9, %dma_start3A_18, %dma_start3A_19] : memref<4x2x80xi32, #tpu.memory_space<vmem>> -> memref<1x2x80xi32, #tpu.memory_space<vmem>>
    %dma_start3A_21 = tpu.memref_squeeze %dma_start3A_20 : memref<1x2x80xi32, #tpu.memory_space<vmem>> -> memref<2x80xi32, #tpu.memory_space<vmem>>
    %dma_start3A_22 = arith.constant 0 : i32
    %dma_start3A_23 = arith.constant 0 : i32
    %dma_start3A_24 = tpu.memref_slice %arg2[%add3A, %dma_start3A, %dma_start3A_22, %dma_start3A_23] : memref<32x125x2x80xi32, #tpu.memory_space<hbm>> -> memref<1x1x2x80xi32, #tpu.memory_space<hbm>>
    %dma_start3A_25 = tpu.memref_squeeze %dma_start3A_24 : memref<1x1x2x80xi32, #tpu.memory_space<hbm>> -> memref<2x80xi32, #tpu.memory_space<hbm>>
    tpu.enqueue_dma source(%dma_start3A_25 : memref<2x80xi32, #tpu.memory_space<hbm>>) target(%dma_start3A_21 : memref<2x80xi32, #tpu.memory_space<vmem>>) target_semaphore(%arg11 : memref<!tpu.dma_semaphore, #tpu.memory_space<semaphore_mem>>)
    %dma_start3A_26 = arith.constant 1 : i32
    %dma_start3A_27 = arith.constant 1 : i32
    %dma_start3A_28 = arith.constant 0 : i32
    %dma_start3A_29 = arith.constant 0 : i32
    %dma_start3A_30 = tpu.memref_slice %arg7[%dma_start3A_27, %dma_start3A_28, %dma_start3A_29] : memref<4x2x80xi32, #tpu.memory_space<vmem>> -> memref<1x2x80xi32, #tpu.memory_space<vmem>>
    %dma_start3A_31 = tpu.memref_squeeze %dma_start3A_30 : memref<1x2x80xi32, #tpu.memory_space<vmem>> -> memref<2x80xi32, #tpu.memory_space<vmem>>
    %dma_start3A_32 = arith.constant 0 : i32
    %dma_start3A_33 = arith.constant 0 : i32
    %dma_start3A_34 = tpu.memref_slice %arg2[%add3A, %dma_start3A_26, %dma_start3A_32, %dma_start3A_33] : memref<32x125x2x80xi32, #tpu.memory_space<hbm>> -> memref<1x1x2x80xi32, #tpu.memory_space<hbm>>
    %dma_start3A_35 = tpu.memref_squeeze %dma_start3A_34 : memref<1x1x2x80xi32, #tpu.memory_space<hbm>> -> memref<2x80xi32, #tpu.memory_space<hbm>>
    %dma_start3A_36 = arith.constant 0 : i32
    %dma_start3A_37 = arith.constant 0 : i32
    %dma_start3A_38 = tpu.memref_slice %arg7[%dma_start3A_27, %dma_start3A_36, %dma_start3A_37] : memref<4x2x80xi32, #tpu.memory_space<vmem>> -> memref<1x2x80xi32, #tpu.memory_space<vmem>>
    %dma_start3A_39 = tpu.memref_squeeze %dma_start3A_38 : memref<1x2x80xi32, #tpu.memory_space<vmem>> -> memref<2x80xi32, #tpu.memory_space<vmem>>
    %dma_start3A_40 = arith.constant 0 : i32
    %dma_start3A_41 = arith.constant 0 : i32
    %dma_start3A_42 = tpu.memref_slice %arg2[%add3A, %dma_start3A_26, %dma_start3A_40, %dma_start3A_41] : memref<32x125x2x80xi32, #tpu.memory_space<hbm>> -> memref<1x1x2x80xi32, #tpu.memory_space<hbm>>
    %dma_start3A_43 = tpu.memref_squeeze %dma_start3A_42 : memref<1x1x2x80xi32, #tpu.memory_space<hbm>> -> memref<2x80xi32, #tpu.memory_space<hbm>>
    tpu.enqueue_dma source(%dma_start3A_43 : memref<2x80xi32, #tpu.memory_space<hbm>>) target(%dma_start3A_39 : memref<2x80xi32, #tpu.memory_space<vmem>>) target_semaphore(%arg12 : memref<!tpu.dma_semaphore, #tpu.memory_space<semaphore_mem>>)
    %dma_start3A_44 = arith.constant 2 : i32
    %dma_start3A_45 = arith.constant 2 : i32
    %dma_start3A_46 = arith.constant 0 : i32
    %dma_start3A_47 = arith.constant 0 : i32
    %dma_start3A_48 = tpu.memref_slice %arg7[%dma_start3A_45, %dma_start3A_46, %dma_start3A_47] : memref<4x2x80xi32, #tpu.memory_space<vmem>> -> memref<1x2x80xi32, #tpu.memory_space<vmem>>
    %dma_start3A_49 = tpu.memref_squeeze %dma_start3A_48 : memref<1x2x80xi32, #tpu.memory_space<vmem>> -> memref<2x80xi32, #tpu.memory_space<vmem>>
    %dma_start3A_50 = arith.constant 0 : i32
    %dma_start3A_51 = arith.constant 0 : i32
    %dma_start3A_52 = tpu.memref_slice %arg2[%add3A, %dma_start3A_44, %dma_start3A_50, %dma_start3A_51] : memref<32x125x2x80xi32, #tpu.memory_space<hbm>> -> memref<1x1x2x80xi32, #tpu.memory_space<hbm>>
    %dma_start3A_53 = tpu.memref_squeeze %dma_start3A_52 : memref<1x1x2x80xi32, #tpu.memory_space<hbm>> -> memref<2x80xi32, #tpu.memory_space<hbm>>
    %dma_start3A_54 = arith.constant 0 : i32
    %dma_start3A_55 = arith.constant 0 : i32
    %dma_start3A_56 = tpu.memref_slice %arg7[%dma_start3A_45, %dma_start3A_54, %dma_start3A_55] : memref<4x2x80xi32, #tpu.memory_space<vmem>> -> memref<1x2x80xi32, #tpu.memory_space<vmem>>
    %dma_start3A_57 = tpu.memref_squeeze %dma_start3A_56 : memref<1x2x80xi32, #tpu.memory_space<vmem>> -> memref<2x80xi32, #tpu.memory_space<vmem>>
    %dma_start3A_58 = arith.constant 0 : i32
    %dma_start3A_59 = arith.constant 0 : i32
    %dma_start3A_60 = tpu.memref_slice %arg2[%add3A, %dma_start3A_44, %dma_start3A_58, %dma_start3A_59] : memref<32x125x2x80xi32, #tpu.memory_space<hbm>> -> memref<1x1x2x80xi32, #tpu.memory_space<hbm>>
    %dma_start3A_61 = tpu.memref_squeeze %dma_start3A_60 : memref<1x1x2x80xi32, #tpu.memory_space<hbm>> -> memref<2x80xi32, #tpu.memory_space<hbm>>
    tpu.enqueue_dma source(%dma_start3A_61 : memref<2x80xi32, #tpu.memory_space<hbm>>) target(%dma_start3A_57 : memref<2x80xi32, #tpu.memory_space<vmem>>) target_semaphore(%arg13 : memref<!tpu.dma_semaphore, #tpu.memory_space<semaphore_mem>>)
    %dma_wait3A = arith.constant 0 : i32
    %dma_wait3A_62 = arith.constant 0 : i32
    %dma_wait3A_63 = arith.constant 0 : i32
    %dma_wait3A_64 = arith.constant 0 : i32
    %dma_wait3A_65 = tpu.memref_slice %arg7[%dma_wait3A_62, %dma_wait3A_63, %dma_wait3A_64] : memref<4x2x80xi32, #tpu.memory_space<vmem>> -> memref<1x2x80xi32, #tpu.memory_space<vmem>>
    %dma_wait3A_66 = tpu.memref_squeeze %dma_wait3A_65 : memref<1x2x80xi32, #tpu.memory_space<vmem>> -> memref<2x80xi32, #tpu.memory_space<vmem>>
    %dma_wait3A_67 = arith.constant 0 : i32
    %dma_wait3A_68 = arith.constant 0 : i32
    %dma_wait3A_69 = tpu.memref_slice %arg2[%add3A, %dma_wait3A, %dma_wait3A_67, %dma_wait3A_68] : memref<32x125x2x80xi32, #tpu.memory_space<hbm>> -> memref<1x1x2x80xi32, #tpu.memory_space<hbm>>
    %dma_wait3A_70 = tpu.memref_squeeze %dma_wait3A_69 : memref<1x1x2x80xi32, #tpu.memory_space<hbm>> -> memref<2x80xi32, #tpu.memory_space<hbm>>
    %dma_wait3A_71 = arith.constant 0 : i32
    %dma_wait3A_72 = arith.constant 0 : i32
    %dma_wait3A_73 = tpu.memref_slice %arg7[%dma_wait3A_62, %dma_wait3A_71, %dma_wait3A_72] : memref<4x2x80xi32, #tpu.memory_space<vmem>> -> memref<1x2x80xi32, #tpu.memory_space<vmem>>
    %dma_wait3A_74 = tpu.memref_squeeze %dma_wait3A_73 : memref<1x2x80xi32, #tpu.memory_space<vmem>> -> memref<2x80xi32, #tpu.memory_space<vmem>>
    %dma_wait3A_75 = arith.constant 0 : i32
    %dma_wait3A_76 = arith.constant 0 : i32
    %dma_wait3A_77 = tpu.memref_slice %arg2[%add3A, %dma_wait3A, %dma_wait3A_75, %dma_wait3A_76] : memref<32x125x2x80xi32, #tpu.memory_space<hbm>> -> memref<1x1x2x80xi32, #tpu.memory_space<hbm>>
    %dma_wait3A_78 = tpu.memref_squeeze %dma_wait3A_77 : memref<1x1x2x80xi32, #tpu.memory_space<hbm>> -> memref<2x80xi32, #tpu.memory_space<hbm>>
    tpu.wait_dma2 semaphore(%arg11 : memref<!tpu.dma_semaphore, #tpu.memory_space<semaphore_mem>>) src(%dma_wait3A_78 : memref<2x80xi32, #tpu.memory_space<hbm>>) dst(%dma_wait3A_74 : memref<2x80xi32, #tpu.memory_space<vmem>>)
    %dma_start3A_79 = arith.constant 0 : i32
    %dma_start3A_80 = arith.constant 0 : i32
    %dma_start3A_81 = arith.constant 0 : i32
    %dma_start3A_82 = arith.constant 0 : i32
    %dma_start3A_83 = arith.constant 0 : i32
    %dma_start3A_84 = tpu.memref_slice %arg8[%dma_start3A_81, %dma_start3A_82, %dma_start3A_83] : memref<2x80x128xf32, #tpu.memory_space<vmem>> -> memref<1x80x128xf32, #tpu.memory_space<vmem>>
    %dma_start3A_85 = tpu.memref_squeeze %dma_start3A_84 : memref<1x80x128xf32, #tpu.memory_space<vmem>> -> memref<80x128xf32, #tpu.memory_space<vmem>>
    %dma_start3A_86 = arith.constant 0 : i32
    %dma_start3A_87 = tpu.memref_slice %arg7[%dma_start3A_79, %dma_start3A_80, %dma_start3A_86] : memref<4x2x80xi32, #tpu.memory_space<vmem>> -> memref<1x1x80xi32, #tpu.memory_space<vmem>>
    %dma_start3A_88 = tpu.memref_squeeze %dma_start3A_87 : memref<1x1x80xi32, #tpu.memory_space<vmem>> -> memref<80xi32, #tpu.memory_space<vmem>>
    %dma_start3A_89 = arith.constant 0 : i32
    %dma_start3A_90 = arith.constant 0 : i32
    %dma_start3A_91 = tpu.memref_slice %arg3[%dma_start3A_89, %dma_start3A_90] : memref<10000x128xf32, #tpu.memory_space<hbm>> -> memref<10000x128xf32, #tpu.memory_space<hbm>>
    tpu.enqueue_indirect_dma source(%dma_start3A_91 : memref<10000x128xf32, #tpu.memory_space<hbm>>) target(%dma_start3A_85 : memref<80x128xf32, #tpu.memory_space<vmem>>) offsets(%dma_start3A_88 : memref<80xi32, #tpu.memory_space<vmem>>) semaphore(%arg15 : memref<!tpu.dma_semaphore, #tpu.memory_space<semaphore_mem>>)
    %add3A_92 = arith.constant 0 : i32
    %add3A_93 = arith.addi %mul3A_2, %add3A_92 : i32
    %dma_start3A_94 = arith.constant 0 : i32
    %dma_start3A_95 = arith.constant 0 : i32
    %dma_start3A_96 = arith.constant 0 : i32
    %dma_start3A_97 = tpu.memref_slice %arg9[%dma_start3A_94, %dma_start3A_95, %dma_start3A_96] : memref<2x80x64xf32, #tpu.memory_space<vmem>> -> memref<1x80x64xf32, #tpu.memory_space<vmem>>
    %dma_start3A_98 = tpu.memref_squeeze %dma_start3A_97 : memref<1x80x64xf32, #tpu.memory_space<vmem>> -> memref<80x64xf32, #tpu.memory_space<vmem>>
    %dma_start3A_99 = arith.constant 0 : i32
    %dma_start3A_100 = tpu.memref_slice %arg4[%add3A_93, %dma_start3A_99] : memref<320000x64xf32, #tpu.memory_space<hbm>> -> memref<80x64xf32, #tpu.memory_space<hbm>>
    %dma_start3A_101 = arith.constant 0 : i32
    %dma_start3A_102 = arith.constant 0 : i32
    %dma_start3A_103 = tpu.memref_slice %arg9[%dma_start3A_94, %dma_start3A_101, %dma_start3A_102] : memref<2x80x64xf32, #tpu.memory_space<vmem>> -> memref<1x80x64xf32, #tpu.memory_space<vmem>>
    %dma_start3A_104 = tpu.memref_squeeze %dma_start3A_103 : memref<1x80x64xf32, #tpu.memory_space<vmem>> -> memref<80x64xf32, #tpu.memory_space<vmem>>
    %dma_start3A_105 = arith.constant 0 : i32
    %dma_start3A_106 = tpu.memref_slice %arg4[%add3A_93, %dma_start3A_105] : memref<320000x64xf32, #tpu.memory_space<hbm>> -> memref<80x64xf32, #tpu.memory_space<hbm>>
    tpu.enqueue_dma source(%dma_start3A_106 : memref<80x64xf32, #tpu.memory_space<hbm>>) target(%dma_start3A_104 : memref<80x64xf32, #tpu.memory_space<vmem>>) target_semaphore(%arg17 : memref<!tpu.dma_semaphore, #tpu.memory_space<semaphore_mem>>)
    %dma_wait3A_107 = arith.constant 1 : i32
    %dma_wait3A_108 = arith.constant 1 : i32
    %dma_wait3A_109 = arith.constant 0 : i32
    %dma_wait3A_110 = arith.constant 0 : i32
    %dma_wait3A_111 = tpu.memref_slice %arg7[%dma_wait3A_108, %dma_wait3A_109, %dma_wait3A_110] : memref<4x2x80xi32, #tpu.memory_space<vmem>> -> memref<1x2x80xi32, #tpu.memory_space<vmem>>
    %dma_wait3A_112 = tpu.memref_squeeze %dma_wait3A_111 : memref<1x2x80xi32, #tpu.memory_space<vmem>> -> memref<2x80xi32, #tpu.memory_space<vmem>>
    %dma_wait3A_113 = arith.constant 0 : i32
    %dma_wait3A_114 = arith.constant 0 : i32
    %dma_wait3A_115 = tpu.memref_slice %arg2[%add3A, %dma_wait3A_107, %dma_wait3A_113, %dma_wait3A_114] : memref<32x125x2x80xi32, #tpu.memory_space<hbm>> -> memref<1x1x2x80xi32, #tpu.memory_space<hbm>>
    %dma_wait3A_116 = tpu.memref_squeeze %dma_wait3A_115 : memref<1x1x2x80xi32, #tpu.memory_space<hbm>> -> memref<2x80xi32, #tpu.memory_space<hbm>>
    %dma_wait3A_117 = arith.constant 0 : i32
    %dma_wait3A_118 = arith.constant 0 : i32
    %dma_wait3A_119 = tpu.memref_slice %arg7[%dma_wait3A_108, %dma_wait3A_117, %dma_wait3A_118] : memref<4x2x80xi32, #tpu.memory_space<vmem>> -> memref<1x2x80xi32, #tpu.memory_space<vmem>>
    %dma_wait3A_120 = tpu.memref_squeeze %dma_wait3A_119 : memref<1x2x80xi32, #tpu.memory_space<vmem>> -> memref<2x80xi32, #tpu.memory_space<vmem>>
    %dma_wait3A_121 = arith.constant 0 : i32
    %dma_wait3A_122 = arith.constant 0 : i32
    %dma_wait3A_123 = tpu.memref_slice %arg2[%add3A, %dma_wait3A_107, %dma_wait3A_121, %dma_wait3A_122] : memref<32x125x2x80xi32, #tpu.memory_space<hbm>> -> memref<1x1x2x80xi32, #tpu.memory_space<hbm>>
    %dma_wait3A_124 = tpu.memref_squeeze %dma_wait3A_123 : memref<1x1x2x80xi32, #tpu.memory_space<hbm>> -> memref<2x80xi32, #tpu.memory_space<hbm>>
    tpu.wait_dma2 semaphore(%arg12 : memref<!tpu.dma_semaphore, #tpu.memory_space<semaphore_mem>>) src(%dma_wait3A_124 : memref<2x80xi32, #tpu.memory_space<hbm>>) dst(%dma_wait3A_120 : memref<2x80xi32, #tpu.memory_space<vmem>>)
    %dma_start3A_125 = arith.constant 1 : i32
    %dma_start3A_126 = arith.constant 0 : i32
    %dma_start3A_127 = arith.constant 1 : i32
    %dma_start3A_128 = arith.constant 0 : i32
    %dma_start3A_129 = arith.constant 0 : i32
    %dma_start3A_130 = tpu.memref_slice %arg8[%dma_start3A_127, %dma_start3A_128, %dma_start3A_129] : memref<2x80x128xf32, #tpu.memory_space<vmem>> -> memref<1x80x128xf32, #tpu.memory_space<vmem>>
    %dma_start3A_131 = tpu.memref_squeeze %dma_start3A_130 : memref<1x80x128xf32, #tpu.memory_space<vmem>> -> memref<80x128xf32, #tpu.memory_space<vmem>>
    %dma_start3A_132 = arith.constant 0 : i32
    %dma_start3A_133 = tpu.memref_slice %arg7[%dma_start3A_125, %dma_start3A_126, %dma_start3A_132] : memref<4x2x80xi32, #tpu.memory_space<vmem>> -> memref<1x1x80xi32, #tpu.memory_space<vmem>>
    %dma_start3A_134 = tpu.memref_squeeze %dma_start3A_133 : memref<1x1x80xi32, #tpu.memory_space<vmem>> -> memref<80xi32, #tpu.memory_space<vmem>>
    %dma_start3A_135 = arith.constant 0 : i32
    %dma_start3A_136 = arith.constant 0 : i32
    %dma_start3A_137 = tpu.memref_slice %arg3[%dma_start3A_135, %dma_start3A_136] : memref<10000x128xf32, #tpu.memory_space<hbm>> -> memref<10000x128xf32, #tpu.memory_space<hbm>>
    tpu.enqueue_indirect_dma source(%dma_start3A_137 : memref<10000x128xf32, #tpu.memory_space<hbm>>) target(%dma_start3A_131 : memref<80x128xf32, #tpu.memory_space<vmem>>) offsets(%dma_start3A_134 : memref<80xi32, #tpu.memory_space<vmem>>) semaphore(%arg16 : memref<!tpu.dma_semaphore, #tpu.memory_space<semaphore_mem>>)
    %add3A_138 = arith.constant 80 : i32
    %add3A_139 = arith.addi %mul3A_2, %add3A_138 : i32
    %dma_start3A_140 = arith.constant 1 : i32
    %dma_start3A_141 = arith.constant 0 : i32
    %dma_start3A_142 = arith.constant 0 : i32
    %dma_start3A_143 = tpu.memref_slice %arg9[%dma_start3A_140, %dma_start3A_141, %dma_start3A_142] : memref<2x80x64xf32, #tpu.memory_space<vmem>> -> memref<1x80x64xf32, #tpu.memory_space<vmem>>
    %dma_start3A_144 = tpu.memref_squeeze %dma_start3A_143 : memref<1x80x64xf32, #tpu.memory_space<vmem>> -> memref<80x64xf32, #tpu.memory_space<vmem>>
    %dma_start3A_145 = arith.constant 0 : i32
    %dma_start3A_146 = tpu.memref_slice %arg4[%add3A_139, %dma_start3A_145] : memref<320000x64xf32, #tpu.memory_space<hbm>> -> memref<80x64xf32, #tpu.memory_space<hbm>>
    %dma_start3A_147 = arith.constant 0 : i32
    %dma_start3A_148 = arith.constant 0 : i32
    %dma_start3A_149 = tpu.memref_slice %arg9[%dma_start3A_140, %dma_start3A_147, %dma_start3A_148] : memref<2x80x64xf32, #tpu.memory_space<vmem>> -> memref<1x80x64xf32, #tpu.memory_space<vmem>>
    %dma_start3A_150 = tpu.memref_squeeze %dma_start3A_149 : memref<1x80x64xf32, #tpu.memory_space<vmem>> -> memref<80x64xf32, #tpu.memory_space<vmem>>
    %dma_start3A_151 = arith.constant 0 : i32
    %dma_start3A_152 = tpu.memref_slice %arg4[%add3A_139, %dma_start3A_151] : memref<320000x64xf32, #tpu.memory_space<hbm>> -> memref<80x64xf32, #tpu.memory_space<hbm>>
    tpu.enqueue_dma source(%dma_start3A_152 : memref<80x64xf32, #tpu.memory_space<hbm>>) target(%dma_start3A_150 : memref<80x64xf32, #tpu.memory_space<vmem>>) target_semaphore(%arg18 : memref<!tpu.dma_semaphore, #tpu.memory_space<semaphore_mem>>)
    %dma_wait3A_153 = arith.constant 0 : i32
    %dma_wait3A_154 = arith.constant 0 : i32
    %dma_wait3A_155 = arith.constant 0 : i32
    %dma_wait3A_156 = arith.constant 0 : i32
    %dma_wait3A_157 = arith.constant 0 : i32
    %dma_wait3A_158 = tpu.memref_slice %arg8[%dma_wait3A_155, %dma_wait3A_156, %dma_wait3A_157] : memref<2x80x128xf32, #tpu.memory_space<vmem>> -> memref<1x80x128xf32, #tpu.memory_space<vmem>>
    %dma_wait3A_159 = tpu.memref_squeeze %dma_wait3A_158 : memref<1x80x128xf32, #tpu.memory_space<vmem>> -> memref<80x128xf32, #tpu.memory_space<vmem>>
    %dma_wait3A_160 = arith.constant 0 : i32
    %dma_wait3A_161 = tpu.memref_slice %arg7[%dma_wait3A_153, %dma_wait3A_154, %dma_wait3A_160] : memref<4x2x80xi32, #tpu.memory_space<vmem>> -> memref<1x1x80xi32, #tpu.memory_space<vmem>>
    %dma_wait3A_162 = tpu.memref_squeeze %dma_wait3A_161 : memref<1x1x80xi32, #tpu.memory_space<vmem>> -> memref<80xi32, #tpu.memory_space<vmem>>
    %dma_wait3A_163 = arith.constant 0 : i32
    %dma_wait3A_164 = arith.constant 0 : i32
    %dma_wait3A_165 = tpu.memref_slice %arg3[%dma_wait3A_163, %dma_wait3A_164] : memref<10000x128xf32, #tpu.memory_space<hbm>> -> memref<10000x128xf32, #tpu.memory_space<hbm>>
    tpu.wait_indirect_dma semaphore(%arg15 : memref<!tpu.dma_semaphore, #tpu.memory_space<semaphore_mem>>) src(%dma_wait3A_165 : memref<10000x128xf32, #tpu.memory_space<hbm>>) dst(%dma_wait3A_159 : memref<80x128xf32, #tpu.memory_space<vmem>>)
    %add3A_166 = arith.constant 0 : i32
    %add3A_167 = arith.addi %mul3A_2, %add3A_166 : i32
    %dma_wait3A_168 = arith.constant 0 : i32
    %dma_wait3A_169 = arith.constant 0 : i32
    %dma_wait3A_170 = arith.constant 0 : i32
    %dma_wait3A_171 = tpu.memref_slice %arg9[%dma_wait3A_168, %dma_wait3A_169, %dma_wait3A_170] : memref<2x80x64xf32, #tpu.memory_space<vmem>> -> memref<1x80x64xf32, #tpu.memory_space<vmem>>
    %dma_wait3A_172 = tpu.memref_squeeze %dma_wait3A_171 : memref<1x80x64xf32, #tpu.memory_space<vmem>> -> memref<80x64xf32, #tpu.memory_space<vmem>>
    %dma_wait3A_173 = arith.constant 0 : i32
    %dma_wait3A_174 = tpu.memref_slice %arg4[%add3A_167, %dma_wait3A_173] : memref<320000x64xf32, #tpu.memory_space<hbm>> -> memref<80x64xf32, #tpu.memory_space<hbm>>
    %dma_wait3A_175 = arith.constant 0 : i32
    %dma_wait3A_176 = arith.constant 0 : i32
    %dma_wait3A_177 = tpu.memref_slice %arg9[%dma_wait3A_168, %dma_wait3A_175, %dma_wait3A_176] : memref<2x80x64xf32, #tpu.memory_space<vmem>> -> memref<1x80x64xf32, #tpu.memory_space<vmem>>
    %dma_wait3A_178 = tpu.memref_squeeze %dma_wait3A_177 : memref<1x80x64xf32, #tpu.memory_space<vmem>> -> memref<80x64xf32, #tpu.memory_space<vmem>>
    %dma_wait3A_179 = arith.constant 0 : i32
    %dma_wait3A_180 = tpu.memref_slice %arg4[%add3A_167, %dma_wait3A_179] : memref<320000x64xf32, #tpu.memory_space<hbm>> -> memref<80x64xf32, #tpu.memory_space<hbm>>
    tpu.wait_dma2 semaphore(%arg17 : memref<!tpu.dma_semaphore, #tpu.memory_space<semaphore_mem>>) src(%dma_wait3A_180 : memref<80x64xf32, #tpu.memory_space<hbm>>) dst(%dma_wait3A_178 : memref<80x64xf32, #tpu.memory_space<vmem>>)
    %parallel_loop3A = arith.constant 0 : i32
    %parallel_loop3A_181 = arith.constant 80 : i32
    %parallel_loop3A_182 = arith.constant 1 : i32
    scf.for %parallel_loop3A_627 = %parallel_loop3A to %parallel_loop3A_181 step %parallel_loop3A_182  : i32 {
      %parallel_loop3A_628 = arith.constant 0 : i32
      %parallel_loop3A_629 = arith.index_cast %parallel_loop3A_628 : i32 to index
      %parallel_loop3A_630 = arith.index_cast %parallel_loop3A_627 : i32 to index
      %parallel_loop3A_631 = arith.constant 0 : index
      %parallel_loop3A_632 = tpu.vector_load %arg9[%parallel_loop3A_629, %parallel_loop3A_630, %parallel_loop3A_631] {strides = array<i32>} : memref<2x80x64xf32, #tpu.memory_space<vmem>>, vector<1x1x16xf32>,
      %parallel_loop3A_633 = vector.shape_cast %parallel_loop3A_632 : vector<1x1x16xf32> to vector<16xf32>
      %parallel_loop3A_634 = tpu.bitcast %parallel_loop3A_633 : vector<16xf32> -> vector<16xi32>
      %parallel_loop3A_635 = arith.constant 16 : i32
      %parallel_loop3A_636 = vector.broadcast %parallel_loop3A_635 : i32 to vector<16xi32>
      %parallel_loop3A_637 = arith.shli %parallel_loop3A_634, %parallel_loop3A_636 : vector<16xi32>
      %parallel_loop3A_638 = tpu.bitcast %parallel_loop3A_637 : vector<16xi32> -> vector<16xf32>
      %parallel_loop3A_639 = arith.constant -65536 : i32
      %parallel_loop3A_640 = vector.broadcast %parallel_loop3A_639 : i32 to vector<16xi32>
      %parallel_loop3A_641 = arith.andi %parallel_loop3A_634, %parallel_loop3A_640 : vector<16xi32>
      %parallel_loop3A_642 = tpu.bitcast %parallel_loop3A_641 : vector<16xi32> -> vector<16xf32>
      %parallel_loop3A_643 = arith.constant 0 : i32
      %parallel_loop3A_644 = arith.index_cast %parallel_loop3A_643 : i32 to index
      %parallel_loop3A_645 = arith.index_cast %parallel_loop3A_627 : i32 to index
      %parallel_loop3A_646 = arith.constant 0 : index
      %parallel_loop3A_647 = tpu.vector_load %arg8[%parallel_loop3A_644, %parallel_loop3A_645, %parallel_loop3A_646] {strides = array<i32>} : memref<2x80x128xf32, #tpu.memory_space<vmem>>, vector<1x1x16xf32>,
      %parallel_loop3A_648 = vector.shape_cast %parallel_loop3A_647 : vector<1x1x16xf32> to vector<16xf32>
      %parallel_loop3A_649 = arith.addf %parallel_loop3A_648, %parallel_loop3A_638 : vector<16xf32>
      %parallel_loop3A_650 = arith.constant 0.000000e+00 : f32
      %parallel_loop3A_651 = vector.broadcast %parallel_loop3A_650 : f32 to vector<16xf32>
      %parallel_loop3A_652 = arith.maximumf %parallel_loop3A_649, %parallel_loop3A_651 : vector<16xf32>
      %parallel_loop3A_653 = arith.constant 0 : i32
      %parallel_loop3A_654 = arith.index_cast %parallel_loop3A_653 : i32 to index
      %parallel_loop3A_655 = arith.index_cast %parallel_loop3A_627 : i32 to index
      %parallel_loop3A_656 = arith.constant 0 : index
      %parallel_loop3A_657 = tpu.vector_load %arg8[%parallel_loop3A_654, %parallel_loop3A_655, %parallel_loop3A_656] {strides = array<i32>} : memref<2x80x128xf32, #tpu.memory_space<vmem>>, vector<1x1x16xf32>,
      %parallel_loop3A_658 = vector.shape_cast %parallel_loop3A_657 : vector<1x1x16xf32> to vector<16xf32>
      %parallel_loop3A_659 = vector.shape_cast %parallel_loop3A_652 : vector<16xf32> to vector<1x1x16xf32>
      tpu.vector_store %arg8[%parallel_loop3A_654, %parallel_loop3A_655, %parallel_loop3A_656], %parallel_loop3A_659 {strides = array<i32>} : memref<2x80x128xf32, #tpu.memory_space<vmem>>, vector<1x1x16xf32>,
      %parallel_loop3A_660 = arith.constant 0 : i32
      %parallel_loop3A_661 = arith.index_cast %parallel_loop3A_660 : i32 to index
      %parallel_loop3A_662 = arith.index_cast %parallel_loop3A_627 : i32 to index
      %parallel_loop3A_663 = arith.constant 64 : index
      %parallel_loop3A_664 = tpu.vector_load %arg8[%parallel_loop3A_661, %parallel_loop3A_662, %parallel_loop3A_663] {strides = array<i32>} : memref<2x80x128xf32, #tpu.memory_space<vmem>>, vector<1x1x16xf32>,
      %parallel_loop3A_665 = vector.shape_cast %parallel_loop3A_664 : vector<1x1x16xf32> to vector<16xf32>
      %parallel_loop3A_666 = arith.addf %parallel_loop3A_665, %parallel_loop3A_642 : vector<16xf32>
      %parallel_loop3A_667 = arith.constant 0.000000e+00 : f32
      %parallel_loop3A_668 = vector.broadcast %parallel_loop3A_667 : f32 to vector<16xf32>
      %parallel_loop3A_669 = arith.maximumf %parallel_loop3A_666, %parallel_loop3A_668 : vector<16xf32>
      %parallel_loop3A_670 = arith.constant 0 : i32
      %parallel_loop3A_671 = arith.index_cast %parallel_loop3A_670 : i32 to index
      %parallel_loop3A_672 = arith.index_cast %parallel_loop3A_627 : i32 to index
      %parallel_loop3A_673 = arith.constant 64 : index
      %parallel_loop3A_674 = tpu.vector_load %arg8[%parallel_loop3A_671, %parallel_loop3A_672, %parallel_loop3A_673] {strides = array<i32>} : memref<2x80x128xf32, #tpu.memory_space<vmem>>, vector<1x1x16xf32>,
      %parallel_loop3A_675 = vector.shape_cast %parallel_loop3A_674 : vector<1x1x16xf32> to vector<16xf32>
      %parallel_loop3A_676 = vector.shape_cast %parallel_loop3A_669 : vector<16xf32> to vector<1x1x16xf32>
      tpu.vector_store %arg8[%parallel_loop3A_671, %parallel_loop3A_672, %parallel_loop3A_673], %parallel_loop3A_676 {strides = array<i32>} : memref<2x80x128xf32, #tpu.memory_space<vmem>>, vector<1x1x16xf32>,
      %parallel_loop3A_677 = arith.constant 0 : i32
      %parallel_loop3A_678 = arith.index_cast %parallel_loop3A_677 : i32 to index
      %parallel_loop3A_679 = arith.index_cast %parallel_loop3A_627 : i32 to index
      %parallel_loop3A_680 = arith.constant 16 : index
      %parallel_loop3A_681 = tpu.vector_load %arg9[%parallel_loop3A_678, %parallel_loop3A_679, %parallel_loop3A_680] {strides = array<i32>} : memref<2x80x64xf32, #tpu.memory_space<vmem>>, vector<1x1x16xf32>,
      %parallel_loop3A_682 = vector.shape_cast %parallel_loop3A_681 : vector<1x1x16xf32> to vector<16xf32>
      %parallel_loop3A_683 = tpu.bitcast %parallel_loop3A_682 : vector<16xf32> -> vector<16xi32>
      %parallel_loop3A_684 = arith.constant 16 : i32
      %parallel_loop3A_685 = vector.broadcast %parallel_loop3A_684 : i32 to vector<16xi32>
      %parallel_loop3A_686 = arith.shli %parallel_loop3A_683, %parallel_loop3A_685 : vector<16xi32>
      %parallel_loop3A_687 = tpu.bitcast %parallel_loop3A_686 : vector<16xi32> -> vector<16xf32>
      %parallel_loop3A_688 = arith.constant -65536 : i32
      %parallel_loop3A_689 = vector.broadcast %parallel_loop3A_688 : i32 to vector<16xi32>
      %parallel_loop3A_690 = arith.andi %parallel_loop3A_683, %parallel_loop3A_689 : vector<16xi32>
      %parallel_loop3A_691 = tpu.bitcast %parallel_loop3A_690 : vector<16xi32> -> vector<16xf32>
      %parallel_loop3A_692 = arith.constant 0 : i32
      %parallel_loop3A_693 = arith.index_cast %parallel_loop3A_692 : i32 to index
      %parallel_loop3A_694 = arith.index_cast %parallel_loop3A_627 : i32 to index
      %parallel_loop3A_695 = arith.constant 16 : index
      %parallel_loop3A_696 = tpu.vector_load %arg8[%parallel_loop3A_693, %parallel_loop3A_694, %parallel_loop3A_695] {strides = array<i32>} : memref<2x80x128xf32, #tpu.memory_space<vmem>>, vector<1x1x16xf32>,
      %parallel_loop3A_697 = vector.shape_cast %parallel_loop3A_696 : vector<1x1x16xf32> to vector<16xf32>
      %parallel_loop3A_698 = arith.addf %parallel_loop3A_697, %parallel_loop3A_687 : vector<16xf32>
      %parallel_loop3A_699 = arith.constant 0.000000e+00 : f32
      %parallel_loop3A_700 = vector.broadcast %parallel_loop3A_699 : f32 to vector<16xf32>
      %parallel_loop3A_701 = arith.maximumf %parallel_loop3A_698, %parallel_loop3A_700 : vector<16xf32>
      %parallel_loop3A_702 = arith.constant 0 : i32
      %parallel_loop3A_703 = arith.index_cast %parallel_loop3A_702 : i32 to index
      %parallel_loop3A_704 = arith.index_cast %parallel_loop3A_627 : i32 to index
      %parallel_loop3A_705 = arith.constant 16 : index
      %parallel_loop3A_706 = tpu.vector_load %arg8[%parallel_loop3A_703, %parallel_loop3A_704, %parallel_loop3A_705] {strides = array<i32>} : memref<2x80x128xf32, #tpu.memory_space<vmem>>, vector<1x1x16xf32>,
      %parallel_loop3A_707 = vector.shape_cast %parallel_loop3A_706 : vector<1x1x16xf32> to vector<16xf32>
      %parallel_loop3A_708 = vector.shape_cast %parallel_loop3A_701 : vector<16xf32> to vector<1x1x16xf32>
      tpu.vector_store %arg8[%parallel_loop3A_703, %parallel_loop3A_704, %parallel_loop3A_705], %parallel_loop3A_708 {strides = array<i32>} : memref<2x80x128xf32, #tpu.memory_space<vmem>>, vector<1x1x16xf32>,
      %parallel_loop3A_709 = arith.constant 0 : i32
      %parallel_loop3A_710 = arith.index_cast %parallel_loop3A_709 : i32 to index
      %parallel_loop3A_711 = arith.index_cast %parallel_loop3A_627 : i32 to index
      %parallel_loop3A_712 = arith.constant 80 : index
      %parallel_loop3A_713 = tpu.vector_load %arg8[%parallel_loop3A_710, %parallel_loop3A_711, %parallel_loop3A_712] {strides = array<i32>} : memref<2x80x128xf32, #tpu.memory_space<vmem>>, vector<1x1x16xf32>,
      %parallel_loop3A_714 = vector.shape_cast %parallel_loop3A_713 : vector<1x1x16xf32> to vector<16xf32>
      %parallel_loop3A_715 = arith.addf %parallel_loop3A_714, %parallel_loop3A_691 : vector<16xf32>
      %parallel_loop3A_716 = arith.constant 0.000000e+00 : f32
      %parallel_loop3A_717 = vector.broadcast %parallel_loop3A_716 : f32 to vector<16xf32>
      %parallel_loop3A_718 = arith.maximumf %parallel_loop3A_715, %parallel_loop3A_717 : vector<16xf32>
      %parallel_loop3A_719 = arith.constant 0 : i32
      %parallel_loop3A_720 = arith.index_cast %parallel_loop3A_719 : i32 to index
      %parallel_loop3A_721 = arith.index_cast %parallel_loop3A_627 : i32 to index
      %parallel_loop3A_722 = arith.constant 80 : index
      %parallel_loop3A_723 = tpu.vector_load %arg8[%parallel_loop3A_720, %parallel_loop3A_721, %parallel_loop3A_722] {strides = array<i32>} : memref<2x80x128xf32, #tpu.memory_space<vmem>>, vector<1x1x16xf32>,
      %parallel_loop3A_724 = vector.shape_cast %parallel_loop3A_723 : vector<1x1x16xf32> to vector<16xf32>
      %parallel_loop3A_725 = vector.shape_cast %parallel_loop3A_718 : vector<16xf32> to vector<1x1x16xf32>
      tpu.vector_store %arg8[%parallel_loop3A_720, %parallel_loop3A_721, %parallel_loop3A_722], %parallel_loop3A_725 {strides = array<i32>} : memref<2x80x128xf32, #tpu.memory_space<vmem>>, vector<1x1x16xf32>,
      %parallel_loop3A_726 = arith.constant 0 : i32
      %parallel_loop3A_727 = arith.index_cast %parallel_loop3A_726 : i32 to index
      %parallel_loop3A_728 = arith.index_cast %parallel_loop3A_627 : i32 to index
      %parallel_loop3A_729 = arith.constant 32 : index
      %parallel_loop3A_730 = tpu.vector_load %arg9[%parallel_loop3A_727, %parallel_loop3A_728, %parallel_loop3A_729] {strides = array<i32>} : memref<2x80x64xf32, #tpu.memory_space<vmem>>, vector<1x1x16xf32>,
      %parallel_loop3A_731 = vector.shape_cast %parallel_loop3A_730 : vector<1x1x16xf32> to vector<16xf32>
      %parallel_loop3A_732 = tpu.bitcast %parallel_loop3A_731 : vector<16xf32> -> vector<16xi32>
      %parallel_loop3A_733 = arith.constant 16 : i32
      %parallel_loop3A_734 = vector.broadcast %parallel_loop3A_733 : i32 to vector<16xi32>
      %parallel_loop3A_735 = arith.shli %parallel_loop3A_732, %parallel_loop3A_734 : vector<16xi32>
      %parallel_loop3A_736 = tpu.bitcast %parallel_loop3A_735 : vector<16xi32> -> vector<16xf32>
      %parallel_loop3A_737 = arith.constant -65536 : i32
      %parallel_loop3A_738 = vector.broadcast %parallel_loop3A_737 : i32 to vector<16xi32>
      %parallel_loop3A_739 = arith.andi %parallel_loop3A_732, %parallel_loop3A_738 : vector<16xi32>
      %parallel_loop3A_740 = tpu.bitcast %parallel_loop3A_739 : vector<16xi32> -> vector<16xf32>
      %parallel_loop3A_741 = arith.constant 0 : i32
      %parallel_loop3A_742 = arith.index_cast %parallel_loop3A_741 : i32 to index
      %parallel_loop3A_743 = arith.index_cast %parallel_loop3A_627 : i32 to index
      %parallel_loop3A_744 = arith.constant 32 : index
      %parallel_loop3A_745 = tpu.vector_load %arg8[%parallel_loop3A_742, %parallel_loop3A_743, %parallel_loop3A_744] {strides = array<i32>} : memref<2x80x128xf32, #tpu.memory_space<vmem>>, vector<1x1x16xf32>,
      %parallel_loop3A_746 = vector.shape_cast %parallel_loop3A_745 : vector<1x1x16xf32> to vector<16xf32>
      %parallel_loop3A_747 = arith.addf %parallel_loop3A_746, %parallel_loop3A_736 : vector<16xf32>
      %parallel_loop3A_748 = arith.constant 0.000000e+00 : f32
      %parallel_loop3A_749 = vector.broadcast %parallel_loop3A_748 : f32 to vector<16xf32>
      %parallel_loop3A_750 = arith.maximumf %parallel_loop3A_747, %parallel_loop3A_749 : vector<16xf32>
      %parallel_loop3A_751 = arith.constant 0 : i32
      %parallel_loop3A_752 = arith.index_cast %parallel_loop3A_751 : i32 to index
      %parallel_loop3A_753 = arith.index_cast %parallel_loop3A_627 : i32 to index
      %parallel_loop3A_754 = arith.constant 32 : index
      %parallel_loop3A_755 = tpu.vector_load %arg8[%parallel_loop3A_752, %parallel_loop3A_753, %parallel_loop3A_754] {strides = array<i32>} : memref<2x80x128xf32, #tpu.memory_space<vmem>>, vector<1x1x16xf32>,
      %parallel_loop3A_756 = vector.shape_cast %parallel_loop3A_755 : vector<1x1x16xf32> to vector<16xf32>
      %parallel_loop3A_757 = vector.shape_cast %parallel_loop3A_750 : vector<16xf32> to vector<1x1x16xf32>
      tpu.vector_store %arg8[%parallel_loop3A_752, %parallel_loop3A_753, %parallel_loop3A_754], %parallel_loop3A_757 {strides = array<i32>} : memref<2x80x128xf32, #tpu.memory_space<vmem>>, vector<1x1x16xf32>,
      %parallel_loop3A_758 = arith.constant 0 : i32
      %parallel_loop3A_759 = arith.index_cast %parallel_loop3A_758 : i32 to index
      %parallel_loop3A_760 = arith.index_cast %parallel_loop3A_627 : i32 to index
      %parallel_loop3A_761 = arith.constant 96 : index
      %parallel_loop3A_762 = tpu.vector_load %arg8[%parallel_loop3A_759, %parallel_loop3A_760, %parallel_loop3A_761] {strides = array<i32>} : memref<2x80x128xf32, #tpu.memory_space<vmem>>, vector<1x1x16xf32>,
      %parallel_loop3A_763 = vector.shape_cast %parallel_loop3A_762 : vector<1x1x16xf32> to vector<16xf32>
      %parallel_loop3A_764 = arith.addf %parallel_loop3A_763, %parallel_loop3A_740 : vector<16xf32>
      %parallel_loop3A_765 = arith.constant 0.000000e+00 : f32
      %parallel_loop3A_766 = vector.broadcast %parallel_loop3A_765 : f32 to vector<16xf32>
      %parallel_loop3A_767 = arith.maximumf %parallel_loop3A_764, %parallel_loop3A_766 : vector<16xf32>
      %parallel_loop3A_768 = arith.constant 0 : i32
      %parallel_loop3A_769 = arith.index_cast %parallel_loop3A_768 : i32 to index
      %parallel_loop3A_770 = arith.index_cast %parallel_loop3A_627 : i32 to index
      %parallel_loop3A_771 = arith.constant 96 : index
      %parallel_loop3A_772 = tpu.vector_load %arg8[%parallel_loop3A_769, %parallel_loop3A_770, %parallel_loop3A_771] {strides = array<i32>} : memref<2x80x128xf32, #tpu.memory_space<vmem>>, vector<1x1x16xf32>,
      %parallel_loop3A_773 = vector.shape_cast %parallel_loop3A_772 : vector<1x1x16xf32> to vector<16xf32>
      %parallel_loop3A_774 = vector.shape_cast %parallel_loop3A_767 : vector<16xf32> to vector<1x1x16xf32>
      tpu.vector_store %arg8[%parallel_loop3A_769, %parallel_loop3A_770, %parallel_loop3A_771], %parallel_loop3A_774 {strides = array<i32>} : memref<2x80x128xf32, #tpu.memory_space<vmem>>, vector<1x1x16xf32>,
      %parallel_loop3A_775 = arith.constant 0 : i32
      %parallel_loop3A_776 = arith.index_cast %parallel_loop3A_775 : i32 to index
      %parallel_loop3A_777 = arith.index_cast %parallel_loop3A_627 : i32 to index
      %parallel_loop3A_778 = arith.constant 48 : index
      %parallel_loop3A_779 = tpu.vector_load %arg9[%parallel_loop3A_776, %parallel_loop3A_777, %parallel_loop3A_778] {strides = array<i32>} : memref<2x80x64xf32, #tpu.memory_space<vmem>>, vector<1x1x16xf32>,
      %parallel_loop3A_780 = vector.shape_cast %parallel_loop3A_779 : vector<1x1x16xf32> to vector<16xf32>
      %parallel_loop3A_781 = tpu.bitcast %parallel_loop3A_780 : vector<16xf32> -> vector<16xi32>
      %parallel_loop3A_782 = arith.constant 16 : i32
      %parallel_loop3A_783 = vector.broadcast %parallel_loop3A_782 : i32 to vector<16xi32>
      %parallel_loop3A_784 = arith.shli %parallel_loop3A_781, %parallel_loop3A_783 : vector<16xi32>
      %parallel_loop3A_785 = tpu.bitcast %parallel_loop3A_784 : vector<16xi32> -> vector<16xf32>
      %parallel_loop3A_786 = arith.constant -65536 : i32
      %parallel_loop3A_787 = vector.broadcast %parallel_loop3A_786 : i32 to vector<16xi32>
      %parallel_loop3A_788 = arith.andi %parallel_loop3A_781, %parallel_loop3A_787 : vector<16xi32>
      %parallel_loop3A_789 = tpu.bitcast %parallel_loop3A_788 : vector<16xi32> -> vector<16xf32>
      %parallel_loop3A_790 = arith.constant 0 : i32
      %parallel_loop3A_791 = arith.index_cast %parallel_loop3A_790 : i32 to index
      %parallel_loop3A_792 = arith.index_cast %parallel_loop3A_627 : i32 to index
      %parallel_loop3A_793 = arith.constant 48 : index
      %parallel_loop3A_794 = tpu.vector_load %arg8[%parallel_loop3A_791, %parallel_loop3A_792, %parallel_loop3A_793] {strides = array<i32>} : memref<2x80x128xf32, #tpu.memory_space<vmem>>, vector<1x1x16xf32>,
      %parallel_loop3A_795 = vector.shape_cast %parallel_loop3A_794 : vector<1x1x16xf32> to vector<16xf32>
      %parallel_loop3A_796 = arith.addf %parallel_loop3A_795, %parallel_loop3A_785 : vector<16xf32>
      %parallel_loop3A_797 = arith.constant 0.000000e+00 : f32
      %parallel_loop3A_798 = vector.broadcast %parallel_loop3A_797 : f32 to vector<16xf32>
      %parallel_loop3A_799 = arith.maximumf %parallel_loop3A_796, %parallel_loop3A_798 : vector<16xf32>
      %parallel_loop3A_800 = arith.constant 0 : i32
      %parallel_loop3A_801 = arith.index_cast %parallel_loop3A_800 : i32 to index
      %parallel_loop3A_802 = arith.index_cast %parallel_loop3A_627 : i32 to index
      %parallel_loop3A_803 = arith.constant 48 : index
      %parallel_loop3A_804 = tpu.vector_load %arg8[%parallel_loop3A_801, %parallel_loop3A_802, %parallel_loop3A_803] {strides = array<i32>} : memref<2x80x128xf32, #tpu.memory_space<vmem>>, vector<1x1x16xf32>,
      %parallel_loop3A_805 = vector.shape_cast %parallel_loop3A_804 : vector<1x1x16xf32> to vector<16xf32>
      %parallel_loop3A_806 = vector.shape_cast %parallel_loop3A_799 : vector<16xf32> to vector<1x1x16xf32>
      tpu.vector_store %arg8[%parallel_loop3A_801, %parallel_loop3A_802, %parallel_loop3A_803], %parallel_loop3A_806 {strides = array<i32>} : memref<2x80x128xf32, #tpu.memory_space<vmem>>, vector<1x1x16xf32>,
      %parallel_loop3A_807 = arith.constant 0 : i32
      %parallel_loop3A_808 = arith.index_cast %parallel_loop3A_807 : i32 to index
      %parallel_loop3A_809 = arith.index_cast %parallel_loop3A_627 : i32 to index
      %parallel_loop3A_810 = arith.constant 112 : index
      %parallel_loop3A_811 = tpu.vector_load %arg8[%parallel_loop3A_808, %parallel_loop3A_809, %parallel_loop3A_810] {strides = array<i32>} : memref<2x80x128xf32, #tpu.memory_space<vmem>>, vector<1x1x16xf32>,
      %parallel_loop3A_812 = vector.shape_cast %parallel_loop3A_811 : vector<1x1x16xf32> to vector<16xf32>
      %parallel_loop3A_813 = arith.addf %parallel_loop3A_812, %parallel_loop3A_789 : vector<16xf32>
      %parallel_loop3A_814 = arith.constant 0.000000e+00 : f32
      %parallel_loop3A_815 = vector.broadcast %parallel_loop3A_814 : f32 to vector<16xf32>
      %parallel_loop3A_816 = arith.maximumf %parallel_loop3A_813, %parallel_loop3A_815 : vector<16xf32>
      %parallel_loop3A_817 = arith.constant 0 : i32
      %parallel_loop3A_818 = arith.index_cast %parallel_loop3A_817 : i32 to index
      %parallel_loop3A_819 = arith.index_cast %parallel_loop3A_627 : i32 to index
      %parallel_loop3A_820 = arith.constant 112 : index
      %parallel_loop3A_821 = tpu.vector_load %arg8[%parallel_loop3A_818, %parallel_loop3A_819, %parallel_loop3A_820] {strides = array<i32>} : memref<2x80x128xf32, #tpu.memory_space<vmem>>, vector<1x1x16xf32>,
      %parallel_loop3A_822 = vector.shape_cast %parallel_loop3A_821 : vector<1x1x16xf32> to vector<16xf32>
      %parallel_loop3A_823 = vector.shape_cast %parallel_loop3A_816 : vector<16xf32> to vector<1x1x16xf32>
      tpu.vector_store %arg8[%parallel_loop3A_818, %parallel_loop3A_819, %parallel_loop3A_820], %parallel_loop3A_823 {strides = array<i32>} : memref<2x80x128xf32, #tpu.memory_space<vmem>>, vector<1x1x16xf32>,
    } {sc.loop_unroll_factor = 2 : i64, sc.parallel_access}
    %dma_start3A_183 = arith.constant 0 : i32
    %dma_start3A_184 = arith.constant 0 : i32
    %dma_start3A_185 = arith.constant 1 : i32
    %dma_start3A_186 = arith.constant 0 : i32
    %dma_start3A_187 = arith.constant 0 : i32
    %dma_start3A_188 = tpu.memref_slice %arg8[%dma_start3A_183, %dma_start3A_186, %dma_start3A_187] : memref<2x80x128xf32, #tpu.memory_space<vmem>> -> memref<1x80x128xf32, #tpu.memory_space<vmem>>
    %dma_start3A_189 = tpu.memref_squeeze %dma_start3A_188 : memref<1x80x128xf32, #tpu.memory_space<vmem>> -> memref<80x128xf32, #tpu.memory_space<vmem>>
    %dma_start3A_190 = arith.constant 0 : i32
    %dma_start3A_191 = tpu.memref_slice %arg7[%dma_start3A_184, %dma_start3A_185, %dma_start3A_190] : memref<4x2x80xi32, #tpu.memory_space<vmem>> -> memref<1x1x80xi32, #tpu.memory_space<vmem>>
    %dma_start3A_192 = tpu.memref_squeeze %dma_start3A_191 : memref<1x1x80xi32, #tpu.memory_space<vmem>> -> memref<80xi32, #tpu.memory_space<vmem>>
    %dma_start3A_193 = arith.constant 0 : i32
    %dma_start3A_194 = arith.constant 0 : i32
    %dma_start3A_195 = tpu.memref_slice %arg10[%dma_start3A_193, %dma_start3A_194] : memref<10000x128xf32, #tpu.memory_space<vmem_shared>> -> memref<10000x128xf32, #tpu.memory_space<vmem_shared>>
    tpu.enqueue_indirect_dma source(%dma_start3A_189 : memref<80x128xf32, #tpu.memory_space<vmem>>) target(%dma_start3A_195 : memref<10000x128xf32, #tpu.memory_space<vmem_shared>>) offsets(%dma_start3A_192 : memref<80xi32, #tpu.memory_space<vmem>>) semaphore(%arg19 : memref<!tpu.dma_semaphore, #tpu.memory_space<semaphore_mem>>) {add = true}
    %dma_start3A_196 = arith.constant 3 : i32
    %dma_start3A_197 = arith.constant 3 : i32
    %dma_start3A_198 = arith.constant 0 : i32
    %dma_start3A_199 = arith.constant 0 : i32
    %dma_start3A_200 = tpu.memref_slice %arg7[%dma_start3A_197, %dma_start3A_198, %dma_start3A_199] : memref<4x2x80xi32, #tpu.memory_space<vmem>> -> memref<1x2x80xi32, #tpu.memory_space<vmem>>
    %dma_start3A_201 = tpu.memref_squeeze %dma_start3A_200 : memref<1x2x80xi32, #tpu.memory_space<vmem>> -> memref<2x80xi32, #tpu.memory_space<vmem>>
    %dma_start3A_202 = arith.constant 0 : i32
    %dma_start3A_203 = arith.constant 0 : i32
    %dma_start3A_204 = tpu.memref_slice %arg2[%add3A, %dma_start3A_196, %dma_start3A_202, %dma_start3A_203] : memref<32x125x2x80xi32, #tpu.memory_space<hbm>> -> memref<1x1x2x80xi32, #tpu.memory_space<hbm>>
    %dma_start3A_205 = tpu.memref_squeeze %dma_start3A_204 : memref<1x1x2x80xi32, #tpu.memory_space<hbm>> -> memref<2x80xi32, #tpu.memory_space<hbm>>
    %dma_start3A_206 = arith.constant 0 : i32
    %dma_start3A_207 = arith.constant 0 : i32
    %dma_start3A_208 = tpu.memref_slice %arg7[%dma_start3A_197, %dma_start3A_206, %dma_start3A_207] : memref<4x2x80xi32, #tpu.memory_space<vmem>> -> memref<1x2x80xi32, #tpu.memory_space<vmem>>
    %dma_start3A_209 = tpu.memref_squeeze %dma_start3A_208 : memref<1x2x80xi32, #tpu.memory_space<vmem>> -> memref<2x80xi32, #tpu.memory_space<vmem>>
    %dma_start3A_210 = arith.constant 0 : i32
    %dma_start3A_211 = arith.constant 0 : i32
    %dma_start3A_212 = tpu.memref_slice %arg2[%add3A, %dma_start3A_196, %dma_start3A_210, %dma_start3A_211] : memref<32x125x2x80xi32, #tpu.memory_space<hbm>> -> memref<1x1x2x80xi32, #tpu.memory_space<hbm>>
    %dma_start3A_213 = tpu.memref_squeeze %dma_start3A_212 : memref<1x1x2x80xi32, #tpu.memory_space<hbm>> -> memref<2x80xi32, #tpu.memory_space<hbm>>
    tpu.enqueue_dma source(%dma_start3A_213 : memref<2x80xi32, #tpu.memory_space<hbm>>) target(%dma_start3A_209 : memref<2x80xi32, #tpu.memory_space<vmem>>) target_semaphore(%arg14 : memref<!tpu.dma_semaphore, #tpu.memory_space<semaphore_mem>>)
    %scan3A = arith.constant 0 : i32
    %scan3A_214 = arith.constant 0 : i32
    %scan3A_215 = arith.constant 30 : i32
    %scan3A_216 = arith.addi %scan3A_214, %scan3A_215 : i32
    %scan3A_217 = arith.constant 1 : i32
    scf.for %scan3A_627 = %scan3A_214 to %scan3A_216 step %scan3A_217  : i32 {
      %mul3A_628 = arith.constant 4 : i32
      %mul3A_629 = arith.muli %mul3A_628, %scan3A_627 : i32
      %add3A_630 = arith.constant 1 : i32
      %add3A_631 = arith.addi %mul3A_629, %add3A_630 : i32
      %add3A_632 = arith.constant 0 : i32
      %add3A_633 = arith.addi %add3A_631, %add3A_632 : i32
      %add3A_634 = arith.constant 1 : i32
      %add3A_635 = arith.addi %add3A_633, %add3A_634 : i32
      %dma_wait3A_636 = arith.constant 2 : i32
      %dma_wait3A_637 = arith.constant 0 : i32
      %dma_wait3A_638 = arith.constant 0 : i32
      %dma_wait3A_639 = tpu.memref_slice %arg7[%dma_wait3A_636, %dma_wait3A_637, %dma_wait3A_638] : memref<4x2x80xi32, #tpu.memory_space<vmem>> -> memref<1x2x80xi32, #tpu.memory_space<vmem>>
      %dma_wait3A_640 = tpu.memref_squeeze %dma_wait3A_639 : memref<1x2x80xi32, #tpu.memory_space<vmem>> -> memref<2x80xi32, #tpu.memory_space<vmem>>
      %dma_wait3A_641 = arith.constant 0 : i32
      %dma_wait3A_642 = arith.constant 0 : i32
      %dma_wait3A_643 = tpu.memref_slice %arg2[%add3A, %add3A_635, %dma_wait3A_641, %dma_wait3A_642] : memref<32x125x2x80xi32, #tpu.memory_space<hbm>> -> memref<1x1x2x80xi32, #tpu.memory_space<hbm>>
      %dma_wait3A_644 = tpu.memref_squeeze %dma_wait3A_643 : memref<1x1x2x80xi32, #tpu.memory_space<hbm>> -> memref<2x80xi32, #tpu.memory_space<hbm>>
      %dma_wait3A_645 = arith.constant 0 : i32
      %dma_wait3A_646 = arith.constant 0 : i32
      %dma_wait3A_647 = tpu.memref_slice %arg7[%dma_wait3A_636, %dma_wait3A_645, %dma_wait3A_646] : memref<4x2x80xi32, #tpu.memory_space<vmem>> -> memref<1x2x80xi32, #tpu.memory_space<vmem>>
      %dma_wait3A_648 = tpu.memref_squeeze %dma_wait3A_647 : memref<1x2x80xi32, #tpu.memory_space<vmem>> -> memref<2x80xi32, #tpu.memory_space<vmem>>
      %dma_wait3A_649 = arith.constant 0 : i32
      %dma_wait3A_650 = arith.constant 0 : i32
      %dma_wait3A_651 = tpu.memref_slice %arg2[%add3A, %add3A_635, %dma_wait3A_649, %dma_wait3A_650] : memref<32x125x2x80xi32, #tpu.memory_space<hbm>> -> memref<1x1x2x80xi32, #tpu.memory_space<hbm>>
      %dma_wait3A_652 = tpu.memref_squeeze %dma_wait3A_651 : memref<1x1x2x80xi32, #tpu.memory_space<hbm>> -> memref<2x80xi32, #tpu.memory_space<hbm>>
      tpu.wait_dma2 semaphore(%arg13 : memref<!tpu.dma_semaphore, #tpu.memory_space<semaphore_mem>>) src(%dma_wait3A_652 : memref<2x80xi32, #tpu.memory_space<hbm>>) dst(%dma_wait3A_648 : memref<2x80xi32, #tpu.memory_space<vmem>>)
      %sub3A = arith.constant 1 : i32
      %sub3A_653 = arith.subi %add3A_633, %sub3A : i32
      %dma_wait3A_654 = arith.constant 0 : i32
      %dma_wait3A_655 = arith.constant 0 : i32
      %dma_wait3A_656 = arith.constant 1 : i32
      %dma_wait3A_657 = arith.constant 0 : i32
      %dma_wait3A_658 = arith.constant 0 : i32
      %dma_wait3A_659 = tpu.memref_slice %arg8[%dma_wait3A_654, %dma_wait3A_657, %dma_wait3A_658] : memref<2x80x128xf32, #tpu.memory_space<vmem>> -> memref<1x80x128xf32, #tpu.memory_space<vmem>>
      %dma_wait3A_660 = tpu.memref_squeeze %dma_wait3A_659 : memref<1x80x128xf32, #tpu.memory_space<vmem>> -> memref<80x128xf32, #tpu.memory_space<vmem>>
      %dma_wait3A_661 = arith.constant 0 : i32
      %dma_wait3A_662 = tpu.memref_slice %arg7[%dma_wait3A_655, %dma_wait3A_656, %dma_wait3A_661] : memref<4x2x80xi32, #tpu.memory_space<vmem>> -> memref<1x1x80xi32, #tpu.memory_space<vmem>>
      %dma_wait3A_663 = tpu.memref_squeeze %dma_wait3A_662 : memref<1x1x80xi32, #tpu.memory_space<vmem>> -> memref<80xi32, #tpu.memory_space<vmem>>
      %dma_wait3A_664 = arith.constant 0 : i32
      %dma_wait3A_665 = arith.constant 0 : i32
      %dma_wait3A_666 = tpu.memref_slice %arg10[%dma_wait3A_664, %dma_wait3A_665] : memref<10000x128xf32, #tpu.memory_space<vmem_shared>> -> memref<10000x128xf32, #tpu.memory_space<vmem_shared>>
      tpu.wait_indirect_dma semaphore(%arg19 : memref<!tpu.dma_semaphore, #tpu.memory_space<semaphore_mem>>) src(%dma_wait3A_660 : memref<80x128xf32, #tpu.memory_space<vmem>>) dst(%dma_wait3A_666 : memref<10000x128xf32, #tpu.memory_space<vmem_shared>>)
      %add3A_667 = arith.constant 1 : i32
      %add3A_668 = arith.addi %add3A_633, %add3A_667 : i32
      %dma_start3A_669 = arith.constant 2 : i32
      %dma_start3A_670 = arith.constant 0 : i32
      %dma_start3A_671 = arith.constant 0 : i32
      %dma_start3A_672 = arith.constant 0 : i32
      %dma_start3A_673 = arith.constant 0 : i32
      %dma_start3A_674 = tpu.memref_slice %arg8[%dma_start3A_671, %dma_start3A_672, %dma_start3A_673] : memref<2x80x128xf32, #tpu.memory_space<vmem>> -> memref<1x80x128xf32, #tpu.memory_space<vmem>>
      %dma_start3A_675 = tpu.memref_squeeze %dma_start3A_674 : memref<1x80x128xf32, #tpu.memory_space<vmem>> -> memref<80x128xf32, #tpu.memory_space<vmem>>
      %dma_start3A_676 = arith.constant 0 : i32
      %dma_start3A_677 = tpu.memref_slice %arg7[%dma_start3A_669, %dma_start3A_670, %dma_start3A_676] : memref<4x2x80xi32, #tpu.memory_space<vmem>> -> memref<1x1x80xi32, #tpu.memory_space<vmem>>
      %dma_start3A_678 = tpu.memref_squeeze %dma_start3A_677 : memref<1x1x80xi32, #tpu.memory_space<vmem>> -> memref<80xi32, #tpu.memory_space<vmem>>
      %dma_start3A_679 = arith.constant 0 : i32
      %dma_start3A_680 = arith.constant 0 : i32
      %dma_start3A_681 = tpu.memref_slice %arg3[%dma_start3A_679, %dma_start3A_680] : memref<10000x128xf32, #tpu.memory_space<hbm>> -> memref<10000x128xf32, #tpu.memory_space<hbm>>
      tpu.enqueue_indirect_dma source(%dma_start3A_681 : memref<10000x128xf32, #tpu.memory_space<hbm>>) target(%dma_start3A_675 : memref<80x128xf32, #tpu.memory_space<vmem>>) offsets(%dma_start3A_678 : memref<80xi32, #tpu.memory_space<vmem>>) semaphore(%arg15 : memref<!tpu.dma_semaphore, #tpu.memory_space<semaphore_mem>>)
      %mul3A_682 = arith.constant 80 : i32
      %mul3A_683 = arith.muli %add3A_668, %mul3A_682 : i32
      %add3A_684 = arith.addi %mul3A_2, %mul3A_683 : i32
      %dma_start3A_685 = arith.constant 0 : i32
      %dma_start3A_686 = arith.constant 0 : i32
      %dma_start3A_687 = arith.constant 0 : i32
      %dma_start3A_688 = tpu.memref_slice %arg9[%dma_start3A_685, %dma_start3A_686, %dma_start3A_687] : memref<2x80x64xf32, #tpu.memory_space<vmem>> -> memref<1x80x64xf32, #tpu.memory_space<vmem>>
      %dma_start3A_689 = tpu.memref_squeeze %dma_start3A_688 : memref<1x80x64xf32, #tpu.memory_space<vmem>> -> memref<80x64xf32, #tpu.memory_space<vmem>>
      %dma_start3A_690 = arith.constant 0 : i32
      %dma_start3A_691 = tpu.memref_slice %arg4[%add3A_684, %dma_start3A_690] : memref<320000x64xf32, #tpu.memory_space<hbm>> -> memref<80x64xf32, #tpu.memory_space<hbm>>
      %dma_start3A_692 = arith.constant 0 : i32
      %dma_start3A_693 = arith.constant 0 : i32
      %dma_start3A_694 = tpu.memref_slice %arg9[%dma_start3A_685, %dma_start3A_692, %dma_start3A_693] : memref<2x80x64xf32, #tpu.memory_space<vmem>> -> memref<1x80x64xf32, #tpu.memory_space<vmem>>
      %dma_start3A_695 = tpu.memref_squeeze %dma_start3A_694 : memref<1x80x64xf32, #tpu.memory_space<vmem>> -> memref<80x64xf32, #tpu.memory_space<vmem>>
      %dma_start3A_696 = arith.constant 0 : i32
      %dma_start3A_697 = tpu.memref_slice %arg4[%add3A_684, %dma_start3A_696] : memref<320000x64xf32, #tpu.memory_space<hbm>> -> memref<80x64xf32, #tpu.memory_space<hbm>>
      tpu.enqueue_dma source(%dma_start3A_697 : memref<80x64xf32, #tpu.memory_space<hbm>>) target(%dma_start3A_695 : memref<80x64xf32, #tpu.memory_space<vmem>>) target_semaphore(%arg17 : memref<!tpu.dma_semaphore, #tpu.memory_space<semaphore_mem>>)
      %dma_wait3A_698 = arith.constant 1 : i32
      %dma_wait3A_699 = arith.constant 0 : i32
      %dma_wait3A_700 = arith.constant 1 : i32
      %dma_wait3A_701 = arith.constant 0 : i32
      %dma_wait3A_702 = arith.constant 0 : i32
      %dma_wait3A_703 = tpu.memref_slice %arg8[%dma_wait3A_700, %dma_wait3A_701, %dma_wait3A_702] : memref<2x80x128xf32, #tpu.memory_space<vmem>> -> memref<1x80x128xf32, #tpu.memory_space<vmem>>
      %dma_wait3A_704 = tpu.memref_squeeze %dma_wait3A_703 : memref<1x80x128xf32, #tpu.memory_space<vmem>> -> memref<80x128xf32, #tpu.memory_space<vmem>>
      %dma_wait3A_705 = arith.constant 0 : i32
      %dma_wait3A_706 = tpu.memref_slice %arg7[%dma_wait3A_698, %dma_wait3A_699, %dma_wait3A_705] : memref<4x2x80xi32, #tpu.memory_space<vmem>> -> memref<1x1x80xi32, #tpu.memory_space<vmem>>
      %dma_wait3A_707 = tpu.memref_squeeze %dma_wait3A_706 : memref<1x1x80xi32, #tpu.memory_space<vmem>> -> memref<80xi32, #tpu.memory_space<vmem>>
      %dma_wait3A_708 = arith.constant 0 : i32
      %dma_wait3A_709 = arith.constant 0 : i32
      %dma_wait3A_710 = tpu.memref_slice %arg3[%dma_wait3A_708, %dma_wait3A_709] : memref<10000x128xf32, #tpu.memory_space<hbm>> -> memref<10000x128xf32, #tpu.memory_space<hbm>>
      tpu.wait_indirect_dma semaphore(%arg16 : memref<!tpu.dma_semaphore, #tpu.memory_space<semaphore_mem>>) src(%dma_wait3A_710 : memref<10000x128xf32, #tpu.memory_space<hbm>>) dst(%dma_wait3A_704 : memref<80x128xf32, #tpu.memory_space<vmem>>)
      %mul3A_711 = arith.constant 80 : i32
      %mul3A_712 = arith.muli %add3A_633, %mul3A_711 : i32
      %add3A_713 = arith.addi %mul3A_2, %mul3A_712 : i32
      %dma_wait3A_714 = arith.constant 1 : i32
      %dma_wait3A_715 = arith.constant 0 : i32
      %dma_wait3A_716 = arith.constant 0 : i32
      %dma_wait3A_717 = tpu.memref_slice %arg9[%dma_wait3A_714, %dma_wait3A_715, %dma_wait3A_716] : memref<2x80x64xf32, #tpu.memory_space<vmem>> -> memref<1x80x64xf32, #tpu.memory_space<vmem>>
      %dma_wait3A_718 = tpu.memref_squeeze %dma_wait3A_717 : memref<1x80x64xf32, #tpu.memory_space<vmem>> -> memref<80x64xf32, #tpu.memory_space<vmem>>
      %dma_wait3A_719 = arith.constant 0 : i32
      %dma_wait3A_720 = tpu.memref_slice %arg4[%add3A_713, %dma_wait3A_719] : memref<320000x64xf32, #tpu.memory_space<hbm>> -> memref<80x64xf32, #tpu.memory_space<hbm>>
      %dma_wait3A_721 = arith.constant 0 : i32
      %dma_wait3A_722 = arith.constant 0 : i32
      %dma_wait3A_723 = tpu.memref_slice %arg9[%dma_wait3A_714, %dma_wait3A_721, %dma_wait3A_722] : memref<2x80x64xf32, #tpu.memory_space<vmem>> -> memref<1x80x64xf32, #tpu.memory_space<vmem>>
      %dma_wait3A_724 = tpu.memref_squeeze %dma_wait3A_723 : memref<1x80x64xf32, #tpu.memory_space<vmem>> -> memref<80x64xf32, #tpu.memory_space<vmem>>
      %dma_wait3A_725 = arith.constant 0 : i32
      %dma_wait3A_726 = tpu.memref_slice %arg4[%add3A_713, %dma_wait3A_725] : memref<320000x64xf32, #tpu.memory_space<hbm>> -> memref<80x64xf32, #tpu.memory_space<hbm>>
      tpu.wait_dma2 semaphore(%arg18 : memref<!tpu.dma_semaphore, #tpu.memory_space<semaphore_mem>>) src(%dma_wait3A_726 : memref<80x64xf32, #tpu.memory_space<hbm>>) dst(%dma_wait3A_724 : memref<80x64xf32, #tpu.memory_space<vmem>>)
      %parallel_loop3A_727 = arith.constant 0 : i32
      %parallel_loop3A_728 = arith.constant 80 : i32
      %parallel_loop3A_729 = arith.constant 1 : i32
      scf.for %parallel_loop3A_1167 = %parallel_loop3A_727 to %parallel_loop3A_728 step %parallel_loop3A_729  : i32 {
        %parallel_loop3A_1168 = arith.constant 1 : i32
        %parallel_loop3A_1169 = arith.index_cast %parallel_loop3A_1168 : i32 to index
        %parallel_loop3A_1170 = arith.index_cast %parallel_loop3A_1167 : i32 to index
        %parallel_loop3A_1171 = arith.constant 0 : index
        %parallel_loop3A_1172 = tpu.vector_load %arg9[%parallel_loop3A_1169, %parallel_loop3A_1170, %parallel_loop3A_1171] {strides = array<i32>} : memref<2x80x64xf32, #tpu.memory_space<vmem>>, vector<1x1x16xf32>,
        %parallel_loop3A_1173 = vector.shape_cast %parallel_loop3A_1172 : vector<1x1x16xf32> to vector<16xf32>
        %parallel_loop3A_1174 = tpu.bitcast %parallel_loop3A_1173 : vector<16xf32> -> vector<16xi32>
        %parallel_loop3A_1175 = arith.constant 16 : i32
        %parallel_loop3A_1176 = vector.broadcast %parallel_loop3A_1175 : i32 to vector<16xi32>
        %parallel_loop3A_1177 = arith.shli %parallel_loop3A_1174, %parallel_loop3A_1176 : vector<16xi32>
        %parallel_loop3A_1178 = tpu.bitcast %parallel_loop3A_1177 : vector<16xi32> -> vector<16xf32>
        %parallel_loop3A_1179 = arith.constant -65536 : i32
        %parallel_loop3A_1180 = vector.broadcast %parallel_loop3A_1179 : i32 to vector<16xi32>
        %parallel_loop3A_1181 = arith.andi %parallel_loop3A_1174, %parallel_loop3A_1180 : vector<16xi32>
        %parallel_loop3A_1182 = tpu.bitcast %parallel_loop3A_1181 : vector<16xi32> -> vector<16xf32>
        %parallel_loop3A_1183 = arith.constant 1 : i32
        %parallel_loop3A_1184 = arith.index_cast %parallel_loop3A_1183 : i32 to index
        %parallel_loop3A_1185 = arith.index_cast %parallel_loop3A_1167 : i32 to index
        %parallel_loop3A_1186 = arith.constant 0 : index
        %parallel_loop3A_1187 = tpu.vector_load %arg8[%parallel_loop3A_1184, %parallel_loop3A_1185, %parallel_loop3A_1186] {strides = array<i32>} : memref<2x80x128xf32, #tpu.memory_space<vmem>>, vector<1x1x16xf32>,
        %parallel_loop3A_1188 = vector.shape_cast %parallel_loop3A_1187 : vector<1x1x16xf32> to vector<16xf32>
        %parallel_loop3A_1189 = arith.addf %parallel_loop3A_1188, %parallel_loop3A_1178 : vector<16xf32>
        %parallel_loop3A_1190 = arith.constant 0.000000e+00 : f32
        %parallel_loop3A_1191 = vector.broadcast %parallel_loop3A_1190 : f32 to vector<16xf32>
        %parallel_loop3A_1192 = arith.maximumf %parallel_loop3A_1189, %parallel_loop3A_1191 : vector<16xf32>
        %parallel_loop3A_1193 = arith.constant 1 : i32
        %parallel_loop3A_1194 = arith.index_cast %parallel_loop3A_1193 : i32 to index
        %parallel_loop3A_1195 = arith.index_cast %parallel_loop3A_1167 : i32 to index
        %parallel_loop3A_1196 = arith.constant 0 : index
        %parallel_loop3A_1197 = tpu.vector_load %arg8[%parallel_loop3A_1194, %parallel_loop3A_1195, %parallel_loop3A_1196] {strides = array<i32>} : memref<2x80x128xf32, #tpu.memory_space<vmem>>, vector<1x1x16xf32>,
        %parallel_loop3A_1198 = vector.shape_cast %parallel_loop3A_1197 : vector<1x1x16xf32> to vector<16xf32>
        %parallel_loop3A_1199 = vector.shape_cast %parallel_loop3A_1192 : vector<16xf32> to vector<1x1x16xf32>
        tpu.vector_store %arg8[%parallel_loop3A_1194, %parallel_loop3A_1195, %parallel_loop3A_1196], %parallel_loop3A_1199 {strides = array<i32>} : memref<2x80x128xf32, #tpu.memory_space<vmem>>, vector<1x1x16xf32>,
        %parallel_loop3A_1200 = arith.constant 1 : i32
        %parallel_loop3A_1201 = arith.index_cast %parallel_loop3A_1200 : i32 to index
        %parallel_loop3A_1202 = arith.index_cast %parallel_loop3A_1167 : i32 to index
        %parallel_loop3A_1203 = arith.constant 64 : index
        %parallel_loop3A_1204 = tpu.vector_load %arg8[%parallel_loop3A_1201, %parallel_loop3A_1202, %parallel_loop3A_1203] {strides = array<i32>} : memref<2x80x128xf32, #tpu.memory_space<vmem>>, vector<1x1x16xf32>,
        %parallel_loop3A_1205 = vector.shape_cast %parallel_loop3A_1204 : vector<1x1x16xf32> to vector<16xf32>
        %parallel_loop3A_1206 = arith.addf %parallel_loop3A_1205, %parallel_loop3A_1182 : vector<16xf32>
        %parallel_loop3A_1207 = arith.constant 0.000000e+00 : f32
        %parallel_loop3A_1208 = vector.broadcast %parallel_loop3A_1207 : f32 to vector<16xf32>
        %parallel_loop3A_1209 = arith.maximumf %parallel_loop3A_1206, %parallel_loop3A_1208 : vector<16xf32>
        %parallel_loop3A_1210 = arith.constant 1 : i32
        %parallel_loop3A_1211 = arith.index_cast %parallel_loop3A_1210 : i32 to index
        %parallel_loop3A_1212 = arith.index_cast %parallel_loop3A_1167 : i32 to index
        %parallel_loop3A_1213 = arith.constant 64 : index
        %parallel_loop3A_1214 = tpu.vector_load %arg8[%parallel_loop3A_1211, %parallel_loop3A_1212, %parallel_loop3A_1213] {strides = array<i32>} : memref<2x80x128xf32, #tpu.memory_space<vmem>>, vector<1x1x16xf32>,
        %parallel_loop3A_1215 = vector.shape_cast %parallel_loop3A_1214 : vector<1x1x16xf32> to vector<16xf32>
        %parallel_loop3A_1216 = vector.shape_cast %parallel_loop3A_1209 : vector<16xf32> to vector<1x1x16xf32>
        tpu.vector_store %arg8[%parallel_loop3A_1211, %parallel_loop3A_1212, %parallel_loop3A_1213], %parallel_loop3A_1216 {strides = array<i32>} : memref<2x80x128xf32, #tpu.memory_space<vmem>>, vector<1x1x16xf32>,
        %parallel_loop3A_1217 = arith.constant 1 : i32
        %parallel_loop3A_1218 = arith.index_cast %parallel_loop3A_1217 : i32 to index
        %parallel_loop3A_1219 = arith.index_cast %parallel_loop3A_1167 : i32 to index
        %parallel_loop3A_1220 = arith.constant 16 : index
        %parallel_loop3A_1221 = tpu.vector_load %arg9[%parallel_loop3A_1218, %parallel_loop3A_1219, %parallel_loop3A_1220] {strides = array<i32>} : memref<2x80x64xf32, #tpu.memory_space<vmem>>, vector<1x1x16xf32>,
        %parallel_loop3A_1222 = vector.shape_cast %parallel_loop3A_1221 : vector<1x1x16xf32> to vector<16xf32>
        %parallel_loop3A_1223 = tpu.bitcast %parallel_loop3A_1222 : vector<16xf32> -> vector<16xi32>
        %parallel_loop3A_1224 = arith.constant 16 : i32
        %parallel_loop3A_1225 = vector.broadcast %parallel_loop3A_1224 : i32 to vector<16xi32>
        %parallel_loop3A_1226 = arith.shli %parallel_loop3A_1223, %parallel_loop3A_1225 : vector<16xi32>
        %parallel_loop3A_1227 = tpu.bitcast %parallel_loop3A_1226 : vector<16xi32> -> vector<16xf32>
        %parallel_loop3A_1228 = arith.constant -65536 : i32
        %parallel_loop3A_1229 = vector.broadcast %parallel_loop3A_1228 : i32 to vector<16xi32>
        %parallel_loop3A_1230 = arith.andi %parallel_loop3A_1223, %parallel_loop3A_1229 : vector<16xi32>
        %parallel_loop3A_1231 = tpu.bitcast %parallel_loop3A_1230 : vector<16xi32> -> vector<16xf32>
        %parallel_loop3A_1232 = arith.constant 1 : i32
        %parallel_loop3A_1233 = arith.index_cast %parallel_loop3A_1232 : i32 to index
        %parallel_loop3A_1234 = arith.index_cast %parallel_loop3A_1167 : i32 to index
        %parallel_loop3A_1235 = arith.constant 16 : index
        %parallel_loop3A_1236 = tpu.vector_load %arg8[%parallel_loop3A_1233, %parallel_loop3A_1234, %parallel_loop3A_1235] {strides = array<i32>} : memref<2x80x128xf32, #tpu.memory_space<vmem>>, vector<1x1x16xf32>,
        %parallel_loop3A_1237 = vector.shape_cast %parallel_loop3A_1236 : vector<1x1x16xf32> to vector<16xf32>
        %parallel_loop3A_1238 = arith.addf %parallel_loop3A_1237, %parallel_loop3A_1227 : vector<16xf32>
        %parallel_loop3A_1239 = arith.constant 0.000000e+00 : f32
        %parallel_loop3A_1240 = vector.broadcast %parallel_loop3A_1239 : f32 to vector<16xf32>
        %parallel_loop3A_1241 = arith.maximumf %parallel_loop3A_1238, %parallel_loop3A_1240 : vector<16xf32>
        %parallel_loop3A_1242 = arith.constant 1 : i32
        %parallel_loop3A_1243 = arith.index_cast %parallel_loop3A_1242 : i32 to index
        %parallel_loop3A_1244 = arith.index_cast %parallel_loop3A_1167 : i32 to index
        %parallel_loop3A_1245 = arith.constant 16 : index
        %parallel_loop3A_1246 = tpu.vector_load %arg8[%parallel_loop3A_1243, %parallel_loop3A_1244, %parallel_loop3A_1245] {strides = array<i32>} : memref<2x80x128xf32, #tpu.memory_space<vmem>>, vector<1x1x16xf32>,
        %parallel_loop3A_1247 = vector.shape_cast %parallel_loop3A_1246 : vector<1x1x16xf32> to vector<16xf32>
        %parallel_loop3A_1248 = vector.shape_cast %parallel_loop3A_1241 : vector<16xf32> to vector<1x1x16xf32>
        tpu.vector_store %arg8[%parallel_loop3A_1243, %parallel_loop3A_1244, %parallel_loop3A_1245], %parallel_loop3A_1248 {strides = array<i32>} : memref<2x80x128xf32, #tpu.memory_space<vmem>>, vector<1x1x16xf32>,
        %parallel_loop3A_1249 = arith.constant 1 : i32
        %parallel_loop3A_1250 = arith.index_cast %parallel_loop3A_1249 : i32 to index
        %parallel_loop3A_1251 = arith.index_cast %parallel_loop3A_1167 : i32 to index
        %parallel_loop3A_1252 = arith.constant 80 : index
        %parallel_loop3A_1253 = tpu.vector_load %arg8[%parallel_loop3A_1250, %parallel_loop3A_1251, %parallel_loop3A_1252] {strides = array<i32>} : memref<2x80x128xf32, #tpu.memory_space<vmem>>, vector<1x1x16xf32>,
        %parallel_loop3A_1254 = vector.shape_cast %parallel_loop3A_1253 : vector<1x1x16xf32> to vector<16xf32>
        %parallel_loop3A_1255 = arith.addf %parallel_loop3A_1254, %parallel_loop3A_1231 : vector<16xf32>
        %parallel_loop3A_1256 = arith.constant 0.000000e+00 : f32
        %parallel_loop3A_1257 = vector.broadcast %parallel_loop3A_1256 : f32 to vector<16xf32>
        %parallel_loop3A_1258 = arith.maximumf %parallel_loop3A_1255, %parallel_loop3A_1257 : vector<16xf32>
        %parallel_loop3A_1259 = arith.constant 1 : i32
        %parallel_loop3A_1260 = arith.index_cast %parallel_loop3A_1259 : i32 to index
        %parallel_loop3A_1261 = arith.index_cast %parallel_loop3A_1167 : i32 to index
        %parallel_loop3A_1262 = arith.constant 80 : index
        %parallel_loop3A_1263 = tpu.vector_load %arg8[%parallel_loop3A_1260, %parallel_loop3A_1261, %parallel_loop3A_1262] {strides = array<i32>} : memref<2x80x128xf32, #tpu.memory_space<vmem>>, vector<1x1x16xf32>,
        %parallel_loop3A_1264 = vector.shape_cast %parallel_loop3A_1263 : vector<1x1x16xf32> to vector<16xf32>
        %parallel_loop3A_1265 = vector.shape_cast %parallel_loop3A_1258 : vector<16xf32> to vector<1x1x16xf32>
        tpu.vector_store %arg8[%parallel_loop3A_1260, %parallel_loop3A_1261, %parallel_loop3A_1262], %parallel_loop3A_1265 {strides = array<i32>} : memref<2x80x128xf32, #tpu.memory_space<vmem>>, vector<1x1x16xf32>,
        %parallel_loop3A_1266 = arith.constant 1 : i32
        %parallel_loop3A_1267 = arith.index_cast %parallel_loop3A_1266 : i32 to index
        %parallel_loop3A_1268 = arith.index_cast %parallel_loop3A_1167 : i32 to index
        %parallel_loop3A_1269 = arith.constant 32 : index
        %parallel_loop3A_1270 = tpu.vector_load %arg9[%parallel_loop3A_1267, %parallel_loop3A_1268, %parallel_loop3A_1269] {strides = array<i32>} : memref<2x80x64xf32, #tpu.memory_space<vmem>>, vector<1x1x16xf32>,
        %parallel_loop3A_1271 = vector.shape_cast %parallel_loop3A_1270 : vector<1x1x16xf32> to vector<16xf32>
        %parallel_loop3A_1272 = tpu.bitcast %parallel_loop3A_1271 : vector<16xf32> -> vector<16xi32>
        %parallel_loop3A_1273 = arith.constant 16 : i32
        %parallel_loop3A_1274 = vector.broadcast %parallel_loop3A_1273 : i32 to vector<16xi32>
        %parallel_loop3A_1275 = arith.shli %parallel_loop3A_1272, %parallel_loop3A_1274 : vector<16xi32>
        %parallel_loop3A_1276 = tpu.bitcast %parallel_loop3A_1275 : vector<16xi32> -> vector<16xf32>
        %parallel_loop3A_1277 = arith.constant -65536 : i32
        %parallel_loop3A_1278 = vector.broadcast %parallel_loop3A_1277 : i32 to vector<16xi32>
        %parallel_loop3A_1279 = arith.andi %parallel_loop3A_1272, %parallel_loop3A_1278 : vector<16xi32>
        %parallel_loop3A_1280 = tpu.bitcast %parallel_loop3A_1279 : vector<16xi32> -> vector<16xf32>
        %parallel_loop3A_1281 = arith.constant 1 : i32
        %parallel_loop3A_1282 = arith.index_cast %parallel_loop3A_1281 : i32 to index
        %parallel_loop3A_1283 = arith.index_cast %parallel_loop3A_1167 : i32 to index
        %parallel_loop3A_1284 = arith.constant 32 : index
        %parallel_loop3A_1285 = tpu.vector_load %arg8[%parallel_loop3A_1282, %parallel_loop3A_1283, %parallel_loop3A_1284] {strides = array<i32>} : memref<2x80x128xf32, #tpu.memory_space<vmem>>, vector<1x1x16xf32>,
        %parallel_loop3A_1286 = vector.shape_cast %parallel_loop3A_1285 : vector<1x1x16xf32> to vector<16xf32>
        %parallel_loop3A_1287 = arith.addf %parallel_loop3A_1286, %parallel_loop3A_1276 : vector<16xf32>
        %parallel_loop3A_1288 = arith.constant 0.000000e+00 : f32
        %parallel_loop3A_1289 = vector.broadcast %parallel_loop3A_1288 : f32 to vector<16xf32>
        %parallel_loop3A_1290 = arith.maximumf %parallel_loop3A_1287, %parallel_loop3A_1289 : vector<16xf32>
        %parallel_loop3A_1291 = arith.constant 1 : i32
        %parallel_loop3A_1292 = arith.index_cast %parallel_loop3A_1291 : i32 to index
        %parallel_loop3A_1293 = arith.index_cast %parallel_loop3A_1167 : i32 to index
        %parallel_loop3A_1294 = arith.constant 32 : index
        %parallel_loop3A_1295 = tpu.vector_load %arg8[%parallel_loop3A_1292, %parallel_loop3A_1293, %parallel_loop3A_1294] {strides = array<i32>} : memref<2x80x128xf32, #tpu.memory_space<vmem>>, vector<1x1x16xf32>,
        %parallel_loop3A_1296 = vector.shape_cast %parallel_loop3A_1295 : vector<1x1x16xf32> to vector<16xf32>
        %parallel_loop3A_1297 = vector.shape_cast %parallel_loop3A_1290 : vector<16xf32> to vector<1x1x16xf32>
        tpu.vector_store %arg8[%parallel_loop3A_1292, %parallel_loop3A_1293, %parallel_loop3A_1294], %parallel_loop3A_1297 {strides = array<i32>} : memref<2x80x128xf32, #tpu.memory_space<vmem>>, vector<1x1x16xf32>,
        %parallel_loop3A_1298 = arith.constant 1 : i32
        %parallel_loop3A_1299 = arith.index_cast %parallel_loop3A_1298 : i32 to index
        %parallel_loop3A_1300 = arith.index_cast %parallel_loop3A_1167 : i32 to index
        %parallel_loop3A_1301 = arith.constant 96 : index
        %parallel_loop3A_1302 = tpu.vector_load %arg8[%parallel_loop3A_1299, %parallel_loop3A_1300, %parallel_loop3A_1301] {strides = array<i32>} : memref<2x80x128xf32, #tpu.memory_space<vmem>>, vector<1x1x16xf32>,
        %parallel_loop3A_1303 = vector.shape_cast %parallel_loop3A_1302 : vector<1x1x16xf32> to vector<16xf32>
        %parallel_loop3A_1304 = arith.addf %parallel_loop3A_1303, %parallel_loop3A_1280 : vector<16xf32>
        %parallel_loop3A_1305 = arith.constant 0.000000e+00 : f32
        %parallel_loop3A_1306 = vector.broadcast %parallel_loop3A_1305 : f32 to vector<16xf32>
        %parallel_loop3A_1307 = arith.maximumf %parallel_loop3A_1304, %parallel_loop3A_1306 : vector<16xf32>
        %parallel_loop3A_1308 = arith.constant 1 : i32
        %parallel_loop3A_1309 = arith.index_cast %parallel_loop3A_1308 : i32 to index
        %parallel_loop3A_1310 = arith.index_cast %parallel_loop3A_1167 : i32 to index
        %parallel_loop3A_1311 = arith.constant 96 : index
        %parallel_loop3A_1312 = tpu.vector_load %arg8[%parallel_loop3A_1309, %parallel_loop3A_1310, %parallel_loop3A_1311] {strides = array<i32>} : memref<2x80x128xf32, #tpu.memory_space<vmem>>, vector<1x1x16xf32>,
        %parallel_loop3A_1313 = vector.shape_cast %parallel_loop3A_1312 : vector<1x1x16xf32> to vector<16xf32>
        %parallel_loop3A_1314 = vector.shape_cast %parallel_loop3A_1307 : vector<16xf32> to vector<1x1x16xf32>
        tpu.vector_store %arg8[%parallel_loop3A_1309, %parallel_loop3A_1310, %parallel_loop3A_1311], %parallel_loop3A_1314 {strides = array<i32>} : memref<2x80x128xf32, #tpu.memory_space<vmem>>, vector<1x1x16xf32>,
        %parallel_loop3A_1315 = arith.constant 1 : i32
        %parallel_loop3A_1316 = arith.index_cast %parallel_loop3A_1315 : i32 to index
        %parallel_loop3A_1317 = arith.index_cast %parallel_loop3A_1167 : i32 to index
        %parallel_loop3A_1318 = arith.constant 48 : index
        %parallel_loop3A_1319 = tpu.vector_load %arg9[%parallel_loop3A_1316, %parallel_loop3A_1317, %parallel_loop3A_1318] {strides = array<i32>} : memref<2x80x64xf32, #tpu.memory_space<vmem>>, vector<1x1x16xf32>,
        %parallel_loop3A_1320 = vector.shape_cast %parallel_loop3A_1319 : vector<1x1x16xf32> to vector<16xf32>
        %parallel_loop3A_1321 = tpu.bitcast %parallel_loop3A_1320 : vector<16xf32> -> vector<16xi32>
        %parallel_loop3A_1322 = arith.constant 16 : i32
        %parallel_loop3A_1323 = vector.broadcast %parallel_loop3A_1322 : i32 to vector<16xi32>
        %parallel_loop3A_1324 = arith.shli %parallel_loop3A_1321, %parallel_loop3A_1323 : vector<16xi32>
        %parallel_loop3A_1325 = tpu.bitcast %parallel_loop3A_1324 : vector<16xi32> -> vector<16xf32>
        %parallel_loop3A_1326 = arith.constant -65536 : i32
        %parallel_loop3A_1327 = vector.broadcast %parallel_loop3A_1326 : i32 to vector<16xi32>
        %parallel_loop3A_1328 = arith.andi %parallel_loop3A_1321, %parallel_loop3A_1327 : vector<16xi32>
        %parallel_loop3A_1329 = tpu.bitcast %parallel_loop3A_1328 : vector<16xi32> -> vector<16xf32>
        %parallel_loop3A_1330 = arith.constant 1 : i32
        %parallel_loop3A_1331 = arith.index_cast %parallel_loop3A_1330 : i32 to index
        %parallel_loop3A_1332 = arith.index_cast %parallel_loop3A_1167 : i32 to index
        %parallel_loop3A_1333 = arith.constant 48 : index
        %parallel_loop3A_1334 = tpu.vector_load %arg8[%parallel_loop3A_1331, %parallel_loop3A_1332, %parallel_loop3A_1333] {strides = array<i32>} : memref<2x80x128xf32, #tpu.memory_space<vmem>>, vector<1x1x16xf32>,
        %parallel_loop3A_1335 = vector.shape_cast %parallel_loop3A_1334 : vector<1x1x16xf32> to vector<16xf32>
        %parallel_loop3A_1336 = arith.addf %parallel_loop3A_1335, %parallel_loop3A_1325 : vector<16xf32>
        %parallel_loop3A_1337 = arith.constant 0.000000e+00 : f32
        %parallel_loop3A_1338 = vector.broadcast %parallel_loop3A_1337 : f32 to vector<16xf32>
        %parallel_loop3A_1339 = arith.maximumf %parallel_loop3A_1336, %parallel_loop3A_1338 : vector<16xf32>
        %parallel_loop3A_1340 = arith.constant 1 : i32
        %parallel_loop3A_1341 = arith.index_cast %parallel_loop3A_1340 : i32 to index
        %parallel_loop3A_1342 = arith.index_cast %parallel_loop3A_1167 : i32 to index
        %parallel_loop3A_1343 = arith.constant 48 : index
        %parallel_loop3A_1344 = tpu.vector_load %arg8[%parallel_loop3A_1341, %parallel_loop3A_1342, %parallel_loop3A_1343] {strides = array<i32>} : memref<2x80x128xf32, #tpu.memory_space<vmem>>, vector<1x1x16xf32>,
        %parallel_loop3A_1345 = vector.shape_cast %parallel_loop3A_1344 : vector<1x1x16xf32> to vector<16xf32>
        %parallel_loop3A_1346 = vector.shape_cast %parallel_loop3A_1339 : vector<16xf32> to vector<1x1x16xf32>
        tpu.vector_store %arg8[%parallel_loop3A_1341, %parallel_loop3A_1342, %parallel_loop3A_1343], %parallel_loop3A_1346 {strides = array<i32>} : memref<2x80x128xf32, #tpu.memory_space<vmem>>, vector<1x1x16xf32>,
        %parallel_loop3A_1347 = arith.constant 1 : i32
        %parallel_loop3A_1348 = arith.index_cast %parallel_loop3A_1347 : i32 to index
        %parallel_loop3A_1349 = arith.index_cast %parallel_loop3A_1167 : i32 to index
        %parallel_loop3A_1350 = arith.constant 112 : index
        %parallel_loop3A_1351 = tpu.vector_load %arg8[%parallel_loop3A_1348, %parallel_loop3A_1349, %parallel_loop3A_1350] {strides = array<i32>} : memref<2x80x128xf32, #tpu.memory_space<vmem>>, vector<1x1x16xf32>,
        %parallel_loop3A_1352 = vector.shape_cast %parallel_loop3A_1351 : vector<1x1x16xf32> to vector<16xf32>
        %parallel_loop3A_1353 = arith.addf %parallel_loop3A_1352, %parallel_loop3A_1329 : vector<16xf32>
        %parallel_loop3A_1354 = arith.constant 0.000000e+00 : f32
        %parallel_loop3A_1355 = vector.broadcast %parallel_loop3A_1354 : f32 to vector<16xf32>
        %parallel_loop3A_1356 = arith.maximumf %parallel_loop3A_1353, %parallel_loop3A_1355 : vector<16xf32>
        %parallel_loop3A_1357 = arith.constant 1 : i32
        %parallel_loop3A_1358 = arith.index_cast %parallel_loop3A_1357 : i32 to index
        %parallel_loop3A_1359 = arith.index_cast %parallel_loop3A_1167 : i32 to index
        %parallel_loop3A_1360 = arith.constant 112 : index
        %parallel_loop3A_1361 = tpu.vector_load %arg8[%parallel_loop3A_1358, %parallel_loop3A_1359, %parallel_loop3A_1360] {strides = array<i32>} : memref<2x80x128xf32, #tpu.memory_space<vmem>>, vector<1x1x16xf32>,
        %parallel_loop3A_1362 = vector.shape_cast %parallel_loop3A_1361 : vector<1x1x16xf32> to vector<16xf32>
        %parallel_loop3A_1363 = vector.shape_cast %parallel_loop3A_1356 : vector<16xf32> to vector<1x1x16xf32>
        tpu.vector_store %arg8[%parallel_loop3A_1358, %parallel_loop3A_1359, %parallel_loop3A_1360], %parallel_loop3A_1363 {strides = array<i32>} : memref<2x80x128xf32, #tpu.memory_space<vmem>>, vector<1x1x16xf32>,
      } {sc.loop_unroll_factor = 2 : i64, sc.parallel_access}
      %dma_start3A_730 = arith.constant 1 : i32
      %dma_start3A_731 = arith.constant 1 : i32
      %dma_start3A_732 = arith.constant 1 : i32
      %dma_start3A_733 = arith.constant 0 : i32
      %dma_start3A_734 = arith.constant 0 : i32
      %dma_start3A_735 = tpu.memref_slice %arg8[%dma_start3A_730, %dma_start3A_733, %dma_start3A_734] : memref<2x80x128xf32, #tpu.memory_space<vmem>> -> memref<1x80x128xf32, #tpu.memory_space<vmem>>
      %dma_start3A_736 = tpu.memref_squeeze %dma_start3A_735 : memref<1x80x128xf32, #tpu.memory_space<vmem>> -> memref<80x128xf32, #tpu.memory_space<vmem>>
      %dma_start3A_737 = arith.constant 0 : i32
      %dma_start3A_738 = tpu.memref_slice %arg7[%dma_start3A_731, %dma_start3A_732, %dma_start3A_737] : memref<4x2x80xi32, #tpu.memory_space<vmem>> -> memref<1x1x80xi32, #tpu.memory_space<vmem>>
      %dma_start3A_739 = tpu.memref_squeeze %dma_start3A_738 : memref<1x1x80xi32, #tpu.memory_space<vmem>> -> memref<80xi32, #tpu.memory_space<vmem>>
      %dma_start3A_740 = arith.constant 0 : i32
      %dma_start3A_741 = arith.constant 0 : i32
      %dma_start3A_742 = tpu.memref_slice %arg10[%dma_start3A_740, %dma_start3A_741] : memref<10000x128xf32, #tpu.memory_space<vmem_shared>> -> memref<10000x128xf32, #tpu.memory_space<vmem_shared>>
      tpu.enqueue_indirect_dma source(%dma_start3A_736 : memref<80x128xf32, #tpu.memory_space<vmem>>) target(%dma_start3A_742 : memref<10000x128xf32, #tpu.memory_space<vmem_shared>>) offsets(%dma_start3A_739 : memref<80xi32, #tpu.memory_space<vmem>>) semaphore(%arg20 : memref<!tpu.dma_semaphore, #tpu.memory_space<semaphore_mem>>) {add = true}
      %add3A_743 = arith.constant 3 : i32
      %add3A_744 = arith.addi %add3A_633, %add3A_743 : i32
      %dma_start3A_745 = arith.constant 0 : i32
      %dma_start3A_746 = arith.constant 0 : i32
      %dma_start3A_747 = arith.constant 0 : i32
      %dma_start3A_748 = tpu.memref_slice %arg7[%dma_start3A_745, %dma_start3A_746, %dma_start3A_747] : memref<4x2x80xi32, #tpu.memory_space<vmem>> -> memref<1x2x80xi32, #tpu.memory_space<vmem>>
      %dma_start3A_749 = tpu.memref_squeeze %dma_start3A_748 : memref<1x2x80xi32, #tpu.memory_space<vmem>> -> memref<2x80xi32, #tpu.memory_space<vmem>>
      %dma_start3A_750 = arith.constant 0 : i32
      %dma_start3A_751 = arith.constant 0 : i32
      %dma_start3A_752 = tpu.memref_slice %arg2[%add3A, %add3A_744, %dma_start3A_750, %dma_start3A_751] : memref<32x125x2x80xi32, #tpu.memory_space<hbm>> -> memref<1x1x2x80xi32, #tpu.memory_space<hbm>>
      %dma_start3A_753 = tpu.memref_squeeze %dma_start3A_752 : memref<1x1x2x80xi32, #tpu.memory_space<hbm>> -> memref<2x80xi32, #tpu.memory_space<hbm>>
      %dma_start3A_754 = arith.constant 0 : i32
      %dma_start3A_755 = arith.constant 0 : i32
      %dma_start3A_756 = tpu.memref_slice %arg7[%dma_start3A_745, %dma_start3A_754, %dma_start3A_755] : memref<4x2x80xi32, #tpu.memory_space<vmem>> -> memref<1x2x80xi32, #tpu.memory_space<vmem>>
      %dma_start3A_757 = tpu.memref_squeeze %dma_start3A_756 : memref<1x2x80xi32, #tpu.memory_space<vmem>> -> memref<2x80xi32, #tpu.memory_space<vmem>>
      %dma_start3A_758 = arith.constant 0 : i32
      %dma_start3A_759 = arith.constant 0 : i32
      %dma_start3A_760 = tpu.memref_slice %arg2[%add3A, %add3A_744, %dma_start3A_758, %dma_start3A_759] : memref<32x125x2x80xi32, #tpu.memory_space<hbm>> -> memref<1x1x2x80xi32, #tpu.memory_space<hbm>>
      %dma_start3A_761 = tpu.memref_squeeze %dma_start3A_760 : memref<1x1x2x80xi32, #tpu.memory_space<hbm>> -> memref<2x80xi32, #tpu.memory_space<hbm>>
      tpu.enqueue_dma source(%dma_start3A_761 : memref<2x80xi32, #tpu.memory_space<hbm>>) target(%dma_start3A_757 : memref<2x80xi32, #tpu.memory_space<vmem>>) target_semaphore(%arg11 : memref<!tpu.dma_semaphore, #tpu.memory_space<semaphore_mem>>)
      %mul3A_762 = arith.constant 4 : i32
      %mul3A_763 = arith.muli %mul3A_762, %scan3A_627 : i32
      %add3A_764 = arith.constant 1 : i32
      %add3A_765 = arith.addi %mul3A_763, %add3A_764 : i32
      %add3A_766 = arith.constant 1 : i32
      %add3A_767 = arith.addi %add3A_765, %add3A_766 : i32
      %add3A_768 = arith.constant 1 : i32
      %add3A_769 = arith.addi %add3A_767, %add3A_768 : i32
      %dma_wait3A_770 = arith.constant 3 : i32
      %dma_wait3A_771 = arith.constant 0 : i32
      %dma_wait3A_772 = arith.constant 0 : i32
      %dma_wait3A_773 = tpu.memref_slice %arg7[%dma_wait3A_770, %dma_wait3A_771, %dma_wait3A_772] : memref<4x2x80xi32, #tpu.memory_space<vmem>> -> memref<1x2x80xi32, #tpu.memory_space<vmem>>
      %dma_wait3A_774 = tpu.memref_squeeze %dma_wait3A_773 : memref<1x2x80xi32, #tpu.memory_space<vmem>> -> memref<2x80xi32, #tpu.memory_space<vmem>>
      %dma_wait3A_775 = arith.constant 0 : i32
      %dma_wait3A_776 = arith.constant 0 : i32
      %dma_wait3A_777 = tpu.memref_slice %arg2[%add3A, %add3A_769, %dma_wait3A_775, %dma_wait3A_776] : memref<32x125x2x80xi32, #tpu.memory_space<hbm>> -> memref<1x1x2x80xi32, #tpu.memory_space<hbm>>
      %dma_wait3A_778 = tpu.memref_squeeze %dma_wait3A_777 : memref<1x1x2x80xi32, #tpu.memory_space<hbm>> -> memref<2x80xi32, #tpu.memory_space<hbm>>
      %dma_wait3A_779 = arith.constant 0 : i32
      %dma_wait3A_780 = arith.constant 0 : i32
      %dma_wait3A_781 = tpu.memref_slice %arg7[%dma_wait3A_770, %dma_wait3A_779, %dma_wait3A_780] : memref<4x2x80xi32, #tpu.memory_space<vmem>> -> memref<1x2x80xi32, #tpu.memory_space<vmem>>
      %dma_wait3A_782 = tpu.memref_squeeze %dma_wait3A_781 : memref<1x2x80xi32, #tpu.memory_space<vmem>> -> memref<2x80xi32, #tpu.memory_space<vmem>>
      %dma_wait3A_783 = arith.constant 0 : i32
      %dma_wait3A_784 = arith.constant 0 : i32
      %dma_wait3A_785 = tpu.memref_slice %arg2[%add3A, %add3A_769, %dma_wait3A_783, %dma_wait3A_784] : memref<32x125x2x80xi32, #tpu.memory_space<hbm>> -> memref<1x1x2x80xi32, #tpu.memory_space<hbm>>
      %dma_wait3A_786 = tpu.memref_squeeze %dma_wait3A_785 : memref<1x1x2x80xi32, #tpu.memory_space<hbm>> -> memref<2x80xi32, #tpu.memory_space<hbm>>
      tpu.wait_dma2 semaphore(%arg14 : memref<!tpu.dma_semaphore, #tpu.memory_space<semaphore_mem>>) src(%dma_wait3A_786 : memref<2x80xi32, #tpu.memory_space<hbm>>) dst(%dma_wait3A_782 : memref<2x80xi32, #tpu.memory_space<vmem>>)
      %sub3A_787 = arith.constant 1 : i32
      %sub3A_788 = arith.subi %add3A_767, %sub3A_787 : i32
      %dma_wait3A_789 = arith.constant 1 : i32
      %dma_wait3A_790 = arith.constant 1 : i32
      %dma_wait3A_791 = arith.constant 1 : i32
      %dma_wait3A_792 = arith.constant 0 : i32
      %dma_wait3A_793 = arith.constant 0 : i32
      %dma_wait3A_794 = tpu.memref_slice %arg8[%dma_wait3A_789, %dma_wait3A_792, %dma_wait3A_793] : memref<2x80x128xf32, #tpu.memory_space<vmem>> -> memref<1x80x128xf32, #tpu.memory_space<vmem>>
      %dma_wait3A_795 = tpu.memref_squeeze %dma_wait3A_794 : memref<1x80x128xf32, #tpu.memory_space<vmem>> -> memref<80x128xf32, #tpu.memory_space<vmem>>
      %dma_wait3A_796 = arith.constant 0 : i32
      %dma_wait3A_797 = tpu.memref_slice %arg7[%dma_wait3A_790, %dma_wait3A_791, %dma_wait3A_796] : memref<4x2x80xi32, #tpu.memory_space<vmem>> -> memref<1x1x80xi32, #tpu.memory_space<vmem>>
      %dma_wait3A_798 = tpu.memref_squeeze %dma_wait3A_797 : memref<1x1x80xi32, #tpu.memory_space<vmem>> -> memref<80xi32, #tpu.memory_space<vmem>>
      %dma_wait3A_799 = arith.constant 0 : i32
      %dma_wait3A_800 = arith.constant 0 : i32
      %dma_wait3A_801 = tpu.memref_slice %arg10[%dma_wait3A_799, %dma_wait3A_800] : memref<10000x128xf32, #tpu.memory_space<vmem_shared>> -> memref<10000x128xf32, #tpu.memory_space<vmem_shared>>
      tpu.wait_indirect_dma semaphore(%arg20 : memref<!tpu.dma_semaphore, #tpu.memory_space<semaphore_mem>>) src(%dma_wait3A_795 : memref<80x128xf32, #tpu.memory_space<vmem>>) dst(%dma_wait3A_801 : memref<10000x128xf32, #tpu.memory_space<vmem_shared>>)
      %add3A_802 = arith.constant 1 : i32
      %add3A_803 = arith.addi %add3A_767, %add3A_802 : i32
      %dma_start3A_804 = arith.constant 3 : i32
      %dma_start3A_805 = arith.constant 0 : i32
      %dma_start3A_806 = arith.constant 1 : i32
      %dma_start3A_807 = arith.constant 0 : i32
      %dma_start3A_808 = arith.constant 0 : i32
      %dma_start3A_809 = tpu.memref_slice %arg8[%dma_start3A_806, %dma_start3A_807, %dma_start3A_808] : memref<2x80x128xf32, #tpu.memory_space<vmem>> -> memref<1x80x128xf32, #tpu.memory_space<vmem>>
      %dma_start3A_810 = tpu.memref_squeeze %dma_start3A_809 : memref<1x80x128xf32, #tpu.memory_space<vmem>> -> memref<80x128xf32, #tpu.memory_space<vmem>>
      %dma_start3A_811 = arith.constant 0 : i32
      %dma_start3A_812 = tpu.memref_slice %arg7[%dma_start3A_804, %dma_start3A_805, %dma_start3A_811] : memref<4x2x80xi32, #tpu.memory_space<vmem>> -> memref<1x1x80xi32, #tpu.memory_space<vmem>>
      %dma_start3A_813 = tpu.memref_squeeze %dma_start3A_812 : memref<1x1x80xi32, #tpu.memory_space<vmem>> -> memref<80xi32, #tpu.memory_space<vmem>>
      %dma_start3A_814 = arith.constant 0 : i32
      %dma_start3A_815 = arith.constant 0 : i32
      %dma_start3A_816 = tpu.memref_slice %arg3[%dma_start3A_814, %dma_start3A_815] : memref<10000x128xf32, #tpu.memory_space<hbm>> -> memref<10000x128xf32, #tpu.memory_space<hbm>>
      tpu.enqueue_indirect_dma source(%dma_start3A_816 : memref<10000x128xf32, #tpu.memory_space<hbm>>) target(%dma_start3A_810 : memref<80x128xf32, #tpu.memory_space<vmem>>) offsets(%dma_start3A_813 : memref<80xi32, #tpu.memory_space<vmem>>) semaphore(%arg16 : memref<!tpu.dma_semaphore, #tpu.memory_space<semaphore_mem>>)
      %mul3A_817 = arith.constant 80 : i32
      %mul3A_818 = arith.muli %add3A_803, %mul3A_817 : i32
      %add3A_819 = arith.addi %mul3A_2, %mul3A_818 : i32
      %dma_start3A_820 = arith.constant 1 : i32
      %dma_start3A_821 = arith.constant 0 : i32
      %dma_start3A_822 = arith.constant 0 : i32
      %dma_start3A_823 = tpu.memref_slice %arg9[%dma_start3A_820, %dma_start3A_821, %dma_start3A_822] : memref<2x80x64xf32, #tpu.memory_space<vmem>> -> memref<1x80x64xf32, #tpu.memory_space<vmem>>
      %dma_start3A_824 = tpu.memref_squeeze %dma_start3A_823 : memref<1x80x64xf32, #tpu.memory_space<vmem>> -> memref<80x64xf32, #tpu.memory_space<vmem>>
      %dma_start3A_825 = arith.constant 0 : i32
      %dma_start3A_826 = tpu.memref_slice %arg4[%add3A_819, %dma_start3A_825] : memref<320000x64xf32, #tpu.memory_space<hbm>> -> memref<80x64xf32, #tpu.memory_space<hbm>>
      %dma_start3A_827 = arith.constant 0 : i32
      %dma_start3A_828 = arith.constant 0 : i32
      %dma_start3A_829 = tpu.memref_slice %arg9[%dma_start3A_820, %dma_start3A_827, %dma_start3A_828] : memref<2x80x64xf32, #tpu.memory_space<vmem>> -> memref<1x80x64xf32, #tpu.memory_space<vmem>>
      %dma_start3A_830 = tpu.memref_squeeze %dma_start3A_829 : memref<1x80x64xf32, #tpu.memory_space<vmem>> -> memref<80x64xf32, #tpu.memory_space<vmem>>
      %dma_start3A_831 = arith.constant 0 : i32
      %dma_start3A_832 = tpu.memref_slice %arg4[%add3A_819, %dma_start3A_831] : memref<320000x64xf32, #tpu.memory_space<hbm>> -> memref<80x64xf32, #tpu.memory_space<hbm>>
      tpu.enqueue_dma source(%dma_start3A_832 : memref<80x64xf32, #tpu.memory_space<hbm>>) target(%dma_start3A_830 : memref<80x64xf32, #tpu.memory_space<vmem>>) target_semaphore(%arg18 : memref<!tpu.dma_semaphore, #tpu.memory_space<semaphore_mem>>)
      %dma_wait3A_833 = arith.constant 2 : i32
      %dma_wait3A_834 = arith.constant 0 : i32
      %dma_wait3A_835 = arith.constant 0 : i32
      %dma_wait3A_836 = arith.constant 0 : i32
      %dma_wait3A_837 = arith.constant 0 : i32
      %dma_wait3A_838 = tpu.memref_slice %arg8[%dma_wait3A_835, %dma_wait3A_836, %dma_wait3A_837] : memref<2x80x128xf32, #tpu.memory_space<vmem>> -> memref<1x80x128xf32, #tpu.memory_space<vmem>>
      %dma_wait3A_839 = tpu.memref_squeeze %dma_wait3A_838 : memref<1x80x128xf32, #tpu.memory_space<vmem>> -> memref<80x128xf32, #tpu.memory_space<vmem>>
      %dma_wait3A_840 = arith.constant 0 : i32
      %dma_wait3A_841 = tpu.memref_slice %arg7[%dma_wait3A_833, %dma_wait3A_834, %dma_wait3A_840] : memref<4x2x80xi32, #tpu.memory_space<vmem>> -> memref<1x1x80xi32, #tpu.memory_space<vmem>>
      %dma_wait3A_842 = tpu.memref_squeeze %dma_wait3A_841 : memref<1x1x80xi32, #tpu.memory_space<vmem>> -> memref<80xi32, #tpu.memory_space<vmem>>
      %dma_wait3A_843 = arith.constant 0 : i32
      %dma_wait3A_844 = arith.constant 0 : i32
      %dma_wait3A_845 = tpu.memref_slice %arg3[%dma_wait3A_843, %dma_wait3A_844] : memref<10000x128xf32, #tpu.memory_space<hbm>> -> memref<10000x128xf32, #tpu.memory_space<hbm>>
      tpu.wait_indirect_dma semaphore(%arg15 : memref<!tpu.dma_semaphore, #tpu.memory_space<semaphore_mem>>) src(%dma_wait3A_845 : memref<10000x128xf32, #tpu.memory_space<hbm>>) dst(%dma_wait3A_839 : memref<80x128xf32, #tpu.memory_space<vmem>>)
      %mul3A_846 = arith.constant 80 : i32
      %mul3A_847 = arith.muli %add3A_767, %mul3A_846 : i32
      %add3A_848 = arith.addi %mul3A_2, %mul3A_847 : i32
      %dma_wait3A_849 = arith.constant 0 : i32
      %dma_wait3A_850 = arith.constant 0 : i32
      %dma_wait3A_851 = arith.constant 0 : i32
      %dma_wait3A_852 = tpu.memref_slice %arg9[%dma_wait3A_849, %dma_wait3A_850, %dma_wait3A_851] : memref<2x80x64xf32, #tpu.memory_space<vmem>> -> memref<1x80x64xf32, #tpu.memory_space<vmem>>
      %dma_wait3A_853 = tpu.memref_squeeze %dma_wait3A_852 : memref<1x80x64xf32, #tpu.memory_space<vmem>> -> memref<80x64xf32, #tpu.memory_space<vmem>>
      %dma_wait3A_854 = arith.constant 0 : i32
      %dma_wait3A_855 = tpu.memref_slice %arg4[%add3A_848, %dma_wait3A_854] : memref<320000x64xf32, #tpu.memory_space<hbm>> -> memref<80x64xf32, #tpu.memory_space<hbm>>
      %dma_wait3A_856 = arith.constant 0 : i32
      %dma_wait3A_857 = arith.constant 0 : i32
      %dma_wait3A_858 = tpu.memref_slice %arg9[%dma_wait3A_849, %dma_wait3A_856, %dma_wait3A_857] : memref<2x80x64xf32, #tpu.memory_space<vmem>> -> memref<1x80x64xf32, #tpu.memory_space<vmem>>
      %dma_wait3A_859 = tpu.memref_squeeze %dma_wait3A_858 : memref<1x80x64xf32, #tpu.memory_space<vmem>> -> memref<80x64xf32, #tpu.memory_space<vmem>>
      %dma_wait3A_860 = arith.constant 0 : i32
      %dma_wait3A_861 = tpu.memref_slice %arg4[%add3A_848, %dma_wait3A_860] : memref<320000x64xf32, #tpu.memory_space<hbm>> -> memref<80x64xf32, #tpu.memory_space<hbm>>
      tpu.wait_dma2 semaphore(%arg17 : memref<!tpu.dma_semaphore, #tpu.memory_space<semaphore_mem>>) src(%dma_wait3A_861 : memref<80x64xf32, #tpu.memory_space<hbm>>) dst(%dma_wait3A_859 : memref<80x64xf32, #tpu.memory_space<vmem>>)
      %parallel_loop3A_862 = arith.constant 0 : i32
      %parallel_loop3A_863 = arith.constant 80 : i32
      %parallel_loop3A_864 = arith.constant 1 : i32
      scf.for %parallel_loop3A_1167 = %parallel_loop3A_862 to %parallel_loop3A_863 step %parallel_loop3A_864  : i32 {
        %parallel_loop3A_1168 = arith.constant 0 : i32
        %parallel_loop3A_1169 = arith.index_cast %parallel_loop3A_1168 : i32 to index
        %parallel_loop3A_1170 = arith.index_cast %parallel_loop3A_1167 : i32 to index
        %parallel_loop3A_1171 = arith.constant 0 : index
        %parallel_loop3A_1172 = tpu.vector_load %arg9[%parallel_loop3A_1169, %parallel_loop3A_1170, %parallel_loop3A_1171] {strides = array<i32>} : memref<2x80x64xf32, #tpu.memory_space<vmem>>, vector<1x1x16xf32>,
        %parallel_loop3A_1173 = vector.shape_cast %parallel_loop3A_1172 : vector<1x1x16xf32> to vector<16xf32>
        %parallel_loop3A_1174 = tpu.bitcast %parallel_loop3A_1173 : vector<16xf32> -> vector<16xi32>
        %parallel_loop3A_1175 = arith.constant 16 : i32
        %parallel_loop3A_1176 = vector.broadcast %parallel_loop3A_1175 : i32 to vector<16xi32>
        %parallel_loop3A_1177 = arith.shli %parallel_loop3A_1174, %parallel_loop3A_1176 : vector<16xi32>
        %parallel_loop3A_1178 = tpu.bitcast %parallel_loop3A_1177 : vector<16xi32> -> vector<16xf32>
        %parallel_loop3A_1179 = arith.constant -65536 : i32
        %parallel_loop3A_1180 = vector.broadcast %parallel_loop3A_1179 : i32 to vector<16xi32>
        %parallel_loop3A_1181 = arith.andi %parallel_loop3A_1174, %parallel_loop3A_1180 : vector<16xi32>
        %parallel_loop3A_1182 = tpu.bitcast %parallel_loop3A_1181 : vector<16xi32> -> vector<16xf32>
        %parallel_loop3A_1183 = arith.constant 0 : i32
        %parallel_loop3A_1184 = arith.index_cast %parallel_loop3A_1183 : i32 to index
        %parallel_loop3A_1185 = arith.index_cast %parallel_loop3A_1167 : i32 to index
        %parallel_loop3A_1186 = arith.constant 0 : index
        %parallel_loop3A_1187 = tpu.vector_load %arg8[%parallel_loop3A_1184, %parallel_loop3A_1185, %parallel_loop3A_1186] {strides = array<i32>} : memref<2x80x128xf32, #tpu.memory_space<vmem>>, vector<1x1x16xf32>,
        %parallel_loop3A_1188 = vector.shape_cast %parallel_loop3A_1187 : vector<1x1x16xf32> to vector<16xf32>
        %parallel_loop3A_1189 = arith.addf %parallel_loop3A_1188, %parallel_loop3A_1178 : vector<16xf32>
        %parallel_loop3A_1190 = arith.constant 0.000000e+00 : f32
        %parallel_loop3A_1191 = vector.broadcast %parallel_loop3A_1190 : f32 to vector<16xf32>
        %parallel_loop3A_1192 = arith.maximumf %parallel_loop3A_1189, %parallel_loop3A_1191 : vector<16xf32>
        %parallel_loop3A_1193 = arith.constant 0 : i32
        %parallel_loop3A_1194 = arith.index_cast %parallel_loop3A_1193 : i32 to index
        %parallel_loop3A_1195 = arith.index_cast %parallel_loop3A_1167 : i32 to index
        %parallel_loop3A_1196 = arith.constant 0 : index
        %parallel_loop3A_1197 = tpu.vector_load %arg8[%parallel_loop3A_1194, %parallel_loop3A_1195, %parallel_loop3A_1196] {strides = array<i32>} : memref<2x80x128xf32, #tpu.memory_space<vmem>>, vector<1x1x16xf32>,
        %parallel_loop3A_1198 = vector.shape_cast %parallel_loop3A_1197 : vector<1x1x16xf32> to vector<16xf32>
        %parallel_loop3A_1199 = vector.shape_cast %parallel_loop3A_1192 : vector<16xf32> to vector<1x1x16xf32>
        tpu.vector_store %arg8[%parallel_loop3A_1194, %parallel_loop3A_1195, %parallel_loop3A_1196], %parallel_loop3A_1199 {strides = array<i32>} : memref<2x80x128xf32, #tpu.memory_space<vmem>>, vector<1x1x16xf32>,
        %parallel_loop3A_1200 = arith.constant 0 : i32
        %parallel_loop3A_1201 = arith.index_cast %parallel_loop3A_1200 : i32 to index
        %parallel_loop3A_1202 = arith.index_cast %parallel_loop3A_1167 : i32 to index
        %parallel_loop3A_1203 = arith.constant 64 : index
        %parallel_loop3A_1204 = tpu.vector_load %arg8[%parallel_loop3A_1201, %parallel_loop3A_1202, %parallel_loop3A_1203] {strides = array<i32>} : memref<2x80x128xf32, #tpu.memory_space<vmem>>, vector<1x1x16xf32>,
        %parallel_loop3A_1205 = vector.shape_cast %parallel_loop3A_1204 : vector<1x1x16xf32> to vector<16xf32>
        %parallel_loop3A_1206 = arith.addf %parallel_loop3A_1205, %parallel_loop3A_1182 : vector<16xf32>
        %parallel_loop3A_1207 = arith.constant 0.000000e+00 : f32
        %parallel_loop3A_1208 = vector.broadcast %parallel_loop3A_1207 : f32 to vector<16xf32>
        %parallel_loop3A_1209 = arith.maximumf %parallel_loop3A_1206, %parallel_loop3A_1208 : vector<16xf32>
        %parallel_loop3A_1210 = arith.constant 0 : i32
        %parallel_loop3A_1211 = arith.index_cast %parallel_loop3A_1210 : i32 to index
        %parallel_loop3A_1212 = arith.index_cast %parallel_loop3A_1167 : i32 to index
        %parallel_loop3A_1213 = arith.constant 64 : index
        %parallel_loop3A_1214 = tpu.vector_load %arg8[%parallel_loop3A_1211, %parallel_loop3A_1212, %parallel_loop3A_1213] {strides = array<i32>} : memref<2x80x128xf32, #tpu.memory_space<vmem>>, vector<1x1x16xf32>,
        %parallel_loop3A_1215 = vector.shape_cast %parallel_loop3A_1214 : vector<1x1x16xf32> to vector<16xf32>
        %parallel_loop3A_1216 = vector.shape_cast %parallel_loop3A_1209 : vector<16xf32> to vector<1x1x16xf32>
        tpu.vector_store %arg8[%parallel_loop3A_1211, %parallel_loop3A_1212, %parallel_loop3A_1213], %parallel_loop3A_1216 {strides = array<i32>} : memref<2x80x128xf32, #tpu.memory_space<vmem>>, vector<1x1x16xf32>,
        %parallel_loop3A_1217 = arith.constant 0 : i32
        %parallel_loop3A_1218 = arith.index_cast %parallel_loop3A_1217 : i32 to index
        %parallel_loop3A_1219 = arith.index_cast %parallel_loop3A_1167 : i32 to index
        %parallel_loop3A_1220 = arith.constant 16 : index
        %parallel_loop3A_1221 = tpu.vector_load %arg9[%parallel_loop3A_1218, %parallel_loop3A_1219, %parallel_loop3A_1220] {strides = array<i32>} : memref<2x80x64xf32, #tpu.memory_space<vmem>>, vector<1x1x16xf32>,
        %parallel_loop3A_1222 = vector.shape_cast %parallel_loop3A_1221 : vector<1x1x16xf32> to vector<16xf32>
        %parallel_loop3A_1223 = tpu.bitcast %parallel_loop3A_1222 : vector<16xf32> -> vector<16xi32>
        %parallel_loop3A_1224 = arith.constant 16 : i32
        %parallel_loop3A_1225 = vector.broadcast %parallel_loop3A_1224 : i32 to vector<16xi32>
        %parallel_loop3A_1226 = arith.shli %parallel_loop3A_1223, %parallel_loop3A_1225 : vector<16xi32>
        %parallel_loop3A_1227 = tpu.bitcast %parallel_loop3A_1226 : vector<16xi32> -> vector<16xf32>
        %parallel_loop3A_1228 = arith.constant -65536 : i32
        %parallel_loop3A_1229 = vector.broadcast %parallel_loop3A_1228 : i32 to vector<16xi32>
        %parallel_loop3A_1230 = arith.andi %parallel_loop3A_1223, %parallel_loop3A_1229 : vector<16xi32>
        %parallel_loop3A_1231 = tpu.bitcast %parallel_loop3A_1230 : vector<16xi32> -> vector<16xf32>
        %parallel_loop3A_1232 = arith.constant 0 : i32
        %parallel_loop3A_1233 = arith.index_cast %parallel_loop3A_1232 : i32 to index
        %parallel_loop3A_1234 = arith.index_cast %parallel_loop3A_1167 : i32 to index
        %parallel_loop3A_1235 = arith.constant 16 : index
        %parallel_loop3A_1236 = tpu.vector_load %arg8[%parallel_loop3A_1233, %parallel_loop3A_1234, %parallel_loop3A_1235] {strides = array<i32>} : memref<2x80x128xf32, #tpu.memory_space<vmem>>, vector<1x1x16xf32>,
        %parallel_loop3A_1237 = vector.shape_cast %parallel_loop3A_1236 : vector<1x1x16xf32> to vector<16xf32>
        %parallel_loop3A_1238 = arith.addf %parallel_loop3A_1237, %parallel_loop3A_1227 : vector<16xf32>
        %parallel_loop3A_1239 = arith.constant 0.000000e+00 : f32
        %parallel_loop3A_1240 = vector.broadcast %parallel_loop3A_1239 : f32 to vector<16xf32>
        %parallel_loop3A_1241 = arith.maximumf %parallel_loop3A_1238, %parallel_loop3A_1240 : vector<16xf32>
        %parallel_loop3A_1242 = arith.constant 0 : i32
        %parallel_loop3A_1243 = arith.index_cast %parallel_loop3A_1242 : i32 to index
        %parallel_loop3A_1244 = arith.index_cast %parallel_loop3A_1167 : i32 to index
        %parallel_loop3A_1245 = arith.constant 16 : index
        %parallel_loop3A_1246 = tpu.vector_load %arg8[%parallel_loop3A_1243, %parallel_loop3A_1244, %parallel_loop3A_1245] {strides = array<i32>} : memref<2x80x128xf32, #tpu.memory_space<vmem>>, vector<1x1x16xf32>,
        %parallel_loop3A_1247 = vector.shape_cast %parallel_loop3A_1246 : vector<1x1x16xf32> to vector<16xf32>
        %parallel_loop3A_1248 = vector.shape_cast %parallel_loop3A_1241 : vector<16xf32> to vector<1x1x16xf32>
        tpu.vector_store %arg8[%parallel_loop3A_1243, %parallel_loop3A_1244, %parallel_loop3A_1245], %parallel_loop3A_1248 {strides = array<i32>} : memref<2x80x128xf32, #tpu.memory_space<vmem>>, vector<1x1x16xf32>,
        %parallel_loop3A_1249 = arith.constant 0 : i32
        %parallel_loop3A_1250 = arith.index_cast %parallel_loop3A_1249 : i32 to index
        %parallel_loop3A_1251 = arith.index_cast %parallel_loop3A_1167 : i32 to index
        %parallel_loop3A_1252 = arith.constant 80 : index
        %parallel_loop3A_1253 = tpu.vector_load %arg8[%parallel_loop3A_1250, %parallel_loop3A_1251, %parallel_loop3A_1252] {strides = array<i32>} : memref<2x80x128xf32, #tpu.memory_space<vmem>>, vector<1x1x16xf32>,
        %parallel_loop3A_1254 = vector.shape_cast %parallel_loop3A_1253 : vector<1x1x16xf32> to vector<16xf32>
        %parallel_loop3A_1255 = arith.addf %parallel_loop3A_1254, %parallel_loop3A_1231 : vector<16xf32>
        %parallel_loop3A_1256 = arith.constant 0.000000e+00 : f32
        %parallel_loop3A_1257 = vector.broadcast %parallel_loop3A_1256 : f32 to vector<16xf32>
        %parallel_loop3A_1258 = arith.maximumf %parallel_loop3A_1255, %parallel_loop3A_1257 : vector<16xf32>
        %parallel_loop3A_1259 = arith.constant 0 : i32
        %parallel_loop3A_1260 = arith.index_cast %parallel_loop3A_1259 : i32 to index
        %parallel_loop3A_1261 = arith.index_cast %parallel_loop3A_1167 : i32 to index
        %parallel_loop3A_1262 = arith.constant 80 : index
        %parallel_loop3A_1263 = tpu.vector_load %arg8[%parallel_loop3A_1260, %parallel_loop3A_1261, %parallel_loop3A_1262] {strides = array<i32>} : memref<2x80x128xf32, #tpu.memory_space<vmem>>, vector<1x1x16xf32>,
        %parallel_loop3A_1264 = vector.shape_cast %parallel_loop3A_1263 : vector<1x1x16xf32> to vector<16xf32>
        %parallel_loop3A_1265 = vector.shape_cast %parallel_loop3A_1258 : vector<16xf32> to vector<1x1x16xf32>
        tpu.vector_store %arg8[%parallel_loop3A_1260, %parallel_loop3A_1261, %parallel_loop3A_1262], %parallel_loop3A_1265 {strides = array<i32>} : memref<2x80x128xf32, #tpu.memory_space<vmem>>, vector<1x1x16xf32>,
        %parallel_loop3A_1266 = arith.constant 0 : i32
        %parallel_loop3A_1267 = arith.index_cast %parallel_loop3A_1266 : i32 to index
        %parallel_loop3A_1268 = arith.index_cast %parallel_loop3A_1167 : i32 to index
        %parallel_loop3A_1269 = arith.constant 32 : index
        %parallel_loop3A_1270 = tpu.vector_load %arg9[%parallel_loop3A_1267, %parallel_loop3A_1268, %parallel_loop3A_1269] {strides = array<i32>} : memref<2x80x64xf32, #tpu.memory_space<vmem>>, vector<1x1x16xf32>,
        %parallel_loop3A_1271 = vector.shape_cast %parallel_loop3A_1270 : vector<1x1x16xf32> to vector<16xf32>
        %parallel_loop3A_1272 = tpu.bitcast %parallel_loop3A_1271 : vector<16xf32> -> vector<16xi32>
        %parallel_loop3A_1273 = arith.constant 16 : i32
        %parallel_loop3A_1274 = vector.broadcast %parallel_loop3A_1273 : i32 to vector<16xi32>
        %parallel_loop3A_1275 = arith.shli %parallel_loop3A_1272, %parallel_loop3A_1274 : vector<16xi32>
        %parallel_loop3A_1276 = tpu.bitcast %parallel_loop3A_1275 : vector<16xi32> -> vector<16xf32>
        %parallel_loop3A_1277 = arith.constant -65536 : i32
        %parallel_loop3A_1278 = vector.broadcast %parallel_loop3A_1277 : i32 to vector<16xi32>
        %parallel_loop3A_1279 = arith.andi %parallel_loop3A_1272, %parallel_loop3A_1278 : vector<16xi32>
        %parallel_loop3A_1280 = tpu.bitcast %parallel_loop3A_1279 : vector<16xi32> -> vector<16xf32>
        %parallel_loop3A_1281 = arith.constant 0 : i32
        %parallel_loop3A_1282 = arith.index_cast %parallel_loop3A_1281 : i32 to index
        %parallel_loop3A_1283 = arith.index_cast %parallel_loop3A_1167 : i32 to index
        %parallel_loop3A_1284 = arith.constant 32 : index
        %parallel_loop3A_1285 = tpu.vector_load %arg8[%parallel_loop3A_1282, %parallel_loop3A_1283, %parallel_loop3A_1284] {strides = array<i32>} : memref<2x80x128xf32, #tpu.memory_space<vmem>>, vector<1x1x16xf32>,
        %parallel_loop3A_1286 = vector.shape_cast %parallel_loop3A_1285 : vector<1x1x16xf32> to vector<16xf32>
        %parallel_loop3A_1287 = arith.addf %parallel_loop3A_1286, %parallel_loop3A_1276 : vector<16xf32>
        %parallel_loop3A_1288 = arith.constant 0.000000e+00 : f32
        %parallel_loop3A_1289 = vector.broadcast %parallel_loop3A_1288 : f32 to vector<16xf32>
        %parallel_loop3A_1290 = arith.maximumf %parallel_loop3A_1287, %parallel_loop3A_1289 : vector<16xf32>
        %parallel_loop3A_1291 = arith.constant 0 : i32
        %parallel_loop3A_1292 = arith.index_cast %parallel_loop3A_1291 : i32 to index
        %parallel_loop3A_1293 = arith.index_cast %parallel_loop3A_1167 : i32 to index
        %parallel_loop3A_1294 = arith.constant 32 : index
        %parallel_loop3A_1295 = tpu.vector_load %arg8[%parallel_loop3A_1292, %parallel_loop3A_1293, %parallel_loop3A_1294] {strides = array<i32>} : memref<2x80x128xf32, #tpu.memory_space<vmem>>, vector<1x1x16xf32>,
        %parallel_loop3A_1296 = vector.shape_cast %parallel_loop3A_1295 : vector<1x1x16xf32> to vector<16xf32>
        %parallel_loop3A_1297 = vector.shape_cast %parallel_loop3A_1290 : vector<16xf32> to vector<1x1x16xf32>
        tpu.vector_store %arg8[%parallel_loop3A_1292, %parallel_loop3A_1293, %parallel_loop3A_1294], %parallel_loop3A_1297 {strides = array<i32>} : memref<2x80x128xf32, #tpu.memory_space<vmem>>, vector<1x1x16xf32>,
        %parallel_loop3A_1298 = arith.constant 0 : i32
        %parallel_loop3A_1299 = arith.index_cast %parallel_loop3A_1298 : i32 to index
        %parallel_loop3A_1300 = arith.index_cast %parallel_loop3A_1167 : i32 to index
        %parallel_loop3A_1301 = arith.constant 96 : index
        %parallel_loop3A_1302 = tpu.vector_load %arg8[%parallel_loop3A_1299, %parallel_loop3A_1300, %parallel_loop3A_1301] {strides = array<i32>} : memref<2x80x128xf32, #tpu.memory_space<vmem>>, vector<1x1x16xf32>,
        %parallel_loop3A_1303 = vector.shape_cast %parallel_loop3A_1302 : vector<1x1x16xf32> to vector<16xf32>
        %parallel_loop3A_1304 = arith.addf %parallel_loop3A_1303, %parallel_loop3A_1280 : vector<16xf32>
        %parallel_loop3A_1305 = arith.constant 0.000000e+00 : f32
        %parallel_loop3A_1306 = vector.broadcast %parallel_loop3A_1305 : f32 to vector<16xf32>
        %parallel_loop3A_1307 = arith.maximumf %parallel_loop3A_1304, %parallel_loop3A_1306 : vector<16xf32>
        %parallel_loop3A_1308 = arith.constant 0 : i32
        %parallel_loop3A_1309 = arith.index_cast %parallel_loop3A_1308 : i32 to index
        %parallel_loop3A_1310 = arith.index_cast %parallel_loop3A_1167 : i32 to index
        %parallel_loop3A_1311 = arith.constant 96 : index
        %parallel_loop3A_1312 = tpu.vector_load %arg8[%parallel_loop3A_1309, %parallel_loop3A_1310, %parallel_loop3A_1311] {strides = array<i32>} : memref<2x80x128xf32, #tpu.memory_space<vmem>>, vector<1x1x16xf32>,
        %parallel_loop3A_1313 = vector.shape_cast %parallel_loop3A_1312 : vector<1x1x16xf32> to vector<16xf32>
        %parallel_loop3A_1314 = vector.shape_cast %parallel_loop3A_1307 : vector<16xf32> to vector<1x1x16xf32>
        tpu.vector_store %arg8[%parallel_loop3A_1309, %parallel_loop3A_1310, %parallel_loop3A_1311], %parallel_loop3A_1314 {strides = array<i32>} : memref<2x80x128xf32, #tpu.memory_space<vmem>>, vector<1x1x16xf32>,
        %parallel_loop3A_1315 = arith.constant 0 : i32
        %parallel_loop3A_1316 = arith.index_cast %parallel_loop3A_1315 : i32 to index
        %parallel_loop3A_1317 = arith.index_cast %parallel_loop3A_1167 : i32 to index
        %parallel_loop3A_1318 = arith.constant 48 : index
        %parallel_loop3A_1319 = tpu.vector_load %arg9[%parallel_loop3A_1316, %parallel_loop3A_1317, %parallel_loop3A_1318] {strides = array<i32>} : memref<2x80x64xf32, #tpu.memory_space<vmem>>, vector<1x1x16xf32>,
        %parallel_loop3A_1320 = vector.shape_cast %parallel_loop3A_1319 : vector<1x1x16xf32> to vector<16xf32>
        %parallel_loop3A_1321 = tpu.bitcast %parallel_loop3A_1320 : vector<16xf32> -> vector<16xi32>
        %parallel_loop3A_1322 = arith.constant 16 : i32
        %parallel_loop3A_1323 = vector.broadcast %parallel_loop3A_1322 : i32 to vector<16xi32>
        %parallel_loop3A_1324 = arith.shli %parallel_loop3A_1321, %parallel_loop3A_1323 : vector<16xi32>
        %parallel_loop3A_1325 = tpu.bitcast %parallel_loop3A_1324 : vector<16xi32> -> vector<16xf32>
        %parallel_loop3A_1326 = arith.constant -65536 : i32
        %parallel_loop3A_1327 = vector.broadcast %parallel_loop3A_1326 : i32 to vector<16xi32>
        %parallel_loop3A_1328 = arith.andi %parallel_loop3A_1321, %parallel_loop3A_1327 : vector<16xi32>
        %parallel_loop3A_1329 = tpu.bitcast %parallel_loop3A_1328 : vector<16xi32> -> vector<16xf32>
        %parallel_loop3A_1330 = arith.constant 0 : i32
        %parallel_loop3A_1331 = arith.index_cast %parallel_loop3A_1330 : i32 to index
        %parallel_loop3A_1332 = arith.index_cast %parallel_loop3A_1167 : i32 to index
        %parallel_loop3A_1333 = arith.constant 48 : index
        %parallel_loop3A_1334 = tpu.vector_load %arg8[%parallel_loop3A_1331, %parallel_loop3A_1332, %parallel_loop3A_1333] {strides = array<i32>} : memref<2x80x128xf32, #tpu.memory_space<vmem>>, vector<1x1x16xf32>,
        %parallel_loop3A_1335 = vector.shape_cast %parallel_loop3A_1334 : vector<1x1x16xf32> to vector<16xf32>
        %parallel_loop3A_1336 = arith.addf %parallel_loop3A_1335, %parallel_loop3A_1325 : vector<16xf32>
        %parallel_loop3A_1337 = arith.constant 0.000000e+00 : f32
        %parallel_loop3A_1338 = vector.broadcast %parallel_loop3A_1337 : f32 to vector<16xf32>
        %parallel_loop3A_1339 = arith.maximumf %parallel_loop3A_1336, %parallel_loop3A_1338 : vector<16xf32>
        %parallel_loop3A_1340 = arith.constant 0 : i32
        %parallel_loop3A_1341 = arith.index_cast %parallel_loop3A_1340 : i32 to index
        %parallel_loop3A_1342 = arith.index_cast %parallel_loop3A_1167 : i32 to index
        %parallel_loop3A_1343 = arith.constant 48 : index
        %parallel_loop3A_1344 = tpu.vector_load %arg8[%parallel_loop3A_1341, %parallel_loop3A_1342, %parallel_loop3A_1343] {strides = array<i32>} : memref<2x80x128xf32, #tpu.memory_space<vmem>>, vector<1x1x16xf32>,
        %parallel_loop3A_1345 = vector.shape_cast %parallel_loop3A_1344 : vector<1x1x16xf32> to vector<16xf32>
        %parallel_loop3A_1346 = vector.shape_cast %parallel_loop3A_1339 : vector<16xf32> to vector<1x1x16xf32>
        tpu.vector_store %arg8[%parallel_loop3A_1341, %parallel_loop3A_1342, %parallel_loop3A_1343], %parallel_loop3A_1346 {strides = array<i32>} : memref<2x80x128xf32, #tpu.memory_space<vmem>>, vector<1x1x16xf32>,
        %parallel_loop3A_1347 = arith.constant 0 : i32
        %parallel_loop3A_1348 = arith.index_cast %parallel_loop3A_1347 : i32 to index
        %parallel_loop3A_1349 = arith.index_cast %parallel_loop3A_1167 : i32 to index
        %parallel_loop3A_1350 = arith.constant 112 : index
        %parallel_loop3A_1351 = tpu.vector_load %arg8[%parallel_loop3A_1348, %parallel_loop3A_1349, %parallel_loop3A_1350] {strides = array<i32>} : memref<2x80x128xf32, #tpu.memory_space<vmem>>, vector<1x1x16xf32>,
        %parallel_loop3A_1352 = vector.shape_cast %parallel_loop3A_1351 : vector<1x1x16xf32> to vector<16xf32>
        %parallel_loop3A_1353 = arith.addf %parallel_loop3A_1352, %parallel_loop3A_1329 : vector<16xf32>
        %parallel_loop3A_1354 = arith.constant 0.000000e+00 : f32
        %parallel_loop3A_1355 = vector.broadcast %parallel_loop3A_1354 : f32 to vector<16xf32>
        %parallel_loop3A_1356 = arith.maximumf %parallel_loop3A_1353, %parallel_loop3A_1355 : vector<16xf32>
        %parallel_loop3A_1357 = arith.constant 0 : i32
        %parallel_loop3A_1358 = arith.index_cast %parallel_loop3A_1357 : i32 to index
        %parallel_loop3A_1359 = arith.index_cast %parallel_loop3A_1167 : i32 to index
        %parallel_loop3A_1360 = arith.constant 112 : index
        %parallel_loop3A_1361 = tpu.vector_load %arg8[%parallel_loop3A_1358, %parallel_loop3A_1359, %parallel_loop3A_1360] {strides = array<i32>} : memref<2x80x128xf32, #tpu.memory_space<vmem>>, vector<1x1x16xf32>,
        %parallel_loop3A_1362 = vector.shape_cast %parallel_loop3A_1361 : vector<1x1x16xf32> to vector<16xf32>
        %parallel_loop3A_1363 = vector.shape_cast %parallel_loop3A_1356 : vector<16xf32> to vector<1x1x16xf32>
        tpu.vector_store %arg8[%parallel_loop3A_1358, %parallel_loop3A_1359, %parallel_loop3A_1360], %parallel_loop3A_1363 {strides = array<i32>} : memref<2x80x128xf32, #tpu.memory_space<vmem>>, vector<1x1x16xf32>,
      } {sc.loop_unroll_factor = 2 : i64, sc.parallel_access}
      %dma_start3A_865 = arith.constant 0 : i32
      %dma_start3A_866 = arith.constant 2 : i32
      %dma_start3A_867 = arith.constant 1 : i32
      %dma_start3A_868 = arith.constant 0 : i32
      %dma_start3A_869 = arith.constant 0 : i32
      %dma_start3A_870 = tpu.memref_slice %arg8[%dma_start3A_865, %dma_start3A_868, %dma_start3A_869] : memref<2x80x128xf32, #tpu.memory_space<vmem>> -> memref<1x80x128xf32, #tpu.memory_space<vmem>>
      %dma_start3A_871 = tpu.memref_squeeze %dma_start3A_870 : memref<1x80x128xf32, #tpu.memory_space<vmem>> -> memref<80x128xf32, #tpu.memory_space<vmem>>
      %dma_start3A_872 = arith.constant 0 : i32
      %dma_start3A_873 = tpu.memref_slice %arg7[%dma_start3A_866, %dma_start3A_867, %dma_start3A_872] : memref<4x2x80xi32, #tpu.memory_space<vmem>> -> memref<1x1x80xi32, #tpu.memory_space<vmem>>
      %dma_start3A_874 = tpu.memref_squeeze %dma_start3A_873 : memref<1x1x80xi32, #tpu.memory_space<vmem>> -> memref<80xi32, #tpu.memory_space<vmem>>
      %dma_start3A_875 = arith.constant 0 : i32
      %dma_start3A_876 = arith.constant 0 : i32
      %dma_start3A_877 = tpu.memref_slice %arg10[%dma_start3A_875, %dma_start3A_876] : memref<10000x128xf32, #tpu.memory_space<vmem_shared>> -> memref<10000x128xf32, #tpu.memory_space<vmem_shared>>
      tpu.enqueue_indirect_dma source(%dma_start3A_871 : memref<80x128xf32, #tpu.memory_space<vmem>>) target(%dma_start3A_877 : memref<10000x128xf32, #tpu.memory_space<vmem_shared>>) offsets(%dma_start3A_874 : memref<80xi32, #tpu.memory_space<vmem>>) semaphore(%arg19 : memref<!tpu.dma_semaphore, #tpu.memory_space<semaphore_mem>>) {add = true}
      %add3A_878 = arith.constant 3 : i32
      %add3A_879 = arith.addi %add3A_767, %add3A_878 : i32
      %dma_start3A_880 = arith.constant 1 : i32
      %dma_start3A_881 = arith.constant 0 : i32
      %dma_start3A_882 = arith.constant 0 : i32
      %dma_start3A_883 = tpu.memref_slice %arg7[%dma_start3A_880, %dma_start3A_881, %dma_start3A_882] : memref<4x2x80xi32, #tpu.memory_space<vmem>> -> memref<1x2x80xi32, #tpu.memory_space<vmem>>
      %dma_start3A_884 = tpu.memref_squeeze %dma_start3A_883 : memref<1x2x80xi32, #tpu.memory_space<vmem>> -> memref<2x80xi32, #tpu.memory_space<vmem>>
      %dma_start3A_885 = arith.constant 0 : i32
      %dma_start3A_886 = arith.constant 0 : i32
      %dma_start3A_887 = tpu.memref_slice %arg2[%add3A, %add3A_879, %dma_start3A_885, %dma_start3A_886] : memref<32x125x2x80xi32, #tpu.memory_space<hbm>> -> memref<1x1x2x80xi32, #tpu.memory_space<hbm>>
      %dma_start3A_888 = tpu.memref_squeeze %dma_start3A_887 : memref<1x1x2x80xi32, #tpu.memory_space<hbm>> -> memref<2x80xi32, #tpu.memory_space<hbm>>
      %dma_start3A_889 = arith.constant 0 : i32
      %dma_start3A_890 = arith.constant 0 : i32
      %dma_start3A_891 = tpu.memref_slice %arg7[%dma_start3A_880, %dma_start3A_889, %dma_start3A_890] : memref<4x2x80xi32, #tpu.memory_space<vmem>> -> memref<1x2x80xi32, #tpu.memory_space<vmem>>
      %dma_start3A_892 = tpu.memref_squeeze %dma_start3A_891 : memref<1x2x80xi32, #tpu.memory_space<vmem>> -> memref<2x80xi32, #tpu.memory_space<vmem>>
      %dma_start3A_893 = arith.constant 0 : i32
      %dma_start3A_894 = arith.constant 0 : i32
      %dma_start3A_895 = tpu.memref_slice %arg2[%add3A, %add3A_879, %dma_start3A_893, %dma_start3A_894] : memref<32x125x2x80xi32, #tpu.memory_space<hbm>> -> memref<1x1x2x80xi32, #tpu.memory_space<hbm>>
      %dma_start3A_896 = tpu.memref_squeeze %dma_start3A_895 : memref<1x1x2x80xi32, #tpu.memory_space<hbm>> -> memref<2x80xi32, #tpu.memory_space<hbm>>
      tpu.enqueue_dma source(%dma_start3A_896 : memref<2x80xi32, #tpu.memory_space<hbm>>) target(%dma_start3A_892 : memref<2x80xi32, #tpu.memory_space<vmem>>) target_semaphore(%arg12 : memref<!tpu.dma_semaphore, #tpu.memory_space<semaphore_mem>>)
      %mul3A_897 = arith.constant 4 : i32
      %mul3A_898 = arith.muli %mul3A_897, %scan3A_627 : i32
      %add3A_899 = arith.constant 1 : i32
      %add3A_900 = arith.addi %mul3A_898, %add3A_899 : i32
      %add3A_901 = arith.constant 2 : i32
      %add3A_902 = arith.addi %add3A_900, %add3A_901 : i32
      %add3A_903 = arith.constant 1 : i32
      %add3A_904 = arith.addi %add3A_902, %add3A_903 : i32
      %dma_wait3A_905 = arith.constant 0 : i32
      %dma_wait3A_906 = arith.constant 0 : i32
      %dma_wait3A_907 = arith.constant 0 : i32
      %dma_wait3A_908 = tpu.memref_slice %arg7[%dma_wait3A_905, %dma_wait3A_906, %dma_wait3A_907] : memref<4x2x80xi32, #tpu.memory_space<vmem>> -> memref<1x2x80xi32, #tpu.memory_space<vmem>>
      %dma_wait3A_909 = tpu.memref_squeeze %dma_wait3A_908 : memref<1x2x80xi32, #tpu.memory_space<vmem>> -> memref<2x80xi32, #tpu.memory_space<vmem>>
      %dma_wait3A_910 = arith.constant 0 : i32
      %dma_wait3A_911 = arith.constant 0 : i32
      %dma_wait3A_912 = tpu.memref_slice %arg2[%add3A, %add3A_904, %dma_wait3A_910, %dma_wait3A_911] : memref<32x125x2x80xi32, #tpu.memory_space<hbm>> -> memref<1x1x2x80xi32, #tpu.memory_space<hbm>>
      %dma_wait3A_913 = tpu.memref_squeeze %dma_wait3A_912 : memref<1x1x2x80xi32, #tpu.memory_space<hbm>> -> memref<2x80xi32, #tpu.memory_space<hbm>>
      %dma_wait3A_914 = arith.constant 0 : i32
      %dma_wait3A_915 = arith.constant 0 : i32
      %dma_wait3A_916 = tpu.memref_slice %arg7[%dma_wait3A_905, %dma_wait3A_914, %dma_wait3A_915] : memref<4x2x80xi32, #tpu.memory_space<vmem>> -> memref<1x2x80xi32, #tpu.memory_space<vmem>>
      %dma_wait3A_917 = tpu.memref_squeeze %dma_wait3A_916 : memref<1x2x80xi32, #tpu.memory_space<vmem>> -> memref<2x80xi32, #tpu.memory_space<vmem>>
      %dma_wait3A_918 = arith.constant 0 : i32
      %dma_wait3A_919 = arith.constant 0 : i32
      %dma_wait3A_920 = tpu.memref_slice %arg2[%add3A, %add3A_904, %dma_wait3A_918, %dma_wait3A_919] : memref<32x125x2x80xi32, #tpu.memory_space<hbm>> -> memref<1x1x2x80xi32, #tpu.memory_space<hbm>>
      %dma_wait3A_921 = tpu.memref_squeeze %dma_wait3A_920 : memref<1x1x2x80xi32, #tpu.memory_space<hbm>> -> memref<2x80xi32, #tpu.memory_space<hbm>>
      tpu.wait_dma2 semaphore(%arg11 : memref<!tpu.dma_semaphore, #tpu.memory_space<semaphore_mem>>) src(%dma_wait3A_921 : memref<2x80xi32, #tpu.memory_space<hbm>>) dst(%dma_wait3A_917 : memref<2x80xi32, #tpu.memory_space<vmem>>)
      %sub3A_922 = arith.constant 1 : i32
      %sub3A_923 = arith.subi %add3A_902, %sub3A_922 : i32
      %dma_wait3A_924 = arith.constant 0 : i32
      %dma_wait3A_925 = arith.constant 2 : i32
      %dma_wait3A_926 = arith.constant 1 : i32
      %dma_wait3A_927 = arith.constant 0 : i32
      %dma_wait3A_928 = arith.constant 0 : i32
      %dma_wait3A_929 = tpu.memref_slice %arg8[%dma_wait3A_924, %dma_wait3A_927, %dma_wait3A_928] : memref<2x80x128xf32, #tpu.memory_space<vmem>> -> memref<1x80x128xf32, #tpu.memory_space<vmem>>
      %dma_wait3A_930 = tpu.memref_squeeze %dma_wait3A_929 : memref<1x80x128xf32, #tpu.memory_space<vmem>> -> memref<80x128xf32, #tpu.memory_space<vmem>>
      %dma_wait3A_931 = arith.constant 0 : i32
      %dma_wait3A_932 = tpu.memref_slice %arg7[%dma_wait3A_925, %dma_wait3A_926, %dma_wait3A_931] : memref<4x2x80xi32, #tpu.memory_space<vmem>> -> memref<1x1x80xi32, #tpu.memory_space<vmem>>
      %dma_wait3A_933 = tpu.memref_squeeze %dma_wait3A_932 : memref<1x1x80xi32, #tpu.memory_space<vmem>> -> memref<80xi32, #tpu.memory_space<vmem>>
      %dma_wait3A_934 = arith.constant 0 : i32
      %dma_wait3A_935 = arith.constant 0 : i32
      %dma_wait3A_936 = tpu.memref_slice %arg10[%dma_wait3A_934, %dma_wait3A_935] : memref<10000x128xf32, #tpu.memory_space<vmem_shared>> -> memref<10000x128xf32, #tpu.memory_space<vmem_shared>>
      tpu.wait_indirect_dma semaphore(%arg19 : memref<!tpu.dma_semaphore, #tpu.memory_space<semaphore_mem>>) src(%dma_wait3A_930 : memref<80x128xf32, #tpu.memory_space<vmem>>) dst(%dma_wait3A_936 : memref<10000x128xf32, #tpu.memory_space<vmem_shared>>)
      %add3A_937 = arith.constant 1 : i32
      %add3A_938 = arith.addi %add3A_902, %add3A_937 : i32
      %dma_start3A_939 = arith.constant 0 : i32
      %dma_start3A_940 = arith.constant 0 : i32
      %dma_start3A_941 = arith.constant 0 : i32
      %dma_start3A_942 = arith.constant 0 : i32
      %dma_start3A_943 = arith.constant 0 : i32
      %dma_start3A_944 = tpu.memref_slice %arg8[%dma_start3A_941, %dma_start3A_942, %dma_start3A_943] : memref<2x80x128xf32, #tpu.memory_space<vmem>> -> memref<1x80x128xf32, #tpu.memory_space<vmem>>
      %dma_start3A_945 = tpu.memref_squeeze %dma_start3A_944 : memref<1x80x128xf32, #tpu.memory_space<vmem>> -> memref<80x128xf32, #tpu.memory_space<vmem>>
      %dma_start3A_946 = arith.constant 0 : i32
      %dma_start3A_947 = tpu.memref_slice %arg7[%dma_start3A_939, %dma_start3A_940, %dma_start3A_946] : memref<4x2x80xi32, #tpu.memory_space<vmem>> -> memref<1x1x80xi32, #tpu.memory_space<vmem>>
      %dma_start3A_948 = tpu.memref_squeeze %dma_start3A_947 : memref<1x1x80xi32, #tpu.memory_space<vmem>> -> memref<80xi32, #tpu.memory_space<vmem>>
      %dma_start3A_949 = arith.constant 0 : i32
      %dma_start3A_950 = arith.constant 0 : i32
      %dma_start3A_951 = tpu.memref_slice %arg3[%dma_start3A_949, %dma_start3A_950] : memref<10000x128xf32, #tpu.memory_space<hbm>> -> memref<10000x128xf32, #tpu.memory_space<hbm>>
      tpu.enqueue_indirect_dma source(%dma_start3A_951 : memref<10000x128xf32, #tpu.memory_space<hbm>>) target(%dma_start3A_945 : memref<80x128xf32, #tpu.memory_space<vmem>>) offsets(%dma_start3A_948 : memref<80xi32, #tpu.memory_space<vmem>>) semaphore(%arg15 : memref<!tpu.dma_semaphore, #tpu.memory_space<semaphore_mem>>)
      %mul3A_952 = arith.constant 80 : i32
      %mul3A_953 = arith.muli %add3A_938, %mul3A_952 : i32
      %add3A_954 = arith.addi %mul3A_2, %mul3A_953 : i32
      %dma_start3A_955 = arith.constant 0 : i32
      %dma_start3A_956 = arith.constant 0 : i32
      %dma_start3A_957 = arith.constant 0 : i32
      %dma_start3A_958 = tpu.memref_slice %arg9[%dma_start3A_955, %dma_start3A_956, %dma_start3A_957] : memref<2x80x64xf32, #tpu.memory_space<vmem>> -> memref<1x80x64xf32, #tpu.memory_space<vmem>>
      %dma_start3A_959 = tpu.memref_squeeze %dma_start3A_958 : memref<1x80x64xf32, #tpu.memory_space<vmem>> -> memref<80x64xf32, #tpu.memory_space<vmem>>
      %dma_start3A_960 = arith.constant 0 : i32
      %dma_start3A_961 = tpu.memref_slice %arg4[%add3A_954, %dma_start3A_960] : memref<320000x64xf32, #tpu.memory_space<hbm>> -> memref<80x64xf32, #tpu.memory_space<hbm>>
      %dma_start3A_962 = arith.constant 0 : i32
      %dma_start3A_963 = arith.constant 0 : i32
      %dma_start3A_964 = tpu.memref_slice %arg9[%dma_start3A_955, %dma_start3A_962, %dma_start3A_963] : memref<2x80x64xf32, #tpu.memory_space<vmem>> -> memref<1x80x64xf32, #tpu.memory_space<vmem>>
      %dma_start3A_965 = tpu.memref_squeeze %dma_start3A_964 : memref<1x80x64xf32, #tpu.memory_space<vmem>> -> memref<80x64xf32, #tpu.memory_space<vmem>>
      %dma_start3A_966 = arith.constant 0 : i32
      %dma_start3A_967 = tpu.memref_slice %arg4[%add3A_954, %dma_start3A_966] : memref<320000x64xf32, #tpu.memory_space<hbm>> -> memref<80x64xf32, #tpu.memory_space<hbm>>
      tpu.enqueue_dma source(%dma_start3A_967 : memref<80x64xf32, #tpu.memory_space<hbm>>) target(%dma_start3A_965 : memref<80x64xf32, #tpu.memory_space<vmem>>) target_semaphore(%arg17 : memref<!tpu.dma_semaphore, #tpu.memory_space<semaphore_mem>>)
      %dma_wait3A_968 = arith.constant 3 : i32
      %dma_wait3A_969 = arith.constant 0 : i32
      %dma_wait3A_970 = arith.constant 1 : i32
      %dma_wait3A_971 = arith.constant 0 : i32
      %dma_wait3A_972 = arith.constant 0 : i32
      %dma_wait3A_973 = tpu.memref_slice %arg8[%dma_wait3A_970, %dma_wait3A_971, %dma_wait3A_972] : memref<2x80x128xf32, #tpu.memory_space<vmem>> -> memref<1x80x128xf32, #tpu.memory_space<vmem>>
      %dma_wait3A_974 = tpu.memref_squeeze %dma_wait3A_973 : memref<1x80x128xf32, #tpu.memory_space<vmem>> -> memref<80x128xf32, #tpu.memory_space<vmem>>
      %dma_wait3A_975 = arith.constant 0 : i32
      %dma_wait3A_976 = tpu.memref_slice %arg7[%dma_wait3A_968, %dma_wait3A_969, %dma_wait3A_975] : memref<4x2x80xi32, #tpu.memory_space<vmem>> -> memref<1x1x80xi32, #tpu.memory_space<vmem>>
      %dma_wait3A_977 = tpu.memref_squeeze %dma_wait3A_976 : memref<1x1x80xi32, #tpu.memory_space<vmem>> -> memref<80xi32, #tpu.memory_space<vmem>>
      %dma_wait3A_978 = arith.constant 0 : i32
      %dma_wait3A_979 = arith.constant 0 : i32
      %dma_wait3A_980 = tpu.memref_slice %arg3[%dma_wait3A_978, %dma_wait3A_979] : memref<10000x128xf32, #tpu.memory_space<hbm>> -> memref<10000x128xf32, #tpu.memory_space<hbm>>
      tpu.wait_indirect_dma semaphore(%arg16 : memref<!tpu.dma_semaphore, #tpu.memory_space<semaphore_mem>>) src(%dma_wait3A_980 : memref<10000x128xf32, #tpu.memory_space<hbm>>) dst(%dma_wait3A_974 : memref<80x128xf32, #tpu.memory_space<vmem>>)
      %mul3A_981 = arith.constant 80 : i32
      %mul3A_982 = arith.muli %add3A_902, %mul3A_981 : i32
      %add3A_983 = arith.addi %mul3A_2, %mul3A_982 : i32
      %dma_wait3A_984 = arith.constant 1 : i32
      %dma_wait3A_985 = arith.constant 0 : i32
      %dma_wait3A_986 = arith.constant 0 : i32
      %dma_wait3A_987 = tpu.memref_slice %arg9[%dma_wait3A_984, %dma_wait3A_985, %dma_wait3A_986] : memref<2x80x64xf32, #tpu.memory_space<vmem>> -> memref<1x80x64xf32, #tpu.memory_space<vmem>>
      %dma_wait3A_988 = tpu.memref_squeeze %dma_wait3A_987 : memref<1x80x64xf32, #tpu.memory_space<vmem>> -> memref<80x64xf32, #tpu.memory_space<vmem>>
      %dma_wait3A_989 = arith.constant 0 : i32
      %dma_wait3A_990 = tpu.memref_slice %arg4[%add3A_983, %dma_wait3A_989] : memref<320000x64xf32, #tpu.memory_space<hbm>> -> memref<80x64xf32, #tpu.memory_space<hbm>>
      %dma_wait3A_991 = arith.constant 0 : i32
      %dma_wait3A_992 = arith.constant 0 : i32
      %dma_wait3A_993 = tpu.memref_slice %arg9[%dma_wait3A_984, %dma_wait3A_991, %dma_wait3A_992] : memref<2x80x64xf32, #tpu.memory_space<vmem>> -> memref<1x80x64xf32, #tpu.memory_space<vmem>>
      %dma_wait3A_994 = tpu.memref_squeeze %dma_wait3A_993 : memref<1x80x64xf32, #tpu.memory_space<vmem>> -> memref<80x64xf32, #tpu.memory_space<vmem>>
      %dma_wait3A_995 = arith.constant 0 : i32
      %dma_wait3A_996 = tpu.memref_slice %arg4[%add3A_983, %dma_wait3A_995] : memref<320000x64xf32, #tpu.memory_space<hbm>> -> memref<80x64xf32, #tpu.memory_space<hbm>>
      tpu.wait_dma2 semaphore(%arg18 : memref<!tpu.dma_semaphore, #tpu.memory_space<semaphore_mem>>) src(%dma_wait3A_996 : memref<80x64xf32, #tpu.memory_space<hbm>>) dst(%dma_wait3A_994 : memref<80x64xf32, #tpu.memory_space<vmem>>)
      %parallel_loop3A_997 = arith.constant 0 : i32
      %parallel_loop3A_998 = arith.constant 80 : i32
      %parallel_loop3A_999 = arith.constant 1 : i32
      scf.for %parallel_loop3A_1167 = %parallel_loop3A_997 to %parallel_loop3A_998 step %parallel_loop3A_999  : i32 {
        %parallel_loop3A_1168 = arith.constant 1 : i32
        %parallel_loop3A_1169 = arith.index_cast %parallel_loop3A_1168 : i32 to index
        %parallel_loop3A_1170 = arith.index_cast %parallel_loop3A_1167 : i32 to index
        %parallel_loop3A_1171 = arith.constant 0 : index
        %parallel_loop3A_1172 = tpu.vector_load %arg9[%parallel_loop3A_1169, %parallel_loop3A_1170, %parallel_loop3A_1171] {strides = array<i32>} : memref<2x80x64xf32, #tpu.memory_space<vmem>>, vector<1x1x16xf32>,
        %parallel_loop3A_1173 = vector.shape_cast %parallel_loop3A_1172 : vector<1x1x16xf32> to vector<16xf32>
        %parallel_loop3A_1174 = tpu.bitcast %parallel_loop3A_1173 : vector<16xf32> -> vector<16xi32>
        %parallel_loop3A_1175 = arith.constant 16 : i32
        %parallel_loop3A_1176 = vector.broadcast %parallel_loop3A_1175 : i32 to vector<16xi32>
        %parallel_loop3A_1177 = arith.shli %parallel_loop3A_1174, %parallel_loop3A_1176 : vector<16xi32>
        %parallel_loop3A_1178 = tpu.bitcast %parallel_loop3A_1177 : vector<16xi32> -> vector<16xf32>
        %parallel_loop3A_1179 = arith.constant -65536 : i32
        %parallel_loop3A_1180 = vector.broadcast %parallel_loop3A_1179 : i32 to vector<16xi32>
        %parallel_loop3A_1181 = arith.andi %parallel_loop3A_1174, %parallel_loop3A_1180 : vector<16xi32>
        %parallel_loop3A_1182 = tpu.bitcast %parallel_loop3A_1181 : vector<16xi32> -> vector<16xf32>
        %parallel_loop3A_1183 = arith.constant 1 : i32
        %parallel_loop3A_1184 = arith.index_cast %parallel_loop3A_1183 : i32 to index
        %parallel_loop3A_1185 = arith.index_cast %parallel_loop3A_1167 : i32 to index
        %parallel_loop3A_1186 = arith.constant 0 : index
        %parallel_loop3A_1187 = tpu.vector_load %arg8[%parallel_loop3A_1184, %parallel_loop3A_1185, %parallel_loop3A_1186] {strides = array<i32>} : memref<2x80x128xf32, #tpu.memory_space<vmem>>, vector<1x1x16xf32>,
        %parallel_loop3A_1188 = vector.shape_cast %parallel_loop3A_1187 : vector<1x1x16xf32> to vector<16xf32>
        %parallel_loop3A_1189 = arith.addf %parallel_loop3A_1188, %parallel_loop3A_1178 : vector<16xf32>
        %parallel_loop3A_1190 = arith.constant 0.000000e+00 : f32
        %parallel_loop3A_1191 = vector.broadcast %parallel_loop3A_1190 : f32 to vector<16xf32>
        %parallel_loop3A_1192 = arith.maximumf %parallel_loop3A_1189, %parallel_loop3A_1191 : vector<16xf32>
        %parallel_loop3A_1193 = arith.constant 1 : i32
        %parallel_loop3A_1194 = arith.index_cast %parallel_loop3A_1193 : i32 to index
        %parallel_loop3A_1195 = arith.index_cast %parallel_loop3A_1167 : i32 to index
        %parallel_loop3A_1196 = arith.constant 0 : index
        %parallel_loop3A_1197 = tpu.vector_load %arg8[%parallel_loop3A_1194, %parallel_loop3A_1195, %parallel_loop3A_1196] {strides = array<i32>} : memref<2x80x128xf32, #tpu.memory_space<vmem>>, vector<1x1x16xf32>,
        %parallel_loop3A_1198 = vector.shape_cast %parallel_loop3A_1197 : vector<1x1x16xf32> to vector<16xf32>
        %parallel_loop3A_1199 = vector.shape_cast %parallel_loop3A_1192 : vector<16xf32> to vector<1x1x16xf32>
        tpu.vector_store %arg8[%parallel_loop3A_1194, %parallel_loop3A_1195, %parallel_loop3A_1196], %parallel_loop3A_1199 {strides = array<i32>} : memref<2x80x128xf32, #tpu.memory_space<vmem>>, vector<1x1x16xf32>,
        %parallel_loop3A_1200 = arith.constant 1 : i32
        %parallel_loop3A_1201 = arith.index_cast %parallel_loop3A_1200 : i32 to index
        %parallel_loop3A_1202 = arith.index_cast %parallel_loop3A_1167 : i32 to index
        %parallel_loop3A_1203 = arith.constant 64 : index
        %parallel_loop3A_1204 = tpu.vector_load %arg8[%parallel_loop3A_1201, %parallel_loop3A_1202, %parallel_loop3A_1203] {strides = array<i32>} : memref<2x80x128xf32, #tpu.memory_space<vmem>>, vector<1x1x16xf32>,
        %parallel_loop3A_1205 = vector.shape_cast %parallel_loop3A_1204 : vector<1x1x16xf32> to vector<16xf32>
        %parallel_loop3A_1206 = arith.addf %parallel_loop3A_1205, %parallel_loop3A_1182 : vector<16xf32>
        %parallel_loop3A_1207 = arith.constant 0.000000e+00 : f32
        %parallel_loop3A_1208 = vector.broadcast %parallel_loop3A_1207 : f32 to vector<16xf32>
        %parallel_loop3A_1209 = arith.maximumf %parallel_loop3A_1206, %parallel_loop3A_1208 : vector<16xf32>
        %parallel_loop3A_1210 = arith.constant 1 : i32
        %parallel_loop3A_1211 = arith.index_cast %parallel_loop3A_1210 : i32 to index
        %parallel_loop3A_1212 = arith.index_cast %parallel_loop3A_1167 : i32 to index
        %parallel_loop3A_1213 = arith.constant 64 : index
        %parallel_loop3A_1214 = tpu.vector_load %arg8[%parallel_loop3A_1211, %parallel_loop3A_1212, %parallel_loop3A_1213] {strides = array<i32>} : memref<2x80x128xf32, #tpu.memory_space<vmem>>, vector<1x1x16xf32>,
        %parallel_loop3A_1215 = vector.shape_cast %parallel_loop3A_1214 : vector<1x1x16xf32> to vector<16xf32>
        %parallel_loop3A_1216 = vector.shape_cast %parallel_loop3A_1209 : vector<16xf32> to vector<1x1x16xf32>
        tpu.vector_store %arg8[%parallel_loop3A_1211, %parallel_loop3A_1212, %parallel_loop3A_1213], %parallel_loop3A_1216 {strides = array<i32>} : memref<2x80x128xf32, #tpu.memory_space<vmem>>, vector<1x1x16xf32>,
        %parallel_loop3A_1217 = arith.constant 1 : i32
        %parallel_loop3A_1218 = arith.index_cast %parallel_loop3A_1217 : i32 to index
        %parallel_loop3A_1219 = arith.index_cast %parallel_loop3A_1167 : i32 to index
        %parallel_loop3A_1220 = arith.constant 16 : index
        %parallel_loop3A_1221 = tpu.vector_load %arg9[%parallel_loop3A_1218, %parallel_loop3A_1219, %parallel_loop3A_1220] {strides = array<i32>} : memref<2x80x64xf32, #tpu.memory_space<vmem>>, vector<1x1x16xf32>,
        %parallel_loop3A_1222 = vector.shape_cast %parallel_loop3A_1221 : vector<1x1x16xf32> to vector<16xf32>
        %parallel_loop3A_1223 = tpu.bitcast %parallel_loop3A_1222 : vector<16xf32> -> vector<16xi32>
        %parallel_loop3A_1224 = arith.constant 16 : i32
        %parallel_loop3A_1225 = vector.broadcast %parallel_loop3A_1224 : i32 to vector<16xi32>
        %parallel_loop3A_1226 = arith.shli %parallel_loop3A_1223, %parallel_loop3A_1225 : vector<16xi32>
        %parallel_loop3A_1227 = tpu.bitcast %parallel_loop3A_1226 : vector<16xi32> -> vector<16xf32>
        %parallel_loop3A_1228 = arith.constant -65536 : i32
        %parallel_loop3A_1229 = vector.broadcast %parallel_loop3A_1228 : i32 to vector<16xi32>
        %parallel_loop3A_1230 = arith.andi %parallel_loop3A_1223, %parallel_loop3A_1229 : vector<16xi32>
        %parallel_loop3A_1231 = tpu.bitcast %parallel_loop3A_1230 : vector<16xi32> -> vector<16xf32>
        %parallel_loop3A_1232 = arith.constant 1 : i32
        %parallel_loop3A_1233 = arith.index_cast %parallel_loop3A_1232 : i32 to index
        %parallel_loop3A_1234 = arith.index_cast %parallel_loop3A_1167 : i32 to index
        %parallel_loop3A_1235 = arith.constant 16 : index
        %parallel_loop3A_1236 = tpu.vector_load %arg8[%parallel_loop3A_1233, %parallel_loop3A_1234, %parallel_loop3A_1235] {strides = array<i32>} : memref<2x80x128xf32, #tpu.memory_space<vmem>>, vector<1x1x16xf32>,
        %parallel_loop3A_1237 = vector.shape_cast %parallel_loop3A_1236 : vector<1x1x16xf32> to vector<16xf32>
        %parallel_loop3A_1238 = arith.addf %parallel_loop3A_1237, %parallel_loop3A_1227 : vector<16xf32>
        %parallel_loop3A_1239 = arith.constant 0.000000e+00 : f32
        %parallel_loop3A_1240 = vector.broadcast %parallel_loop3A_1239 : f32 to vector<16xf32>
        %parallel_loop3A_1241 = arith.maximumf %parallel_loop3A_1238, %parallel_loop3A_1240 : vector<16xf32>
        %parallel_loop3A_1242 = arith.constant 1 : i32
        %parallel_loop3A_1243 = arith.index_cast %parallel_loop3A_1242 : i32 to index
        %parallel_loop3A_1244 = arith.index_cast %parallel_loop3A_1167 : i32 to index
        %parallel_loop3A_1245 = arith.constant 16 : index
        %parallel_loop3A_1246 = tpu.vector_load %arg8[%parallel_loop3A_1243, %parallel_loop3A_1244, %parallel_loop3A_1245] {strides = array<i32>} : memref<2x80x128xf32, #tpu.memory_space<vmem>>, vector<1x1x16xf32>,
        %parallel_loop3A_1247 = vector.shape_cast %parallel_loop3A_1246 : vector<1x1x16xf32> to vector<16xf32>
        %parallel_loop3A_1248 = vector.shape_cast %parallel_loop3A_1241 : vector<16xf32> to vector<1x1x16xf32>
        tpu.vector_store %arg8[%parallel_loop3A_1243, %parallel_loop3A_1244, %parallel_loop3A_1245], %parallel_loop3A_1248 {strides = array<i32>} : memref<2x80x128xf32, #tpu.memory_space<vmem>>, vector<1x1x16xf32>,
        %parallel_loop3A_1249 = arith.constant 1 : i32
        %parallel_loop3A_1250 = arith.index_cast %parallel_loop3A_1249 : i32 to index
        %parallel_loop3A_1251 = arith.index_cast %parallel_loop3A_1167 : i32 to index
        %parallel_loop3A_1252 = arith.constant 80 : index
        %parallel_loop3A_1253 = tpu.vector_load %arg8[%parallel_loop3A_1250, %parallel_loop3A_1251, %parallel_loop3A_1252] {strides = array<i32>} : memref<2x80x128xf32, #tpu.memory_space<vmem>>, vector<1x1x16xf32>,
        %parallel_loop3A_1254 = vector.shape_cast %parallel_loop3A_1253 : vector<1x1x16xf32> to vector<16xf32>
        %parallel_loop3A_1255 = arith.addf %parallel_loop3A_1254, %parallel_loop3A_1231 : vector<16xf32>
        %parallel_loop3A_1256 = arith.constant 0.000000e+00 : f32
        %parallel_loop3A_1257 = vector.broadcast %parallel_loop3A_1256 : f32 to vector<16xf32>
        %parallel_loop3A_1258 = arith.maximumf %parallel_loop3A_1255, %parallel_loop3A_1257 : vector<16xf32>
        %parallel_loop3A_1259 = arith.constant 1 : i32
        %parallel_loop3A_1260 = arith.index_cast %parallel_loop3A_1259 : i32 to index
        %parallel_loop3A_1261 = arith.index_cast %parallel_loop3A_1167 : i32 to index
        %parallel_loop3A_1262 = arith.constant 80 : index
        %parallel_loop3A_1263 = tpu.vector_load %arg8[%parallel_loop3A_1260, %parallel_loop3A_1261, %parallel_loop3A_1262] {strides = array<i32>} : memref<2x80x128xf32, #tpu.memory_space<vmem>>, vector<1x1x16xf32>,
        %parallel_loop3A_1264 = vector.shape_cast %parallel_loop3A_1263 : vector<1x1x16xf32> to vector<16xf32>
        %parallel_loop3A_1265 = vector.shape_cast %parallel_loop3A_1258 : vector<16xf32> to vector<1x1x16xf32>
        tpu.vector_store %arg8[%parallel_loop3A_1260, %parallel_loop3A_1261, %parallel_loop3A_1262], %parallel_loop3A_1265 {strides = array<i32>} : memref<2x80x128xf32, #tpu.memory_space<vmem>>, vector<1x1x16xf32>,
        %parallel_loop3A_1266 = arith.constant 1 : i32
        %parallel_loop3A_1267 = arith.index_cast %parallel_loop3A_1266 : i32 to index
        %parallel_loop3A_1268 = arith.index_cast %parallel_loop3A_1167 : i32 to index
        %parallel_loop3A_1269 = arith.constant 32 : index
        %parallel_loop3A_1270 = tpu.vector_load %arg9[%parallel_loop3A_1267, %parallel_loop3A_1268, %parallel_loop3A_1269] {strides = array<i32>} : memref<2x80x64xf32, #tpu.memory_space<vmem>>, vector<1x1x16xf32>,
        %parallel_loop3A_1271 = vector.shape_cast %parallel_loop3A_1270 : vector<1x1x16xf32> to vector<16xf32>
        %parallel_loop3A_1272 = tpu.bitcast %parallel_loop3A_1271 : vector<16xf32> -> vector<16xi32>
        %parallel_loop3A_1273 = arith.constant 16 : i32
        %parallel_loop3A_1274 = vector.broadcast %parallel_loop3A_1273 : i32 to vector<16xi32>
        %parallel_loop3A_1275 = arith.shli %parallel_loop3A_1272, %parallel_loop3A_1274 : vector<16xi32>
        %parallel_loop3A_1276 = tpu.bitcast %parallel_loop3A_1275 : vector<16xi32> -> vector<16xf32>
        %parallel_loop3A_1277 = arith.constant -65536 : i32
        %parallel_loop3A_1278 = vector.broadcast %parallel_loop3A_1277 : i32 to vector<16xi32>
        %parallel_loop3A_1279 = arith.andi %parallel_loop3A_1272, %parallel_loop3A_1278 : vector<16xi32>
        %parallel_loop3A_1280 = tpu.bitcast %parallel_loop3A_1279 : vector<16xi32> -> vector<16xf32>
        %parallel_loop3A_1281 = arith.constant 1 : i32
        %parallel_loop3A_1282 = arith.index_cast %parallel_loop3A_1281 : i32 to index
        %parallel_loop3A_1283 = arith.index_cast %parallel_loop3A_1167 : i32 to index
        %parallel_loop3A_1284 = arith.constant 32 : index
        %parallel_loop3A_1285 = tpu.vector_load %arg8[%parallel_loop3A_1282, %parallel_loop3A_1283, %parallel_loop3A_1284] {strides = array<i32>} : memref<2x80x128xf32, #tpu.memory_space<vmem>>, vector<1x1x16xf32>,
        %parallel_loop3A_1286 = vector.shape_cast %parallel_loop3A_1285 : vector<1x1x16xf32> to vector<16xf32>
        %parallel_loop3A_1287 = arith.addf %parallel_loop3A_1286, %parallel_loop3A_1276 : vector<16xf32>
        %parallel_loop3A_1288 = arith.constant 0.000000e+00 : f32
        %parallel_loop3A_1289 = vector.broadcast %parallel_loop3A_1288 : f32 to vector<16xf32>
        %parallel_loop3A_1290 = arith.maximumf %parallel_loop3A_1287, %parallel_loop3A_1289 : vector<16xf32>
        %parallel_loop3A_1291 = arith.constant 1 : i32
        %parallel_loop3A_1292 = arith.index_cast %parallel_loop3A_1291 : i32 to index
        %parallel_loop3A_1293 = arith.index_cast %parallel_loop3A_1167 : i32 to index
        %parallel_loop3A_1294 = arith.constant 32 : index
        %parallel_loop3A_1295 = tpu.vector_load %arg8[%parallel_loop3A_1292, %parallel_loop3A_1293, %parallel_loop3A_1294] {strides = array<i32>} : memref<2x80x128xf32, #tpu.memory_space<vmem>>, vector<1x1x16xf32>,
        %parallel_loop3A_1296 = vector.shape_cast %parallel_loop3A_1295 : vector<1x1x16xf32> to vector<16xf32>
        %parallel_loop3A_1297 = vector.shape_cast %parallel_loop3A_1290 : vector<16xf32> to vector<1x1x16xf32>
        tpu.vector_store %arg8[%parallel_loop3A_1292, %parallel_loop3A_1293, %parallel_loop3A_1294], %parallel_loop3A_1297 {strides = array<i32>} : memref<2x80x128xf32, #tpu.memory_space<vmem>>, vector<1x1x16xf32>,
        %parallel_loop3A_1298 = arith.constant 1 : i32
        %parallel_loop3A_1299 = arith.index_cast %parallel_loop3A_1298 : i32 to index
        %parallel_loop3A_1300 = arith.index_cast %parallel_loop3A_1167 : i32 to index
        %parallel_loop3A_1301 = arith.constant 96 : index
        %parallel_loop3A_1302 = tpu.vector_load %arg8[%parallel_loop3A_1299, %parallel_loop3A_1300, %parallel_loop3A_1301] {strides = array<i32>} : memref<2x80x128xf32, #tpu.memory_space<vmem>>, vector<1x1x16xf32>,
        %parallel_loop3A_1303 = vector.shape_cast %parallel_loop3A_1302 : vector<1x1x16xf32> to vector<16xf32>
        %parallel_loop3A_1304 = arith.addf %parallel_loop3A_1303, %parallel_loop3A_1280 : vector<16xf32>
        %parallel_loop3A_1305 = arith.constant 0.000000e+00 : f32
        %parallel_loop3A_1306 = vector.broadcast %parallel_loop3A_1305 : f32 to vector<16xf32>
        %parallel_loop3A_1307 = arith.maximumf %parallel_loop3A_1304, %parallel_loop3A_1306 : vector<16xf32>
        %parallel_loop3A_1308 = arith.constant 1 : i32
        %parallel_loop3A_1309 = arith.index_cast %parallel_loop3A_1308 : i32 to index
        %parallel_loop3A_1310 = arith.index_cast %parallel_loop3A_1167 : i32 to index
        %parallel_loop3A_1311 = arith.constant 96 : index
        %parallel_loop3A_1312 = tpu.vector_load %arg8[%parallel_loop3A_1309, %parallel_loop3A_1310, %parallel_loop3A_1311] {strides = array<i32>} : memref<2x80x128xf32, #tpu.memory_space<vmem>>, vector<1x1x16xf32>,
        %parallel_loop3A_1313 = vector.shape_cast %parallel_loop3A_1312 : vector<1x1x16xf32> to vector<16xf32>
        %parallel_loop3A_1314 = vector.shape_cast %parallel_loop3A_1307 : vector<16xf32> to vector<1x1x16xf32>
        tpu.vector_store %arg8[%parallel_loop3A_1309, %parallel_loop3A_1310, %parallel_loop3A_1311], %parallel_loop3A_1314 {strides = array<i32>} : memref<2x80x128xf32, #tpu.memory_space<vmem>>, vector<1x1x16xf32>,
        %parallel_loop3A_1315 = arith.constant 1 : i32
        %parallel_loop3A_1316 = arith.index_cast %parallel_loop3A_1315 : i32 to index
        %parallel_loop3A_1317 = arith.index_cast %parallel_loop3A_1167 : i32 to index
        %parallel_loop3A_1318 = arith.constant 48 : index
        %parallel_loop3A_1319 = tpu.vector_load %arg9[%parallel_loop3A_1316, %parallel_loop3A_1317, %parallel_loop3A_1318] {strides = array<i32>} : memref<2x80x64xf32, #tpu.memory_space<vmem>>, vector<1x1x16xf32>,
        %parallel_loop3A_1320 = vector.shape_cast %parallel_loop3A_1319 : vector<1x1x16xf32> to vector<16xf32>
        %parallel_loop3A_1321 = tpu.bitcast %parallel_loop3A_1320 : vector<16xf32> -> vector<16xi32>
        %parallel_loop3A_1322 = arith.constant 16 : i32
        %parallel_loop3A_1323 = vector.broadcast %parallel_loop3A_1322 : i32 to vector<16xi32>
        %parallel_loop3A_1324 = arith.shli %parallel_loop3A_1321, %parallel_loop3A_1323 : vector<16xi32>
        %parallel_loop3A_1325 = tpu.bitcast %parallel_loop3A_1324 : vector<16xi32> -> vector<16xf32>
        %parallel_loop3A_1326 = arith.constant -65536 : i32
        %parallel_loop3A_1327 = vector.broadcast %parallel_loop3A_1326 : i32 to vector<16xi32>
        %parallel_loop3A_1328 = arith.andi %parallel_loop3A_1321, %parallel_loop3A_1327 : vector<16xi32>
        %parallel_loop3A_1329 = tpu.bitcast %parallel_loop3A_1328 : vector<16xi32> -> vector<16xf32>
        %parallel_loop3A_1330 = arith.constant 1 : i32
        %parallel_loop3A_1331 = arith.index_cast %parallel_loop3A_1330 : i32 to index
        %parallel_loop3A_1332 = arith.index_cast %parallel_loop3A_1167 : i32 to index
        %parallel_loop3A_1333 = arith.constant 48 : index
        %parallel_loop3A_1334 = tpu.vector_load %arg8[%parallel_loop3A_1331, %parallel_loop3A_1332, %parallel_loop3A_1333] {strides = array<i32>} : memref<2x80x128xf32, #tpu.memory_space<vmem>>, vector<1x1x16xf32>,
        %parallel_loop3A_1335 = vector.shape_cast %parallel_loop3A_1334 : vector<1x1x16xf32> to vector<16xf32>
        %parallel_loop3A_1336 = arith.addf %parallel_loop3A_1335, %parallel_loop3A_1325 : vector<16xf32>
        %parallel_loop3A_1337 = arith.constant 0.000000e+00 : f32
        %parallel_loop3A_1338 = vector.broadcast %parallel_loop3A_1337 : f32 to vector<16xf32>
        %parallel_loop3A_1339 = arith.maximumf %parallel_loop3A_1336, %parallel_loop3A_1338 : vector<16xf32>
        %parallel_loop3A_1340 = arith.constant 1 : i32
        %parallel_loop3A_1341 = arith.index_cast %parallel_loop3A_1340 : i32 to index
        %parallel_loop3A_1342 = arith.index_cast %parallel_loop3A_1167 : i32 to index
        %parallel_loop3A_1343 = arith.constant 48 : index
        %parallel_loop3A_1344 = tpu.vector_load %arg8[%parallel_loop3A_1341, %parallel_loop3A_1342, %parallel_loop3A_1343] {strides = array<i32>} : memref<2x80x128xf32, #tpu.memory_space<vmem>>, vector<1x1x16xf32>,
        %parallel_loop3A_1345 = vector.shape_cast %parallel_loop3A_1344 : vector<1x1x16xf32> to vector<16xf32>
        %parallel_loop3A_1346 = vector.shape_cast %parallel_loop3A_1339 : vector<16xf32> to vector<1x1x16xf32>
        tpu.vector_store %arg8[%parallel_loop3A_1341, %parallel_loop3A_1342, %parallel_loop3A_1343], %parallel_loop3A_1346 {strides = array<i32>} : memref<2x80x128xf32, #tpu.memory_space<vmem>>, vector<1x1x16xf32>,
        %parallel_loop3A_1347 = arith.constant 1 : i32
        %parallel_loop3A_1348 = arith.index_cast %parallel_loop3A_1347 : i32 to index
        %parallel_loop3A_1349 = arith.index_cast %parallel_loop3A_1167 : i32 to index
        %parallel_loop3A_1350 = arith.constant 112 : index
        %parallel_loop3A_1351 = tpu.vector_load %arg8[%parallel_loop3A_1348, %parallel_loop3A_1349, %parallel_loop3A_1350] {strides = array<i32>} : memref<2x80x128xf32, #tpu.memory_space<vmem>>, vector<1x1x16xf32>,
        %parallel_loop3A_1352 = vector.shape_cast %parallel_loop3A_1351 : vector<1x1x16xf32> to vector<16xf32>
        %parallel_loop3A_1353 = arith.addf %parallel_loop3A_1352, %parallel_loop3A_1329 : vector<16xf32>
        %parallel_loop3A_1354 = arith.constant 0.000000e+00 : f32
        %parallel_loop3A_1355 = vector.broadcast %parallel_loop3A_1354 : f32 to vector<16xf32>
        %parallel_loop3A_1356 = arith.maximumf %parallel_loop3A_1353, %parallel_loop3A_1355 : vector<16xf32>
        %parallel_loop3A_1357 = arith.constant 1 : i32
        %parallel_loop3A_1358 = arith.index_cast %parallel_loop3A_1357 : i32 to index
        %parallel_loop3A_1359 = arith.index_cast %parallel_loop3A_1167 : i32 to index
        %parallel_loop3A_1360 = arith.constant 112 : index
        %parallel_loop3A_1361 = tpu.vector_load %arg8[%parallel_loop3A_1358, %parallel_loop3A_1359, %parallel_loop3A_1360] {strides = array<i32>} : memref<2x80x128xf32, #tpu.memory_space<vmem>>, vector<1x1x16xf32>,
        %parallel_loop3A_1362 = vector.shape_cast %parallel_loop3A_1361 : vector<1x1x16xf32> to vector<16xf32>
        %parallel_loop3A_1363 = vector.shape_cast %parallel_loop3A_1356 : vector<16xf32> to vector<1x1x16xf32>
        tpu.vector_store %arg8[%parallel_loop3A_1358, %parallel_loop3A_1359, %parallel_loop3A_1360], %parallel_loop3A_1363 {strides = array<i32>} : memref<2x80x128xf32, #tpu.memory_space<vmem>>, vector<1x1x16xf32>,
      } {sc.loop_unroll_factor = 2 : i64, sc.parallel_access}
      %dma_start3A_1000 = arith.constant 1 : i32
      %dma_start3A_1001 = arith.constant 3 : i32
      %dma_start3A_1002 = arith.constant 1 : i32
      %dma_start3A_1003 = arith.constant 0 : i32
      %dma_start3A_1004 = arith.constant 0 : i32
      %dma_start3A_1005 = tpu.memref_slice %arg8[%dma_start3A_1000, %dma_start3A_1003, %dma_start3A_1004] : memref<2x80x128xf32, #tpu.memory_space<vmem>> -> memref<1x80x128xf32, #tpu.memory_space<vmem>>
      %dma_start3A_1006 = tpu.memref_squeeze %dma_start3A_1005 : memref<1x80x128xf32, #tpu.memory_space<vmem>> -> memref<80x128xf32, #tpu.memory_space<vmem>>
      %dma_start3A_1007 = arith.constant 0 : i32
      %dma_start3A_1008 = tpu.memref_slice %arg7[%dma_start3A_1001, %dma_start3A_1002, %dma_start3A_1007] : memref<4x2x80xi32, #tpu.memory_space<vmem>> -> memref<1x1x80xi32, #tpu.memory_space<vmem>>
      %dma_start3A_1009 = tpu.memref_squeeze %dma_start3A_1008 : memref<1x1x80xi32, #tpu.memory_space<vmem>> -> memref<80xi32, #tpu.memory_space<vmem>>
      %dma_start3A_1010 = arith.constant 0 : i32
      %dma_start3A_1011 = arith.constant 0 : i32
      %dma_start3A_1012 = tpu.memref_slice %arg10[%dma_start3A_1010, %dma_start3A_1011] : memref<10000x128xf32, #tpu.memory_space<vmem_shared>> -> memref<10000x128xf32, #tpu.memory_space<vmem_shared>>
      tpu.enqueue_indirect_dma source(%dma_start3A_1006 : memref<80x128xf32, #tpu.memory_space<vmem>>) target(%dma_start3A_1012 : memref<10000x128xf32, #tpu.memory_space<vmem_shared>>) offsets(%dma_start3A_1009 : memref<80xi32, #tpu.memory_space<vmem>>) semaphore(%arg20 : memref<!tpu.dma_semaphore, #tpu.memory_space<semaphore_mem>>) {add = true}
      %add3A_1013 = arith.constant 3 : i32
      %add3A_1014 = arith.addi %add3A_902, %add3A_1013 : i32
      %dma_start3A_1015 = arith.constant 2 : i32
      %dma_start3A_1016 = arith.constant 0 : i32
      %dma_start3A_1017 = arith.constant 0 : i32
      %dma_start3A_1018 = tpu.memref_slice %arg7[%dma_start3A_1015, %dma_start3A_1016, %dma_start3A_1017] : memref<4x2x80xi32, #tpu.memory_space<vmem>> -> memref<1x2x80xi32, #tpu.memory_space<vmem>>
      %dma_start3A_1019 = tpu.memref_squeeze %dma_start3A_1018 : memref<1x2x80xi32, #tpu.memory_space<vmem>> -> memref<2x80xi32, #tpu.memory_space<vmem>>
      %dma_start3A_1020 = arith.constant 0 : i32
      %dma_start3A_1021 = arith.constant 0 : i32
      %dma_start3A_1022 = tpu.memref_slice %arg2[%add3A, %add3A_1014, %dma_start3A_1020, %dma_start3A_1021] : memref<32x125x2x80xi32, #tpu.memory_space<hbm>> -> memref<1x1x2x80xi32, #tpu.memory_space<hbm>>
      %dma_start3A_1023 = tpu.memref_squeeze %dma_start3A_1022 : memref<1x1x2x80xi32, #tpu.memory_space<hbm>> -> memref<2x80xi32, #tpu.memory_space<hbm>>
      %dma_start3A_1024 = arith.constant 0 : i32
      %dma_start3A_1025 = arith.constant 0 : i32
      %dma_start3A_1026 = tpu.memref_slice %arg7[%dma_start3A_1015, %dma_start3A_1024, %dma_start3A_1025] : memref<4x2x80xi32, #tpu.memory_space<vmem>> -> memref<1x2x80xi32, #tpu.memory_space<vmem>>
      %dma_start3A_1027 = tpu.memref_squeeze %dma_start3A_1026 : memref<1x2x80xi32, #tpu.memory_space<vmem>> -> memref<2x80xi32, #tpu.memory_space<vmem>>
      %dma_start3A_1028 = arith.constant 0 : i32
      %dma_start3A_1029 = arith.constant 0 : i32
      %dma_start3A_1030 = tpu.memref_slice %arg2[%add3A, %add3A_1014, %dma_start3A_1028, %dma_start3A_1029] : memref<32x125x2x80xi32, #tpu.memory_space<hbm>> -> memref<1x1x2x80xi32, #tpu.memory_space<hbm>>
      %dma_start3A_1031 = tpu.memref_squeeze %dma_start3A_1030 : memref<1x1x2x80xi32, #tpu.memory_space<hbm>> -> memref<2x80xi32, #tpu.memory_space<hbm>>
      tpu.enqueue_dma source(%dma_start3A_1031 : memref<2x80xi32, #tpu.memory_space<hbm>>) target(%dma_start3A_1027 : memref<2x80xi32, #tpu.memory_space<vmem>>) target_semaphore(%arg13 : memref<!tpu.dma_semaphore, #tpu.memory_space<semaphore_mem>>)
      %mul3A_1032 = arith.constant 4 : i32
      %mul3A_1033 = arith.muli %mul3A_1032, %scan3A_627 : i32
      %add3A_1034 = arith.constant 1 : i32
      %add3A_1035 = arith.addi %mul3A_1033, %add3A_1034 : i32
      %add3A_1036 = arith.constant 3 : i32
      %add3A_1037 = arith.addi %add3A_1035, %add3A_1036 : i32
      %add3A_1038 = arith.constant 1 : i32
      %add3A_1039 = arith.addi %add3A_1037, %add3A_1038 : i32
      %dma_wait3A_1040 = arith.constant 1 : i32
      %dma_wait3A_1041 = arith.constant 0 : i32
      %dma_wait3A_1042 = arith.constant 0 : i32
      %dma_wait3A_1043 = tpu.memref_slice %arg7[%dma_wait3A_1040, %dma_wait3A_1041, %dma_wait3A_1042] : memref<4x2x80xi32, #tpu.memory_space<vmem>> -> memref<1x2x80xi32, #tpu.memory_space<vmem>>
      %dma_wait3A_1044 = tpu.memref_squeeze %dma_wait3A_1043 : memref<1x2x80xi32, #tpu.memory_space<vmem>> -> memref<2x80xi32, #tpu.memory_space<vmem>>
      %dma_wait3A_1045 = arith.constant 0 : i32
      %dma_wait3A_1046 = arith.constant 0 : i32
      %dma_wait3A_1047 = tpu.memref_slice %arg2[%add3A, %add3A_1039, %dma_wait3A_1045, %dma_wait3A_1046] : memref<32x125x2x80xi32, #tpu.memory_space<hbm>> -> memref<1x1x2x80xi32, #tpu.memory_space<hbm>>
      %dma_wait3A_1048 = tpu.memref_squeeze %dma_wait3A_1047 : memref<1x1x2x80xi32, #tpu.memory_space<hbm>> -> memref<2x80xi32, #tpu.memory_space<hbm>>
      %dma_wait3A_1049 = arith.constant 0 : i32
      %dma_wait3A_1050 = arith.constant 0 : i32
      %dma_wait3A_1051 = tpu.memref_slice %arg7[%dma_wait3A_1040, %dma_wait3A_1049, %dma_wait3A_1050] : memref<4x2x80xi32, #tpu.memory_space<vmem>> -> memref<1x2x80xi32, #tpu.memory_space<vmem>>
      %dma_wait3A_1052 = tpu.memref_squeeze %dma_wait3A_1051 : memref<1x2x80xi32, #tpu.memory_space<vmem>> -> memref<2x80xi32, #tpu.memory_space<vmem>>
      %dma_wait3A_1053 = arith.constant 0 : i32
      %dma_wait3A_1054 = arith.constant 0 : i32
      %dma_wait3A_1055 = tpu.memref_slice %arg2[%add3A, %add3A_1039, %dma_wait3A_1053, %dma_wait3A_1054] : memref<32x125x2x80xi32, #tpu.memory_space<hbm>> -> memref<1x1x2x80xi32, #tpu.memory_space<hbm>>
      %dma_wait3A_1056 = tpu.memref_squeeze %dma_wait3A_1055 : memref<1x1x2x80xi32, #tpu.memory_space<hbm>> -> memref<2x80xi32, #tpu.memory_space<hbm>>
      tpu.wait_dma2 semaphore(%arg12 : memref<!tpu.dma_semaphore, #tpu.memory_space<semaphore_mem>>) src(%dma_wait3A_1056 : memref<2x80xi32, #tpu.memory_space<hbm>>) dst(%dma_wait3A_1052 : memref<2x80xi32, #tpu.memory_space<vmem>>)
      %sub3A_1057 = arith.constant 1 : i32
      %sub3A_1058 = arith.subi %add3A_1037, %sub3A_1057 : i32
      %dma_wait3A_1059 = arith.constant 1 : i32
      %dma_wait3A_1060 = arith.constant 3 : i32
      %dma_wait3A_1061 = arith.constant 1 : i32
      %dma_wait3A_1062 = arith.constant 0 : i32
      %dma_wait3A_1063 = arith.constant 0 : i32
      %dma_wait3A_1064 = tpu.memref_slice %arg8[%dma_wait3A_1059, %dma_wait3A_1062, %dma_wait3A_1063] : memref<2x80x128xf32, #tpu.memory_space<vmem>> -> memref<1x80x128xf32, #tpu.memory_space<vmem>>
      %dma_wait3A_1065 = tpu.memref_squeeze %dma_wait3A_1064 : memref<1x80x128xf32, #tpu.memory_space<vmem>> -> memref<80x128xf32, #tpu.memory_space<vmem>>
      %dma_wait3A_1066 = arith.constant 0 : i32
      %dma_wait3A_1067 = tpu.memref_slice %arg7[%dma_wait3A_1060, %dma_wait3A_1061, %dma_wait3A_1066] : memref<4x2x80xi32, #tpu.memory_space<vmem>> -> memref<1x1x80xi32, #tpu.memory_space<vmem>>
      %dma_wait3A_1068 = tpu.memref_squeeze %dma_wait3A_1067 : memref<1x1x80xi32, #tpu.memory_space<vmem>> -> memref<80xi32, #tpu.memory_space<vmem>>
      %dma_wait3A_1069 = arith.constant 0 : i32
      %dma_wait3A_1070 = arith.constant 0 : i32
      %dma_wait3A_1071 = tpu.memref_slice %arg10[%dma_wait3A_1069, %dma_wait3A_1070] : memref<10000x128xf32, #tpu.memory_space<vmem_shared>> -> memref<10000x128xf32, #tpu.memory_space<vmem_shared>>
      tpu.wait_indirect_dma semaphore(%arg20 : memref<!tpu.dma_semaphore, #tpu.memory_space<semaphore_mem>>) src(%dma_wait3A_1065 : memref<80x128xf32, #tpu.memory_space<vmem>>) dst(%dma_wait3A_1071 : memref<10000x128xf32, #tpu.memory_space<vmem_shared>>)
      %add3A_1072 = arith.constant 1 : i32
      %add3A_1073 = arith.addi %add3A_1037, %add3A_1072 : i32
      %dma_start3A_1074 = arith.constant 1 : i32
      %dma_start3A_1075 = arith.constant 0 : i32
      %dma_start3A_1076 = arith.constant 1 : i32
      %dma_start3A_1077 = arith.constant 0 : i32
      %dma_start3A_1078 = arith.constant 0 : i32
      %dma_start3A_1079 = tpu.memref_slice %arg8[%dma_start3A_1076, %dma_start3A_1077, %dma_start3A_1078] : memref<2x80x128xf32, #tpu.memory_space<vmem>> -> memref<1x80x128xf32, #tpu.memory_space<vmem>>
      %dma_start3A_1080 = tpu.memref_squeeze %dma_start3A_1079 : memref<1x80x128xf32, #tpu.memory_space<vmem>> -> memref<80x128xf32, #tpu.memory_space<vmem>>
      %dma_start3A_1081 = arith.constant 0 : i32
      %dma_start3A_1082 = tpu.memref_slice %arg7[%dma_start3A_1074, %dma_start3A_1075, %dma_start3A_1081] : memref<4x2x80xi32, #tpu.memory_space<vmem>> -> memref<1x1x80xi32, #tpu.memory_space<vmem>>
      %dma_start3A_1083 = tpu.memref_squeeze %dma_start3A_1082 : memref<1x1x80xi32, #tpu.memory_space<vmem>> -> memref<80xi32, #tpu.memory_space<vmem>>
      %dma_start3A_1084 = arith.constant 0 : i32
      %dma_start3A_1085 = arith.constant 0 : i32
      %dma_start3A_1086 = tpu.memref_slice %arg3[%dma_start3A_1084, %dma_start3A_1085] : memref<10000x128xf32, #tpu.memory_space<hbm>> -> memref<10000x128xf32, #tpu.memory_space<hbm>>
      tpu.enqueue_indirect_dma source(%dma_start3A_1086 : memref<10000x128xf32, #tpu.memory_space<hbm>>) target(%dma_start3A_1080 : memref<80x128xf32, #tpu.memory_space<vmem>>) offsets(%dma_start3A_1083 : memref<80xi32, #tpu.memory_space<vmem>>) semaphore(%arg16 : memref<!tpu.dma_semaphore, #tpu.memory_space<semaphore_mem>>)
      %mul3A_1087 = arith.constant 80 : i32
      %mul3A_1088 = arith.muli %add3A_1073, %mul3A_1087 : i32
      %add3A_1089 = arith.addi %mul3A_2, %mul3A_1088 : i32
      %dma_start3A_1090 = arith.constant 1 : i32
      %dma_start3A_1091 = arith.constant 0 : i32
      %dma_start3A_1092 = arith.constant 0 : i32
      %dma_start3A_1093 = tpu.memref_slice %arg9[%dma_start3A_1090, %dma_start3A_1091, %dma_start3A_1092] : memref<2x80x64xf32, #tpu.memory_space<vmem>> -> memref<1x80x64xf32, #tpu.memory_space<vmem>>
      %dma_start3A_1094 = tpu.memref_squeeze %dma_start3A_1093 : memref<1x80x64xf32, #tpu.memory_space<vmem>> -> memref<80x64xf32, #tpu.memory_space<vmem>>
      %dma_start3A_1095 = arith.constant 0 : i32
      %dma_start3A_1096 = tpu.memref_slice %arg4[%add3A_1089, %dma_start3A_1095] : memref<320000x64xf32, #tpu.memory_space<hbm>> -> memref<80x64xf32, #tpu.memory_space<hbm>>
      %dma_start3A_1097 = arith.constant 0 : i32
      %dma_start3A_1098 = arith.constant 0 : i32
      %dma_start3A_1099 = tpu.memref_slice %arg9[%dma_start3A_1090, %dma_start3A_1097, %dma_start3A_1098] : memref<2x80x64xf32, #tpu.memory_space<vmem>> -> memref<1x80x64xf32, #tpu.memory_space<vmem>>
      %dma_start3A_1100 = tpu.memref_squeeze %dma_start3A_1099 : memref<1x80x64xf32, #tpu.memory_space<vmem>> -> memref<80x64xf32, #tpu.memory_space<vmem>>
      %dma_start3A_1101 = arith.constant 0 : i32
      %dma_start3A_1102 = tpu.memref_slice %arg4[%add3A_1089, %dma_start3A_1101] : memref<320000x64xf32, #tpu.memory_space<hbm>> -> memref<80x64xf32, #tpu.memory_space<hbm>>
      tpu.enqueue_dma source(%dma_start3A_1102 : memref<80x64xf32, #tpu.memory_space<hbm>>) target(%dma_start3A_1100 : memref<80x64xf32, #tpu.memory_space<vmem>>) target_semaphore(%arg18 : memref<!tpu.dma_semaphore, #tpu.memory_space<semaphore_mem>>)
      %dma_wait3A_1103 = arith.constant 0 : i32
      %dma_wait3A_1104 = arith.constant 0 : i32
      %dma_wait3A_1105 = arith.constant 0 : i32
      %dma_wait3A_1106 = arith.constant 0 : i32
      %dma_wait3A_1107 = arith.constant 0 : i32
      %dma_wait3A_1108 = tpu.memref_slice %arg8[%dma_wait3A_1105, %dma_wait3A_1106, %dma_wait3A_1107] : memref<2x80x128xf32, #tpu.memory_space<vmem>> -> memref<1x80x128xf32, #tpu.memory_space<vmem>>
      %dma_wait3A_1109 = tpu.memref_squeeze %dma_wait3A_1108 : memref<1x80x128xf32, #tpu.memory_space<vmem>> -> memref<80x128xf32, #tpu.memory_space<vmem>>
      %dma_wait3A_1110 = arith.constant 0 : i32
      %dma_wait3A_1111 = tpu.memref_slice %arg7[%dma_wait3A_1103, %dma_wait3A_1104, %dma_wait3A_1110] : memref<4x2x80xi32, #tpu.memory_space<vmem>> -> memref<1x1x80xi32, #tpu.memory_space<vmem>>
      %dma_wait3A_1112 = tpu.memref_squeeze %dma_wait3A_1111 : memref<1x1x80xi32, #tpu.memory_space<vmem>> -> memref<80xi32, #tpu.memory_space<vmem>>
      %dma_wait3A_1113 = arith.constant 0 : i32
      %dma_wait3A_1114 = arith.constant 0 : i32
      %dma_wait3A_1115 = tpu.memref_slice %arg3[%dma_wait3A_1113, %dma_wait3A_1114] : memref<10000x128xf32, #tpu.memory_space<hbm>> -> memref<10000x128xf32, #tpu.memory_space<hbm>>
      tpu.wait_indirect_dma semaphore(%arg15 : memref<!tpu.dma_semaphore, #tpu.memory_space<semaphore_mem>>) src(%dma_wait3A_1115 : memref<10000x128xf32, #tpu.memory_space<hbm>>) dst(%dma_wait3A_1109 : memref<80x128xf32, #tpu.memory_space<vmem>>)
      %mul3A_1116 = arith.constant 80 : i32
      %mul3A_1117 = arith.muli %add3A_1037, %mul3A_1116 : i32
      %add3A_1118 = arith.addi %mul3A_2, %mul3A_1117 : i32
      %dma_wait3A_1119 = arith.constant 0 : i32
      %dma_wait3A_1120 = arith.constant 0 : i32
      %dma_wait3A_1121 = arith.constant 0 : i32
      %dma_wait3A_1122 = tpu.memref_slice %arg9[%dma_wait3A_1119, %dma_wait3A_1120, %dma_wait3A_1121] : memref<2x80x64xf32, #tpu.memory_space<vmem>> -> memref<1x80x64xf32, #tpu.memory_space<vmem>>
      %dma_wait3A_1123 = tpu.memref_squeeze %dma_wait3A_1122 : memref<1x80x64xf32, #tpu.memory_space<vmem>> -> memref<80x64xf32, #tpu.memory_space<vmem>>
      %dma_wait3A_1124 = arith.constant 0 : i32
      %dma_wait3A_1125 = tpu.memref_slice %arg4[%add3A_1118, %dma_wait3A_1124] : memref<320000x64xf32, #tpu.memory_space<hbm>> -> memref<80x64xf32, #tpu.memory_space<hbm>>
      %dma_wait3A_1126 = arith.constant 0 : i32
      %dma_wait3A_1127 = arith.constant 0 : i32
      %dma_wait3A_1128 = tpu.memref_slice %arg9[%dma_wait3A_1119, %dma_wait3A_1126, %dma_wait3A_1127] : memref<2x80x64xf32, #tpu.memory_space<vmem>> -> memref<1x80x64xf32, #tpu.memory_space<vmem>>
      %dma_wait3A_1129 = tpu.memref_squeeze %dma_wait3A_1128 : memref<1x80x64xf32, #tpu.memory_space<vmem>> -> memref<80x64xf32, #tpu.memory_space<vmem>>
      %dma_wait3A_1130 = arith.constant 0 : i32
      %dma_wait3A_1131 = tpu.memref_slice %arg4[%add3A_1118, %dma_wait3A_1130] : memref<320000x64xf32, #tpu.memory_space<hbm>> -> memref<80x64xf32, #tpu.memory_space<hbm>>
      tpu.wait_dma2 semaphore(%arg17 : memref<!tpu.dma_semaphore, #tpu.memory_space<semaphore_mem>>) src(%dma_wait3A_1131 : memref<80x64xf32, #tpu.memory_space<hbm>>) dst(%dma_wait3A_1129 : memref<80x64xf32, #tpu.memory_space<vmem>>)
      %parallel_loop3A_1132 = arith.constant 0 : i32
      %parallel_loop3A_1133 = arith.constant 80 : i32
      %parallel_loop3A_1134 = arith.constant 1 : i32
      scf.for %parallel_loop3A_1167 = %parallel_loop3A_1132 to %parallel_loop3A_1133 step %parallel_loop3A_1134  : i32 {
        %parallel_loop3A_1168 = arith.constant 0 : i32
        %parallel_loop3A_1169 = arith.index_cast %parallel_loop3A_1168 : i32 to index
        %parallel_loop3A_1170 = arith.index_cast %parallel_loop3A_1167 : i32 to index
        %parallel_loop3A_1171 = arith.constant 0 : index
        %parallel_loop3A_1172 = tpu.vector_load %arg9[%parallel_loop3A_1169, %parallel_loop3A_1170, %parallel_loop3A_1171] {strides = array<i32>} : memref<2x80x64xf32, #tpu.memory_space<vmem>>, vector<1x1x16xf32>,
        %parallel_loop3A_1173 = vector.shape_cast %parallel_loop3A_1172 : vector<1x1x16xf32> to vector<16xf32>
        %parallel_loop3A_1174 = tpu.bitcast %parallel_loop3A_1173 : vector<16xf32> -> vector<16xi32>
        %parallel_loop3A_1175 = arith.constant 16 : i32
        %parallel_loop3A_1176 = vector.broadcast %parallel_loop3A_1175 : i32 to vector<16xi32>
        %parallel_loop3A_1177 = arith.shli %parallel_loop3A_1174, %parallel_loop3A_1176 : vector<16xi32>
        %parallel_loop3A_1178 = tpu.bitcast %parallel_loop3A_1177 : vector<16xi32> -> vector<16xf32>
        %parallel_loop3A_1179 = arith.constant -65536 : i32
        %parallel_loop3A_1180 = vector.broadcast %parallel_loop3A_1179 : i32 to vector<16xi32>
        %parallel_loop3A_1181 = arith.andi %parallel_loop3A_1174, %parallel_loop3A_1180 : vector<16xi32>
        %parallel_loop3A_1182 = tpu.bitcast %parallel_loop3A_1181 : vector<16xi32> -> vector<16xf32>
        %parallel_loop3A_1183 = arith.constant 0 : i32
        %parallel_loop3A_1184 = arith.index_cast %parallel_loop3A_1183 : i32 to index
        %parallel_loop3A_1185 = arith.index_cast %parallel_loop3A_1167 : i32 to index
        %parallel_loop3A_1186 = arith.constant 0 : index
        %parallel_loop3A_1187 = tpu.vector_load %arg8[%parallel_loop3A_1184, %parallel_loop3A_1185, %parallel_loop3A_1186] {strides = array<i32>} : memref<2x80x128xf32, #tpu.memory_space<vmem>>, vector<1x1x16xf32>,
        %parallel_loop3A_1188 = vector.shape_cast %parallel_loop3A_1187 : vector<1x1x16xf32> to vector<16xf32>
        %parallel_loop3A_1189 = arith.addf %parallel_loop3A_1188, %parallel_loop3A_1178 : vector<16xf32>
        %parallel_loop3A_1190 = arith.constant 0.000000e+00 : f32
        %parallel_loop3A_1191 = vector.broadcast %parallel_loop3A_1190 : f32 to vector<16xf32>
        %parallel_loop3A_1192 = arith.maximumf %parallel_loop3A_1189, %parallel_loop3A_1191 : vector<16xf32>
        %parallel_loop3A_1193 = arith.constant 0 : i32
        %parallel_loop3A_1194 = arith.index_cast %parallel_loop3A_1193 : i32 to index
        %parallel_loop3A_1195 = arith.index_cast %parallel_loop3A_1167 : i32 to index
        %parallel_loop3A_1196 = arith.constant 0 : index
        %parallel_loop3A_1197 = tpu.vector_load %arg8[%parallel_loop3A_1194, %parallel_loop3A_1195, %parallel_loop3A_1196] {strides = array<i32>} : memref<2x80x128xf32, #tpu.memory_space<vmem>>, vector<1x1x16xf32>,
        %parallel_loop3A_1198 = vector.shape_cast %parallel_loop3A_1197 : vector<1x1x16xf32> to vector<16xf32>
        %parallel_loop3A_1199 = vector.shape_cast %parallel_loop3A_1192 : vector<16xf32> to vector<1x1x16xf32>
        tpu.vector_store %arg8[%parallel_loop3A_1194, %parallel_loop3A_1195, %parallel_loop3A_1196], %parallel_loop3A_1199 {strides = array<i32>} : memref<2x80x128xf32, #tpu.memory_space<vmem>>, vector<1x1x16xf32>,
        %parallel_loop3A_1200 = arith.constant 0 : i32
        %parallel_loop3A_1201 = arith.index_cast %parallel_loop3A_1200 : i32 to index
        %parallel_loop3A_1202 = arith.index_cast %parallel_loop3A_1167 : i32 to index
        %parallel_loop3A_1203 = arith.constant 64 : index
        %parallel_loop3A_1204 = tpu.vector_load %arg8[%parallel_loop3A_1201, %parallel_loop3A_1202, %parallel_loop3A_1203] {strides = array<i32>} : memref<2x80x128xf32, #tpu.memory_space<vmem>>, vector<1x1x16xf32>,
        %parallel_loop3A_1205 = vector.shape_cast %parallel_loop3A_1204 : vector<1x1x16xf32> to vector<16xf32>
        %parallel_loop3A_1206 = arith.addf %parallel_loop3A_1205, %parallel_loop3A_1182 : vector<16xf32>
        %parallel_loop3A_1207 = arith.constant 0.000000e+00 : f32
        %parallel_loop3A_1208 = vector.broadcast %parallel_loop3A_1207 : f32 to vector<16xf32>
        %parallel_loop3A_1209 = arith.maximumf %parallel_loop3A_1206, %parallel_loop3A_1208 : vector<16xf32>
        %parallel_loop3A_1210 = arith.constant 0 : i32
        %parallel_loop3A_1211 = arith.index_cast %parallel_loop3A_1210 : i32 to index
        %parallel_loop3A_1212 = arith.index_cast %parallel_loop3A_1167 : i32 to index
        %parallel_loop3A_1213 = arith.constant 64 : index
        %parallel_loop3A_1214 = tpu.vector_load %arg8[%parallel_loop3A_1211, %parallel_loop3A_1212, %parallel_loop3A_1213] {strides = array<i32>} : memref<2x80x128xf32, #tpu.memory_space<vmem>>, vector<1x1x16xf32>,
        %parallel_loop3A_1215 = vector.shape_cast %parallel_loop3A_1214 : vector<1x1x16xf32> to vector<16xf32>
        %parallel_loop3A_1216 = vector.shape_cast %parallel_loop3A_1209 : vector<16xf32> to vector<1x1x16xf32>
        tpu.vector_store %arg8[%parallel_loop3A_1211, %parallel_loop3A_1212, %parallel_loop3A_1213], %parallel_loop3A_1216 {strides = array<i32>} : memref<2x80x128xf32, #tpu.memory_space<vmem>>, vector<1x1x16xf32>,
        %parallel_loop3A_1217 = arith.constant 0 : i32
        %parallel_loop3A_1218 = arith.index_cast %parallel_loop3A_1217 : i32 to index
        %parallel_loop3A_1219 = arith.index_cast %parallel_loop3A_1167 : i32 to index
        %parallel_loop3A_1220 = arith.constant 16 : index
        %parallel_loop3A_1221 = tpu.vector_load %arg9[%parallel_loop3A_1218, %parallel_loop3A_1219, %parallel_loop3A_1220] {strides = array<i32>} : memref<2x80x64xf32, #tpu.memory_space<vmem>>, vector<1x1x16xf32>,
        %parallel_loop3A_1222 = vector.shape_cast %parallel_loop3A_1221 : vector<1x1x16xf32> to vector<16xf32>
        %parallel_loop3A_1223 = tpu.bitcast %parallel_loop3A_1222 : vector<16xf32> -> vector<16xi32>
        %parallel_loop3A_1224 = arith.constant 16 : i32
        %parallel_loop3A_1225 = vector.broadcast %parallel_loop3A_1224 : i32 to vector<16xi32>
        %parallel_loop3A_1226 = arith.shli %parallel_loop3A_1223, %parallel_loop3A_1225 : vector<16xi32>
        %parallel_loop3A_1227 = tpu.bitcast %parallel_loop3A_1226 : vector<16xi32> -> vector<16xf32>
        %parallel_loop3A_1228 = arith.constant -65536 : i32
        %parallel_loop3A_1229 = vector.broadcast %parallel_loop3A_1228 : i32 to vector<16xi32>
        %parallel_loop3A_1230 = arith.andi %parallel_loop3A_1223, %parallel_loop3A_1229 : vector<16xi32>
        %parallel_loop3A_1231 = tpu.bitcast %parallel_loop3A_1230 : vector<16xi32> -> vector<16xf32>
        %parallel_loop3A_1232 = arith.constant 0 : i32
        %parallel_loop3A_1233 = arith.index_cast %parallel_loop3A_1232 : i32 to index
        %parallel_loop3A_1234 = arith.index_cast %parallel_loop3A_1167 : i32 to index
        %parallel_loop3A_1235 = arith.constant 16 : index
        %parallel_loop3A_1236 = tpu.vector_load %arg8[%parallel_loop3A_1233, %parallel_loop3A_1234, %parallel_loop3A_1235] {strides = array<i32>} : memref<2x80x128xf32, #tpu.memory_space<vmem>>, vector<1x1x16xf32>,
        %parallel_loop3A_1237 = vector.shape_cast %parallel_loop3A_1236 : vector<1x1x16xf32> to vector<16xf32>
        %parallel_loop3A_1238 = arith.addf %parallel_loop3A_1237, %parallel_loop3A_1227 : vector<16xf32>
        %parallel_loop3A_1239 = arith.constant 0.000000e+00 : f32
        %parallel_loop3A_1240 = vector.broadcast %parallel_loop3A_1239 : f32 to vector<16xf32>
        %parallel_loop3A_1241 = arith.maximumf %parallel_loop3A_1238, %parallel_loop3A_1240 : vector<16xf32>
        %parallel_loop3A_1242 = arith.constant 0 : i32
        %parallel_loop3A_1243 = arith.index_cast %parallel_loop3A_1242 : i32 to index
        %parallel_loop3A_1244 = arith.index_cast %parallel_loop3A_1167 : i32 to index
        %parallel_loop3A_1245 = arith.constant 16 : index
        %parallel_loop3A_1246 = tpu.vector_load %arg8[%parallel_loop3A_1243, %parallel_loop3A_1244, %parallel_loop3A_1245] {strides = array<i32>} : memref<2x80x128xf32, #tpu.memory_space<vmem>>, vector<1x1x16xf32>,
        %parallel_loop3A_1247 = vector.shape_cast %parallel_loop3A_1246 : vector<1x1x16xf32> to vector<16xf32>
        %parallel_loop3A_1248 = vector.shape_cast %parallel_loop3A_1241 : vector<16xf32> to vector<1x1x16xf32>
        tpu.vector_store %arg8[%parallel_loop3A_1243, %parallel_loop3A_1244, %parallel_loop3A_1245], %parallel_loop3A_1248 {strides = array<i32>} : memref<2x80x128xf32, #tpu.memory_space<vmem>>, vector<1x1x16xf32>,
        %parallel_loop3A_1249 = arith.constant 0 : i32
        %parallel_loop3A_1250 = arith.index_cast %parallel_loop3A_1249 : i32 to index
        %parallel_loop3A_1251 = arith.index_cast %parallel_loop3A_1167 : i32 to index
        %parallel_loop3A_1252 = arith.constant 80 : index
        %parallel_loop3A_1253 = tpu.vector_load %arg8[%parallel_loop3A_1250, %parallel_loop3A_1251, %parallel_loop3A_1252] {strides = array<i32>} : memref<2x80x128xf32, #tpu.memory_space<vmem>>, vector<1x1x16xf32>,
        %parallel_loop3A_1254 = vector.shape_cast %parallel_loop3A_1253 : vector<1x1x16xf32> to vector<16xf32>
        %parallel_loop3A_1255 = arith.addf %parallel_loop3A_1254, %parallel_loop3A_1231 : vector<16xf32>
        %parallel_loop3A_1256 = arith.constant 0.000000e+00 : f32
        %parallel_loop3A_1257 = vector.broadcast %parallel_loop3A_1256 : f32 to vector<16xf32>
        %parallel_loop3A_1258 = arith.maximumf %parallel_loop3A_1255, %parallel_loop3A_1257 : vector<16xf32>
        %parallel_loop3A_1259 = arith.constant 0 : i32
        %parallel_loop3A_1260 = arith.index_cast %parallel_loop3A_1259 : i32 to index
        %parallel_loop3A_1261 = arith.index_cast %parallel_loop3A_1167 : i32 to index
        %parallel_loop3A_1262 = arith.constant 80 : index
        %parallel_loop3A_1263 = tpu.vector_load %arg8[%parallel_loop3A_1260, %parallel_loop3A_1261, %parallel_loop3A_1262] {strides = array<i32>} : memref<2x80x128xf32, #tpu.memory_space<vmem>>, vector<1x1x16xf32>,
        %parallel_loop3A_1264 = vector.shape_cast %parallel_loop3A_1263 : vector<1x1x16xf32> to vector<16xf32>
        %parallel_loop3A_1265 = vector.shape_cast %parallel_loop3A_1258 : vector<16xf32> to vector<1x1x16xf32>
        tpu.vector_store %arg8[%parallel_loop3A_1260, %parallel_loop3A_1261, %parallel_loop3A_1262], %parallel_loop3A_1265 {strides = array<i32>} : memref<2x80x128xf32, #tpu.memory_space<vmem>>, vector<1x1x16xf32>,
        %parallel_loop3A_1266 = arith.constant 0 : i32
        %parallel_loop3A_1267 = arith.index_cast %parallel_loop3A_1266 : i32 to index
        %parallel_loop3A_1268 = arith.index_cast %parallel_loop3A_1167 : i32 to index
        %parallel_loop3A_1269 = arith.constant 32 : index
        %parallel_loop3A_1270 = tpu.vector_load %arg9[%parallel_loop3A_1267, %parallel_loop3A_1268, %parallel_loop3A_1269] {strides = array<i32>} : memref<2x80x64xf32, #tpu.memory_space<vmem>>, vector<1x1x16xf32>,
        %parallel_loop3A_1271 = vector.shape_cast %parallel_loop3A_1270 : vector<1x1x16xf32> to vector<16xf32>
        %parallel_loop3A_1272 = tpu.bitcast %parallel_loop3A_1271 : vector<16xf32> -> vector<16xi32>
        %parallel_loop3A_1273 = arith.constant 16 : i32
        %parallel_loop3A_1274 = vector.broadcast %parallel_loop3A_1273 : i32 to vector<16xi32>
        %parallel_loop3A_1275 = arith.shli %parallel_loop3A_1272, %parallel_loop3A_1274 : vector<16xi32>
        %parallel_loop3A_1276 = tpu.bitcast %parallel_loop3A_1275 : vector<16xi32> -> vector<16xf32>
        %parallel_loop3A_1277 = arith.constant -65536 : i32
        %parallel_loop3A_1278 = vector.broadcast %parallel_loop3A_1277 : i32 to vector<16xi32>
        %parallel_loop3A_1279 = arith.andi %parallel_loop3A_1272, %parallel_loop3A_1278 : vector<16xi32>
        %parallel_loop3A_1280 = tpu.bitcast %parallel_loop3A_1279 : vector<16xi32> -> vector<16xf32>
        %parallel_loop3A_1281 = arith.constant 0 : i32
        %parallel_loop3A_1282 = arith.index_cast %parallel_loop3A_1281 : i32 to index
        %parallel_loop3A_1283 = arith.index_cast %parallel_loop3A_1167 : i32 to index
        %parallel_loop3A_1284 = arith.constant 32 : index
        %parallel_loop3A_1285 = tpu.vector_load %arg8[%parallel_loop3A_1282, %parallel_loop3A_1283, %parallel_loop3A_1284] {strides = array<i32>} : memref<2x80x128xf32, #tpu.memory_space<vmem>>, vector<1x1x16xf32>,
        %parallel_loop3A_1286 = vector.shape_cast %parallel_loop3A_1285 : vector<1x1x16xf32> to vector<16xf32>
        %parallel_loop3A_1287 = arith.addf %parallel_loop3A_1286, %parallel_loop3A_1276 : vector<16xf32>
        %parallel_loop3A_1288 = arith.constant 0.000000e+00 : f32
        %parallel_loop3A_1289 = vector.broadcast %parallel_loop3A_1288 : f32 to vector<16xf32>
        %parallel_loop3A_1290 = arith.maximumf %parallel_loop3A_1287, %parallel_loop3A_1289 : vector<16xf32>
        %parallel_loop3A_1291 = arith.constant 0 : i32
        %parallel_loop3A_1292 = arith.index_cast %parallel_loop3A_1291 : i32 to index
        %parallel_loop3A_1293 = arith.index_cast %parallel_loop3A_1167 : i32 to index
        %parallel_loop3A_1294 = arith.constant 32 : index
        %parallel_loop3A_1295 = tpu.vector_load %arg8[%parallel_loop3A_1292, %parallel_loop3A_1293, %parallel_loop3A_1294] {strides = array<i32>} : memref<2x80x128xf32, #tpu.memory_space<vmem>>, vector<1x1x16xf32>,
        %parallel_loop3A_1296 = vector.shape_cast %parallel_loop3A_1295 : vector<1x1x16xf32> to vector<16xf32>
        %parallel_loop3A_1297 = vector.shape_cast %parallel_loop3A_1290 : vector<16xf32> to vector<1x1x16xf32>
        tpu.vector_store %arg8[%parallel_loop3A_1292, %parallel_loop3A_1293, %parallel_loop3A_1294], %parallel_loop3A_1297 {strides = array<i32>} : memref<2x80x128xf32, #tpu.memory_space<vmem>>, vector<1x1x16xf32>,
        %parallel_loop3A_1298 = arith.constant 0 : i32
        %parallel_loop3A_1299 = arith.index_cast %parallel_loop3A_1298 : i32 to index
        %parallel_loop3A_1300 = arith.index_cast %parallel_loop3A_1167 : i32 to index
        %parallel_loop3A_1301 = arith.constant 96 : index
        %parallel_loop3A_1302 = tpu.vector_load %arg8[%parallel_loop3A_1299, %parallel_loop3A_1300, %parallel_loop3A_1301] {strides = array<i32>} : memref<2x80x128xf32, #tpu.memory_space<vmem>>, vector<1x1x16xf32>,
        %parallel_loop3A_1303 = vector.shape_cast %parallel_loop3A_1302 : vector<1x1x16xf32> to vector<16xf32>
        %parallel_loop3A_1304 = arith.addf %parallel_loop3A_1303, %parallel_loop3A_1280 : vector<16xf32>
        %parallel_loop3A_1305 = arith.constant 0.000000e+00 : f32
        %parallel_loop3A_1306 = vector.broadcast %parallel_loop3A_1305 : f32 to vector<16xf32>
        %parallel_loop3A_1307 = arith.maximumf %parallel_loop3A_1304, %parallel_loop3A_1306 : vector<16xf32>
        %parallel_loop3A_1308 = arith.constant 0 : i32
        %parallel_loop3A_1309 = arith.index_cast %parallel_loop3A_1308 : i32 to index
        %parallel_loop3A_1310 = arith.index_cast %parallel_loop3A_1167 : i32 to index
        %parallel_loop3A_1311 = arith.constant 96 : index
        %parallel_loop3A_1312 = tpu.vector_load %arg8[%parallel_loop3A_1309, %parallel_loop3A_1310, %parallel_loop3A_1311] {strides = array<i32>} : memref<2x80x128xf32, #tpu.memory_space<vmem>>, vector<1x1x16xf32>,
        %parallel_loop3A_1313 = vector.shape_cast %parallel_loop3A_1312 : vector<1x1x16xf32> to vector<16xf32>
        %parallel_loop3A_1314 = vector.shape_cast %parallel_loop3A_1307 : vector<16xf32> to vector<1x1x16xf32>
        tpu.vector_store %arg8[%parallel_loop3A_1309, %parallel_loop3A_1310, %parallel_loop3A_1311], %parallel_loop3A_1314 {strides = array<i32>} : memref<2x80x128xf32, #tpu.memory_space<vmem>>, vector<1x1x16xf32>,
        %parallel_loop3A_1315 = arith.constant 0 : i32
        %parallel_loop3A_1316 = arith.index_cast %parallel_loop3A_1315 : i32 to index
        %parallel_loop3A_1317 = arith.index_cast %parallel_loop3A_1167 : i32 to index
        %parallel_loop3A_1318 = arith.constant 48 : index
        %parallel_loop3A_1319 = tpu.vector_load %arg9[%parallel_loop3A_1316, %parallel_loop3A_1317, %parallel_loop3A_1318] {strides = array<i32>} : memref<2x80x64xf32, #tpu.memory_space<vmem>>, vector<1x1x16xf32>,
        %parallel_loop3A_1320 = vector.shape_cast %parallel_loop3A_1319 : vector<1x1x16xf32> to vector<16xf32>
        %parallel_loop3A_1321 = tpu.bitcast %parallel_loop3A_1320 : vector<16xf32> -> vector<16xi32>
        %parallel_loop3A_1322 = arith.constant 16 : i32
        %parallel_loop3A_1323 = vector.broadcast %parallel_loop3A_1322 : i32 to vector<16xi32>
        %parallel_loop3A_1324 = arith.shli %parallel_loop3A_1321, %parallel_loop3A_1323 : vector<16xi32>
        %parallel_loop3A_1325 = tpu.bitcast %parallel_loop3A_1324 : vector<16xi32> -> vector<16xf32>
        %parallel_loop3A_1326 = arith.constant -65536 : i32
        %parallel_loop3A_1327 = vector.broadcast %parallel_loop3A_1326 : i32 to vector<16xi32>
        %parallel_loop3A_1328 = arith.andi %parallel_loop3A_1321, %parallel_loop3A_1327 : vector<16xi32>
        %parallel_loop3A_1329 = tpu.bitcast %parallel_loop3A_1328 : vector<16xi32> -> vector<16xf32>
        %parallel_loop3A_1330 = arith.constant 0 : i32
        %parallel_loop3A_1331 = arith.index_cast %parallel_loop3A_1330 : i32 to index
        %parallel_loop3A_1332 = arith.index_cast %parallel_loop3A_1167 : i32 to index
        %parallel_loop3A_1333 = arith.constant 48 : index
        %parallel_loop3A_1334 = tpu.vector_load %arg8[%parallel_loop3A_1331, %parallel_loop3A_1332, %parallel_loop3A_1333] {strides = array<i32>} : memref<2x80x128xf32, #tpu.memory_space<vmem>>, vector<1x1x16xf32>,
        %parallel_loop3A_1335 = vector.shape_cast %parallel_loop3A_1334 : vector<1x1x16xf32> to vector<16xf32>
        %parallel_loop3A_1336 = arith.addf %parallel_loop3A_1335, %parallel_loop3A_1325 : vector<16xf32>
        %parallel_loop3A_1337 = arith.constant 0.000000e+00 : f32
        %parallel_loop3A_1338 = vector.broadcast %parallel_loop3A_1337 : f32 to vector<16xf32>
        %parallel_loop3A_1339 = arith.maximumf %parallel_loop3A_1336, %parallel_loop3A_1338 : vector<16xf32>
        %parallel_loop3A_1340 = arith.constant 0 : i32
        %parallel_loop3A_1341 = arith.index_cast %parallel_loop3A_1340 : i32 to index
        %parallel_loop3A_1342 = arith.index_cast %parallel_loop3A_1167 : i32 to index
        %parallel_loop3A_1343 = arith.constant 48 : index
        %parallel_loop3A_1344 = tpu.vector_load %arg8[%parallel_loop3A_1341, %parallel_loop3A_1342, %parallel_loop3A_1343] {strides = array<i32>} : memref<2x80x128xf32, #tpu.memory_space<vmem>>, vector<1x1x16xf32>,
        %parallel_loop3A_1345 = vector.shape_cast %parallel_loop3A_1344 : vector<1x1x16xf32> to vector<16xf32>
        %parallel_loop3A_1346 = vector.shape_cast %parallel_loop3A_1339 : vector<16xf32> to vector<1x1x16xf32>
        tpu.vector_store %arg8[%parallel_loop3A_1341, %parallel_loop3A_1342, %parallel_loop3A_1343], %parallel_loop3A_1346 {strides = array<i32>} : memref<2x80x128xf32, #tpu.memory_space<vmem>>, vector<1x1x16xf32>,
        %parallel_loop3A_1347 = arith.constant 0 : i32
        %parallel_loop3A_1348 = arith.index_cast %parallel_loop3A_1347 : i32 to index
        %parallel_loop3A_1349 = arith.index_cast %parallel_loop3A_1167 : i32 to index
        %parallel_loop3A_1350 = arith.constant 112 : index
        %parallel_loop3A_1351 = tpu.vector_load %arg8[%parallel_loop3A_1348, %parallel_loop3A_1349, %parallel_loop3A_1350] {strides = array<i32>} : memref<2x80x128xf32, #tpu.memory_space<vmem>>, vector<1x1x16xf32>,
        %parallel_loop3A_1352 = vector.shape_cast %parallel_loop3A_1351 : vector<1x1x16xf32> to vector<16xf32>
        %parallel_loop3A_1353 = arith.addf %parallel_loop3A_1352, %parallel_loop3A_1329 : vector<16xf32>
        %parallel_loop3A_1354 = arith.constant 0.000000e+00 : f32
        %parallel_loop3A_1355 = vector.broadcast %parallel_loop3A_1354 : f32 to vector<16xf32>
        %parallel_loop3A_1356 = arith.maximumf %parallel_loop3A_1353, %parallel_loop3A_1355 : vector<16xf32>
        %parallel_loop3A_1357 = arith.constant 0 : i32
        %parallel_loop3A_1358 = arith.index_cast %parallel_loop3A_1357 : i32 to index
        %parallel_loop3A_1359 = arith.index_cast %parallel_loop3A_1167 : i32 to index
        %parallel_loop3A_1360 = arith.constant 112 : index
        %parallel_loop3A_1361 = tpu.vector_load %arg8[%parallel_loop3A_1358, %parallel_loop3A_1359, %parallel_loop3A_1360] {strides = array<i32>} : memref<2x80x128xf32, #tpu.memory_space<vmem>>, vector<1x1x16xf32>,
        %parallel_loop3A_1362 = vector.shape_cast %parallel_loop3A_1361 : vector<1x1x16xf32> to vector<16xf32>
        %parallel_loop3A_1363 = vector.shape_cast %parallel_loop3A_1356 : vector<16xf32> to vector<1x1x16xf32>
        tpu.vector_store %arg8[%parallel_loop3A_1358, %parallel_loop3A_1359, %parallel_loop3A_1360], %parallel_loop3A_1363 {strides = array<i32>} : memref<2x80x128xf32, #tpu.memory_space<vmem>>, vector<1x1x16xf32>,
      } {sc.loop_unroll_factor = 2 : i64, sc.parallel_access}
      %dma_start3A_1135 = arith.constant 0 : i32
      %dma_start3A_1136 = arith.constant 0 : i32
      %dma_start3A_1137 = arith.constant 1 : i32
      %dma_start3A_1138 = arith.constant 0 : i32
      %dma_start3A_1139 = arith.constant 0 : i32
      %dma_start3A_1140 = tpu.memref_slice %arg8[%dma_start3A_1135, %dma_start3A_1138, %dma_start3A_1139] : memref<2x80x128xf32, #tpu.memory_space<vmem>> -> memref<1x80x128xf32, #tpu.memory_space<vmem>>
      %dma_start3A_1141 = tpu.memref_squeeze %dma_start3A_1140 : memref<1x80x128xf32, #tpu.memory_space<vmem>> -> memref<80x128xf32, #tpu.memory_space<vmem>>
      %dma_start3A_1142 = arith.constant 0 : i32
      %dma_start3A_1143 = tpu.memref_slice %arg7[%dma_start3A_1136, %dma_start3A_1137, %dma_start3A_1142] : memref<4x2x80xi32, #tpu.memory_space<vmem>> -> memref<1x1x80xi32, #tpu.memory_space<vmem>>
      %dma_start3A_1144 = tpu.memref_squeeze %dma_start3A_1143 : memref<1x1x80xi32, #tpu.memory_space<vmem>> -> memref<80xi32, #tpu.memory_space<vmem>>
      %dma_start3A_1145 = arith.constant 0 : i32
      %dma_start3A_1146 = arith.constant 0 : i32
      %dma_start3A_1147 = tpu.memref_slice %arg10[%dma_start3A_1145, %dma_start3A_1146] : memref<10000x128xf32, #tpu.memory_space<vmem_shared>> -> memref<10000x128xf32, #tpu.memory_space<vmem_shared>>
      tpu.enqueue_indirect_dma source(%dma_start3A_1141 : memref<80x128xf32, #tpu.memory_space<vmem>>) target(%dma_start3A_1147 : memref<10000x128xf32, #tpu.memory_space<vmem_shared>>) offsets(%dma_start3A_1144 : memref<80xi32, #tpu.memory_space<vmem>>) semaphore(%arg19 : memref<!tpu.dma_semaphore, #tpu.memory_space<semaphore_mem>>) {add = true}
      %add3A_1148 = arith.constant 3 : i32
      %add3A_1149 = arith.addi %add3A_1037, %add3A_1148 : i32
      %dma_start3A_1150 = arith.constant 3 : i32
      %dma_start3A_1151 = arith.constant 0 : i32
      %dma_start3A_1152 = arith.constant 0 : i32
      %dma_start3A_1153 = tpu.memref_slice %arg7[%dma_start3A_1150, %dma_start3A_1151, %dma_start3A_1152] : memref<4x2x80xi32, #tpu.memory_space<vmem>> -> memref<1x2x80xi32, #tpu.memory_space<vmem>>
      %dma_start3A_1154 = tpu.memref_squeeze %dma_start3A_1153 : memref<1x2x80xi32, #tpu.memory_space<vmem>> -> memref<2x80xi32, #tpu.memory_space<vmem>>
      %dma_start3A_1155 = arith.constant 0 : i32
      %dma_start3A_1156 = arith.constant 0 : i32
      %dma_start3A_1157 = tpu.memref_slice %arg2[%add3A, %add3A_1149, %dma_start3A_1155, %dma_start3A_1156] : memref<32x125x2x80xi32, #tpu.memory_space<hbm>> -> memref<1x1x2x80xi32, #tpu.memory_space<hbm>>
      %dma_start3A_1158 = tpu.memref_squeeze %dma_start3A_1157 : memref<1x1x2x80xi32, #tpu.memory_space<hbm>> -> memref<2x80xi32, #tpu.memory_space<hbm>>
      %dma_start3A_1159 = arith.constant 0 : i32
      %dma_start3A_1160 = arith.constant 0 : i32
      %dma_start3A_1161 = tpu.memref_slice %arg7[%dma_start3A_1150, %dma_start3A_1159, %dma_start3A_1160] : memref<4x2x80xi32, #tpu.memory_space<vmem>> -> memref<1x2x80xi32, #tpu.memory_space<vmem>>
      %dma_start3A_1162 = tpu.memref_squeeze %dma_start3A_1161 : memref<1x2x80xi32, #tpu.memory_space<vmem>> -> memref<2x80xi32, #tpu.memory_space<vmem>>
      %dma_start3A_1163 = arith.constant 0 : i32
      %dma_start3A_1164 = arith.constant 0 : i32
      %dma_start3A_1165 = tpu.memref_slice %arg2[%add3A, %add3A_1149, %dma_start3A_1163, %dma_start3A_1164] : memref<32x125x2x80xi32, #tpu.memory_space<hbm>> -> memref<1x1x2x80xi32, #tpu.memory_space<hbm>>
      %dma_start3A_1166 = tpu.memref_squeeze %dma_start3A_1165 : memref<1x1x2x80xi32, #tpu.memory_space<hbm>> -> memref<2x80xi32, #tpu.memory_space<hbm>>
      tpu.enqueue_dma source(%dma_start3A_1166 : memref<2x80xi32, #tpu.memory_space<hbm>>) target(%dma_start3A_1162 : memref<2x80xi32, #tpu.memory_space<vmem>>) target_semaphore(%arg14 : memref<!tpu.dma_semaphore, #tpu.memory_space<semaphore_mem>>)
    }
    %scan3A_218 = arith.constant 30 : i32
    %dma_wait3A_219 = arith.constant 122 : i32
    %dma_wait3A_220 = arith.constant 2 : i32
    %dma_wait3A_221 = arith.constant 0 : i32
    %dma_wait3A_222 = arith.constant 0 : i32
    %dma_wait3A_223 = tpu.memref_slice %arg7[%dma_wait3A_220, %dma_wait3A_221, %dma_wait3A_222] : memref<4x2x80xi32, #tpu.memory_space<vmem>> -> memref<1x2x80xi32, #tpu.memory_space<vmem>>
    %dma_wait3A_224 = tpu.memref_squeeze %dma_wait3A_223 : memref<1x2x80xi32, #tpu.memory_space<vmem>> -> memref<2x80xi32, #tpu.memory_space<vmem>>
    %dma_wait3A_225 = arith.constant 0 : i32
    %dma_wait3A_226 = arith.constant 0 : i32
    %dma_wait3A_227 = tpu.memref_slice %arg2[%add3A, %dma_wait3A_219, %dma_wait3A_225, %dma_wait3A_226] : memref<32x125x2x80xi32, #tpu.memory_space<hbm>> -> memref<1x1x2x80xi32, #tpu.memory_space<hbm>>
    %dma_wait3A_228 = tpu.memref_squeeze %dma_wait3A_227 : memref<1x1x2x80xi32, #tpu.memory_space<hbm>> -> memref<2x80xi32, #tpu.memory_space<hbm>>
    %dma_wait3A_229 = arith.constant 0 : i32
    %dma_wait3A_230 = arith.constant 0 : i32
    %dma_wait3A_231 = tpu.memref_slice %arg7[%dma_wait3A_220, %dma_wait3A_229, %dma_wait3A_230] : memref<4x2x80xi32, #tpu.memory_space<vmem>> -> memref<1x2x80xi32, #tpu.memory_space<vmem>>
    %dma_wait3A_232 = tpu.memref_squeeze %dma_wait3A_231 : memref<1x2x80xi32, #tpu.memory_space<vmem>> -> memref<2x80xi32, #tpu.memory_space<vmem>>
    %dma_wait3A_233 = arith.constant 0 : i32
    %dma_wait3A_234 = arith.constant 0 : i32
    %dma_wait3A_235 = tpu.memref_slice %arg2[%add3A, %dma_wait3A_219, %dma_wait3A_233, %dma_wait3A_234] : memref<32x125x2x80xi32, #tpu.memory_space<hbm>> -> memref<1x1x2x80xi32, #tpu.memory_space<hbm>>
    %dma_wait3A_236 = tpu.memref_squeeze %dma_wait3A_235 : memref<1x1x2x80xi32, #tpu.memory_space<hbm>> -> memref<2x80xi32, #tpu.memory_space<hbm>>
    tpu.wait_dma2 semaphore(%arg13 : memref<!tpu.dma_semaphore, #tpu.memory_space<semaphore_mem>>) src(%dma_wait3A_236 : memref<2x80xi32, #tpu.memory_space<hbm>>) dst(%dma_wait3A_232 : memref<2x80xi32, #tpu.memory_space<vmem>>)
    %dma_wait3A_237 = arith.constant 0 : i32
    %dma_wait3A_238 = arith.constant 0 : i32
    %dma_wait3A_239 = arith.constant 1 : i32
    %dma_wait3A_240 = arith.constant 0 : i32
    %dma_wait3A_241 = arith.constant 0 : i32
    %dma_wait3A_242 = tpu.memref_slice %arg8[%dma_wait3A_237, %dma_wait3A_240, %dma_wait3A_241] : memref<2x80x128xf32, #tpu.memory_space<vmem>> -> memref<1x80x128xf32, #tpu.memory_space<vmem>>
    %dma_wait3A_243 = tpu.memref_squeeze %dma_wait3A_242 : memref<1x80x128xf32, #tpu.memory_space<vmem>> -> memref<80x128xf32, #tpu.memory_space<vmem>>
    %dma_wait3A_244 = arith.constant 0 : i32
    %dma_wait3A_245 = tpu.memref_slice %arg7[%dma_wait3A_238, %dma_wait3A_239, %dma_wait3A_244] : memref<4x2x80xi32, #tpu.memory_space<vmem>> -> memref<1x1x80xi32, #tpu.memory_space<vmem>>
    %dma_wait3A_246 = tpu.memref_squeeze %dma_wait3A_245 : memref<1x1x80xi32, #tpu.memory_space<vmem>> -> memref<80xi32, #tpu.memory_space<vmem>>
    %dma_wait3A_247 = arith.constant 0 : i32
    %dma_wait3A_248 = arith.constant 0 : i32
    %dma_wait3A_249 = tpu.memref_slice %arg10[%dma_wait3A_247, %dma_wait3A_248] : memref<10000x128xf32, #tpu.memory_space<vmem_shared>> -> memref<10000x128xf32, #tpu.memory_space<vmem_shared>>
    tpu.wait_indirect_dma semaphore(%arg19 : memref<!tpu.dma_semaphore, #tpu.memory_space<semaphore_mem>>) src(%dma_wait3A_243 : memref<80x128xf32, #tpu.memory_space<vmem>>) dst(%dma_wait3A_249 : memref<10000x128xf32, #tpu.memory_space<vmem_shared>>)
    %dma_start3A_250 = arith.constant 2 : i32
    %dma_start3A_251 = arith.constant 0 : i32
    %dma_start3A_252 = arith.constant 0 : i32
    %dma_start3A_253 = arith.constant 0 : i32
    %dma_start3A_254 = arith.constant 0 : i32
    %dma_start3A_255 = tpu.memref_slice %arg8[%dma_start3A_252, %dma_start3A_253, %dma_start3A_254] : memref<2x80x128xf32, #tpu.memory_space<vmem>> -> memref<1x80x128xf32, #tpu.memory_space<vmem>>
    %dma_start3A_256 = tpu.memref_squeeze %dma_start3A_255 : memref<1x80x128xf32, #tpu.memory_space<vmem>> -> memref<80x128xf32, #tpu.memory_space<vmem>>
    %dma_start3A_257 = arith.constant 0 : i32
    %dma_start3A_258 = tpu.memref_slice %arg7[%dma_start3A_250, %dma_start3A_251, %dma_start3A_257] : memref<4x2x80xi32, #tpu.memory_space<vmem>> -> memref<1x1x80xi32, #tpu.memory_space<vmem>>
    %dma_start3A_259 = tpu.memref_squeeze %dma_start3A_258 : memref<1x1x80xi32, #tpu.memory_space<vmem>> -> memref<80xi32, #tpu.memory_space<vmem>>
    %dma_start3A_260 = arith.constant 0 : i32
    %dma_start3A_261 = arith.constant 0 : i32
    %dma_start3A_262 = tpu.memref_slice %arg3[%dma_start3A_260, %dma_start3A_261] : memref<10000x128xf32, #tpu.memory_space<hbm>> -> memref<10000x128xf32, #tpu.memory_space<hbm>>
    tpu.enqueue_indirect_dma source(%dma_start3A_262 : memref<10000x128xf32, #tpu.memory_space<hbm>>) target(%dma_start3A_256 : memref<80x128xf32, #tpu.memory_space<vmem>>) offsets(%dma_start3A_259 : memref<80xi32, #tpu.memory_space<vmem>>) semaphore(%arg15 : memref<!tpu.dma_semaphore, #tpu.memory_space<semaphore_mem>>)
    %add3A_263 = arith.constant 9760 : i32
    %add3A_264 = arith.addi %mul3A_2, %add3A_263 : i32
    %dma_start3A_265 = arith.constant 0 : i32
    %dma_start3A_266 = arith.constant 0 : i32
    %dma_start3A_267 = arith.constant 0 : i32
    %dma_start3A_268 = tpu.memref_slice %arg9[%dma_start3A_265, %dma_start3A_266, %dma_start3A_267] : memref<2x80x64xf32, #tpu.memory_space<vmem>> -> memref<1x80x64xf32, #tpu.memory_space<vmem>>
    %dma_start3A_269 = tpu.memref_squeeze %dma_start3A_268 : memref<1x80x64xf32, #tpu.memory_space<vmem>> -> memref<80x64xf32, #tpu.memory_space<vmem>>
    %dma_start3A_270 = arith.constant 0 : i32
    %dma_start3A_271 = tpu.memref_slice %arg4[%add3A_264, %dma_start3A_270] : memref<320000x64xf32, #tpu.memory_space<hbm>> -> memref<80x64xf32, #tpu.memory_space<hbm>>
    %dma_start3A_272 = arith.constant 0 : i32
    %dma_start3A_273 = arith.constant 0 : i32
    %dma_start3A_274 = tpu.memref_slice %arg9[%dma_start3A_265, %dma_start3A_272, %dma_start3A_273] : memref<2x80x64xf32, #tpu.memory_space<vmem>> -> memref<1x80x64xf32, #tpu.memory_space<vmem>>
    %dma_start3A_275 = tpu.memref_squeeze %dma_start3A_274 : memref<1x80x64xf32, #tpu.memory_space<vmem>> -> memref<80x64xf32, #tpu.memory_space<vmem>>
    %dma_start3A_276 = arith.constant 0 : i32
    %dma_start3A_277 = tpu.memref_slice %arg4[%add3A_264, %dma_start3A_276] : memref<320000x64xf32, #tpu.memory_space<hbm>> -> memref<80x64xf32, #tpu.memory_space<hbm>>
    tpu.enqueue_dma source(%dma_start3A_277 : memref<80x64xf32, #tpu.memory_space<hbm>>) target(%dma_start3A_275 : memref<80x64xf32, #tpu.memory_space<vmem>>) target_semaphore(%arg17 : memref<!tpu.dma_semaphore, #tpu.memory_space<semaphore_mem>>)
    %dma_wait3A_278 = arith.constant 1 : i32
    %dma_wait3A_279 = arith.constant 0 : i32
    %dma_wait3A_280 = arith.constant 1 : i32
    %dma_wait3A_281 = arith.constant 0 : i32
    %dma_wait3A_282 = arith.constant 0 : i32
    %dma_wait3A_283 = tpu.memref_slice %arg8[%dma_wait3A_280, %dma_wait3A_281, %dma_wait3A_282] : memref<2x80x128xf32, #tpu.memory_space<vmem>> -> memref<1x80x128xf32, #tpu.memory_space<vmem>>
    %dma_wait3A_284 = tpu.memref_squeeze %dma_wait3A_283 : memref<1x80x128xf32, #tpu.memory_space<vmem>> -> memref<80x128xf32, #tpu.memory_space<vmem>>
    %dma_wait3A_285 = arith.constant 0 : i32
    %dma_wait3A_286 = tpu.memref_slice %arg7[%dma_wait3A_278, %dma_wait3A_279, %dma_wait3A_285] : memref<4x2x80xi32, #tpu.memory_space<vmem>> -> memref<1x1x80xi32, #tpu.memory_space<vmem>>
    %dma_wait3A_287 = tpu.memref_squeeze %dma_wait3A_286 : memref<1x1x80xi32, #tpu.memory_space<vmem>> -> memref<80xi32, #tpu.memory_space<vmem>>
    %dma_wait3A_288 = arith.constant 0 : i32
    %dma_wait3A_289 = arith.constant 0 : i32
    %dma_wait3A_290 = tpu.memref_slice %arg3[%dma_wait3A_288, %dma_wait3A_289] : memref<10000x128xf32, #tpu.memory_space<hbm>> -> memref<10000x128xf32, #tpu.memory_space<hbm>>
    tpu.wait_indirect_dma semaphore(%arg16 : memref<!tpu.dma_semaphore, #tpu.memory_space<semaphore_mem>>) src(%dma_wait3A_290 : memref<10000x128xf32, #tpu.memory_space<hbm>>) dst(%dma_wait3A_284 : memref<80x128xf32, #tpu.memory_space<vmem>>)
    %add3A_291 = arith.constant 9680 : i32
    %add3A_292 = arith.addi %mul3A_2, %add3A_291 : i32
    %dma_wait3A_293 = arith.constant 1 : i32
    %dma_wait3A_294 = arith.constant 0 : i32
    %dma_wait3A_295 = arith.constant 0 : i32
    %dma_wait3A_296 = tpu.memref_slice %arg9[%dma_wait3A_293, %dma_wait3A_294, %dma_wait3A_295] : memref<2x80x64xf32, #tpu.memory_space<vmem>> -> memref<1x80x64xf32, #tpu.memory_space<vmem>>
    %dma_wait3A_297 = tpu.memref_squeeze %dma_wait3A_296 : memref<1x80x64xf32, #tpu.memory_space<vmem>> -> memref<80x64xf32, #tpu.memory_space<vmem>>
    %dma_wait3A_298 = arith.constant 0 : i32
    %dma_wait3A_299 = tpu.memref_slice %arg4[%add3A_292, %dma_wait3A_298] : memref<320000x64xf32, #tpu.memory_space<hbm>> -> memref<80x64xf32, #tpu.memory_space<hbm>>
    %dma_wait3A_300 = arith.constant 0 : i32
    %dma_wait3A_301 = arith.constant 0 : i32
    %dma_wait3A_302 = tpu.memref_slice %arg9[%dma_wait3A_293, %dma_wait3A_300, %dma_wait3A_301] : memref<2x80x64xf32, #tpu.memory_space<vmem>> -> memref<1x80x64xf32, #tpu.memory_space<vmem>>
    %dma_wait3A_303 = tpu.memref_squeeze %dma_wait3A_302 : memref<1x80x64xf32, #tpu.memory_space<vmem>> -> memref<80x64xf32, #tpu.memory_space<vmem>>
    %dma_wait3A_304 = arith.constant 0 : i32
    %dma_wait3A_305 = tpu.memref_slice %arg4[%add3A_292, %dma_wait3A_304] : memref<320000x64xf32, #tpu.memory_space<hbm>> -> memref<80x64xf32, #tpu.memory_space<hbm>>
    tpu.wait_dma2 semaphore(%arg18 : memref<!tpu.dma_semaphore, #tpu.memory_space<semaphore_mem>>) src(%dma_wait3A_305 : memref<80x64xf32, #tpu.memory_space<hbm>>) dst(%dma_wait3A_303 : memref<80x64xf32, #tpu.memory_space<vmem>>)
    %parallel_loop3A_306 = arith.constant 0 : i32
    %parallel_loop3A_307 = arith.constant 80 : i32
    %parallel_loop3A_308 = arith.constant 1 : i32
    scf.for %parallel_loop3A_627 = %parallel_loop3A_306 to %parallel_loop3A_307 step %parallel_loop3A_308  : i32 {
      %parallel_loop3A_628 = arith.constant 1 : i32
      %parallel_loop3A_629 = arith.index_cast %parallel_loop3A_628 : i32 to index
      %parallel_loop3A_630 = arith.index_cast %parallel_loop3A_627 : i32 to index
      %parallel_loop3A_631 = arith.constant 0 : index
      %parallel_loop3A_632 = tpu.vector_load %arg9[%parallel_loop3A_629, %parallel_loop3A_630, %parallel_loop3A_631] {strides = array<i32>} : memref<2x80x64xf32, #tpu.memory_space<vmem>>, vector<1x1x16xf32>,
      %parallel_loop3A_633 = vector.shape_cast %parallel_loop3A_632 : vector<1x1x16xf32> to vector<16xf32>
      %parallel_loop3A_634 = tpu.bitcast %parallel_loop3A_633 : vector<16xf32> -> vector<16xi32>
      %parallel_loop3A_635 = arith.constant 16 : i32
      %parallel_loop3A_636 = vector.broadcast %parallel_loop3A_635 : i32 to vector<16xi32>
      %parallel_loop3A_637 = arith.shli %parallel_loop3A_634, %parallel_loop3A_636 : vector<16xi32>
      %parallel_loop3A_638 = tpu.bitcast %parallel_loop3A_637 : vector<16xi32> -> vector<16xf32>
      %parallel_loop3A_639 = arith.constant -65536 : i32
      %parallel_loop3A_640 = vector.broadcast %parallel_loop3A_639 : i32 to vector<16xi32>
      %parallel_loop3A_641 = arith.andi %parallel_loop3A_634, %parallel_loop3A_640 : vector<16xi32>
      %parallel_loop3A_642 = tpu.bitcast %parallel_loop3A_641 : vector<16xi32> -> vector<16xf32>
      %parallel_loop3A_643 = arith.constant 1 : i32
      %parallel_loop3A_644 = arith.index_cast %parallel_loop3A_643 : i32 to index
      %parallel_loop3A_645 = arith.index_cast %parallel_loop3A_627 : i32 to index
      %parallel_loop3A_646 = arith.constant 0 : index
      %parallel_loop3A_647 = tpu.vector_load %arg8[%parallel_loop3A_644, %parallel_loop3A_645, %parallel_loop3A_646] {strides = array<i32>} : memref<2x80x128xf32, #tpu.memory_space<vmem>>, vector<1x1x16xf32>,
      %parallel_loop3A_648 = vector.shape_cast %parallel_loop3A_647 : vector<1x1x16xf32> to vector<16xf32>
      %parallel_loop3A_649 = arith.addf %parallel_loop3A_648, %parallel_loop3A_638 : vector<16xf32>
      %parallel_loop3A_650 = arith.constant 0.000000e+00 : f32
      %parallel_loop3A_651 = vector.broadcast %parallel_loop3A_650 : f32 to vector<16xf32>
      %parallel_loop3A_652 = arith.maximumf %parallel_loop3A_649, %parallel_loop3A_651 : vector<16xf32>
      %parallel_loop3A_653 = arith.constant 1 : i32
      %parallel_loop3A_654 = arith.index_cast %parallel_loop3A_653 : i32 to index
      %parallel_loop3A_655 = arith.index_cast %parallel_loop3A_627 : i32 to index
      %parallel_loop3A_656 = arith.constant 0 : index
      %parallel_loop3A_657 = tpu.vector_load %arg8[%parallel_loop3A_654, %parallel_loop3A_655, %parallel_loop3A_656] {strides = array<i32>} : memref<2x80x128xf32, #tpu.memory_space<vmem>>, vector<1x1x16xf32>,
      %parallel_loop3A_658 = vector.shape_cast %parallel_loop3A_657 : vector<1x1x16xf32> to vector<16xf32>
      %parallel_loop3A_659 = vector.shape_cast %parallel_loop3A_652 : vector<16xf32> to vector<1x1x16xf32>
      tpu.vector_store %arg8[%parallel_loop3A_654, %parallel_loop3A_655, %parallel_loop3A_656], %parallel_loop3A_659 {strides = array<i32>} : memref<2x80x128xf32, #tpu.memory_space<vmem>>, vector<1x1x16xf32>,
      %parallel_loop3A_660 = arith.constant 1 : i32
      %parallel_loop3A_661 = arith.index_cast %parallel_loop3A_660 : i32 to index
      %parallel_loop3A_662 = arith.index_cast %parallel_loop3A_627 : i32 to index
      %parallel_loop3A_663 = arith.constant 64 : index
      %parallel_loop3A_664 = tpu.vector_load %arg8[%parallel_loop3A_661, %parallel_loop3A_662, %parallel_loop3A_663] {strides = array<i32>} : memref<2x80x128xf32, #tpu.memory_space<vmem>>, vector<1x1x16xf32>,
      %parallel_loop3A_665 = vector.shape_cast %parallel_loop3A_664 : vector<1x1x16xf32> to vector<16xf32>
      %parallel_loop3A_666 = arith.addf %parallel_loop3A_665, %parallel_loop3A_642 : vector<16xf32>
      %parallel_loop3A_667 = arith.constant 0.000000e+00 : f32
      %parallel_loop3A_668 = vector.broadcast %parallel_loop3A_667 : f32 to vector<16xf32>
      %parallel_loop3A_669 = arith.maximumf %parallel_loop3A_666, %parallel_loop3A_668 : vector<16xf32>
      %parallel_loop3A_670 = arith.constant 1 : i32
      %parallel_loop3A_671 = arith.index_cast %parallel_loop3A_670 : i32 to index
      %parallel_loop3A_672 = arith.index_cast %parallel_loop3A_627 : i32 to index
      %parallel_loop3A_673 = arith.constant 64 : index
      %parallel_loop3A_674 = tpu.vector_load %arg8[%parallel_loop3A_671, %parallel_loop3A_672, %parallel_loop3A_673] {strides = array<i32>} : memref<2x80x128xf32, #tpu.memory_space<vmem>>, vector<1x1x16xf32>,
      %parallel_loop3A_675 = vector.shape_cast %parallel_loop3A_674 : vector<1x1x16xf32> to vector<16xf32>
      %parallel_loop3A_676 = vector.shape_cast %parallel_loop3A_669 : vector<16xf32> to vector<1x1x16xf32>
      tpu.vector_store %arg8[%parallel_loop3A_671, %parallel_loop3A_672, %parallel_loop3A_673], %parallel_loop3A_676 {strides = array<i32>} : memref<2x80x128xf32, #tpu.memory_space<vmem>>, vector<1x1x16xf32>,
      %parallel_loop3A_677 = arith.constant 1 : i32
      %parallel_loop3A_678 = arith.index_cast %parallel_loop3A_677 : i32 to index
      %parallel_loop3A_679 = arith.index_cast %parallel_loop3A_627 : i32 to index
      %parallel_loop3A_680 = arith.constant 16 : index
      %parallel_loop3A_681 = tpu.vector_load %arg9[%parallel_loop3A_678, %parallel_loop3A_679, %parallel_loop3A_680] {strides = array<i32>} : memref<2x80x64xf32, #tpu.memory_space<vmem>>, vector<1x1x16xf32>,
      %parallel_loop3A_682 = vector.shape_cast %parallel_loop3A_681 : vector<1x1x16xf32> to vector<16xf32>
      %parallel_loop3A_683 = tpu.bitcast %parallel_loop3A_682 : vector<16xf32> -> vector<16xi32>
      %parallel_loop3A_684 = arith.constant 16 : i32
      %parallel_loop3A_685 = vector.broadcast %parallel_loop3A_684 : i32 to vector<16xi32>
      %parallel_loop3A_686 = arith.shli %parallel_loop3A_683, %parallel_loop3A_685 : vector<16xi32>
      %parallel_loop3A_687 = tpu.bitcast %parallel_loop3A_686 : vector<16xi32> -> vector<16xf32>
      %parallel_loop3A_688 = arith.constant -65536 : i32
      %parallel_loop3A_689 = vector.broadcast %parallel_loop3A_688 : i32 to vector<16xi32>
      %parallel_loop3A_690 = arith.andi %parallel_loop3A_683, %parallel_loop3A_689 : vector<16xi32>
      %parallel_loop3A_691 = tpu.bitcast %parallel_loop3A_690 : vector<16xi32> -> vector<16xf32>
      %parallel_loop3A_692 = arith.constant 1 : i32
      %parallel_loop3A_693 = arith.index_cast %parallel_loop3A_692 : i32 to index
      %parallel_loop3A_694 = arith.index_cast %parallel_loop3A_627 : i32 to index
      %parallel_loop3A_695 = arith.constant 16 : index
      %parallel_loop3A_696 = tpu.vector_load %arg8[%parallel_loop3A_693, %parallel_loop3A_694, %parallel_loop3A_695] {strides = array<i32>} : memref<2x80x128xf32, #tpu.memory_space<vmem>>, vector<1x1x16xf32>,
      %parallel_loop3A_697 = vector.shape_cast %parallel_loop3A_696 : vector<1x1x16xf32> to vector<16xf32>
      %parallel_loop3A_698 = arith.addf %parallel_loop3A_697, %parallel_loop3A_687 : vector<16xf32>
      %parallel_loop3A_699 = arith.constant 0.000000e+00 : f32
      %parallel_loop3A_700 = vector.broadcast %parallel_loop3A_699 : f32 to vector<16xf32>
      %parallel_loop3A_701 = arith.maximumf %parallel_loop3A_698, %parallel_loop3A_700 : vector<16xf32>
      %parallel_loop3A_702 = arith.constant 1 : i32
      %parallel_loop3A_703 = arith.index_cast %parallel_loop3A_702 : i32 to index
      %parallel_loop3A_704 = arith.index_cast %parallel_loop3A_627 : i32 to index
      %parallel_loop3A_705 = arith.constant 16 : index
      %parallel_loop3A_706 = tpu.vector_load %arg8[%parallel_loop3A_703, %parallel_loop3A_704, %parallel_loop3A_705] {strides = array<i32>} : memref<2x80x128xf32, #tpu.memory_space<vmem>>, vector<1x1x16xf32>,
      %parallel_loop3A_707 = vector.shape_cast %parallel_loop3A_706 : vector<1x1x16xf32> to vector<16xf32>
      %parallel_loop3A_708 = vector.shape_cast %parallel_loop3A_701 : vector<16xf32> to vector<1x1x16xf32>
      tpu.vector_store %arg8[%parallel_loop3A_703, %parallel_loop3A_704, %parallel_loop3A_705], %parallel_loop3A_708 {strides = array<i32>} : memref<2x80x128xf32, #tpu.memory_space<vmem>>, vector<1x1x16xf32>,
      %parallel_loop3A_709 = arith.constant 1 : i32
      %parallel_loop3A_710 = arith.index_cast %parallel_loop3A_709 : i32 to index
      %parallel_loop3A_711 = arith.index_cast %parallel_loop3A_627 : i32 to index
      %parallel_loop3A_712 = arith.constant 80 : index
      %parallel_loop3A_713 = tpu.vector_load %arg8[%parallel_loop3A_710, %parallel_loop3A_711, %parallel_loop3A_712] {strides = array<i32>} : memref<2x80x128xf32, #tpu.memory_space<vmem>>, vector<1x1x16xf32>,
      %parallel_loop3A_714 = vector.shape_cast %parallel_loop3A_713 : vector<1x1x16xf32> to vector<16xf32>
      %parallel_loop3A_715 = arith.addf %parallel_loop3A_714, %parallel_loop3A_691 : vector<16xf32>
      %parallel_loop3A_716 = arith.constant 0.000000e+00 : f32
      %parallel_loop3A_717 = vector.broadcast %parallel_loop3A_716 : f32 to vector<16xf32>
      %parallel_loop3A_718 = arith.maximumf %parallel_loop3A_715, %parallel_loop3A_717 : vector<16xf32>
      %parallel_loop3A_719 = arith.constant 1 : i32
      %parallel_loop3A_720 = arith.index_cast %parallel_loop3A_719 : i32 to index
      %parallel_loop3A_721 = arith.index_cast %parallel_loop3A_627 : i32 to index
      %parallel_loop3A_722 = arith.constant 80 : index
      %parallel_loop3A_723 = tpu.vector_load %arg8[%parallel_loop3A_720, %parallel_loop3A_721, %parallel_loop3A_722] {strides = array<i32>} : memref<2x80x128xf32, #tpu.memory_space<vmem>>, vector<1x1x16xf32>,
      %parallel_loop3A_724 = vector.shape_cast %parallel_loop3A_723 : vector<1x1x16xf32> to vector<16xf32>
      %parallel_loop3A_725 = vector.shape_cast %parallel_loop3A_718 : vector<16xf32> to vector<1x1x16xf32>
      tpu.vector_store %arg8[%parallel_loop3A_720, %parallel_loop3A_721, %parallel_loop3A_722], %parallel_loop3A_725 {strides = array<i32>} : memref<2x80x128xf32, #tpu.memory_space<vmem>>, vector<1x1x16xf32>,
      %parallel_loop3A_726 = arith.constant 1 : i32
      %parallel_loop3A_727 = arith.index_cast %parallel_loop3A_726 : i32 to index
      %parallel_loop3A_728 = arith.index_cast %parallel_loop3A_627 : i32 to index
      %parallel_loop3A_729 = arith.constant 32 : index
      %parallel_loop3A_730 = tpu.vector_load %arg9[%parallel_loop3A_727, %parallel_loop3A_728, %parallel_loop3A_729] {strides = array<i32>} : memref<2x80x64xf32, #tpu.memory_space<vmem>>, vector<1x1x16xf32>,
      %parallel_loop3A_731 = vector.shape_cast %parallel_loop3A_730 : vector<1x1x16xf32> to vector<16xf32>
      %parallel_loop3A_732 = tpu.bitcast %parallel_loop3A_731 : vector<16xf32> -> vector<16xi32>
      %parallel_loop3A_733 = arith.constant 16 : i32
      %parallel_loop3A_734 = vector.broadcast %parallel_loop3A_733 : i32 to vector<16xi32>
      %parallel_loop3A_735 = arith.shli %parallel_loop3A_732, %parallel_loop3A_734 : vector<16xi32>
      %parallel_loop3A_736 = tpu.bitcast %parallel_loop3A_735 : vector<16xi32> -> vector<16xf32>
      %parallel_loop3A_737 = arith.constant -65536 : i32
      %parallel_loop3A_738 = vector.broadcast %parallel_loop3A_737 : i32 to vector<16xi32>
      %parallel_loop3A_739 = arith.andi %parallel_loop3A_732, %parallel_loop3A_738 : vector<16xi32>
      %parallel_loop3A_740 = tpu.bitcast %parallel_loop3A_739 : vector<16xi32> -> vector<16xf32>
      %parallel_loop3A_741 = arith.constant 1 : i32
      %parallel_loop3A_742 = arith.index_cast %parallel_loop3A_741 : i32 to index
      %parallel_loop3A_743 = arith.index_cast %parallel_loop3A_627 : i32 to index
      %parallel_loop3A_744 = arith.constant 32 : index
      %parallel_loop3A_745 = tpu.vector_load %arg8[%parallel_loop3A_742, %parallel_loop3A_743, %parallel_loop3A_744] {strides = array<i32>} : memref<2x80x128xf32, #tpu.memory_space<vmem>>, vector<1x1x16xf32>,
      %parallel_loop3A_746 = vector.shape_cast %parallel_loop3A_745 : vector<1x1x16xf32> to vector<16xf32>
      %parallel_loop3A_747 = arith.addf %parallel_loop3A_746, %parallel_loop3A_736 : vector<16xf32>
      %parallel_loop3A_748 = arith.constant 0.000000e+00 : f32
      %parallel_loop3A_749 = vector.broadcast %parallel_loop3A_748 : f32 to vector<16xf32>
      %parallel_loop3A_750 = arith.maximumf %parallel_loop3A_747, %parallel_loop3A_749 : vector<16xf32>
      %parallel_loop3A_751 = arith.constant 1 : i32
      %parallel_loop3A_752 = arith.index_cast %parallel_loop3A_751 : i32 to index
      %parallel_loop3A_753 = arith.index_cast %parallel_loop3A_627 : i32 to index
      %parallel_loop3A_754 = arith.constant 32 : index
      %parallel_loop3A_755 = tpu.vector_load %arg8[%parallel_loop3A_752, %parallel_loop3A_753, %parallel_loop3A_754] {strides = array<i32>} : memref<2x80x128xf32, #tpu.memory_space<vmem>>, vector<1x1x16xf32>,
      %parallel_loop3A_756 = vector.shape_cast %parallel_loop3A_755 : vector<1x1x16xf32> to vector<16xf32>
      %parallel_loop3A_757 = vector.shape_cast %parallel_loop3A_750 : vector<16xf32> to vector<1x1x16xf32>
      tpu.vector_store %arg8[%parallel_loop3A_752, %parallel_loop3A_753, %parallel_loop3A_754], %parallel_loop3A_757 {strides = array<i32>} : memref<2x80x128xf32, #tpu.memory_space<vmem>>, vector<1x1x16xf32>,
      %parallel_loop3A_758 = arith.constant 1 : i32
      %parallel_loop3A_759 = arith.index_cast %parallel_loop3A_758 : i32 to index
      %parallel_loop3A_760 = arith.index_cast %parallel_loop3A_627 : i32 to index
      %parallel_loop3A_761 = arith.constant 96 : index
      %parallel_loop3A_762 = tpu.vector_load %arg8[%parallel_loop3A_759, %parallel_loop3A_760, %parallel_loop3A_761] {strides = array<i32>} : memref<2x80x128xf32, #tpu.memory_space<vmem>>, vector<1x1x16xf32>,
      %parallel_loop3A_763 = vector.shape_cast %parallel_loop3A_762 : vector<1x1x16xf32> to vector<16xf32>
      %parallel_loop3A_764 = arith.addf %parallel_loop3A_763, %parallel_loop3A_740 : vector<16xf32>
      %parallel_loop3A_765 = arith.constant 0.000000e+00 : f32
      %parallel_loop3A_766 = vector.broadcast %parallel_loop3A_765 : f32 to vector<16xf32>
      %parallel_loop3A_767 = arith.maximumf %parallel_loop3A_764, %parallel_loop3A_766 : vector<16xf32>
      %parallel_loop3A_768 = arith.constant 1 : i32
      %parallel_loop3A_769 = arith.index_cast %parallel_loop3A_768 : i32 to index
      %parallel_loop3A_770 = arith.index_cast %parallel_loop3A_627 : i32 to index
      %parallel_loop3A_771 = arith.constant 96 : index
      %parallel_loop3A_772 = tpu.vector_load %arg8[%parallel_loop3A_769, %parallel_loop3A_770, %parallel_loop3A_771] {strides = array<i32>} : memref<2x80x128xf32, #tpu.memory_space<vmem>>, vector<1x1x16xf32>,
      %parallel_loop3A_773 = vector.shape_cast %parallel_loop3A_772 : vector<1x1x16xf32> to vector<16xf32>
      %parallel_loop3A_774 = vector.shape_cast %parallel_loop3A_767 : vector<16xf32> to vector<1x1x16xf32>
      tpu.vector_store %arg8[%parallel_loop3A_769, %parallel_loop3A_770, %parallel_loop3A_771], %parallel_loop3A_774 {strides = array<i32>} : memref<2x80x128xf32, #tpu.memory_space<vmem>>, vector<1x1x16xf32>,
      %parallel_loop3A_775 = arith.constant 1 : i32
      %parallel_loop3A_776 = arith.index_cast %parallel_loop3A_775 : i32 to index
      %parallel_loop3A_777 = arith.index_cast %parallel_loop3A_627 : i32 to index
      %parallel_loop3A_778 = arith.constant 48 : index
      %parallel_loop3A_779 = tpu.vector_load %arg9[%parallel_loop3A_776, %parallel_loop3A_777, %parallel_loop3A_778] {strides = array<i32>} : memref<2x80x64xf32, #tpu.memory_space<vmem>>, vector<1x1x16xf32>,
      %parallel_loop3A_780 = vector.shape_cast %parallel_loop3A_779 : vector<1x1x16xf32> to vector<16xf32>
      %parallel_loop3A_781 = tpu.bitcast %parallel_loop3A_780 : vector<16xf32> -> vector<16xi32>
      %parallel_loop3A_782 = arith.constant 16 : i32
      %parallel_loop3A_783 = vector.broadcast %parallel_loop3A_782 : i32 to vector<16xi32>
      %parallel_loop3A_784 = arith.shli %parallel_loop3A_781, %parallel_loop3A_783 : vector<16xi32>
      %parallel_loop3A_785 = tpu.bitcast %parallel_loop3A_784 : vector<16xi32> -> vector<16xf32>
      %parallel_loop3A_786 = arith.constant -65536 : i32
      %parallel_loop3A_787 = vector.broadcast %parallel_loop3A_786 : i32 to vector<16xi32>
      %parallel_loop3A_788 = arith.andi %parallel_loop3A_781, %parallel_loop3A_787 : vector<16xi32>
      %parallel_loop3A_789 = tpu.bitcast %parallel_loop3A_788 : vector<16xi32> -> vector<16xf32>
      %parallel_loop3A_790 = arith.constant 1 : i32
      %parallel_loop3A_791 = arith.index_cast %parallel_loop3A_790 : i32 to index
      %parallel_loop3A_792 = arith.index_cast %parallel_loop3A_627 : i32 to index
      %parallel_loop3A_793 = arith.constant 48 : index
      %parallel_loop3A_794 = tpu.vector_load %arg8[%parallel_loop3A_791, %parallel_loop3A_792, %parallel_loop3A_793] {strides = array<i32>} : memref<2x80x128xf32, #tpu.memory_space<vmem>>, vector<1x1x16xf32>,
      %parallel_loop3A_795 = vector.shape_cast %parallel_loop3A_794 : vector<1x1x16xf32> to vector<16xf32>
      %parallel_loop3A_796 = arith.addf %parallel_loop3A_795, %parallel_loop3A_785 : vector<16xf32>
      %parallel_loop3A_797 = arith.constant 0.000000e+00 : f32
      %parallel_loop3A_798 = vector.broadcast %parallel_loop3A_797 : f32 to vector<16xf32>
      %parallel_loop3A_799 = arith.maximumf %parallel_loop3A_796, %parallel_loop3A_798 : vector<16xf32>
      %parallel_loop3A_800 = arith.constant 1 : i32
      %parallel_loop3A_801 = arith.index_cast %parallel_loop3A_800 : i32 to index
      %parallel_loop3A_802 = arith.index_cast %parallel_loop3A_627 : i32 to index
      %parallel_loop3A_803 = arith.constant 48 : index
      %parallel_loop3A_804 = tpu.vector_load %arg8[%parallel_loop3A_801, %parallel_loop3A_802, %parallel_loop3A_803] {strides = array<i32>} : memref<2x80x128xf32, #tpu.memory_space<vmem>>, vector<1x1x16xf32>,
      %parallel_loop3A_805 = vector.shape_cast %parallel_loop3A_804 : vector<1x1x16xf32> to vector<16xf32>
      %parallel_loop3A_806 = vector.shape_cast %parallel_loop3A_799 : vector<16xf32> to vector<1x1x16xf32>
      tpu.vector_store %arg8[%parallel_loop3A_801, %parallel_loop3A_802, %parallel_loop3A_803], %parallel_loop3A_806 {strides = array<i32>} : memref<2x80x128xf32, #tpu.memory_space<vmem>>, vector<1x1x16xf32>,
      %parallel_loop3A_807 = arith.constant 1 : i32
      %parallel_loop3A_808 = arith.index_cast %parallel_loop3A_807 : i32 to index
      %parallel_loop3A_809 = arith.index_cast %parallel_loop3A_627 : i32 to index
      %parallel_loop3A_810 = arith.constant 112 : index
      %parallel_loop3A_811 = tpu.vector_load %arg8[%parallel_loop3A_808, %parallel_loop3A_809, %parallel_loop3A_810] {strides = array<i32>} : memref<2x80x128xf32, #tpu.memory_space<vmem>>, vector<1x1x16xf32>,
      %parallel_loop3A_812 = vector.shape_cast %parallel_loop3A_811 : vector<1x1x16xf32> to vector<16xf32>
      %parallel_loop3A_813 = arith.addf %parallel_loop3A_812, %parallel_loop3A_789 : vector<16xf32>
      %parallel_loop3A_814 = arith.constant 0.000000e+00 : f32
      %parallel_loop3A_815 = vector.broadcast %parallel_loop3A_814 : f32 to vector<16xf32>
      %parallel_loop3A_816 = arith.maximumf %parallel_loop3A_813, %parallel_loop3A_815 : vector<16xf32>
      %parallel_loop3A_817 = arith.constant 1 : i32
      %parallel_loop3A_818 = arith.index_cast %parallel_loop3A_817 : i32 to index
      %parallel_loop3A_819 = arith.index_cast %parallel_loop3A_627 : i32 to index
      %parallel_loop3A_820 = arith.constant 112 : index
      %parallel_loop3A_821 = tpu.vector_load %arg8[%parallel_loop3A_818, %parallel_loop3A_819, %parallel_loop3A_820] {strides = array<i32>} : memref<2x80x128xf32, #tpu.memory_space<vmem>>, vector<1x1x16xf32>,
      %parallel_loop3A_822 = vector.shape_cast %parallel_loop3A_821 : vector<1x1x16xf32> to vector<16xf32>
      %parallel_loop3A_823 = vector.shape_cast %parallel_loop3A_816 : vector<16xf32> to vector<1x1x16xf32>
      tpu.vector_store %arg8[%parallel_loop3A_818, %parallel_loop3A_819, %parallel_loop3A_820], %parallel_loop3A_823 {strides = array<i32>} : memref<2x80x128xf32, #tpu.memory_space<vmem>>, vector<1x1x16xf32>,
    } {sc.loop_unroll_factor = 2 : i64, sc.parallel_access}
    %dma_start3A_309 = arith.constant 1 : i32
    %dma_start3A_310 = arith.constant 1 : i32
    %dma_start3A_311 = arith.constant 1 : i32
    %dma_start3A_312 = arith.constant 0 : i32
    %dma_start3A_313 = arith.constant 0 : i32
    %dma_start3A_314 = tpu.memref_slice %arg8[%dma_start3A_309, %dma_start3A_312, %dma_start3A_313] : memref<2x80x128xf32, #tpu.memory_space<vmem>> -> memref<1x80x128xf32, #tpu.memory_space<vmem>>
    %dma_start3A_315 = tpu.memref_squeeze %dma_start3A_314 : memref<1x80x128xf32, #tpu.memory_space<vmem>> -> memref<80x128xf32, #tpu.memory_space<vmem>>
    %dma_start3A_316 = arith.constant 0 : i32
    %dma_start3A_317 = tpu.memref_slice %arg7[%dma_start3A_310, %dma_start3A_311, %dma_start3A_316] : memref<4x2x80xi32, #tpu.memory_space<vmem>> -> memref<1x1x80xi32, #tpu.memory_space<vmem>>
    %dma_start3A_318 = tpu.memref_squeeze %dma_start3A_317 : memref<1x1x80xi32, #tpu.memory_space<vmem>> -> memref<80xi32, #tpu.memory_space<vmem>>
    %dma_start3A_319 = arith.constant 0 : i32
    %dma_start3A_320 = arith.constant 0 : i32
    %dma_start3A_321 = tpu.memref_slice %arg10[%dma_start3A_319, %dma_start3A_320] : memref<10000x128xf32, #tpu.memory_space<vmem_shared>> -> memref<10000x128xf32, #tpu.memory_space<vmem_shared>>
    tpu.enqueue_indirect_dma source(%dma_start3A_315 : memref<80x128xf32, #tpu.memory_space<vmem>>) target(%dma_start3A_321 : memref<10000x128xf32, #tpu.memory_space<vmem_shared>>) offsets(%dma_start3A_318 : memref<80xi32, #tpu.memory_space<vmem>>) semaphore(%arg20 : memref<!tpu.dma_semaphore, #tpu.memory_space<semaphore_mem>>) {add = true}
    %dma_start3A_322 = arith.constant 124 : i32
    %dma_start3A_323 = arith.constant 0 : i32
    %dma_start3A_324 = arith.constant 0 : i32
    %dma_start3A_325 = arith.constant 0 : i32
    %dma_start3A_326 = tpu.memref_slice %arg7[%dma_start3A_323, %dma_start3A_324, %dma_start3A_325] : memref<4x2x80xi32, #tpu.memory_space<vmem>> -> memref<1x2x80xi32, #tpu.memory_space<vmem>>
    %dma_start3A_327 = tpu.memref_squeeze %dma_start3A_326 : memref<1x2x80xi32, #tpu.memory_space<vmem>> -> memref<2x80xi32, #tpu.memory_space<vmem>>
    %dma_start3A_328 = arith.constant 0 : i32
    %dma_start3A_329 = arith.constant 0 : i32
    %dma_start3A_330 = tpu.memref_slice %arg2[%add3A, %dma_start3A_322, %dma_start3A_328, %dma_start3A_329] : memref<32x125x2x80xi32, #tpu.memory_space<hbm>> -> memref<1x1x2x80xi32, #tpu.memory_space<hbm>>
    %dma_start3A_331 = tpu.memref_squeeze %dma_start3A_330 : memref<1x1x2x80xi32, #tpu.memory_space<hbm>> -> memref<2x80xi32, #tpu.memory_space<hbm>>
    %dma_start3A_332 = arith.constant 0 : i32
    %dma_start3A_333 = arith.constant 0 : i32
    %dma_start3A_334 = tpu.memref_slice %arg7[%dma_start3A_323, %dma_start3A_332, %dma_start3A_333] : memref<4x2x80xi32, #tpu.memory_space<vmem>> -> memref<1x2x80xi32, #tpu.memory_space<vmem>>
    %dma_start3A_335 = tpu.memref_squeeze %dma_start3A_334 : memref<1x2x80xi32, #tpu.memory_space<vmem>> -> memref<2x80xi32, #tpu.memory_space<vmem>>
    %dma_start3A_336 = arith.constant 0 : i32
    %dma_start3A_337 = arith.constant 0 : i32
    %dma_start3A_338 = tpu.memref_slice %arg2[%add3A, %dma_start3A_322, %dma_start3A_336, %dma_start3A_337] : memref<32x125x2x80xi32, #tpu.memory_space<hbm>> -> memref<1x1x2x80xi32, #tpu.memory_space<hbm>>
    %dma_start3A_339 = tpu.memref_squeeze %dma_start3A_338 : memref<1x1x2x80xi32, #tpu.memory_space<hbm>> -> memref<2x80xi32, #tpu.memory_space<hbm>>
    tpu.enqueue_dma source(%dma_start3A_339 : memref<2x80xi32, #tpu.memory_space<hbm>>) target(%dma_start3A_335 : memref<2x80xi32, #tpu.memory_space<vmem>>) target_semaphore(%arg11 : memref<!tpu.dma_semaphore, #tpu.memory_space<semaphore_mem>>)
    %dma_wait3A_340 = arith.constant 123 : i32
    %dma_wait3A_341 = arith.constant 3 : i32
    %dma_wait3A_342 = arith.constant 0 : i32
    %dma_wait3A_343 = arith.constant 0 : i32
    %dma_wait3A_344 = tpu.memref_slice %arg7[%dma_wait3A_341, %dma_wait3A_342, %dma_wait3A_343] : memref<4x2x80xi32, #tpu.memory_space<vmem>> -> memref<1x2x80xi32, #tpu.memory_space<vmem>>
    %dma_wait3A_345 = tpu.memref_squeeze %dma_wait3A_344 : memref<1x2x80xi32, #tpu.memory_space<vmem>> -> memref<2x80xi32, #tpu.memory_space<vmem>>
    %dma_wait3A_346 = arith.constant 0 : i32
    %dma_wait3A_347 = arith.constant 0 : i32
    %dma_wait3A_348 = tpu.memref_slice %arg2[%add3A, %dma_wait3A_340, %dma_wait3A_346, %dma_wait3A_347] : memref<32x125x2x80xi32, #tpu.memory_space<hbm>> -> memref<1x1x2x80xi32, #tpu.memory_space<hbm>>
    %dma_wait3A_349 = tpu.memref_squeeze %dma_wait3A_348 : memref<1x1x2x80xi32, #tpu.memory_space<hbm>> -> memref<2x80xi32, #tpu.memory_space<hbm>>
    %dma_wait3A_350 = arith.constant 0 : i32
    %dma_wait3A_351 = arith.constant 0 : i32
    %dma_wait3A_352 = tpu.memref_slice %arg7[%dma_wait3A_341, %dma_wait3A_350, %dma_wait3A_351] : memref<4x2x80xi32, #tpu.memory_space<vmem>> -> memref<1x2x80xi32, #tpu.memory_space<vmem>>
    %dma_wait3A_353 = tpu.memref_squeeze %dma_wait3A_352 : memref<1x2x80xi32, #tpu.memory_space<vmem>> -> memref<2x80xi32, #tpu.memory_space<vmem>>
    %dma_wait3A_354 = arith.constant 0 : i32
    %dma_wait3A_355 = arith.constant 0 : i32
    %dma_wait3A_356 = tpu.memref_slice %arg2[%add3A, %dma_wait3A_340, %dma_wait3A_354, %dma_wait3A_355] : memref<32x125x2x80xi32, #tpu.memory_space<hbm>> -> memref<1x1x2x80xi32, #tpu.memory_space<hbm>>
    %dma_wait3A_357 = tpu.memref_squeeze %dma_wait3A_356 : memref<1x1x2x80xi32, #tpu.memory_space<hbm>> -> memref<2x80xi32, #tpu.memory_space<hbm>>
    tpu.wait_dma2 semaphore(%arg14 : memref<!tpu.dma_semaphore, #tpu.memory_space<semaphore_mem>>) src(%dma_wait3A_357 : memref<2x80xi32, #tpu.memory_space<hbm>>) dst(%dma_wait3A_353 : memref<2x80xi32, #tpu.memory_space<vmem>>)
    %dma_wait3A_358 = arith.constant 1 : i32
    %dma_wait3A_359 = arith.constant 1 : i32
    %dma_wait3A_360 = arith.constant 1 : i32
    %dma_wait3A_361 = arith.constant 0 : i32
    %dma_wait3A_362 = arith.constant 0 : i32
    %dma_wait3A_363 = tpu.memref_slice %arg8[%dma_wait3A_358, %dma_wait3A_361, %dma_wait3A_362] : memref<2x80x128xf32, #tpu.memory_space<vmem>> -> memref<1x80x128xf32, #tpu.memory_space<vmem>>
    %dma_wait3A_364 = tpu.memref_squeeze %dma_wait3A_363 : memref<1x80x128xf32, #tpu.memory_space<vmem>> -> memref<80x128xf32, #tpu.memory_space<vmem>>
    %dma_wait3A_365 = arith.constant 0 : i32
    %dma_wait3A_366 = tpu.memref_slice %arg7[%dma_wait3A_359, %dma_wait3A_360, %dma_wait3A_365] : memref<4x2x80xi32, #tpu.memory_space<vmem>> -> memref<1x1x80xi32, #tpu.memory_space<vmem>>
    %dma_wait3A_367 = tpu.memref_squeeze %dma_wait3A_366 : memref<1x1x80xi32, #tpu.memory_space<vmem>> -> memref<80xi32, #tpu.memory_space<vmem>>
    %dma_wait3A_368 = arith.constant 0 : i32
    %dma_wait3A_369 = arith.constant 0 : i32
    %dma_wait3A_370 = tpu.memref_slice %arg10[%dma_wait3A_368, %dma_wait3A_369] : memref<10000x128xf32, #tpu.memory_space<vmem_shared>> -> memref<10000x128xf32, #tpu.memory_space<vmem_shared>>
    tpu.wait_indirect_dma semaphore(%arg20 : memref<!tpu.dma_semaphore, #tpu.memory_space<semaphore_mem>>) src(%dma_wait3A_364 : memref<80x128xf32, #tpu.memory_space<vmem>>) dst(%dma_wait3A_370 : memref<10000x128xf32, #tpu.memory_space<vmem_shared>>)
    %dma_start3A_371 = arith.constant 3 : i32
    %dma_start3A_372 = arith.constant 0 : i32
    %dma_start3A_373 = arith.constant 1 : i32
    %dma_start3A_374 = arith.constant 0 : i32
    %dma_start3A_375 = arith.constant 0 : i32
    %dma_start3A_376 = tpu.memref_slice %arg8[%dma_start3A_373, %dma_start3A_374, %dma_start3A_375] : memref<2x80x128xf32, #tpu.memory_space<vmem>> -> memref<1x80x128xf32, #tpu.memory_space<vmem>>
    %dma_start3A_377 = tpu.memref_squeeze %dma_start3A_376 : memref<1x80x128xf32, #tpu.memory_space<vmem>> -> memref<80x128xf32, #tpu.memory_space<vmem>>
    %dma_start3A_378 = arith.constant 0 : i32
    %dma_start3A_379 = tpu.memref_slice %arg7[%dma_start3A_371, %dma_start3A_372, %dma_start3A_378] : memref<4x2x80xi32, #tpu.memory_space<vmem>> -> memref<1x1x80xi32, #tpu.memory_space<vmem>>
    %dma_start3A_380 = tpu.memref_squeeze %dma_start3A_379 : memref<1x1x80xi32, #tpu.memory_space<vmem>> -> memref<80xi32, #tpu.memory_space<vmem>>
    %dma_start3A_381 = arith.constant 0 : i32
    %dma_start3A_382 = arith.constant 0 : i32
    %dma_start3A_383 = tpu.memref_slice %arg3[%dma_start3A_381, %dma_start3A_382] : memref<10000x128xf32, #tpu.memory_space<hbm>> -> memref<10000x128xf32, #tpu.memory_space<hbm>>
    tpu.enqueue_indirect_dma source(%dma_start3A_383 : memref<10000x128xf32, #tpu.memory_space<hbm>>) target(%dma_start3A_377 : memref<80x128xf32, #tpu.memory_space<vmem>>) offsets(%dma_start3A_380 : memref<80xi32, #tpu.memory_space<vmem>>) semaphore(%arg16 : memref<!tpu.dma_semaphore, #tpu.memory_space<semaphore_mem>>)
    %add3A_384 = arith.constant 9840 : i32
    %add3A_385 = arith.addi %mul3A_2, %add3A_384 : i32
    %dma_start3A_386 = arith.constant 1 : i32
    %dma_start3A_387 = arith.constant 0 : i32
    %dma_start3A_388 = arith.constant 0 : i32
    %dma_start3A_389 = tpu.memref_slice %arg9[%dma_start3A_386, %dma_start3A_387, %dma_start3A_388] : memref<2x80x64xf32, #tpu.memory_space<vmem>> -> memref<1x80x64xf32, #tpu.memory_space<vmem>>
    %dma_start3A_390 = tpu.memref_squeeze %dma_start3A_389 : memref<1x80x64xf32, #tpu.memory_space<vmem>> -> memref<80x64xf32, #tpu.memory_space<vmem>>
    %dma_start3A_391 = arith.constant 0 : i32
    %dma_start3A_392 = tpu.memref_slice %arg4[%add3A_385, %dma_start3A_391] : memref<320000x64xf32, #tpu.memory_space<hbm>> -> memref<80x64xf32, #tpu.memory_space<hbm>>
    %dma_start3A_393 = arith.constant 0 : i32
    %dma_start3A_394 = arith.constant 0 : i32
    %dma_start3A_395 = tpu.memref_slice %arg9[%dma_start3A_386, %dma_start3A_393, %dma_start3A_394] : memref<2x80x64xf32, #tpu.memory_space<vmem>> -> memref<1x80x64xf32, #tpu.memory_space<vmem>>
    %dma_start3A_396 = tpu.memref_squeeze %dma_start3A_395 : memref<1x80x64xf32, #tpu.memory_space<vmem>> -> memref<80x64xf32, #tpu.memory_space<vmem>>
    %dma_start3A_397 = arith.constant 0 : i32
    %dma_start3A_398 = tpu.memref_slice %arg4[%add3A_385, %dma_start3A_397] : memref<320000x64xf32, #tpu.memory_space<hbm>> -> memref<80x64xf32, #tpu.memory_space<hbm>>
    tpu.enqueue_dma source(%dma_start3A_398 : memref<80x64xf32, #tpu.memory_space<hbm>>) target(%dma_start3A_396 : memref<80x64xf32, #tpu.memory_space<vmem>>) target_semaphore(%arg18 : memref<!tpu.dma_semaphore, #tpu.memory_space<semaphore_mem>>)
    %dma_wait3A_399 = arith.constant 2 : i32
    %dma_wait3A_400 = arith.constant 0 : i32
    %dma_wait3A_401 = arith.constant 0 : i32
    %dma_wait3A_402 = arith.constant 0 : i32
    %dma_wait3A_403 = arith.constant 0 : i32
    %dma_wait3A_404 = tpu.memref_slice %arg8[%dma_wait3A_401, %dma_wait3A_402, %dma_wait3A_403] : memref<2x80x128xf32, #tpu.memory_space<vmem>> -> memref<1x80x128xf32, #tpu.memory_space<vmem>>
    %dma_wait3A_405 = tpu.memref_squeeze %dma_wait3A_404 : memref<1x80x128xf32, #tpu.memory_space<vmem>> -> memref<80x128xf32, #tpu.memory_space<vmem>>
    %dma_wait3A_406 = arith.constant 0 : i32
    %dma_wait3A_407 = tpu.memref_slice %arg7[%dma_wait3A_399, %dma_wait3A_400, %dma_wait3A_406] : memref<4x2x80xi32, #tpu.memory_space<vmem>> -> memref<1x1x80xi32, #tpu.memory_space<vmem>>
    %dma_wait3A_408 = tpu.memref_squeeze %dma_wait3A_407 : memref<1x1x80xi32, #tpu.memory_space<vmem>> -> memref<80xi32, #tpu.memory_space<vmem>>
    %dma_wait3A_409 = arith.constant 0 : i32
    %dma_wait3A_410 = arith.constant 0 : i32
    %dma_wait3A_411 = tpu.memref_slice %arg3[%dma_wait3A_409, %dma_wait3A_410] : memref<10000x128xf32, #tpu.memory_space<hbm>> -> memref<10000x128xf32, #tpu.memory_space<hbm>>
    tpu.wait_indirect_dma semaphore(%arg15 : memref<!tpu.dma_semaphore, #tpu.memory_space<semaphore_mem>>) src(%dma_wait3A_411 : memref<10000x128xf32, #tpu.memory_space<hbm>>) dst(%dma_wait3A_405 : memref<80x128xf32, #tpu.memory_space<vmem>>)
    %add3A_412 = arith.constant 9760 : i32
    %add3A_413 = arith.addi %mul3A_2, %add3A_412 : i32
    %dma_wait3A_414 = arith.constant 0 : i32
    %dma_wait3A_415 = arith.constant 0 : i32
    %dma_wait3A_416 = arith.constant 0 : i32
    %dma_wait3A_417 = tpu.memref_slice %arg9[%dma_wait3A_414, %dma_wait3A_415, %dma_wait3A_416] : memref<2x80x64xf32, #tpu.memory_space<vmem>> -> memref<1x80x64xf32, #tpu.memory_space<vmem>>
    %dma_wait3A_418 = tpu.memref_squeeze %dma_wait3A_417 : memref<1x80x64xf32, #tpu.memory_space<vmem>> -> memref<80x64xf32, #tpu.memory_space<vmem>>
    %dma_wait3A_419 = arith.constant 0 : i32
    %dma_wait3A_420 = tpu.memref_slice %arg4[%add3A_413, %dma_wait3A_419] : memref<320000x64xf32, #tpu.memory_space<hbm>> -> memref<80x64xf32, #tpu.memory_space<hbm>>
    %dma_wait3A_421 = arith.constant 0 : i32
    %dma_wait3A_422 = arith.constant 0 : i32
    %dma_wait3A_423 = tpu.memref_slice %arg9[%dma_wait3A_414, %dma_wait3A_421, %dma_wait3A_422] : memref<2x80x64xf32, #tpu.memory_space<vmem>> -> memref<1x80x64xf32, #tpu.memory_space<vmem>>
    %dma_wait3A_424 = tpu.memref_squeeze %dma_wait3A_423 : memref<1x80x64xf32, #tpu.memory_space<vmem>> -> memref<80x64xf32, #tpu.memory_space<vmem>>
    %dma_wait3A_425 = arith.constant 0 : i32
    %dma_wait3A_426 = tpu.memref_slice %arg4[%add3A_413, %dma_wait3A_425] : memref<320000x64xf32, #tpu.memory_space<hbm>> -> memref<80x64xf32, #tpu.memory_space<hbm>>
    tpu.wait_dma2 semaphore(%arg17 : memref<!tpu.dma_semaphore, #tpu.memory_space<semaphore_mem>>) src(%dma_wait3A_426 : memref<80x64xf32, #tpu.memory_space<hbm>>) dst(%dma_wait3A_424 : memref<80x64xf32, #tpu.memory_space<vmem>>)
    %parallel_loop3A_427 = arith.constant 0 : i32
    %parallel_loop3A_428 = arith.constant 80 : i32
    %parallel_loop3A_429 = arith.constant 1 : i32
    scf.for %parallel_loop3A_627 = %parallel_loop3A_427 to %parallel_loop3A_428 step %parallel_loop3A_429  : i32 {
      %parallel_loop3A_628 = arith.constant 0 : i32
      %parallel_loop3A_629 = arith.index_cast %parallel_loop3A_628 : i32 to index
      %parallel_loop3A_630 = arith.index_cast %parallel_loop3A_627 : i32 to index
      %parallel_loop3A_631 = arith.constant 0 : index
      %parallel_loop3A_632 = tpu.vector_load %arg9[%parallel_loop3A_629, %parallel_loop3A_630, %parallel_loop3A_631] {strides = array<i32>} : memref<2x80x64xf32, #tpu.memory_space<vmem>>, vector<1x1x16xf32>,
      %parallel_loop3A_633 = vector.shape_cast %parallel_loop3A_632 : vector<1x1x16xf32> to vector<16xf32>
      %parallel_loop3A_634 = tpu.bitcast %parallel_loop3A_633 : vector<16xf32> -> vector<16xi32>
      %parallel_loop3A_635 = arith.constant 16 : i32
      %parallel_loop3A_636 = vector.broadcast %parallel_loop3A_635 : i32 to vector<16xi32>
      %parallel_loop3A_637 = arith.shli %parallel_loop3A_634, %parallel_loop3A_636 : vector<16xi32>
      %parallel_loop3A_638 = tpu.bitcast %parallel_loop3A_637 : vector<16xi32> -> vector<16xf32>
      %parallel_loop3A_639 = arith.constant -65536 : i32
      %parallel_loop3A_640 = vector.broadcast %parallel_loop3A_639 : i32 to vector<16xi32>
      %parallel_loop3A_641 = arith.andi %parallel_loop3A_634, %parallel_loop3A_640 : vector<16xi32>
      %parallel_loop3A_642 = tpu.bitcast %parallel_loop3A_641 : vector<16xi32> -> vector<16xf32>
      %parallel_loop3A_643 = arith.constant 0 : i32
      %parallel_loop3A_644 = arith.index_cast %parallel_loop3A_643 : i32 to index
      %parallel_loop3A_645 = arith.index_cast %parallel_loop3A_627 : i32 to index
      %parallel_loop3A_646 = arith.constant 0 : index
      %parallel_loop3A_647 = tpu.vector_load %arg8[%parallel_loop3A_644, %parallel_loop3A_645, %parallel_loop3A_646] {strides = array<i32>} : memref<2x80x128xf32, #tpu.memory_space<vmem>>, vector<1x1x16xf32>,
      %parallel_loop3A_648 = vector.shape_cast %parallel_loop3A_647 : vector<1x1x16xf32> to vector<16xf32>
      %parallel_loop3A_649 = arith.addf %parallel_loop3A_648, %parallel_loop3A_638 : vector<16xf32>
      %parallel_loop3A_650 = arith.constant 0.000000e+00 : f32
      %parallel_loop3A_651 = vector.broadcast %parallel_loop3A_650 : f32 to vector<16xf32>
      %parallel_loop3A_652 = arith.maximumf %parallel_loop3A_649, %parallel_loop3A_651 : vector<16xf32>
      %parallel_loop3A_653 = arith.constant 0 : i32
      %parallel_loop3A_654 = arith.index_cast %parallel_loop3A_653 : i32 to index
      %parallel_loop3A_655 = arith.index_cast %parallel_loop3A_627 : i32 to index
      %parallel_loop3A_656 = arith.constant 0 : index
      %parallel_loop3A_657 = tpu.vector_load %arg8[%parallel_loop3A_654, %parallel_loop3A_655, %parallel_loop3A_656] {strides = array<i32>} : memref<2x80x128xf32, #tpu.memory_space<vmem>>, vector<1x1x16xf32>,
      %parallel_loop3A_658 = vector.shape_cast %parallel_loop3A_657 : vector<1x1x16xf32> to vector<16xf32>
      %parallel_loop3A_659 = vector.shape_cast %parallel_loop3A_652 : vector<16xf32> to vector<1x1x16xf32>
      tpu.vector_store %arg8[%parallel_loop3A_654, %parallel_loop3A_655, %parallel_loop3A_656], %parallel_loop3A_659 {strides = array<i32>} : memref<2x80x128xf32, #tpu.memory_space<vmem>>, vector<1x1x16xf32>,
      %parallel_loop3A_660 = arith.constant 0 : i32
      %parallel_loop3A_661 = arith.index_cast %parallel_loop3A_660 : i32 to index
      %parallel_loop3A_662 = arith.index_cast %parallel_loop3A_627 : i32 to index
      %parallel_loop3A_663 = arith.constant 64 : index
      %parallel_loop3A_664 = tpu.vector_load %arg8[%parallel_loop3A_661, %parallel_loop3A_662, %parallel_loop3A_663] {strides = array<i32>} : memref<2x80x128xf32, #tpu.memory_space<vmem>>, vector<1x1x16xf32>,
      %parallel_loop3A_665 = vector.shape_cast %parallel_loop3A_664 : vector<1x1x16xf32> to vector<16xf32>
      %parallel_loop3A_666 = arith.addf %parallel_loop3A_665, %parallel_loop3A_642 : vector<16xf32>
      %parallel_loop3A_667 = arith.constant 0.000000e+00 : f32
      %parallel_loop3A_668 = vector.broadcast %parallel_loop3A_667 : f32 to vector<16xf32>
      %parallel_loop3A_669 = arith.maximumf %parallel_loop3A_666, %parallel_loop3A_668 : vector<16xf32>
      %parallel_loop3A_670 = arith.constant 0 : i32
      %parallel_loop3A_671 = arith.index_cast %parallel_loop3A_670 : i32 to index
      %parallel_loop3A_672 = arith.index_cast %parallel_loop3A_627 : i32 to index
      %parallel_loop3A_673 = arith.constant 64 : index
      %parallel_loop3A_674 = tpu.vector_load %arg8[%parallel_loop3A_671, %parallel_loop3A_672, %parallel_loop3A_673] {strides = array<i32>} : memref<2x80x128xf32, #tpu.memory_space<vmem>>, vector<1x1x16xf32>,
      %parallel_loop3A_675 = vector.shape_cast %parallel_loop3A_674 : vector<1x1x16xf32> to vector<16xf32>
      %parallel_loop3A_676 = vector.shape_cast %parallel_loop3A_669 : vector<16xf32> to vector<1x1x16xf32>
      tpu.vector_store %arg8[%parallel_loop3A_671, %parallel_loop3A_672, %parallel_loop3A_673], %parallel_loop3A_676 {strides = array<i32>} : memref<2x80x128xf32, #tpu.memory_space<vmem>>, vector<1x1x16xf32>,
      %parallel_loop3A_677 = arith.constant 0 : i32
      %parallel_loop3A_678 = arith.index_cast %parallel_loop3A_677 : i32 to index
      %parallel_loop3A_679 = arith.index_cast %parallel_loop3A_627 : i32 to index
      %parallel_loop3A_680 = arith.constant 16 : index
      %parallel_loop3A_681 = tpu.vector_load %arg9[%parallel_loop3A_678, %parallel_loop3A_679, %parallel_loop3A_680] {strides = array<i32>} : memref<2x80x64xf32, #tpu.memory_space<vmem>>, vector<1x1x16xf32>,
      %parallel_loop3A_682 = vector.shape_cast %parallel_loop3A_681 : vector<1x1x16xf32> to vector<16xf32>
      %parallel_loop3A_683 = tpu.bitcast %parallel_loop3A_682 : vector<16xf32> -> vector<16xi32>
      %parallel_loop3A_684 = arith.constant 16 : i32
      %parallel_loop3A_685 = vector.broadcast %parallel_loop3A_684 : i32 to vector<16xi32>
      %parallel_loop3A_686 = arith.shli %parallel_loop3A_683, %parallel_loop3A_685 : vector<16xi32>
      %parallel_loop3A_687 = tpu.bitcast %parallel_loop3A_686 : vector<16xi32> -> vector<16xf32>
      %parallel_loop3A_688 = arith.constant -65536 : i32
      %parallel_loop3A_689 = vector.broadcast %parallel_loop3A_688 : i32 to vector<16xi32>
      %parallel_loop3A_690 = arith.andi %parallel_loop3A_683, %parallel_loop3A_689 : vector<16xi32>
      %parallel_loop3A_691 = tpu.bitcast %parallel_loop3A_690 : vector<16xi32> -> vector<16xf32>
      %parallel_loop3A_692 = arith.constant 0 : i32
      %parallel_loop3A_693 = arith.index_cast %parallel_loop3A_692 : i32 to index
      %parallel_loop3A_694 = arith.index_cast %parallel_loop3A_627 : i32 to index
      %parallel_loop3A_695 = arith.constant 16 : index
      %parallel_loop3A_696 = tpu.vector_load %arg8[%parallel_loop3A_693, %parallel_loop3A_694, %parallel_loop3A_695] {strides = array<i32>} : memref<2x80x128xf32, #tpu.memory_space<vmem>>, vector<1x1x16xf32>,
      %parallel_loop3A_697 = vector.shape_cast %parallel_loop3A_696 : vector<1x1x16xf32> to vector<16xf32>
      %parallel_loop3A_698 = arith.addf %parallel_loop3A_697, %parallel_loop3A_687 : vector<16xf32>
      %parallel_loop3A_699 = arith.constant 0.000000e+00 : f32
      %parallel_loop3A_700 = vector.broadcast %parallel_loop3A_699 : f32 to vector<16xf32>
      %parallel_loop3A_701 = arith.maximumf %parallel_loop3A_698, %parallel_loop3A_700 : vector<16xf32>
      %parallel_loop3A_702 = arith.constant 0 : i32
      %parallel_loop3A_703 = arith.index_cast %parallel_loop3A_702 : i32 to index
      %parallel_loop3A_704 = arith.index_cast %parallel_loop3A_627 : i32 to index
      %parallel_loop3A_705 = arith.constant 16 : index
      %parallel_loop3A_706 = tpu.vector_load %arg8[%parallel_loop3A_703, %parallel_loop3A_704, %parallel_loop3A_705] {strides = array<i32>} : memref<2x80x128xf32, #tpu.memory_space<vmem>>, vector<1x1x16xf32>,
      %parallel_loop3A_707 = vector.shape_cast %parallel_loop3A_706 : vector<1x1x16xf32> to vector<16xf32>
      %parallel_loop3A_708 = vector.shape_cast %parallel_loop3A_701 : vector<16xf32> to vector<1x1x16xf32>
      tpu.vector_store %arg8[%parallel_loop3A_703, %parallel_loop3A_704, %parallel_loop3A_705], %parallel_loop3A_708 {strides = array<i32>} : memref<2x80x128xf32, #tpu.memory_space<vmem>>, vector<1x1x16xf32>,
      %parallel_loop3A_709 = arith.constant 0 : i32
      %parallel_loop3A_710 = arith.index_cast %parallel_loop3A_709 : i32 to index
      %parallel_loop3A_711 = arith.index_cast %parallel_loop3A_627 : i32 to index
      %parallel_loop3A_712 = arith.constant 80 : index
      %parallel_loop3A_713 = tpu.vector_load %arg8[%parallel_loop3A_710, %parallel_loop3A_711, %parallel_loop3A_712] {strides = array<i32>} : memref<2x80x128xf32, #tpu.memory_space<vmem>>, vector<1x1x16xf32>,
      %parallel_loop3A_714 = vector.shape_cast %parallel_loop3A_713 : vector<1x1x16xf32> to vector<16xf32>
      %parallel_loop3A_715 = arith.addf %parallel_loop3A_714, %parallel_loop3A_691 : vector<16xf32>
      %parallel_loop3A_716 = arith.constant 0.000000e+00 : f32
      %parallel_loop3A_717 = vector.broadcast %parallel_loop3A_716 : f32 to vector<16xf32>
      %parallel_loop3A_718 = arith.maximumf %parallel_loop3A_715, %parallel_loop3A_717 : vector<16xf32>
      %parallel_loop3A_719 = arith.constant 0 : i32
      %parallel_loop3A_720 = arith.index_cast %parallel_loop3A_719 : i32 to index
      %parallel_loop3A_721 = arith.index_cast %parallel_loop3A_627 : i32 to index
      %parallel_loop3A_722 = arith.constant 80 : index
      %parallel_loop3A_723 = tpu.vector_load %arg8[%parallel_loop3A_720, %parallel_loop3A_721, %parallel_loop3A_722] {strides = array<i32>} : memref<2x80x128xf32, #tpu.memory_space<vmem>>, vector<1x1x16xf32>,
      %parallel_loop3A_724 = vector.shape_cast %parallel_loop3A_723 : vector<1x1x16xf32> to vector<16xf32>
      %parallel_loop3A_725 = vector.shape_cast %parallel_loop3A_718 : vector<16xf32> to vector<1x1x16xf32>
      tpu.vector_store %arg8[%parallel_loop3A_720, %parallel_loop3A_721, %parallel_loop3A_722], %parallel_loop3A_725 {strides = array<i32>} : memref<2x80x128xf32, #tpu.memory_space<vmem>>, vector<1x1x16xf32>,
      %parallel_loop3A_726 = arith.constant 0 : i32
      %parallel_loop3A_727 = arith.index_cast %parallel_loop3A_726 : i32 to index
      %parallel_loop3A_728 = arith.index_cast %parallel_loop3A_627 : i32 to index
      %parallel_loop3A_729 = arith.constant 32 : index
      %parallel_loop3A_730 = tpu.vector_load %arg9[%parallel_loop3A_727, %parallel_loop3A_728, %parallel_loop3A_729] {strides = array<i32>} : memref<2x80x64xf32, #tpu.memory_space<vmem>>, vector<1x1x16xf32>,
      %parallel_loop3A_731 = vector.shape_cast %parallel_loop3A_730 : vector<1x1x16xf32> to vector<16xf32>
      %parallel_loop3A_732 = tpu.bitcast %parallel_loop3A_731 : vector<16xf32> -> vector<16xi32>
      %parallel_loop3A_733 = arith.constant 16 : i32
      %parallel_loop3A_734 = vector.broadcast %parallel_loop3A_733 : i32 to vector<16xi32>
      %parallel_loop3A_735 = arith.shli %parallel_loop3A_732, %parallel_loop3A_734 : vector<16xi32>
      %parallel_loop3A_736 = tpu.bitcast %parallel_loop3A_735 : vector<16xi32> -> vector<16xf32>
      %parallel_loop3A_737 = arith.constant -65536 : i32
      %parallel_loop3A_738 = vector.broadcast %parallel_loop3A_737 : i32 to vector<16xi32>
      %parallel_loop3A_739 = arith.andi %parallel_loop3A_732, %parallel_loop3A_738 : vector<16xi32>
      %parallel_loop3A_740 = tpu.bitcast %parallel_loop3A_739 : vector<16xi32> -> vector<16xf32>
      %parallel_loop3A_741 = arith.constant 0 : i32
      %parallel_loop3A_742 = arith.index_cast %parallel_loop3A_741 : i32 to index
      %parallel_loop3A_743 = arith.index_cast %parallel_loop3A_627 : i32 to index
      %parallel_loop3A_744 = arith.constant 32 : index
      %parallel_loop3A_745 = tpu.vector_load %arg8[%parallel_loop3A_742, %parallel_loop3A_743, %parallel_loop3A_744] {strides = array<i32>} : memref<2x80x128xf32, #tpu.memory_space<vmem>>, vector<1x1x16xf32>,
      %parallel_loop3A_746 = vector.shape_cast %parallel_loop3A_745 : vector<1x1x16xf32> to vector<16xf32>
      %parallel_loop3A_747 = arith.addf %parallel_loop3A_746, %parallel_loop3A_736 : vector<16xf32>
      %parallel_loop3A_748 = arith.constant 0.000000e+00 : f32
      %parallel_loop3A_749 = vector.broadcast %parallel_loop3A_748 : f32 to vector<16xf32>
      %parallel_loop3A_750 = arith.maximumf %parallel_loop3A_747, %parallel_loop3A_749 : vector<16xf32>
      %parallel_loop3A_751 = arith.constant 0 : i32
      %parallel_loop3A_752 = arith.index_cast %parallel_loop3A_751 : i32 to index
      %parallel_loop3A_753 = arith.index_cast %parallel_loop3A_627 : i32 to index
      %parallel_loop3A_754 = arith.constant 32 : index
      %parallel_loop3A_755 = tpu.vector_load %arg8[%parallel_loop3A_752, %parallel_loop3A_753, %parallel_loop3A_754] {strides = array<i32>} : memref<2x80x128xf32, #tpu.memory_space<vmem>>, vector<1x1x16xf32>,
      %parallel_loop3A_756 = vector.shape_cast %parallel_loop3A_755 : vector<1x1x16xf32> to vector<16xf32>
      %parallel_loop3A_757 = vector.shape_cast %parallel_loop3A_750 : vector<16xf32> to vector<1x1x16xf32>
      tpu.vector_store %arg8[%parallel_loop3A_752, %parallel_loop3A_753, %parallel_loop3A_754], %parallel_loop3A_757 {strides = array<i32>} : memref<2x80x128xf32, #tpu.memory_space<vmem>>, vector<1x1x16xf32>,
      %parallel_loop3A_758 = arith.constant 0 : i32
      %parallel_loop3A_759 = arith.index_cast %parallel_loop3A_758 : i32 to index
      %parallel_loop3A_760 = arith.index_cast %parallel_loop3A_627 : i32 to index
      %parallel_loop3A_761 = arith.constant 96 : index
      %parallel_loop3A_762 = tpu.vector_load %arg8[%parallel_loop3A_759, %parallel_loop3A_760, %parallel_loop3A_761] {strides = array<i32>} : memref<2x80x128xf32, #tpu.memory_space<vmem>>, vector<1x1x16xf32>,
      %parallel_loop3A_763 = vector.shape_cast %parallel_loop3A_762 : vector<1x1x16xf32> to vector<16xf32>
      %parallel_loop3A_764 = arith.addf %parallel_loop3A_763, %parallel_loop3A_740 : vector<16xf32>
      %parallel_loop3A_765 = arith.constant 0.000000e+00 : f32
      %parallel_loop3A_766 = vector.broadcast %parallel_loop3A_765 : f32 to vector<16xf32>
      %parallel_loop3A_767 = arith.maximumf %parallel_loop3A_764, %parallel_loop3A_766 : vector<16xf32>
      %parallel_loop3A_768 = arith.constant 0 : i32
      %parallel_loop3A_769 = arith.index_cast %parallel_loop3A_768 : i32 to index
      %parallel_loop3A_770 = arith.index_cast %parallel_loop3A_627 : i32 to index
      %parallel_loop3A_771 = arith.constant 96 : index
      %parallel_loop3A_772 = tpu.vector_load %arg8[%parallel_loop3A_769, %parallel_loop3A_770, %parallel_loop3A_771] {strides = array<i32>} : memref<2x80x128xf32, #tpu.memory_space<vmem>>, vector<1x1x16xf32>,
      %parallel_loop3A_773 = vector.shape_cast %parallel_loop3A_772 : vector<1x1x16xf32> to vector<16xf32>
      %parallel_loop3A_774 = vector.shape_cast %parallel_loop3A_767 : vector<16xf32> to vector<1x1x16xf32>
      tpu.vector_store %arg8[%parallel_loop3A_769, %parallel_loop3A_770, %parallel_loop3A_771], %parallel_loop3A_774 {strides = array<i32>} : memref<2x80x128xf32, #tpu.memory_space<vmem>>, vector<1x1x16xf32>,
      %parallel_loop3A_775 = arith.constant 0 : i32
      %parallel_loop3A_776 = arith.index_cast %parallel_loop3A_775 : i32 to index
      %parallel_loop3A_777 = arith.index_cast %parallel_loop3A_627 : i32 to index
      %parallel_loop3A_778 = arith.constant 48 : index
      %parallel_loop3A_779 = tpu.vector_load %arg9[%parallel_loop3A_776, %parallel_loop3A_777, %parallel_loop3A_778] {strides = array<i32>} : memref<2x80x64xf32, #tpu.memory_space<vmem>>, vector<1x1x16xf32>,
      %parallel_loop3A_780 = vector.shape_cast %parallel_loop3A_779 : vector<1x1x16xf32> to vector<16xf32>
      %parallel_loop3A_781 = tpu.bitcast %parallel_loop3A_780 : vector<16xf32> -> vector<16xi32>
      %parallel_loop3A_782 = arith.constant 16 : i32
      %parallel_loop3A_783 = vector.broadcast %parallel_loop3A_782 : i32 to vector<16xi32>
      %parallel_loop3A_784 = arith.shli %parallel_loop3A_781, %parallel_loop3A_783 : vector<16xi32>
      %parallel_loop3A_785 = tpu.bitcast %parallel_loop3A_784 : vector<16xi32> -> vector<16xf32>
      %parallel_loop3A_786 = arith.constant -65536 : i32
      %parallel_loop3A_787 = vector.broadcast %parallel_loop3A_786 : i32 to vector<16xi32>
      %parallel_loop3A_788 = arith.andi %parallel_loop3A_781, %parallel_loop3A_787 : vector<16xi32>
      %parallel_loop3A_789 = tpu.bitcast %parallel_loop3A_788 : vector<16xi32> -> vector<16xf32>
      %parallel_loop3A_790 = arith.constant 0 : i32
      %parallel_loop3A_791 = arith.index_cast %parallel_loop3A_790 : i32 to index
      %parallel_loop3A_792 = arith.index_cast %parallel_loop3A_627 : i32 to index
      %parallel_loop3A_793 = arith.constant 48 : index
      %parallel_loop3A_794 = tpu.vector_load %arg8[%parallel_loop3A_791, %parallel_loop3A_792, %parallel_loop3A_793] {strides = array<i32>} : memref<2x80x128xf32, #tpu.memory_space<vmem>>, vector<1x1x16xf32>,
      %parallel_loop3A_795 = vector.shape_cast %parallel_loop3A_794 : vector<1x1x16xf32> to vector<16xf32>
      %parallel_loop3A_796 = arith.addf %parallel_loop3A_795, %parallel_loop3A_785 : vector<16xf32>
      %parallel_loop3A_797 = arith.constant 0.000000e+00 : f32
      %parallel_loop3A_798 = vector.broadcast %parallel_loop3A_797 : f32 to vector<16xf32>
      %parallel_loop3A_799 = arith.maximumf %parallel_loop3A_796, %parallel_loop3A_798 : vector<16xf32>
      %parallel_loop3A_800 = arith.constant 0 : i32
      %parallel_loop3A_801 = arith.index_cast %parallel_loop3A_800 : i32 to index
      %parallel_loop3A_802 = arith.index_cast %parallel_loop3A_627 : i32 to index
      %parallel_loop3A_803 = arith.constant 48 : index
      %parallel_loop3A_804 = tpu.vector_load %arg8[%parallel_loop3A_801, %parallel_loop3A_802, %parallel_loop3A_803] {strides = array<i32>} : memref<2x80x128xf32, #tpu.memory_space<vmem>>, vector<1x1x16xf32>,
      %parallel_loop3A_805 = vector.shape_cast %parallel_loop3A_804 : vector<1x1x16xf32> to vector<16xf32>
      %parallel_loop3A_806 = vector.shape_cast %parallel_loop3A_799 : vector<16xf32> to vector<1x1x16xf32>
      tpu.vector_store %arg8[%parallel_loop3A_801, %parallel_loop3A_802, %parallel_loop3A_803], %parallel_loop3A_806 {strides = array<i32>} : memref<2x80x128xf32, #tpu.memory_space<vmem>>, vector<1x1x16xf32>,
      %parallel_loop3A_807 = arith.constant 0 : i32
      %parallel_loop3A_808 = arith.index_cast %parallel_loop3A_807 : i32 to index
      %parallel_loop3A_809 = arith.index_cast %parallel_loop3A_627 : i32 to index
      %parallel_loop3A_810 = arith.constant 112 : index
      %parallel_loop3A_811 = tpu.vector_load %arg8[%parallel_loop3A_808, %parallel_loop3A_809, %parallel_loop3A_810] {strides = array<i32>} : memref<2x80x128xf32, #tpu.memory_space<vmem>>, vector<1x1x16xf32>,
      %parallel_loop3A_812 = vector.shape_cast %parallel_loop3A_811 : vector<1x1x16xf32> to vector<16xf32>
      %parallel_loop3A_813 = arith.addf %parallel_loop3A_812, %parallel_loop3A_789 : vector<16xf32>
      %parallel_loop3A_814 = arith.constant 0.000000e+00 : f32
      %parallel_loop3A_815 = vector.broadcast %parallel_loop3A_814 : f32 to vector<16xf32>
      %parallel_loop3A_816 = arith.maximumf %parallel_loop3A_813, %parallel_loop3A_815 : vector<16xf32>
      %parallel_loop3A_817 = arith.constant 0 : i32
      %parallel_loop3A_818 = arith.index_cast %parallel_loop3A_817 : i32 to index
      %parallel_loop3A_819 = arith.index_cast %parallel_loop3A_627 : i32 to index
      %parallel_loop3A_820 = arith.constant 112 : index
      %parallel_loop3A_821 = tpu.vector_load %arg8[%parallel_loop3A_818, %parallel_loop3A_819, %parallel_loop3A_820] {strides = array<i32>} : memref<2x80x128xf32, #tpu.memory_space<vmem>>, vector<1x1x16xf32>,
      %parallel_loop3A_822 = vector.shape_cast %parallel_loop3A_821 : vector<1x1x16xf32> to vector<16xf32>
      %parallel_loop3A_823 = vector.shape_cast %parallel_loop3A_816 : vector<16xf32> to vector<1x1x16xf32>
      tpu.vector_store %arg8[%parallel_loop3A_818, %parallel_loop3A_819, %parallel_loop3A_820], %parallel_loop3A_823 {strides = array<i32>} : memref<2x80x128xf32, #tpu.memory_space<vmem>>, vector<1x1x16xf32>,
    } {sc.loop_unroll_factor = 2 : i64, sc.parallel_access}
    %dma_start3A_430 = arith.constant 0 : i32
    %dma_start3A_431 = arith.constant 2 : i32
    %dma_start3A_432 = arith.constant 1 : i32
    %dma_start3A_433 = arith.constant 0 : i32
    %dma_start3A_434 = arith.constant 0 : i32
    %dma_start3A_435 = tpu.memref_slice %arg8[%dma_start3A_430, %dma_start3A_433, %dma_start3A_434] : memref<2x80x128xf32, #tpu.memory_space<vmem>> -> memref<1x80x128xf32, #tpu.memory_space<vmem>>
    %dma_start3A_436 = tpu.memref_squeeze %dma_start3A_435 : memref<1x80x128xf32, #tpu.memory_space<vmem>> -> memref<80x128xf32, #tpu.memory_space<vmem>>
    %dma_start3A_437 = arith.constant 0 : i32
    %dma_start3A_438 = tpu.memref_slice %arg7[%dma_start3A_431, %dma_start3A_432, %dma_start3A_437] : memref<4x2x80xi32, #tpu.memory_space<vmem>> -> memref<1x1x80xi32, #tpu.memory_space<vmem>>
    %dma_start3A_439 = tpu.memref_squeeze %dma_start3A_438 : memref<1x1x80xi32, #tpu.memory_space<vmem>> -> memref<80xi32, #tpu.memory_space<vmem>>
    %dma_start3A_440 = arith.constant 0 : i32
    %dma_start3A_441 = arith.constant 0 : i32
    %dma_start3A_442 = tpu.memref_slice %arg10[%dma_start3A_440, %dma_start3A_441] : memref<10000x128xf32, #tpu.memory_space<vmem_shared>> -> memref<10000x128xf32, #tpu.memory_space<vmem_shared>>
    tpu.enqueue_indirect_dma source(%dma_start3A_436 : memref<80x128xf32, #tpu.memory_space<vmem>>) target(%dma_start3A_442 : memref<10000x128xf32, #tpu.memory_space<vmem_shared>>) offsets(%dma_start3A_439 : memref<80xi32, #tpu.memory_space<vmem>>) semaphore(%arg19 : memref<!tpu.dma_semaphore, #tpu.memory_space<semaphore_mem>>) {add = true}
    %dma_wait3A_443 = arith.constant 124 : i32
    %dma_wait3A_444 = arith.constant 0 : i32
    %dma_wait3A_445 = arith.constant 0 : i32
    %dma_wait3A_446 = arith.constant 0 : i32
    %dma_wait3A_447 = tpu.memref_slice %arg7[%dma_wait3A_444, %dma_wait3A_445, %dma_wait3A_446] : memref<4x2x80xi32, #tpu.memory_space<vmem>> -> memref<1x2x80xi32, #tpu.memory_space<vmem>>
    %dma_wait3A_448 = tpu.memref_squeeze %dma_wait3A_447 : memref<1x2x80xi32, #tpu.memory_space<vmem>> -> memref<2x80xi32, #tpu.memory_space<vmem>>
    %dma_wait3A_449 = arith.constant 0 : i32
    %dma_wait3A_450 = arith.constant 0 : i32
    %dma_wait3A_451 = tpu.memref_slice %arg2[%add3A, %dma_wait3A_443, %dma_wait3A_449, %dma_wait3A_450] : memref<32x125x2x80xi32, #tpu.memory_space<hbm>> -> memref<1x1x2x80xi32, #tpu.memory_space<hbm>>
    %dma_wait3A_452 = tpu.memref_squeeze %dma_wait3A_451 : memref<1x1x2x80xi32, #tpu.memory_space<hbm>> -> memref<2x80xi32, #tpu.memory_space<hbm>>
    %dma_wait3A_453 = arith.constant 0 : i32
    %dma_wait3A_454 = arith.constant 0 : i32
    %dma_wait3A_455 = tpu.memref_slice %arg7[%dma_wait3A_444, %dma_wait3A_453, %dma_wait3A_454] : memref<4x2x80xi32, #tpu.memory_space<vmem>> -> memref<1x2x80xi32, #tpu.memory_space<vmem>>
    %dma_wait3A_456 = tpu.memref_squeeze %dma_wait3A_455 : memref<1x2x80xi32, #tpu.memory_space<vmem>> -> memref<2x80xi32, #tpu.memory_space<vmem>>
    %dma_wait3A_457 = arith.constant 0 : i32
    %dma_wait3A_458 = arith.constant 0 : i32
    %dma_wait3A_459 = tpu.memref_slice %arg2[%add3A, %dma_wait3A_443, %dma_wait3A_457, %dma_wait3A_458] : memref<32x125x2x80xi32, #tpu.memory_space<hbm>> -> memref<1x1x2x80xi32, #tpu.memory_space<hbm>>
    %dma_wait3A_460 = tpu.memref_squeeze %dma_wait3A_459 : memref<1x1x2x80xi32, #tpu.memory_space<hbm>> -> memref<2x80xi32, #tpu.memory_space<hbm>>
    tpu.wait_dma2 semaphore(%arg11 : memref<!tpu.dma_semaphore, #tpu.memory_space<semaphore_mem>>) src(%dma_wait3A_460 : memref<2x80xi32, #tpu.memory_space<hbm>>) dst(%dma_wait3A_456 : memref<2x80xi32, #tpu.memory_space<vmem>>)
    %dma_wait3A_461 = arith.constant 0 : i32
    %dma_wait3A_462 = arith.constant 2 : i32
    %dma_wait3A_463 = arith.constant 1 : i32
    %dma_wait3A_464 = arith.constant 0 : i32
    %dma_wait3A_465 = arith.constant 0 : i32
    %dma_wait3A_466 = tpu.memref_slice %arg8[%dma_wait3A_461, %dma_wait3A_464, %dma_wait3A_465] : memref<2x80x128xf32, #tpu.memory_space<vmem>> -> memref<1x80x128xf32, #tpu.memory_space<vmem>>
    %dma_wait3A_467 = tpu.memref_squeeze %dma_wait3A_466 : memref<1x80x128xf32, #tpu.memory_space<vmem>> -> memref<80x128xf32, #tpu.memory_space<vmem>>
    %dma_wait3A_468 = arith.constant 0 : i32
    %dma_wait3A_469 = tpu.memref_slice %arg7[%dma_wait3A_462, %dma_wait3A_463, %dma_wait3A_468] : memref<4x2x80xi32, #tpu.memory_space<vmem>> -> memref<1x1x80xi32, #tpu.memory_space<vmem>>
    %dma_wait3A_470 = tpu.memref_squeeze %dma_wait3A_469 : memref<1x1x80xi32, #tpu.memory_space<vmem>> -> memref<80xi32, #tpu.memory_space<vmem>>
    %dma_wait3A_471 = arith.constant 0 : i32
    %dma_wait3A_472 = arith.constant 0 : i32
    %dma_wait3A_473 = tpu.memref_slice %arg10[%dma_wait3A_471, %dma_wait3A_472] : memref<10000x128xf32, #tpu.memory_space<vmem_shared>> -> memref<10000x128xf32, #tpu.memory_space<vmem_shared>>
    tpu.wait_indirect_dma semaphore(%arg19 : memref<!tpu.dma_semaphore, #tpu.memory_space<semaphore_mem>>) src(%dma_wait3A_467 : memref<80x128xf32, #tpu.memory_space<vmem>>) dst(%dma_wait3A_473 : memref<10000x128xf32, #tpu.memory_space<vmem_shared>>)
    %dma_start3A_474 = arith.constant 0 : i32
    %dma_start3A_475 = arith.constant 0 : i32
    %dma_start3A_476 = arith.constant 0 : i32
    %dma_start3A_477 = arith.constant 0 : i32
    %dma_start3A_478 = arith.constant 0 : i32
    %dma_start3A_479 = tpu.memref_slice %arg8[%dma_start3A_476, %dma_start3A_477, %dma_start3A_478] : memref<2x80x128xf32, #tpu.memory_space<vmem>> -> memref<1x80x128xf32, #tpu.memory_space<vmem>>
    %dma_start3A_480 = tpu.memref_squeeze %dma_start3A_479 : memref<1x80x128xf32, #tpu.memory_space<vmem>> -> memref<80x128xf32, #tpu.memory_space<vmem>>
    %dma_start3A_481 = arith.constant 0 : i32
    %dma_start3A_482 = tpu.memref_slice %arg7[%dma_start3A_474, %dma_start3A_475, %dma_start3A_481] : memref<4x2x80xi32, #tpu.memory_space<vmem>> -> memref<1x1x80xi32, #tpu.memory_space<vmem>>
    %dma_start3A_483 = tpu.memref_squeeze %dma_start3A_482 : memref<1x1x80xi32, #tpu.memory_space<vmem>> -> memref<80xi32, #tpu.memory_space<vmem>>
    %dma_start3A_484 = arith.constant 0 : i32
    %dma_start3A_485 = arith.constant 0 : i32
    %dma_start3A_486 = tpu.memref_slice %arg3[%dma_start3A_484, %dma_start3A_485] : memref<10000x128xf32, #tpu.memory_space<hbm>> -> memref<10000x128xf32, #tpu.memory_space<hbm>>
    tpu.enqueue_indirect_dma source(%dma_start3A_486 : memref<10000x128xf32, #tpu.memory_space<hbm>>) target(%dma_start3A_480 : memref<80x128xf32, #tpu.memory_space<vmem>>) offsets(%dma_start3A_483 : memref<80xi32, #tpu.memory_space<vmem>>) semaphore(%arg15 : memref<!tpu.dma_semaphore, #tpu.memory_space<semaphore_mem>>)
    %add3A_487 = arith.constant 9920 : i32
    %add3A_488 = arith.addi %mul3A_2, %add3A_487 : i32
    %dma_start3A_489 = arith.constant 0 : i32
    %dma_start3A_490 = arith.constant 0 : i32
    %dma_start3A_491 = arith.constant 0 : i32
    %dma_start3A_492 = tpu.memref_slice %arg9[%dma_start3A_489, %dma_start3A_490, %dma_start3A_491] : memref<2x80x64xf32, #tpu.memory_space<vmem>> -> memref<1x80x64xf32, #tpu.memory_space<vmem>>
    %dma_start3A_493 = tpu.memref_squeeze %dma_start3A_492 : memref<1x80x64xf32, #tpu.memory_space<vmem>> -> memref<80x64xf32, #tpu.memory_space<vmem>>
    %dma_start3A_494 = arith.constant 0 : i32
    %dma_start3A_495 = tpu.memref_slice %arg4[%add3A_488, %dma_start3A_494] : memref<320000x64xf32, #tpu.memory_space<hbm>> -> memref<80x64xf32, #tpu.memory_space<hbm>>
    %dma_start3A_496 = arith.constant 0 : i32
    %dma_start3A_497 = arith.constant 0 : i32
    %dma_start3A_498 = tpu.memref_slice %arg9[%dma_start3A_489, %dma_start3A_496, %dma_start3A_497] : memref<2x80x64xf32, #tpu.memory_space<vmem>> -> memref<1x80x64xf32, #tpu.memory_space<vmem>>
    %dma_start3A_499 = tpu.memref_squeeze %dma_start3A_498 : memref<1x80x64xf32, #tpu.memory_space<vmem>> -> memref<80x64xf32, #tpu.memory_space<vmem>>
    %dma_start3A_500 = arith.constant 0 : i32
    %dma_start3A_501 = tpu.memref_slice %arg4[%add3A_488, %dma_start3A_500] : memref<320000x64xf32, #tpu.memory_space<hbm>> -> memref<80x64xf32, #tpu.memory_space<hbm>>
    tpu.enqueue_dma source(%dma_start3A_501 : memref<80x64xf32, #tpu.memory_space<hbm>>) target(%dma_start3A_499 : memref<80x64xf32, #tpu.memory_space<vmem>>) target_semaphore(%arg17 : memref<!tpu.dma_semaphore, #tpu.memory_space<semaphore_mem>>)
    %dma_wait3A_502 = arith.constant 3 : i32
    %dma_wait3A_503 = arith.constant 0 : i32
    %dma_wait3A_504 = arith.constant 1 : i32
    %dma_wait3A_505 = arith.constant 0 : i32
    %dma_wait3A_506 = arith.constant 0 : i32
    %dma_wait3A_507 = tpu.memref_slice %arg8[%dma_wait3A_504, %dma_wait3A_505, %dma_wait3A_506] : memref<2x80x128xf32, #tpu.memory_space<vmem>> -> memref<1x80x128xf32, #tpu.memory_space<vmem>>
    %dma_wait3A_508 = tpu.memref_squeeze %dma_wait3A_507 : memref<1x80x128xf32, #tpu.memory_space<vmem>> -> memref<80x128xf32, #tpu.memory_space<vmem>>
    %dma_wait3A_509 = arith.constant 0 : i32
    %dma_wait3A_510 = tpu.memref_slice %arg7[%dma_wait3A_502, %dma_wait3A_503, %dma_wait3A_509] : memref<4x2x80xi32, #tpu.memory_space<vmem>> -> memref<1x1x80xi32, #tpu.memory_space<vmem>>
    %dma_wait3A_511 = tpu.memref_squeeze %dma_wait3A_510 : memref<1x1x80xi32, #tpu.memory_space<vmem>> -> memref<80xi32, #tpu.memory_space<vmem>>
    %dma_wait3A_512 = arith.constant 0 : i32
    %dma_wait3A_513 = arith.constant 0 : i32
    %dma_wait3A_514 = tpu.memref_slice %arg3[%dma_wait3A_512, %dma_wait3A_513] : memref<10000x128xf32, #tpu.memory_space<hbm>> -> memref<10000x128xf32, #tpu.memory_space<hbm>>
    tpu.wait_indirect_dma semaphore(%arg16 : memref<!tpu.dma_semaphore, #tpu.memory_space<semaphore_mem>>) src(%dma_wait3A_514 : memref<10000x128xf32, #tpu.memory_space<hbm>>) dst(%dma_wait3A_508 : memref<80x128xf32, #tpu.memory_space<vmem>>)
    %add3A_515 = arith.constant 9840 : i32
    %add3A_516 = arith.addi %mul3A_2, %add3A_515 : i32
    %dma_wait3A_517 = arith.constant 1 : i32
    %dma_wait3A_518 = arith.constant 0 : i32
    %dma_wait3A_519 = arith.constant 0 : i32
    %dma_wait3A_520 = tpu.memref_slice %arg9[%dma_wait3A_517, %dma_wait3A_518, %dma_wait3A_519] : memref<2x80x64xf32, #tpu.memory_space<vmem>> -> memref<1x80x64xf32, #tpu.memory_space<vmem>>
    %dma_wait3A_521 = tpu.memref_squeeze %dma_wait3A_520 : memref<1x80x64xf32, #tpu.memory_space<vmem>> -> memref<80x64xf32, #tpu.memory_space<vmem>>
    %dma_wait3A_522 = arith.constant 0 : i32
    %dma_wait3A_523 = tpu.memref_slice %arg4[%add3A_516, %dma_wait3A_522] : memref<320000x64xf32, #tpu.memory_space<hbm>> -> memref<80x64xf32, #tpu.memory_space<hbm>>
    %dma_wait3A_524 = arith.constant 0 : i32
    %dma_wait3A_525 = arith.constant 0 : i32
    %dma_wait3A_526 = tpu.memref_slice %arg9[%dma_wait3A_517, %dma_wait3A_524, %dma_wait3A_525] : memref<2x80x64xf32, #tpu.memory_space<vmem>> -> memref<1x80x64xf32, #tpu.memory_space<vmem>>
    %dma_wait3A_527 = tpu.memref_squeeze %dma_wait3A_526 : memref<1x80x64xf32, #tpu.memory_space<vmem>> -> memref<80x64xf32, #tpu.memory_space<vmem>>
    %dma_wait3A_528 = arith.constant 0 : i32
    %dma_wait3A_529 = tpu.memref_slice %arg4[%add3A_516, %dma_wait3A_528] : memref<320000x64xf32, #tpu.memory_space<hbm>> -> memref<80x64xf32, #tpu.memory_space<hbm>>
    tpu.wait_dma2 semaphore(%arg18 : memref<!tpu.dma_semaphore, #tpu.memory_space<semaphore_mem>>) src(%dma_wait3A_529 : memref<80x64xf32, #tpu.memory_space<hbm>>) dst(%dma_wait3A_527 : memref<80x64xf32, #tpu.memory_space<vmem>>)
    %parallel_loop3A_530 = arith.constant 0 : i32
    %parallel_loop3A_531 = arith.constant 80 : i32
    %parallel_loop3A_532 = arith.constant 1 : i32
    scf.for %parallel_loop3A_627 = %parallel_loop3A_530 to %parallel_loop3A_531 step %parallel_loop3A_532  : i32 {
      %parallel_loop3A_628 = arith.constant 1 : i32
      %parallel_loop3A_629 = arith.index_cast %parallel_loop3A_628 : i32 to index
      %parallel_loop3A_630 = arith.index_cast %parallel_loop3A_627 : i32 to index
      %parallel_loop3A_631 = arith.constant 0 : index
      %parallel_loop3A_632 = tpu.vector_load %arg9[%parallel_loop3A_629, %parallel_loop3A_630, %parallel_loop3A_631] {strides = array<i32>} : memref<2x80x64xf32, #tpu.memory_space<vmem>>, vector<1x1x16xf32>,
      %parallel_loop3A_633 = vector.shape_cast %parallel_loop3A_632 : vector<1x1x16xf32> to vector<16xf32>
      %parallel_loop3A_634 = tpu.bitcast %parallel_loop3A_633 : vector<16xf32> -> vector<16xi32>
      %parallel_loop3A_635 = arith.constant 16 : i32
      %parallel_loop3A_636 = vector.broadcast %parallel_loop3A_635 : i32 to vector<16xi32>
      %parallel_loop3A_637 = arith.shli %parallel_loop3A_634, %parallel_loop3A_636 : vector<16xi32>
      %parallel_loop3A_638 = tpu.bitcast %parallel_loop3A_637 : vector<16xi32> -> vector<16xf32>
      %parallel_loop3A_639 = arith.constant -65536 : i32
      %parallel_loop3A_640 = vector.broadcast %parallel_loop3A_639 : i32 to vector<16xi32>
      %parallel_loop3A_641 = arith.andi %parallel_loop3A_634, %parallel_loop3A_640 : vector<16xi32>
      %parallel_loop3A_642 = tpu.bitcast %parallel_loop3A_641 : vector<16xi32> -> vector<16xf32>
      %parallel_loop3A_643 = arith.constant 1 : i32
      %parallel_loop3A_644 = arith.index_cast %parallel_loop3A_643 : i32 to index
      %parallel_loop3A_645 = arith.index_cast %parallel_loop3A_627 : i32 to index
      %parallel_loop3A_646 = arith.constant 0 : index
      %parallel_loop3A_647 = tpu.vector_load %arg8[%parallel_loop3A_644, %parallel_loop3A_645, %parallel_loop3A_646] {strides = array<i32>} : memref<2x80x128xf32, #tpu.memory_space<vmem>>, vector<1x1x16xf32>,
      %parallel_loop3A_648 = vector.shape_cast %parallel_loop3A_647 : vector<1x1x16xf32> to vector<16xf32>
      %parallel_loop3A_649 = arith.addf %parallel_loop3A_648, %parallel_loop3A_638 : vector<16xf32>
      %parallel_loop3A_650 = arith.constant 0.000000e+00 : f32
      %parallel_loop3A_651 = vector.broadcast %parallel_loop3A_650 : f32 to vector<16xf32>
      %parallel_loop3A_652 = arith.maximumf %parallel_loop3A_649, %parallel_loop3A_651 : vector<16xf32>
      %parallel_loop3A_653 = arith.constant 1 : i32
      %parallel_loop3A_654 = arith.index_cast %parallel_loop3A_653 : i32 to index
      %parallel_loop3A_655 = arith.index_cast %parallel_loop3A_627 : i32 to index
      %parallel_loop3A_656 = arith.constant 0 : index
      %parallel_loop3A_657 = tpu.vector_load %arg8[%parallel_loop3A_654, %parallel_loop3A_655, %parallel_loop3A_656] {strides = array<i32>} : memref<2x80x128xf32, #tpu.memory_space<vmem>>, vector<1x1x16xf32>,
      %parallel_loop3A_658 = vector.shape_cast %parallel_loop3A_657 : vector<1x1x16xf32> to vector<16xf32>
      %parallel_loop3A_659 = vector.shape_cast %parallel_loop3A_652 : vector<16xf32> to vector<1x1x16xf32>
      tpu.vector_store %arg8[%parallel_loop3A_654, %parallel_loop3A_655, %parallel_loop3A_656], %parallel_loop3A_659 {strides = array<i32>} : memref<2x80x128xf32, #tpu.memory_space<vmem>>, vector<1x1x16xf32>,
      %parallel_loop3A_660 = arith.constant 1 : i32
      %parallel_loop3A_661 = arith.index_cast %parallel_loop3A_660 : i32 to index
      %parallel_loop3A_662 = arith.index_cast %parallel_loop3A_627 : i32 to index
      %parallel_loop3A_663 = arith.constant 64 : index
      %parallel_loop3A_664 = tpu.vector_load %arg8[%parallel_loop3A_661, %parallel_loop3A_662, %parallel_loop3A_663] {strides = array<i32>} : memref<2x80x128xf32, #tpu.memory_space<vmem>>, vector<1x1x16xf32>,
      %parallel_loop3A_665 = vector.shape_cast %parallel_loop3A_664 : vector<1x1x16xf32> to vector<16xf32>
      %parallel_loop3A_666 = arith.addf %parallel_loop3A_665, %parallel_loop3A_642 : vector<16xf32>
      %parallel_loop3A_667 = arith.constant 0.000000e+00 : f32
      %parallel_loop3A_668 = vector.broadcast %parallel_loop3A_667 : f32 to vector<16xf32>
      %parallel_loop3A_669 = arith.maximumf %parallel_loop3A_666, %parallel_loop3A_668 : vector<16xf32>
      %parallel_loop3A_670 = arith.constant 1 : i32
      %parallel_loop3A_671 = arith.index_cast %parallel_loop3A_670 : i32 to index
      %parallel_loop3A_672 = arith.index_cast %parallel_loop3A_627 : i32 to index
      %parallel_loop3A_673 = arith.constant 64 : index
      %parallel_loop3A_674 = tpu.vector_load %arg8[%parallel_loop3A_671, %parallel_loop3A_672, %parallel_loop3A_673] {strides = array<i32>} : memref<2x80x128xf32, #tpu.memory_space<vmem>>, vector<1x1x16xf32>,
      %parallel_loop3A_675 = vector.shape_cast %parallel_loop3A_674 : vector<1x1x16xf32> to vector<16xf32>
      %parallel_loop3A_676 = vector.shape_cast %parallel_loop3A_669 : vector<16xf32> to vector<1x1x16xf32>
      tpu.vector_store %arg8[%parallel_loop3A_671, %parallel_loop3A_672, %parallel_loop3A_673], %parallel_loop3A_676 {strides = array<i32>} : memref<2x80x128xf32, #tpu.memory_space<vmem>>, vector<1x1x16xf32>,
      %parallel_loop3A_677 = arith.constant 1 : i32
      %parallel_loop3A_678 = arith.index_cast %parallel_loop3A_677 : i32 to index
      %parallel_loop3A_679 = arith.index_cast %parallel_loop3A_627 : i32 to index
      %parallel_loop3A_680 = arith.constant 16 : index
      %parallel_loop3A_681 = tpu.vector_load %arg9[%parallel_loop3A_678, %parallel_loop3A_679, %parallel_loop3A_680] {strides = array<i32>} : memref<2x80x64xf32, #tpu.memory_space<vmem>>, vector<1x1x16xf32>,
      %parallel_loop3A_682 = vector.shape_cast %parallel_loop3A_681 : vector<1x1x16xf32> to vector<16xf32>
      %parallel_loop3A_683 = tpu.bitcast %parallel_loop3A_682 : vector<16xf32> -> vector<16xi32>
      %parallel_loop3A_684 = arith.constant 16 : i32
      %parallel_loop3A_685 = vector.broadcast %parallel_loop3A_684 : i32 to vector<16xi32>
      %parallel_loop3A_686 = arith.shli %parallel_loop3A_683, %parallel_loop3A_685 : vector<16xi32>
      %parallel_loop3A_687 = tpu.bitcast %parallel_loop3A_686 : vector<16xi32> -> vector<16xf32>
      %parallel_loop3A_688 = arith.constant -65536 : i32
      %parallel_loop3A_689 = vector.broadcast %parallel_loop3A_688 : i32 to vector<16xi32>
      %parallel_loop3A_690 = arith.andi %parallel_loop3A_683, %parallel_loop3A_689 : vector<16xi32>
      %parallel_loop3A_691 = tpu.bitcast %parallel_loop3A_690 : vector<16xi32> -> vector<16xf32>
      %parallel_loop3A_692 = arith.constant 1 : i32
      %parallel_loop3A_693 = arith.index_cast %parallel_loop3A_692 : i32 to index
      %parallel_loop3A_694 = arith.index_cast %parallel_loop3A_627 : i32 to index
      %parallel_loop3A_695 = arith.constant 16 : index
      %parallel_loop3A_696 = tpu.vector_load %arg8[%parallel_loop3A_693, %parallel_loop3A_694, %parallel_loop3A_695] {strides = array<i32>} : memref<2x80x128xf32, #tpu.memory_space<vmem>>, vector<1x1x16xf32>,
      %parallel_loop3A_697 = vector.shape_cast %parallel_loop3A_696 : vector<1x1x16xf32> to vector<16xf32>
      %parallel_loop3A_698 = arith.addf %parallel_loop3A_697, %parallel_loop3A_687 : vector<16xf32>
      %parallel_loop3A_699 = arith.constant 0.000000e+00 : f32
      %parallel_loop3A_700 = vector.broadcast %parallel_loop3A_699 : f32 to vector<16xf32>
      %parallel_loop3A_701 = arith.maximumf %parallel_loop3A_698, %parallel_loop3A_700 : vector<16xf32>
      %parallel_loop3A_702 = arith.constant 1 : i32
      %parallel_loop3A_703 = arith.index_cast %parallel_loop3A_702 : i32 to index
      %parallel_loop3A_704 = arith.index_cast %parallel_loop3A_627 : i32 to index
      %parallel_loop3A_705 = arith.constant 16 : index
      %parallel_loop3A_706 = tpu.vector_load %arg8[%parallel_loop3A_703, %parallel_loop3A_704, %parallel_loop3A_705] {strides = array<i32>} : memref<2x80x128xf32, #tpu.memory_space<vmem>>, vector<1x1x16xf32>,
      %parallel_loop3A_707 = vector.shape_cast %parallel_loop3A_706 : vector<1x1x16xf32> to vector<16xf32>
      %parallel_loop3A_708 = vector.shape_cast %parallel_loop3A_701 : vector<16xf32> to vector<1x1x16xf32>
      tpu.vector_store %arg8[%parallel_loop3A_703, %parallel_loop3A_704, %parallel_loop3A_705], %parallel_loop3A_708 {strides = array<i32>} : memref<2x80x128xf32, #tpu.memory_space<vmem>>, vector<1x1x16xf32>,
      %parallel_loop3A_709 = arith.constant 1 : i32
      %parallel_loop3A_710 = arith.index_cast %parallel_loop3A_709 : i32 to index
      %parallel_loop3A_711 = arith.index_cast %parallel_loop3A_627 : i32 to index
      %parallel_loop3A_712 = arith.constant 80 : index
      %parallel_loop3A_713 = tpu.vector_load %arg8[%parallel_loop3A_710, %parallel_loop3A_711, %parallel_loop3A_712] {strides = array<i32>} : memref<2x80x128xf32, #tpu.memory_space<vmem>>, vector<1x1x16xf32>,
      %parallel_loop3A_714 = vector.shape_cast %parallel_loop3A_713 : vector<1x1x16xf32> to vector<16xf32>
      %parallel_loop3A_715 = arith.addf %parallel_loop3A_714, %parallel_loop3A_691 : vector<16xf32>
      %parallel_loop3A_716 = arith.constant 0.000000e+00 : f32
      %parallel_loop3A_717 = vector.broadcast %parallel_loop3A_716 : f32 to vector<16xf32>
      %parallel_loop3A_718 = arith.maximumf %parallel_loop3A_715, %parallel_loop3A_717 : vector<16xf32>
      %parallel_loop3A_719 = arith.constant 1 : i32
      %parallel_loop3A_720 = arith.index_cast %parallel_loop3A_719 : i32 to index
      %parallel_loop3A_721 = arith.index_cast %parallel_loop3A_627 : i32 to index
      %parallel_loop3A_722 = arith.constant 80 : index
      %parallel_loop3A_723 = tpu.vector_load %arg8[%parallel_loop3A_720, %parallel_loop3A_721, %parallel_loop3A_722] {strides = array<i32>} : memref<2x80x128xf32, #tpu.memory_space<vmem>>, vector<1x1x16xf32>,
      %parallel_loop3A_724 = vector.shape_cast %parallel_loop3A_723 : vector<1x1x16xf32> to vector<16xf32>
      %parallel_loop3A_725 = vector.shape_cast %parallel_loop3A_718 : vector<16xf32> to vector<1x1x16xf32>
      tpu.vector_store %arg8[%parallel_loop3A_720, %parallel_loop3A_721, %parallel_loop3A_722], %parallel_loop3A_725 {strides = array<i32>} : memref<2x80x128xf32, #tpu.memory_space<vmem>>, vector<1x1x16xf32>,
      %parallel_loop3A_726 = arith.constant 1 : i32
      %parallel_loop3A_727 = arith.index_cast %parallel_loop3A_726 : i32 to index
      %parallel_loop3A_728 = arith.index_cast %parallel_loop3A_627 : i32 to index
      %parallel_loop3A_729 = arith.constant 32 : index
      %parallel_loop3A_730 = tpu.vector_load %arg9[%parallel_loop3A_727, %parallel_loop3A_728, %parallel_loop3A_729] {strides = array<i32>} : memref<2x80x64xf32, #tpu.memory_space<vmem>>, vector<1x1x16xf32>,
      %parallel_loop3A_731 = vector.shape_cast %parallel_loop3A_730 : vector<1x1x16xf32> to vector<16xf32>
      %parallel_loop3A_732 = tpu.bitcast %parallel_loop3A_731 : vector<16xf32> -> vector<16xi32>
      %parallel_loop3A_733 = arith.constant 16 : i32
      %parallel_loop3A_734 = vector.broadcast %parallel_loop3A_733 : i32 to vector<16xi32>
      %parallel_loop3A_735 = arith.shli %parallel_loop3A_732, %parallel_loop3A_734 : vector<16xi32>
      %parallel_loop3A_736 = tpu.bitcast %parallel_loop3A_735 : vector<16xi32> -> vector<16xf32>
      %parallel_loop3A_737 = arith.constant -65536 : i32
      %parallel_loop3A_738 = vector.broadcast %parallel_loop3A_737 : i32 to vector<16xi32>
      %parallel_loop3A_739 = arith.andi %parallel_loop3A_732, %parallel_loop3A_738 : vector<16xi32>
      %parallel_loop3A_740 = tpu.bitcast %parallel_loop3A_739 : vector<16xi32> -> vector<16xf32>
      %parallel_loop3A_741 = arith.constant 1 : i32
      %parallel_loop3A_742 = arith.index_cast %parallel_loop3A_741 : i32 to index
      %parallel_loop3A_743 = arith.index_cast %parallel_loop3A_627 : i32 to index
      %parallel_loop3A_744 = arith.constant 32 : index
      %parallel_loop3A_745 = tpu.vector_load %arg8[%parallel_loop3A_742, %parallel_loop3A_743, %parallel_loop3A_744] {strides = array<i32>} : memref<2x80x128xf32, #tpu.memory_space<vmem>>, vector<1x1x16xf32>,
      %parallel_loop3A_746 = vector.shape_cast %parallel_loop3A_745 : vector<1x1x16xf32> to vector<16xf32>
      %parallel_loop3A_747 = arith.addf %parallel_loop3A_746, %parallel_loop3A_736 : vector<16xf32>
      %parallel_loop3A_748 = arith.constant 0.000000e+00 : f32
      %parallel_loop3A_749 = vector.broadcast %parallel_loop3A_748 : f32 to vector<16xf32>
      %parallel_loop3A_750 = arith.maximumf %parallel_loop3A_747, %parallel_loop3A_749 : vector<16xf32>
      %parallel_loop3A_751 = arith.constant 1 : i32
      %parallel_loop3A_752 = arith.index_cast %parallel_loop3A_751 : i32 to index
      %parallel_loop3A_753 = arith.index_cast %parallel_loop3A_627 : i32 to index
      %parallel_loop3A_754 = arith.constant 32 : index
      %parallel_loop3A_755 = tpu.vector_load %arg8[%parallel_loop3A_752, %parallel_loop3A_753, %parallel_loop3A_754] {strides = array<i32>} : memref<2x80x128xf32, #tpu.memory_space<vmem>>, vector<1x1x16xf32>,
      %parallel_loop3A_756 = vector.shape_cast %parallel_loop3A_755 : vector<1x1x16xf32> to vector<16xf32>
      %parallel_loop3A_757 = vector.shape_cast %parallel_loop3A_750 : vector<16xf32> to vector<1x1x16xf32>
      tpu.vector_store %arg8[%parallel_loop3A_752, %parallel_loop3A_753, %parallel_loop3A_754], %parallel_loop3A_757 {strides = array<i32>} : memref<2x80x128xf32, #tpu.memory_space<vmem>>, vector<1x1x16xf32>,
      %parallel_loop3A_758 = arith.constant 1 : i32
      %parallel_loop3A_759 = arith.index_cast %parallel_loop3A_758 : i32 to index
      %parallel_loop3A_760 = arith.index_cast %parallel_loop3A_627 : i32 to index
      %parallel_loop3A_761 = arith.constant 96 : index
      %parallel_loop3A_762 = tpu.vector_load %arg8[%parallel_loop3A_759, %parallel_loop3A_760, %parallel_loop3A_761] {strides = array<i32>} : memref<2x80x128xf32, #tpu.memory_space<vmem>>, vector<1x1x16xf32>,
      %parallel_loop3A_763 = vector.shape_cast %parallel_loop3A_762 : vector<1x1x16xf32> to vector<16xf32>
      %parallel_loop3A_764 = arith.addf %parallel_loop3A_763, %parallel_loop3A_740 : vector<16xf32>
      %parallel_loop3A_765 = arith.constant 0.000000e+00 : f32
      %parallel_loop3A_766 = vector.broadcast %parallel_loop3A_765 : f32 to vector<16xf32>
      %parallel_loop3A_767 = arith.maximumf %parallel_loop3A_764, %parallel_loop3A_766 : vector<16xf32>
      %parallel_loop3A_768 = arith.constant 1 : i32
      %parallel_loop3A_769 = arith.index_cast %parallel_loop3A_768 : i32 to index
      %parallel_loop3A_770 = arith.index_cast %parallel_loop3A_627 : i32 to index
      %parallel_loop3A_771 = arith.constant 96 : index
      %parallel_loop3A_772 = tpu.vector_load %arg8[%parallel_loop3A_769, %parallel_loop3A_770, %parallel_loop3A_771] {strides = array<i32>} : memref<2x80x128xf32, #tpu.memory_space<vmem>>, vector<1x1x16xf32>,
      %parallel_loop3A_773 = vector.shape_cast %parallel_loop3A_772 : vector<1x1x16xf32> to vector<16xf32>
      %parallel_loop3A_774 = vector.shape_cast %parallel_loop3A_767 : vector<16xf32> to vector<1x1x16xf32>
      tpu.vector_store %arg8[%parallel_loop3A_769, %parallel_loop3A_770, %parallel_loop3A_771], %parallel_loop3A_774 {strides = array<i32>} : memref<2x80x128xf32, #tpu.memory_space<vmem>>, vector<1x1x16xf32>,
      %parallel_loop3A_775 = arith.constant 1 : i32
      %parallel_loop3A_776 = arith.index_cast %parallel_loop3A_775 : i32 to index
      %parallel_loop3A_777 = arith.index_cast %parallel_loop3A_627 : i32 to index
      %parallel_loop3A_778 = arith.constant 48 : index
      %parallel_loop3A_779 = tpu.vector_load %arg9[%parallel_loop3A_776, %parallel_loop3A_777, %parallel_loop3A_778] {strides = array<i32>} : memref<2x80x64xf32, #tpu.memory_space<vmem>>, vector<1x1x16xf32>,
      %parallel_loop3A_780 = vector.shape_cast %parallel_loop3A_779 : vector<1x1x16xf32> to vector<16xf32>
      %parallel_loop3A_781 = tpu.bitcast %parallel_loop3A_780 : vector<16xf32> -> vector<16xi32>
      %parallel_loop3A_782 = arith.constant 16 : i32
      %parallel_loop3A_783 = vector.broadcast %parallel_loop3A_782 : i32 to vector<16xi32>
      %parallel_loop3A_784 = arith.shli %parallel_loop3A_781, %parallel_loop3A_783 : vector<16xi32>
      %parallel_loop3A_785 = tpu.bitcast %parallel_loop3A_784 : vector<16xi32> -> vector<16xf32>
      %parallel_loop3A_786 = arith.constant -65536 : i32
      %parallel_loop3A_787 = vector.broadcast %parallel_loop3A_786 : i32 to vector<16xi32>
      %parallel_loop3A_788 = arith.andi %parallel_loop3A_781, %parallel_loop3A_787 : vector<16xi32>
      %parallel_loop3A_789 = tpu.bitcast %parallel_loop3A_788 : vector<16xi32> -> vector<16xf32>
      %parallel_loop3A_790 = arith.constant 1 : i32
      %parallel_loop3A_791 = arith.index_cast %parallel_loop3A_790 : i32 to index
      %parallel_loop3A_792 = arith.index_cast %parallel_loop3A_627 : i32 to index
      %parallel_loop3A_793 = arith.constant 48 : index
      %parallel_loop3A_794 = tpu.vector_load %arg8[%parallel_loop3A_791, %parallel_loop3A_792, %parallel_loop3A_793] {strides = array<i32>} : memref<2x80x128xf32, #tpu.memory_space<vmem>>, vector<1x1x16xf32>,
      %parallel_loop3A_795 = vector.shape_cast %parallel_loop3A_794 : vector<1x1x16xf32> to vector<16xf32>
      %parallel_loop3A_796 = arith.addf %parallel_loop3A_795, %parallel_loop3A_785 : vector<16xf32>
      %parallel_loop3A_797 = arith.constant 0.000000e+00 : f32
      %parallel_loop3A_798 = vector.broadcast %parallel_loop3A_797 : f32 to vector<16xf32>
      %parallel_loop3A_799 = arith.maximumf %parallel_loop3A_796, %parallel_loop3A_798 : vector<16xf32>
      %parallel_loop3A_800 = arith.constant 1 : i32
      %parallel_loop3A_801 = arith.index_cast %parallel_loop3A_800 : i32 to index
      %parallel_loop3A_802 = arith.index_cast %parallel_loop3A_627 : i32 to index
      %parallel_loop3A_803 = arith.constant 48 : index
      %parallel_loop3A_804 = tpu.vector_load %arg8[%parallel_loop3A_801, %parallel_loop3A_802, %parallel_loop3A_803] {strides = array<i32>} : memref<2x80x128xf32, #tpu.memory_space<vmem>>, vector<1x1x16xf32>,
      %parallel_loop3A_805 = vector.shape_cast %parallel_loop3A_804 : vector<1x1x16xf32> to vector<16xf32>
      %parallel_loop3A_806 = vector.shape_cast %parallel_loop3A_799 : vector<16xf32> to vector<1x1x16xf32>
      tpu.vector_store %arg8[%parallel_loop3A_801, %parallel_loop3A_802, %parallel_loop3A_803], %parallel_loop3A_806 {strides = array<i32>} : memref<2x80x128xf32, #tpu.memory_space<vmem>>, vector<1x1x16xf32>,
      %parallel_loop3A_807 = arith.constant 1 : i32
      %parallel_loop3A_808 = arith.index_cast %parallel_loop3A_807 : i32 to index
      %parallel_loop3A_809 = arith.index_cast %parallel_loop3A_627 : i32 to index
      %parallel_loop3A_810 = arith.constant 112 : index
      %parallel_loop3A_811 = tpu.vector_load %arg8[%parallel_loop3A_808, %parallel_loop3A_809, %parallel_loop3A_810] {strides = array<i32>} : memref<2x80x128xf32, #tpu.memory_space<vmem>>, vector<1x1x16xf32>,
      %parallel_loop3A_812 = vector.shape_cast %parallel_loop3A_811 : vector<1x1x16xf32> to vector<16xf32>
      %parallel_loop3A_813 = arith.addf %parallel_loop3A_812, %parallel_loop3A_789 : vector<16xf32>
      %parallel_loop3A_814 = arith.constant 0.000000e+00 : f32
      %parallel_loop3A_815 = vector.broadcast %parallel_loop3A_814 : f32 to vector<16xf32>
      %parallel_loop3A_816 = arith.maximumf %parallel_loop3A_813, %parallel_loop3A_815 : vector<16xf32>
      %parallel_loop3A_817 = arith.constant 1 : i32
      %parallel_loop3A_818 = arith.index_cast %parallel_loop3A_817 : i32 to index
      %parallel_loop3A_819 = arith.index_cast %parallel_loop3A_627 : i32 to index
      %parallel_loop3A_820 = arith.constant 112 : index
      %parallel_loop3A_821 = tpu.vector_load %arg8[%parallel_loop3A_818, %parallel_loop3A_819, %parallel_loop3A_820] {strides = array<i32>} : memref<2x80x128xf32, #tpu.memory_space<vmem>>, vector<1x1x16xf32>,
      %parallel_loop3A_822 = vector.shape_cast %parallel_loop3A_821 : vector<1x1x16xf32> to vector<16xf32>
      %parallel_loop3A_823 = vector.shape_cast %parallel_loop3A_816 : vector<16xf32> to vector<1x1x16xf32>
      tpu.vector_store %arg8[%parallel_loop3A_818, %parallel_loop3A_819, %parallel_loop3A_820], %parallel_loop3A_823 {strides = array<i32>} : memref<2x80x128xf32, #tpu.memory_space<vmem>>, vector<1x1x16xf32>,
    } {sc.loop_unroll_factor = 2 : i64, sc.parallel_access}
    %dma_start3A_533 = arith.constant 1 : i32
    %dma_start3A_534 = arith.constant 3 : i32
    %dma_start3A_535 = arith.constant 1 : i32
    %dma_start3A_536 = arith.constant 0 : i32
    %dma_start3A_537 = arith.constant 0 : i32
    %dma_start3A_538 = tpu.memref_slice %arg8[%dma_start3A_533, %dma_start3A_536, %dma_start3A_537] : memref<2x80x128xf32, #tpu.memory_space<vmem>> -> memref<1x80x128xf32, #tpu.memory_space<vmem>>
    %dma_start3A_539 = tpu.memref_squeeze %dma_start3A_538 : memref<1x80x128xf32, #tpu.memory_space<vmem>> -> memref<80x128xf32, #tpu.memory_space<vmem>>
    %dma_start3A_540 = arith.constant 0 : i32
    %dma_start3A_541 = tpu.memref_slice %arg7[%dma_start3A_534, %dma_start3A_535, %dma_start3A_540] : memref<4x2x80xi32, #tpu.memory_space<vmem>> -> memref<1x1x80xi32, #tpu.memory_space<vmem>>
    %dma_start3A_542 = tpu.memref_squeeze %dma_start3A_541 : memref<1x1x80xi32, #tpu.memory_space<vmem>> -> memref<80xi32, #tpu.memory_space<vmem>>
    %dma_start3A_543 = arith.constant 0 : i32
    %dma_start3A_544 = arith.constant 0 : i32
    %dma_start3A_545 = tpu.memref_slice %arg10[%dma_start3A_543, %dma_start3A_544] : memref<10000x128xf32, #tpu.memory_space<vmem_shared>> -> memref<10000x128xf32, #tpu.memory_space<vmem_shared>>
    tpu.enqueue_indirect_dma source(%dma_start3A_539 : memref<80x128xf32, #tpu.memory_space<vmem>>) target(%dma_start3A_545 : memref<10000x128xf32, #tpu.memory_space<vmem_shared>>) offsets(%dma_start3A_542 : memref<80xi32, #tpu.memory_space<vmem>>) semaphore(%arg20 : memref<!tpu.dma_semaphore, #tpu.memory_space<semaphore_mem>>) {add = true}
    %dma_wait3A_546 = arith.constant 0 : i32
    %dma_wait3A_547 = arith.constant 0 : i32
    %dma_wait3A_548 = arith.constant 0 : i32
    %dma_wait3A_549 = arith.constant 0 : i32
    %dma_wait3A_550 = arith.constant 0 : i32
    %dma_wait3A_551 = tpu.memref_slice %arg8[%dma_wait3A_548, %dma_wait3A_549, %dma_wait3A_550] : memref<2x80x128xf32, #tpu.memory_space<vmem>> -> memref<1x80x128xf32, #tpu.memory_space<vmem>>
    %dma_wait3A_552 = tpu.memref_squeeze %dma_wait3A_551 : memref<1x80x128xf32, #tpu.memory_space<vmem>> -> memref<80x128xf32, #tpu.memory_space<vmem>>
    %dma_wait3A_553 = arith.constant 0 : i32
    %dma_wait3A_554 = tpu.memref_slice %arg7[%dma_wait3A_546, %dma_wait3A_547, %dma_wait3A_553] : memref<4x2x80xi32, #tpu.memory_space<vmem>> -> memref<1x1x80xi32, #tpu.memory_space<vmem>>
    %dma_wait3A_555 = tpu.memref_squeeze %dma_wait3A_554 : memref<1x1x80xi32, #tpu.memory_space<vmem>> -> memref<80xi32, #tpu.memory_space<vmem>>
    %dma_wait3A_556 = arith.constant 0 : i32
    %dma_wait3A_557 = arith.constant 0 : i32
    %dma_wait3A_558 = tpu.memref_slice %arg3[%dma_wait3A_556, %dma_wait3A_557] : memref<10000x128xf32, #tpu.memory_space<hbm>> -> memref<10000x128xf32, #tpu.memory_space<hbm>>
    tpu.wait_indirect_dma semaphore(%arg15 : memref<!tpu.dma_semaphore, #tpu.memory_space<semaphore_mem>>) src(%dma_wait3A_558 : memref<10000x128xf32, #tpu.memory_space<hbm>>) dst(%dma_wait3A_552 : memref<80x128xf32, #tpu.memory_space<vmem>>)
    %add3A_559 = arith.constant 9920 : i32
    %add3A_560 = arith.addi %mul3A_2, %add3A_559 : i32
    %dma_wait3A_561 = arith.constant 0 : i32
    %dma_wait3A_562 = arith.constant 0 : i32
    %dma_wait3A_563 = arith.constant 0 : i32
    %dma_wait3A_564 = tpu.memref_slice %arg9[%dma_wait3A_561, %dma_wait3A_562, %dma_wait3A_563] : memref<2x80x64xf32, #tpu.memory_space<vmem>> -> memref<1x80x64xf32, #tpu.memory_space<vmem>>
    %dma_wait3A_565 = tpu.memref_squeeze %dma_wait3A_564 : memref<1x80x64xf32, #tpu.memory_space<vmem>> -> memref<80x64xf32, #tpu.memory_space<vmem>>
    %dma_wait3A_566 = arith.constant 0 : i32
    %dma_wait3A_567 = tpu.memref_slice %arg4[%add3A_560, %dma_wait3A_566] : memref<320000x64xf32, #tpu.memory_space<hbm>> -> memref<80x64xf32, #tpu.memory_space<hbm>>
    %dma_wait3A_568 = arith.constant 0 : i32
    %dma_wait3A_569 = arith.constant 0 : i32
    %dma_wait3A_570 = tpu.memref_slice %arg9[%dma_wait3A_561, %dma_wait3A_568, %dma_wait3A_569] : memref<2x80x64xf32, #tpu.memory_space<vmem>> -> memref<1x80x64xf32, #tpu.memory_space<vmem>>
    %dma_wait3A_571 = tpu.memref_squeeze %dma_wait3A_570 : memref<1x80x64xf32, #tpu.memory_space<vmem>> -> memref<80x64xf32, #tpu.memory_space<vmem>>
    %dma_wait3A_572 = arith.constant 0 : i32
    %dma_wait3A_573 = tpu.memref_slice %arg4[%add3A_560, %dma_wait3A_572] : memref<320000x64xf32, #tpu.memory_space<hbm>> -> memref<80x64xf32, #tpu.memory_space<hbm>>
    tpu.wait_dma2 semaphore(%arg17 : memref<!tpu.dma_semaphore, #tpu.memory_space<semaphore_mem>>) src(%dma_wait3A_573 : memref<80x64xf32, #tpu.memory_space<hbm>>) dst(%dma_wait3A_571 : memref<80x64xf32, #tpu.memory_space<vmem>>)
    %parallel_loop3A_574 = arith.constant 0 : i32
    %parallel_loop3A_575 = arith.constant 80 : i32
    %parallel_loop3A_576 = arith.constant 1 : i32
    scf.for %parallel_loop3A_627 = %parallel_loop3A_574 to %parallel_loop3A_575 step %parallel_loop3A_576  : i32 {
      %parallel_loop3A_628 = arith.constant 0 : i32
      %parallel_loop3A_629 = arith.index_cast %parallel_loop3A_628 : i32 to index
      %parallel_loop3A_630 = arith.index_cast %parallel_loop3A_627 : i32 to index
      %parallel_loop3A_631 = arith.constant 0 : index
      %parallel_loop3A_632 = tpu.vector_load %arg9[%parallel_loop3A_629, %parallel_loop3A_630, %parallel_loop3A_631] {strides = array<i32>} : memref<2x80x64xf32, #tpu.memory_space<vmem>>, vector<1x1x16xf32>,
      %parallel_loop3A_633 = vector.shape_cast %parallel_loop3A_632 : vector<1x1x16xf32> to vector<16xf32>
      %parallel_loop3A_634 = tpu.bitcast %parallel_loop3A_633 : vector<16xf32> -> vector<16xi32>
      %parallel_loop3A_635 = arith.constant 16 : i32
      %parallel_loop3A_636 = vector.broadcast %parallel_loop3A_635 : i32 to vector<16xi32>
      %parallel_loop3A_637 = arith.shli %parallel_loop3A_634, %parallel_loop3A_636 : vector<16xi32>
      %parallel_loop3A_638 = tpu.bitcast %parallel_loop3A_637 : vector<16xi32> -> vector<16xf32>
      %parallel_loop3A_639 = arith.constant -65536 : i32
      %parallel_loop3A_640 = vector.broadcast %parallel_loop3A_639 : i32 to vector<16xi32>
      %parallel_loop3A_641 = arith.andi %parallel_loop3A_634, %parallel_loop3A_640 : vector<16xi32>
      %parallel_loop3A_642 = tpu.bitcast %parallel_loop3A_641 : vector<16xi32> -> vector<16xf32>
      %parallel_loop3A_643 = arith.constant 0 : i32
      %parallel_loop3A_644 = arith.index_cast %parallel_loop3A_643 : i32 to index
      %parallel_loop3A_645 = arith.index_cast %parallel_loop3A_627 : i32 to index
      %parallel_loop3A_646 = arith.constant 0 : index
      %parallel_loop3A_647 = tpu.vector_load %arg8[%parallel_loop3A_644, %parallel_loop3A_645, %parallel_loop3A_646] {strides = array<i32>} : memref<2x80x128xf32, #tpu.memory_space<vmem>>, vector<1x1x16xf32>,
      %parallel_loop3A_648 = vector.shape_cast %parallel_loop3A_647 : vector<1x1x16xf32> to vector<16xf32>
      %parallel_loop3A_649 = arith.addf %parallel_loop3A_648, %parallel_loop3A_638 : vector<16xf32>
      %parallel_loop3A_650 = arith.constant 0.000000e+00 : f32
      %parallel_loop3A_651 = vector.broadcast %parallel_loop3A_650 : f32 to vector<16xf32>
      %parallel_loop3A_652 = arith.maximumf %parallel_loop3A_649, %parallel_loop3A_651 : vector<16xf32>
      %parallel_loop3A_653 = arith.constant 0 : i32
      %parallel_loop3A_654 = arith.index_cast %parallel_loop3A_653 : i32 to index
      %parallel_loop3A_655 = arith.index_cast %parallel_loop3A_627 : i32 to index
      %parallel_loop3A_656 = arith.constant 0 : index
      %parallel_loop3A_657 = tpu.vector_load %arg8[%parallel_loop3A_654, %parallel_loop3A_655, %parallel_loop3A_656] {strides = array<i32>} : memref<2x80x128xf32, #tpu.memory_space<vmem>>, vector<1x1x16xf32>,
      %parallel_loop3A_658 = vector.shape_cast %parallel_loop3A_657 : vector<1x1x16xf32> to vector<16xf32>
      %parallel_loop3A_659 = vector.shape_cast %parallel_loop3A_652 : vector<16xf32> to vector<1x1x16xf32>
      tpu.vector_store %arg8[%parallel_loop3A_654, %parallel_loop3A_655, %parallel_loop3A_656], %parallel_loop3A_659 {strides = array<i32>} : memref<2x80x128xf32, #tpu.memory_space<vmem>>, vector<1x1x16xf32>,
      %parallel_loop3A_660 = arith.constant 0 : i32
      %parallel_loop3A_661 = arith.index_cast %parallel_loop3A_660 : i32 to index
      %parallel_loop3A_662 = arith.index_cast %parallel_loop3A_627 : i32 to index
      %parallel_loop3A_663 = arith.constant 64 : index
      %parallel_loop3A_664 = tpu.vector_load %arg8[%parallel_loop3A_661, %parallel_loop3A_662, %parallel_loop3A_663] {strides = array<i32>} : memref<2x80x128xf32, #tpu.memory_space<vmem>>, vector<1x1x16xf32>,
      %parallel_loop3A_665 = vector.shape_cast %parallel_loop3A_664 : vector<1x1x16xf32> to vector<16xf32>
      %parallel_loop3A_666 = arith.addf %parallel_loop3A_665, %parallel_loop3A_642 : vector<16xf32>
      %parallel_loop3A_667 = arith.constant 0.000000e+00 : f32
      %parallel_loop3A_668 = vector.broadcast %parallel_loop3A_667 : f32 to vector<16xf32>
      %parallel_loop3A_669 = arith.maximumf %parallel_loop3A_666, %parallel_loop3A_668 : vector<16xf32>
      %parallel_loop3A_670 = arith.constant 0 : i32
      %parallel_loop3A_671 = arith.index_cast %parallel_loop3A_670 : i32 to index
      %parallel_loop3A_672 = arith.index_cast %parallel_loop3A_627 : i32 to index
      %parallel_loop3A_673 = arith.constant 64 : index
      %parallel_loop3A_674 = tpu.vector_load %arg8[%parallel_loop3A_671, %parallel_loop3A_672, %parallel_loop3A_673] {strides = array<i32>} : memref<2x80x128xf32, #tpu.memory_space<vmem>>, vector<1x1x16xf32>,
      %parallel_loop3A_675 = vector.shape_cast %parallel_loop3A_674 : vector<1x1x16xf32> to vector<16xf32>
      %parallel_loop3A_676 = vector.shape_cast %parallel_loop3A_669 : vector<16xf32> to vector<1x1x16xf32>
      tpu.vector_store %arg8[%parallel_loop3A_671, %parallel_loop3A_672, %parallel_loop3A_673], %parallel_loop3A_676 {strides = array<i32>} : memref<2x80x128xf32, #tpu.memory_space<vmem>>, vector<1x1x16xf32>,
      %parallel_loop3A_677 = arith.constant 0 : i32
      %parallel_loop3A_678 = arith.index_cast %parallel_loop3A_677 : i32 to index
      %parallel_loop3A_679 = arith.index_cast %parallel_loop3A_627 : i32 to index
      %parallel_loop3A_680 = arith.constant 16 : index
      %parallel_loop3A_681 = tpu.vector_load %arg9[%parallel_loop3A_678, %parallel_loop3A_679, %parallel_loop3A_680] {strides = array<i32>} : memref<2x80x64xf32, #tpu.memory_space<vmem>>, vector<1x1x16xf32>,
      %parallel_loop3A_682 = vector.shape_cast %parallel_loop3A_681 : vector<1x1x16xf32> to vector<16xf32>
      %parallel_loop3A_683 = tpu.bitcast %parallel_loop3A_682 : vector<16xf32> -> vector<16xi32>
      %parallel_loop3A_684 = arith.constant 16 : i32
      %parallel_loop3A_685 = vector.broadcast %parallel_loop3A_684 : i32 to vector<16xi32>
      %parallel_loop3A_686 = arith.shli %parallel_loop3A_683, %parallel_loop3A_685 : vector<16xi32>
      %parallel_loop3A_687 = tpu.bitcast %parallel_loop3A_686 : vector<16xi32> -> vector<16xf32>
      %parallel_loop3A_688 = arith.constant -65536 : i32
      %parallel_loop3A_689 = vector.broadcast %parallel_loop3A_688 : i32 to vector<16xi32>
      %parallel_loop3A_690 = arith.andi %parallel_loop3A_683, %parallel_loop3A_689 : vector<16xi32>
      %parallel_loop3A_691 = tpu.bitcast %parallel_loop3A_690 : vector<16xi32> -> vector<16xf32>
      %parallel_loop3A_692 = arith.constant 0 : i32
      %parallel_loop3A_693 = arith.index_cast %parallel_loop3A_692 : i32 to index
      %parallel_loop3A_694 = arith.index_cast %parallel_loop3A_627 : i32 to index
      %parallel_loop3A_695 = arith.constant 16 : index
      %parallel_loop3A_696 = tpu.vector_load %arg8[%parallel_loop3A_693, %parallel_loop3A_694, %parallel_loop3A_695] {strides = array<i32>} : memref<2x80x128xf32, #tpu.memory_space<vmem>>, vector<1x1x16xf32>,
      %parallel_loop3A_697 = vector.shape_cast %parallel_loop3A_696 : vector<1x1x16xf32> to vector<16xf32>
      %parallel_loop3A_698 = arith.addf %parallel_loop3A_697, %parallel_loop3A_687 : vector<16xf32>
      %parallel_loop3A_699 = arith.constant 0.000000e+00 : f32
      %parallel_loop3A_700 = vector.broadcast %parallel_loop3A_699 : f32 to vector<16xf32>
      %parallel_loop3A_701 = arith.maximumf %parallel_loop3A_698, %parallel_loop3A_700 : vector<16xf32>
      %parallel_loop3A_702 = arith.constant 0 : i32
      %parallel_loop3A_703 = arith.index_cast %parallel_loop3A_702 : i32 to index
      %parallel_loop3A_704 = arith.index_cast %parallel_loop3A_627 : i32 to index
      %parallel_loop3A_705 = arith.constant 16 : index
      %parallel_loop3A_706 = tpu.vector_load %arg8[%parallel_loop3A_703, %parallel_loop3A_704, %parallel_loop3A_705] {strides = array<i32>} : memref<2x80x128xf32, #tpu.memory_space<vmem>>, vector<1x1x16xf32>,
      %parallel_loop3A_707 = vector.shape_cast %parallel_loop3A_706 : vector<1x1x16xf32> to vector<16xf32>
      %parallel_loop3A_708 = vector.shape_cast %parallel_loop3A_701 : vector<16xf32> to vector<1x1x16xf32>
      tpu.vector_store %arg8[%parallel_loop3A_703, %parallel_loop3A_704, %parallel_loop3A_705], %parallel_loop3A_708 {strides = array<i32>} : memref<2x80x128xf32, #tpu.memory_space<vmem>>, vector<1x1x16xf32>,
      %parallel_loop3A_709 = arith.constant 0 : i32
      %parallel_loop3A_710 = arith.index_cast %parallel_loop3A_709 : i32 to index
      %parallel_loop3A_711 = arith.index_cast %parallel_loop3A_627 : i32 to index
      %parallel_loop3A_712 = arith.constant 80 : index
      %parallel_loop3A_713 = tpu.vector_load %arg8[%parallel_loop3A_710, %parallel_loop3A_711, %parallel_loop3A_712] {strides = array<i32>} : memref<2x80x128xf32, #tpu.memory_space<vmem>>, vector<1x1x16xf32>,
      %parallel_loop3A_714 = vector.shape_cast %parallel_loop3A_713 : vector<1x1x16xf32> to vector<16xf32>
      %parallel_loop3A_715 = arith.addf %parallel_loop3A_714, %parallel_loop3A_691 : vector<16xf32>
      %parallel_loop3A_716 = arith.constant 0.000000e+00 : f32
      %parallel_loop3A_717 = vector.broadcast %parallel_loop3A_716 : f32 to vector<16xf32>
      %parallel_loop3A_718 = arith.maximumf %parallel_loop3A_715, %parallel_loop3A_717 : vector<16xf32>
      %parallel_loop3A_719 = arith.constant 0 : i32
      %parallel_loop3A_720 = arith.index_cast %parallel_loop3A_719 : i32 to index
      %parallel_loop3A_721 = arith.index_cast %parallel_loop3A_627 : i32 to index
      %parallel_loop3A_722 = arith.constant 80 : index
      %parallel_loop3A_723 = tpu.vector_load %arg8[%parallel_loop3A_720, %parallel_loop3A_721, %parallel_loop3A_722] {strides = array<i32>} : memref<2x80x128xf32, #tpu.memory_space<vmem>>, vector<1x1x16xf32>,
      %parallel_loop3A_724 = vector.shape_cast %parallel_loop3A_723 : vector<1x1x16xf32> to vector<16xf32>
      %parallel_loop3A_725 = vector.shape_cast %parallel_loop3A_718 : vector<16xf32> to vector<1x1x16xf32>
      tpu.vector_store %arg8[%parallel_loop3A_720, %parallel_loop3A_721, %parallel_loop3A_722], %parallel_loop3A_725 {strides = array<i32>} : memref<2x80x128xf32, #tpu.memory_space<vmem>>, vector<1x1x16xf32>,
      %parallel_loop3A_726 = arith.constant 0 : i32
      %parallel_loop3A_727 = arith.index_cast %parallel_loop3A_726 : i32 to index
      %parallel_loop3A_728 = arith.index_cast %parallel_loop3A_627 : i32 to index
      %parallel_loop3A_729 = arith.constant 32 : index
      %parallel_loop3A_730 = tpu.vector_load %arg9[%parallel_loop3A_727, %parallel_loop3A_728, %parallel_loop3A_729] {strides = array<i32>} : memref<2x80x64xf32, #tpu.memory_space<vmem>>, vector<1x1x16xf32>,
      %parallel_loop3A_731 = vector.shape_cast %parallel_loop3A_730 : vector<1x1x16xf32> to vector<16xf32>
      %parallel_loop3A_732 = tpu.bitcast %parallel_loop3A_731 : vector<16xf32> -> vector<16xi32>
      %parallel_loop3A_733 = arith.constant 16 : i32
      %parallel_loop3A_734 = vector.broadcast %parallel_loop3A_733 : i32 to vector<16xi32>
      %parallel_loop3A_735 = arith.shli %parallel_loop3A_732, %parallel_loop3A_734 : vector<16xi32>
      %parallel_loop3A_736 = tpu.bitcast %parallel_loop3A_735 : vector<16xi32> -> vector<16xf32>
      %parallel_loop3A_737 = arith.constant -65536 : i32
      %parallel_loop3A_738 = vector.broadcast %parallel_loop3A_737 : i32 to vector<16xi32>
      %parallel_loop3A_739 = arith.andi %parallel_loop3A_732, %parallel_loop3A_738 : vector<16xi32>
      %parallel_loop3A_740 = tpu.bitcast %parallel_loop3A_739 : vector<16xi32> -> vector<16xf32>
      %parallel_loop3A_741 = arith.constant 0 : i32
      %parallel_loop3A_742 = arith.index_cast %parallel_loop3A_741 : i32 to index
      %parallel_loop3A_743 = arith.index_cast %parallel_loop3A_627 : i32 to index
      %parallel_loop3A_744 = arith.constant 32 : index
      %parallel_loop3A_745 = tpu.vector_load %arg8[%parallel_loop3A_742, %parallel_loop3A_743, %parallel_loop3A_744] {strides = array<i32>} : memref<2x80x128xf32, #tpu.memory_space<vmem>>, vector<1x1x16xf32>,
      %parallel_loop3A_746 = vector.shape_cast %parallel_loop3A_745 : vector<1x1x16xf32> to vector<16xf32>
      %parallel_loop3A_747 = arith.addf %parallel_loop3A_746, %parallel_loop3A_736 : vector<16xf32>
      %parallel_loop3A_748 = arith.constant 0.000000e+00 : f32
      %parallel_loop3A_749 = vector.broadcast %parallel_loop3A_748 : f32 to vector<16xf32>
      %parallel_loop3A_750 = arith.maximumf %parallel_loop3A_747, %parallel_loop3A_749 : vector<16xf32>
      %parallel_loop3A_751 = arith.constant 0 : i32
      %parallel_loop3A_752 = arith.index_cast %parallel_loop3A_751 : i32 to index
      %parallel_loop3A_753 = arith.index_cast %parallel_loop3A_627 : i32 to index
      %parallel_loop3A_754 = arith.constant 32 : index
      %parallel_loop3A_755 = tpu.vector_load %arg8[%parallel_loop3A_752, %parallel_loop3A_753, %parallel_loop3A_754] {strides = array<i32>} : memref<2x80x128xf32, #tpu.memory_space<vmem>>, vector<1x1x16xf32>,
      %parallel_loop3A_756 = vector.shape_cast %parallel_loop3A_755 : vector<1x1x16xf32> to vector<16xf32>
      %parallel_loop3A_757 = vector.shape_cast %parallel_loop3A_750 : vector<16xf32> to vector<1x1x16xf32>
      tpu.vector_store %arg8[%parallel_loop3A_752, %parallel_loop3A_753, %parallel_loop3A_754], %parallel_loop3A_757 {strides = array<i32>} : memref<2x80x128xf32, #tpu.memory_space<vmem>>, vector<1x1x16xf32>,
      %parallel_loop3A_758 = arith.constant 0 : i32
      %parallel_loop3A_759 = arith.index_cast %parallel_loop3A_758 : i32 to index
      %parallel_loop3A_760 = arith.index_cast %parallel_loop3A_627 : i32 to index
      %parallel_loop3A_761 = arith.constant 96 : index
      %parallel_loop3A_762 = tpu.vector_load %arg8[%parallel_loop3A_759, %parallel_loop3A_760, %parallel_loop3A_761] {strides = array<i32>} : memref<2x80x128xf32, #tpu.memory_space<vmem>>, vector<1x1x16xf32>,
      %parallel_loop3A_763 = vector.shape_cast %parallel_loop3A_762 : vector<1x1x16xf32> to vector<16xf32>
      %parallel_loop3A_764 = arith.addf %parallel_loop3A_763, %parallel_loop3A_740 : vector<16xf32>
      %parallel_loop3A_765 = arith.constant 0.000000e+00 : f32
      %parallel_loop3A_766 = vector.broadcast %parallel_loop3A_765 : f32 to vector<16xf32>
      %parallel_loop3A_767 = arith.maximumf %parallel_loop3A_764, %parallel_loop3A_766 : vector<16xf32>
      %parallel_loop3A_768 = arith.constant 0 : i32
      %parallel_loop3A_769 = arith.index_cast %parallel_loop3A_768 : i32 to index
      %parallel_loop3A_770 = arith.index_cast %parallel_loop3A_627 : i32 to index
      %parallel_loop3A_771 = arith.constant 96 : index
      %parallel_loop3A_772 = tpu.vector_load %arg8[%parallel_loop3A_769, %parallel_loop3A_770, %parallel_loop3A_771] {strides = array<i32>} : memref<2x80x128xf32, #tpu.memory_space<vmem>>, vector<1x1x16xf32>,
      %parallel_loop3A_773 = vector.shape_cast %parallel_loop3A_772 : vector<1x1x16xf32> to vector<16xf32>
      %parallel_loop3A_774 = vector.shape_cast %parallel_loop3A_767 : vector<16xf32> to vector<1x1x16xf32>
      tpu.vector_store %arg8[%parallel_loop3A_769, %parallel_loop3A_770, %parallel_loop3A_771], %parallel_loop3A_774 {strides = array<i32>} : memref<2x80x128xf32, #tpu.memory_space<vmem>>, vector<1x1x16xf32>,
      %parallel_loop3A_775 = arith.constant 0 : i32
      %parallel_loop3A_776 = arith.index_cast %parallel_loop3A_775 : i32 to index
      %parallel_loop3A_777 = arith.index_cast %parallel_loop3A_627 : i32 to index
      %parallel_loop3A_778 = arith.constant 48 : index
      %parallel_loop3A_779 = tpu.vector_load %arg9[%parallel_loop3A_776, %parallel_loop3A_777, %parallel_loop3A_778] {strides = array<i32>} : memref<2x80x64xf32, #tpu.memory_space<vmem>>, vector<1x1x16xf32>,
      %parallel_loop3A_780 = vector.shape_cast %parallel_loop3A_779 : vector<1x1x16xf32> to vector<16xf32>
      %parallel_loop3A_781 = tpu.bitcast %parallel_loop3A_780 : vector<16xf32> -> vector<16xi32>
      %parallel_loop3A_782 = arith.constant 16 : i32
      %parallel_loop3A_783 = vector.broadcast %parallel_loop3A_782 : i32 to vector<16xi32>
      %parallel_loop3A_784 = arith.shli %parallel_loop3A_781, %parallel_loop3A_783 : vector<16xi32>
      %parallel_loop3A_785 = tpu.bitcast %parallel_loop3A_784 : vector<16xi32> -> vector<16xf32>
      %parallel_loop3A_786 = arith.constant -65536 : i32
      %parallel_loop3A_787 = vector.broadcast %parallel_loop3A_786 : i32 to vector<16xi32>
      %parallel_loop3A_788 = arith.andi %parallel_loop3A_781, %parallel_loop3A_787 : vector<16xi32>
      %parallel_loop3A_789 = tpu.bitcast %parallel_loop3A_788 : vector<16xi32> -> vector<16xf32>
      %parallel_loop3A_790 = arith.constant 0 : i32
      %parallel_loop3A_791 = arith.index_cast %parallel_loop3A_790 : i32 to index
      %parallel_loop3A_792 = arith.index_cast %parallel_loop3A_627 : i32 to index
      %parallel_loop3A_793 = arith.constant 48 : index
      %parallel_loop3A_794 = tpu.vector_load %arg8[%parallel_loop3A_791, %parallel_loop3A_792, %parallel_loop3A_793] {strides = array<i32>} : memref<2x80x128xf32, #tpu.memory_space<vmem>>, vector<1x1x16xf32>,
      %parallel_loop3A_795 = vector.shape_cast %parallel_loop3A_794 : vector<1x1x16xf32> to vector<16xf32>
      %parallel_loop3A_796 = arith.addf %parallel_loop3A_795, %parallel_loop3A_785 : vector<16xf32>
      %parallel_loop3A_797 = arith.constant 0.000000e+00 : f32
      %parallel_loop3A_798 = vector.broadcast %parallel_loop3A_797 : f32 to vector<16xf32>
      %parallel_loop3A_799 = arith.maximumf %parallel_loop3A_796, %parallel_loop3A_798 : vector<16xf32>
      %parallel_loop3A_800 = arith.constant 0 : i32
      %parallel_loop3A_801 = arith.index_cast %parallel_loop3A_800 : i32 to index
      %parallel_loop3A_802 = arith.index_cast %parallel_loop3A_627 : i32 to index
      %parallel_loop3A_803 = arith.constant 48 : index
      %parallel_loop3A_804 = tpu.vector_load %arg8[%parallel_loop3A_801, %parallel_loop3A_802, %parallel_loop3A_803] {strides = array<i32>} : memref<2x80x128xf32, #tpu.memory_space<vmem>>, vector<1x1x16xf32>,
      %parallel_loop3A_805 = vector.shape_cast %parallel_loop3A_804 : vector<1x1x16xf32> to vector<16xf32>
      %parallel_loop3A_806 = vector.shape_cast %parallel_loop3A_799 : vector<16xf32> to vector<1x1x16xf32>
      tpu.vector_store %arg8[%parallel_loop3A_801, %parallel_loop3A_802, %parallel_loop3A_803], %parallel_loop3A_806 {strides = array<i32>} : memref<2x80x128xf32, #tpu.memory_space<vmem>>, vector<1x1x16xf32>,
      %parallel_loop3A_807 = arith.constant 0 : i32
      %parallel_loop3A_808 = arith.index_cast %parallel_loop3A_807 : i32 to index
      %parallel_loop3A_809 = arith.index_cast %parallel_loop3A_627 : i32 to index
      %parallel_loop3A_810 = arith.constant 112 : index
      %parallel_loop3A_811 = tpu.vector_load %arg8[%parallel_loop3A_808, %parallel_loop3A_809, %parallel_loop3A_810] {strides = array<i32>} : memref<2x80x128xf32, #tpu.memory_space<vmem>>, vector<1x1x16xf32>,
      %parallel_loop3A_812 = vector.shape_cast %parallel_loop3A_811 : vector<1x1x16xf32> to vector<16xf32>
      %parallel_loop3A_813 = arith.addf %parallel_loop3A_812, %parallel_loop3A_789 : vector<16xf32>
      %parallel_loop3A_814 = arith.constant 0.000000e+00 : f32
      %parallel_loop3A_815 = vector.broadcast %parallel_loop3A_814 : f32 to vector<16xf32>
      %parallel_loop3A_816 = arith.maximumf %parallel_loop3A_813, %parallel_loop3A_815 : vector<16xf32>
      %parallel_loop3A_817 = arith.constant 0 : i32
      %parallel_loop3A_818 = arith.index_cast %parallel_loop3A_817 : i32 to index
      %parallel_loop3A_819 = arith.index_cast %parallel_loop3A_627 : i32 to index
      %parallel_loop3A_820 = arith.constant 112 : index
      %parallel_loop3A_821 = tpu.vector_load %arg8[%parallel_loop3A_818, %parallel_loop3A_819, %parallel_loop3A_820] {strides = array<i32>} : memref<2x80x128xf32, #tpu.memory_space<vmem>>, vector<1x1x16xf32>,
      %parallel_loop3A_822 = vector.shape_cast %parallel_loop3A_821 : vector<1x1x16xf32> to vector<16xf32>
      %parallel_loop3A_823 = vector.shape_cast %parallel_loop3A_816 : vector<16xf32> to vector<1x1x16xf32>
      tpu.vector_store %arg8[%parallel_loop3A_818, %parallel_loop3A_819, %parallel_loop3A_820], %parallel_loop3A_823 {strides = array<i32>} : memref<2x80x128xf32, #tpu.memory_space<vmem>>, vector<1x1x16xf32>,
    } {sc.loop_unroll_factor = 2 : i64, sc.parallel_access}
    %dma_start3A_577 = arith.constant 0 : i32
    %dma_start3A_578 = arith.constant 0 : i32
    %dma_start3A_579 = arith.constant 1 : i32
    %dma_start3A_580 = arith.constant 0 : i32
    %dma_start3A_581 = arith.constant 0 : i32
    %dma_start3A_582 = tpu.memref_slice %arg8[%dma_start3A_577, %dma_start3A_580, %dma_start3A_581] : memref<2x80x128xf32, #tpu.memory_space<vmem>> -> memref<1x80x128xf32, #tpu.memory_space<vmem>>
    %dma_start3A_583 = tpu.memref_squeeze %dma_start3A_582 : memref<1x80x128xf32, #tpu.memory_space<vmem>> -> memref<80x128xf32, #tpu.memory_space<vmem>>
    %dma_start3A_584 = arith.constant 0 : i32
    %dma_start3A_585 = tpu.memref_slice %arg7[%dma_start3A_578, %dma_start3A_579, %dma_start3A_584] : memref<4x2x80xi32, #tpu.memory_space<vmem>> -> memref<1x1x80xi32, #tpu.memory_space<vmem>>
    %dma_start3A_586 = tpu.memref_squeeze %dma_start3A_585 : memref<1x1x80xi32, #tpu.memory_space<vmem>> -> memref<80xi32, #tpu.memory_space<vmem>>
    %dma_start3A_587 = arith.constant 0 : i32
    %dma_start3A_588 = arith.constant 0 : i32
    %dma_start3A_589 = tpu.memref_slice %arg10[%dma_start3A_587, %dma_start3A_588] : memref<10000x128xf32, #tpu.memory_space<vmem_shared>> -> memref<10000x128xf32, #tpu.memory_space<vmem_shared>>
    tpu.enqueue_indirect_dma source(%dma_start3A_583 : memref<80x128xf32, #tpu.memory_space<vmem>>) target(%dma_start3A_589 : memref<10000x128xf32, #tpu.memory_space<vmem_shared>>) offsets(%dma_start3A_586 : memref<80xi32, #tpu.memory_space<vmem>>) semaphore(%arg19 : memref<!tpu.dma_semaphore, #tpu.memory_space<semaphore_mem>>) {add = true}
    %dma_wait3A_590 = arith.constant 1 : i32
    %dma_wait3A_591 = arith.constant 3 : i32
    %dma_wait3A_592 = arith.constant 1 : i32
    %dma_wait3A_593 = arith.constant 0 : i32
    %dma_wait3A_594 = arith.constant 0 : i32
    %dma_wait3A_595 = tpu.memref_slice %arg8[%dma_wait3A_590, %dma_wait3A_593, %dma_wait3A_594] : memref<2x80x128xf32, #tpu.memory_space<vmem>> -> memref<1x80x128xf32, #tpu.memory_space<vmem>>
    %dma_wait3A_596 = tpu.memref_squeeze %dma_wait3A_595 : memref<1x80x128xf32, #tpu.memory_space<vmem>> -> memref<80x128xf32, #tpu.memory_space<vmem>>
    %dma_wait3A_597 = arith.constant 0 : i32
    %dma_wait3A_598 = tpu.memref_slice %arg7[%dma_wait3A_591, %dma_wait3A_592, %dma_wait3A_597] : memref<4x2x80xi32, #tpu.memory_space<vmem>> -> memref<1x1x80xi32, #tpu.memory_space<vmem>>
    %dma_wait3A_599 = tpu.memref_squeeze %dma_wait3A_598 : memref<1x1x80xi32, #tpu.memory_space<vmem>> -> memref<80xi32, #tpu.memory_space<vmem>>
    %dma_wait3A_600 = arith.constant 0 : i32
    %dma_wait3A_601 = arith.constant 0 : i32
    %dma_wait3A_602 = tpu.memref_slice %arg10[%dma_wait3A_600, %dma_wait3A_601] : memref<10000x128xf32, #tpu.memory_space<vmem_shared>> -> memref<10000x128xf32, #tpu.memory_space<vmem_shared>>
    tpu.wait_indirect_dma semaphore(%arg20 : memref<!tpu.dma_semaphore, #tpu.memory_space<semaphore_mem>>) src(%dma_wait3A_596 : memref<80x128xf32, #tpu.memory_space<vmem>>) dst(%dma_wait3A_602 : memref<10000x128xf32, #tpu.memory_space<vmem_shared>>)
    %dma_wait3A_603 = arith.constant 0 : i32
    %dma_wait3A_604 = arith.constant 0 : i32
    %dma_wait3A_605 = arith.constant 1 : i32
    %dma_wait3A_606 = arith.constant 0 : i32
    %dma_wait3A_607 = arith.constant 0 : i32
    %dma_wait3A_608 = tpu.memref_slice %arg8[%dma_wait3A_603, %dma_wait3A_606, %dma_wait3A_607] : memref<2x80x128xf32, #tpu.memory_space<vmem>> -> memref<1x80x128xf32, #tpu.memory_space<vmem>>
    %dma_wait3A_609 = tpu.memref_squeeze %dma_wait3A_608 : memref<1x80x128xf32, #tpu.memory_space<vmem>> -> memref<80x128xf32, #tpu.memory_space<vmem>>
    %dma_wait3A_610 = arith.constant 0 : i32
    %dma_wait3A_611 = tpu.memref_slice %arg7[%dma_wait3A_604, %dma_wait3A_605, %dma_wait3A_610] : memref<4x2x80xi32, #tpu.memory_space<vmem>> -> memref<1x1x80xi32, #tpu.memory_space<vmem>>
    %dma_wait3A_612 = tpu.memref_squeeze %dma_wait3A_611 : memref<1x1x80xi32, #tpu.memory_space<vmem>> -> memref<80xi32, #tpu.memory_space<vmem>>
    %dma_wait3A_613 = arith.constant 0 : i32
    %dma_wait3A_614 = arith.constant 0 : i32
    %dma_wait3A_615 = tpu.memref_slice %arg10[%dma_wait3A_613, %dma_wait3A_614] : memref<10000x128xf32, #tpu.memory_space<vmem_shared>> -> memref<10000x128xf32, #tpu.memory_space<vmem_shared>>
    tpu.wait_indirect_dma semaphore(%arg19 : memref<!tpu.dma_semaphore, #tpu.memory_space<semaphore_mem>>) src(%dma_wait3A_609 : memref<80x128xf32, #tpu.memory_space<vmem>>) dst(%dma_wait3A_615 : memref<10000x128xf32, #tpu.memory_space<vmem_shared>>)
    %barrier3A_616 = arith.constant 0 : index
    tpu.barrier barrier_id(%barrier3A_616)
    %lt3A_617 = arith.constant 15 : i32
    %lt3A_618 = arith.cmpi slt, %arg1, %lt3A_617 : i32
    %convert_element_type3A_619 = arith.extui %lt3A_618 : i1 to i32
    %cond3A_620 = arith.constant 0 : i32
    %cond3A_621 = arith.cmpi ne, %convert_element_type3A_619, %cond3A_620 : i32
    scf.if %cond3A_621 {
      %mul3A_627 = arith.constant 624 : i32
      %mul3A_628 = arith.muli %arg1, %mul3A_627 : i32
      %mul3A_629 = arith.constant 624 : i32
      %mul3A_630 = arith.muli %arg1, %mul3A_629 : i32
      "tpu.region"() ({
        %run_scoped3A = tpu.sem_alloc : memref<!tpu.dma_semaphore, #tpu.memory_space<semaphore_mem>>
        %dma_start3A_631 = arith.constant 0 : i32
        %dma_start3A_632 = tpu.memref_slice %arg6[%arg0, %mul3A_630, %dma_start3A_631] : memref<2x10000x128xf32, #tpu.memory_space<hbm>> -> memref<1x624x128xf32, #tpu.memory_space<hbm>>
        %dma_start3A_633 = tpu.memref_squeeze %dma_start3A_632 : memref<1x624x128xf32, #tpu.memory_space<hbm>> -> memref<624x128xf32, #tpu.memory_space<hbm>>
        %dma_start3A_634 = arith.constant 0 : i32
        %dma_start3A_635 = tpu.memref_slice %arg10[%mul3A_628, %dma_start3A_634] : memref<10000x128xf32, #tpu.memory_space<vmem_shared>> -> memref<624x128xf32, #tpu.memory_space<vmem_shared>>
        tpu.enqueue_dma source(%dma_start3A_635 : memref<624x128xf32, #tpu.memory_space<vmem_shared>>) target(%dma_start3A_633 : memref<624x128xf32, #tpu.memory_space<hbm>>) target_semaphore(%run_scoped3A : memref<!tpu.dma_semaphore, #tpu.memory_space<semaphore_mem>>)
        %dma_wait3A_636 = arith.constant 0 : i32
        %dma_wait3A_637 = tpu.memref_slice %arg6[%arg0, %mul3A_630, %dma_wait3A_636] : memref<2x10000x128xf32, #tpu.memory_space<hbm>> -> memref<1x624x128xf32, #tpu.memory_space<hbm>>
        %dma_wait3A_638 = tpu.memref_squeeze %dma_wait3A_637 : memref<1x624x128xf32, #tpu.memory_space<hbm>> -> memref<624x128xf32, #tpu.memory_space<hbm>>
        %dma_wait3A_639 = arith.constant 0 : i32
        %dma_wait3A_640 = tpu.memref_slice %arg10[%mul3A_628, %dma_wait3A_639] : memref<10000x128xf32, #tpu.memory_space<vmem_shared>> -> memref<624x128xf32, #tpu.memory_space<vmem_shared>>
        tpu.wait_dma2 semaphore(%run_scoped3A : memref<!tpu.dma_semaphore, #tpu.memory_space<semaphore_mem>>) src(%dma_wait3A_640 : memref<624x128xf32, #tpu.memory_space<vmem_shared>>) dst(%dma_wait3A_638 : memref<624x128xf32, #tpu.memory_space<hbm>>)
        tpu.yield
      }) : () -> ()
    } else {
    }
    %eq3A_622 = arith.constant 15 : i32
    %eq3A_623 = arith.cmpi eq, %arg1, %eq3A_622 : i32
    %convert_element_type3A_624 = arith.extui %eq3A_623 : i1 to i32
    %cond3A_625 = arith.constant 0 : i32
    %cond3A_626 = arith.cmpi ne, %convert_element_type3A_624, %cond3A_625 : i32
    scf.if %cond3A_626 {
      "tpu.region"() ({
        %run_scoped3A = tpu.sem_alloc : memref<!tpu.dma_semaphore, #tpu.memory_space<semaphore_mem>>
        %dma_start3A_627 = arith.constant 9360 : i32
        %dma_start3A_628 = arith.constant 0 : i32
        %dma_start3A_629 = tpu.memref_slice %arg6[%arg0, %dma_start3A_627, %dma_start3A_628] : memref<2x10000x128xf32, #tpu.memory_space<hbm>> -> memref<1x640x128xf32, #tpu.memory_space<hbm>>
        %dma_start3A_630 = tpu.memref_squeeze %dma_start3A_629 : memref<1x640x128xf32, #tpu.memory_space<hbm>> -> memref<640x128xf32, #tpu.memory_space<hbm>>
        %dma_start3A_631 = arith.constant 9360 : i32
        %dma_start3A_632 = arith.constant 0 : i32
        %dma_start3A_633 = tpu.memref_slice %arg10[%dma_start3A_631, %dma_start3A_632] : memref<10000x128xf32, #tpu.memory_space<vmem_shared>> -> memref<640x128xf32, #tpu.memory_space<vmem_shared>>
        tpu.enqueue_dma source(%dma_start3A_633 : memref<640x128xf32, #tpu.memory_space<vmem_shared>>) target(%dma_start3A_630 : memref<640x128xf32, #tpu.memory_space<hbm>>) target_semaphore(%run_scoped3A : memref<!tpu.dma_semaphore, #tpu.memory_space<semaphore_mem>>)
        %dma_wait3A_634 = arith.constant 9360 : i32
        %dma_wait3A_635 = arith.constant 0 : i32
        %dma_wait3A_636 = tpu.memref_slice %arg6[%arg0, %dma_wait3A_634, %dma_wait3A_635] : memref<2x10000x128xf32, #tpu.memory_space<hbm>> -> memref<1x640x128xf32, #tpu.memory_space<hbm>>
        %dma_wait3A_637 = tpu.memref_squeeze %dma_wait3A_636 : memref<1x640x128xf32, #tpu.memory_space<hbm>> -> memref<640x128xf32, #tpu.memory_space<hbm>>
        %dma_wait3A_638 = arith.constant 9360 : i32
        %dma_wait3A_639 = arith.constant 0 : i32
        %dma_wait3A_640 = tpu.memref_slice %arg10[%dma_wait3A_638, %dma_wait3A_639] : memref<10000x128xf32, #tpu.memory_space<vmem_shared>> -> memref<640x128xf32, #tpu.memory_space<vmem_shared>>
        tpu.wait_dma2 semaphore(%run_scoped3A : memref<!tpu.dma_semaphore, #tpu.memory_space<semaphore_mem>>) src(%dma_wait3A_640 : memref<640x128xf32, #tpu.memory_space<vmem_shared>>) dst(%dma_wait3A_637 : memref<640x128xf32, #tpu.memory_space<hbm>>)
        tpu.yield
      }) : () -> ()
    } else {
    }
    return
  }
}

module attributes {stable_mosaic.version = 14 : i64} {
  func.func @_emb_body(%arg0: i32, %arg1: memref<8000x16xf32, #tpu.memory_space<vmem>>, %arg2: memref<16x128xf32, #tpu.memory_space<vmem>>, %arg3: memref<1x128xf32, #tpu.memory_space<vmem>>, %arg4: memref<8000x64xf32, #tpu.memory_space<vmem>>) attributes {dimension_semantics = [#tpu.dimension_semantics<arbitrary>], iteration_bounds = array<i64: 40>, scalar_prefetch = 0 : i64, scratch_operands = 0 : i64, tpu.core_type = #tpu.core_type<tc>, window_params = [{transform_indices = @transform_0, window_bounds = array<i64: 8000, 16>}, {pipeline_mode = #tpu.pipeline_mode<synchronous>, transform_indices = @transform_1, window_bounds = array<i64: 16, 128>}, {pipeline_mode = #tpu.pipeline_mode<synchronous>, transform_indices = @transform_2, window_bounds = array<i64: 1, 128>}, {transform_indices = @transform_3, window_bounds = array<i64: 8000, 64>}]} {
    %get3A = arith.constant 0 : index
    %get3A_0 = arith.constant 0 : index
    %get3A_1 = vector.load %arg1[%get3A, %get3A_0] : memref<8000x16xf32, #tpu.memory_space<vmem>>, vector<8000x16xf32>
    %get3A_2 = arith.constant 0 : index
    %get3A_3 = arith.constant 0 : index
    %get3A_4 = vector.load %arg2[%get3A_2, %get3A_3] : memref<16x128xf32, #tpu.memory_space<vmem>>, vector<16x128xf32>
    %dot_general3A = arith.constant dense<0.000000e+00> : vector<8000x128xf32>
    %dot_general3A_5 = tpu.matmul %get3A_1, %get3A_4, %dot_general3A {dimension_numbers = #tpu.dot_dimension_numbers<[1], [0], [0], [1], [0, 0, 1, 1], [], []>, transpose_lhs_hint = false} : vector<8000x16xf32>, vector<16x128xf32>, vector<8000x128xf32> -> vector<8000x128xf32>
    %get3A_6 = arith.constant 0 : index
    %get3A_7 = arith.constant 0 : index
    %get3A_8 = vector.load %arg3[%get3A_6, %get3A_7] : memref<1x128xf32, #tpu.memory_space<vmem>>, vector<1x128xf32>
    %add3A = vector.broadcast %get3A_8 : vector<1x128xf32> to vector<8000x128xf32>
    %add3A_9 = arith.addf %dot_general3A_5, %add3A : vector<8000x128xf32>
    %slice3A = vector.extract_strided_slice %add3A_9 {offsets = [0, 0], sizes = [8000, 64], strides = [1, 1]} : vector<8000x128xf32> to vector<8000x64xf32>
    %convert_element_type3A = arith.truncf %slice3A : vector<8000x64xf32> to vector<8000x64xbf16>
    %bitcast_convert_type3A = tpu.bitcast %convert_element_type3A : vector<8000x64xbf16> -> vector<8000x64xi16>
    %convert_element_type3A_10 = arith.extui %bitcast_convert_type3A : vector<8000x64xi16> to vector<8000x64xi32>
    %slice3A_11 = vector.extract_strided_slice %add3A_9 {offsets = [0, 64], sizes = [8000, 64], strides = [1, 1]} : vector<8000x128xf32> to vector<8000x64xf32>
    %convert_element_type3A_12 = arith.truncf %slice3A_11 : vector<8000x64xf32> to vector<8000x64xbf16>
    %bitcast_convert_type3A_13 = tpu.bitcast %convert_element_type3A_12 : vector<8000x64xbf16> -> vector<8000x64xi16>
    %convert_element_type3A_14 = arith.extui %bitcast_convert_type3A_13 : vector<8000x64xi16> to vector<8000x64xi32>
    %shift_left3A = arith.constant 16 : i32
    %shift_left3A_15 = vector.broadcast %shift_left3A : i32 to vector<8000x64xi32>
    %shift_left3A_16 = arith.shli %convert_element_type3A_14, %shift_left3A_15 : vector<8000x64xi32>
    %or3A = arith.ori %convert_element_type3A_10, %shift_left3A_16 : vector<8000x64xi32>
    %bitcast_convert_type3A_17 = tpu.bitcast %or3A : vector<8000x64xi32> -> vector<8000x64xf32>
    %swap3A = arith.constant 0 : index
    %swap3A_18 = arith.constant 0 : index
    %swap3A_19 = vector.load %arg4[%swap3A, %swap3A_18] : memref<8000x64xf32, #tpu.memory_space<vmem>>, vector<8000x64xf32>
    tpu.vector_store %arg4[%swap3A, %swap3A_18], %bitcast_convert_type3A_17 {strides = array<i32>} : memref<8000x64xf32, #tpu.memory_space<vmem>>, vector<8000x64xf32>,
    return
  }
  func.func @transform_0(%arg0: i32) -> (i32, i32) {
    %c0_i32 = arith.constant 0 : i32
    %c0_i32_0 = arith.constant 0 : i32
    return %arg0, %c0_i32 : i32, i32
  }
  func.func @transform_1(%arg0: i32) -> (i32, i32) {
    %c0_i32 = arith.constant 0 : i32
    %c0_i32_0 = arith.constant 0 : i32
    %c0_i32_1 = arith.constant 0 : i32
    return %c0_i32, %c0_i32_0 : i32, i32
  }
  func.func @transform_2(%arg0: i32) -> (i32, i32) {
    %c0_i32 = arith.constant 0 : i32
    %c0_i32_0 = arith.constant 0 : i32
    %c0_i32_1 = arith.constant 0 : i32
    return %c0_i32, %c0_i32_0 : i32, i32
  }
  func.func @transform_3(%arg0: i32) -> (i32, i32) {
    %c0_i32 = arith.constant 0 : i32
    %c0_i32_0 = arith.constant 0 : i32
    return %arg0, %c0_i32 : i32, i32
  }
}

module attributes {stable_mosaic.version = 14 : i64} {
  func.func @_mlp_body(%arg0: memref<10000x128xf32, #tpu.memory_space<vmem>>, %arg1: memref<2x10000x128xf32, #tpu.memory_space<vmem>>, %arg2: memref<1x10000xi32, #tpu.memory_space<vmem>>, %arg3: memref<128x128xf32, #tpu.memory_space<vmem>>, %arg4: memref<1x128xf32, #tpu.memory_space<vmem>>, %arg5: memref<128x2xf32, #tpu.memory_space<vmem>>, %arg6: memref<1x2xf32, #tpu.memory_space<vmem>>, %arg7: memref<128x2xf32, #tpu.memory_space<vmem>>) attributes {dimension_semantics = [], scalar_prefetch = 0 : i64, scratch_operands = 0 : i64, tpu.core_type = #tpu.core_type<tc>} {
    %get3A = arith.constant 0 : index
    %get3A_0 = arith.constant 0 : index
    %get3A_1 = vector.load %arg0[%get3A, %get3A_0] : memref<10000x128xf32, #tpu.memory_space<vmem>>, vector<10000x128xf32>
    %get3A_2 = arith.constant 0 : index
    %get3A_3 = arith.constant 0 : index
    %get3A_4 = arith.constant 0 : index
    %get3A_5 = vector.load %arg1[%get3A_2, %get3A_3, %get3A_4] : memref<2x10000x128xf32, #tpu.memory_space<vmem>>, vector<1x10000x128xf32>
    %get3A_6 = vector.shape_cast %get3A_5 : vector<1x10000x128xf32> to vector<10000x128xf32>
    %add3A = arith.addf %get3A_1, %get3A_6 : vector<10000x128xf32>
    %get3A_7 = arith.constant 1 : index
    %get3A_8 = arith.constant 0 : index
    %get3A_9 = arith.constant 0 : index
    %get3A_10 = vector.load %arg1[%get3A_7, %get3A_8, %get3A_9] : memref<2x10000x128xf32, #tpu.memory_space<vmem>>, vector<1x10000x128xf32>
    %get3A_11 = vector.shape_cast %get3A_10 : vector<1x10000x128xf32> to vector<10000x128xf32>
    %add3A_12 = arith.addf %add3A, %get3A_11 : vector<10000x128xf32>
    %get3A_13 = arith.constant 0 : index
    %get3A_14 = arith.constant 0 : index
    %get3A_15 = vector.load %arg3[%get3A_13, %get3A_14] : memref<128x128xf32, #tpu.memory_space<vmem>>, vector<128x128xf32>
    %dot_general3A = arith.constant dense<0.000000e+00> : vector<10000x128xf32>
    %dot_general3A_16 = tpu.matmul %add3A_12, %get3A_15, %dot_general3A {dimension_numbers = #tpu.dot_dimension_numbers<[1], [0], [0], [1], [0, 0, 1, 1], [], []>, transpose_lhs_hint = false} : vector<10000x128xf32>, vector<128x128xf32>, vector<10000x128xf32> -> vector<10000x128xf32>
    %get3A_17 = arith.constant 0 : index
    %get3A_18 = arith.constant 0 : index
    %get3A_19 = vector.load %arg4[%get3A_17, %get3A_18] : memref<1x128xf32, #tpu.memory_space<vmem>>, vector<1x128xf32>
    %add3A_20 = vector.broadcast %get3A_19 : vector<1x128xf32> to vector<10000x128xf32>
    %add3A_21 = arith.addf %dot_general3A_16, %add3A_20 : vector<10000x128xf32>
    %max3A = arith.constant 0.000000e+00 : f32
    %max3A_22 = vector.broadcast %max3A : f32 to vector<10000x128xf32>
    %max3A_23 = arith.maximumf %add3A_21, %max3A_22 : vector<10000x128xf32>
    %iota3A = tpu.iota {dimensions = array<i32: 0>} : vector<128x10000xi32>
    %get3A_24 = arith.constant 0 : index
    %get3A_25 = arith.constant 0 : index
    %get3A_26 = vector.load %arg2[%get3A_24, %get3A_25] : memref<1x10000xi32, #tpu.memory_space<vmem>>, vector<1x10000xi32>
    %eq3A = vector.broadcast %get3A_26 : vector<1x10000xi32> to vector<128x10000xi32>
    %eq3A_27 = arith.cmpi eq, %eq3A, %iota3A : vector<128x10000xi32>
    %convert_element_type3A = arith.extui %eq3A_27 : vector<128x10000xi1> to vector<128x10000xi32>
    %convert_element_type3A_28 = arith.sitofp %convert_element_type3A : vector<128x10000xi32> to vector<128x10000xf32>
    %reduce_sum3A = arith.constant dense<0.000000e+00> : vector<128xf32>
    %reduce_sum3A_29 = vector.multi_reduction <add>, %convert_element_type3A_28, %reduce_sum3A [1] : vector<128x10000xf32> to vector<128xf32>
    %broadcast_in_dim3A = vector.shape_cast %reduce_sum3A_29 : vector<128xf32> to vector<128x1xf32>
    %max3A_30 = arith.constant 1.000000e+00 : f32
    %max3A_31 = vector.broadcast %max3A_30 : f32 to vector<128x1xf32>
    %max3A_32 = arith.maximumf %broadcast_in_dim3A, %max3A_31 : vector<128x1xf32>
    %dot_general3A_33 = arith.constant dense<0.000000e+00> : vector<128x128xf32>
    %dot_general3A_34 = tpu.matmul %convert_element_type3A_28, %max3A_23, %dot_general3A_33 {dimension_numbers = #tpu.dot_dimension_numbers<[1], [0], [0], [1], [0, 0, 1, 1], [], []>, transpose_lhs_hint = false} : vector<128x10000xf32>, vector<10000x128xf32>, vector<128x128xf32> -> vector<128x128xf32>
    %div3A = vector.broadcast %max3A_32 : vector<128x1xf32> to vector<128x128xf32>
    %div3A_35 = arith.divf %dot_general3A_34, %div3A : vector<128x128xf32>
    %get3A_36 = arith.constant 0 : index
    %get3A_37 = arith.constant 0 : index
    %get3A_38 = vector.load %arg5[%get3A_36, %get3A_37] : memref<128x2xf32, #tpu.memory_space<vmem>>, vector<128x2xf32>
    %dot_general3A_39 = arith.constant dense<0.000000e+00> : vector<128x2xf32>
    %dot_general3A_40 = tpu.matmul %div3A_35, %get3A_38, %dot_general3A_39 {dimension_numbers = #tpu.dot_dimension_numbers<[1], [0], [0], [1], [0, 0, 1, 1], [], []>, transpose_lhs_hint = false} : vector<128x128xf32>, vector<128x2xf32>, vector<128x2xf32> -> vector<128x2xf32>
    %get3A_41 = arith.constant 0 : index
    %get3A_42 = arith.constant 0 : index
    %get3A_43 = vector.load %arg6[%get3A_41, %get3A_42] : memref<1x2xf32, #tpu.memory_space<vmem>>, vector<1x2xf32>
    %add3A_44 = vector.broadcast %get3A_43 : vector<1x2xf32> to vector<128x2xf32>
    %add3A_45 = arith.addf %dot_general3A_40, %add3A_44 : vector<128x2xf32>
    %swap3A = arith.constant 0 : index
    %swap3A_46 = arith.constant 0 : index
    %swap3A_47 = vector.load %arg7[%swap3A, %swap3A_46] : memref<128x2xf32, #tpu.memory_space<vmem>>, vector<128x2xf32>
    tpu.vector_store %arg7[%swap3A, %swap3A_46], %add3A_45 {strides = array<i32>} : memref<128x2xf32, #tpu.memory_space<vmem>>, vector<128x2xf32>,
    return
  }
}

</mosaic_0001>

<sc_bundles>
// kernel: kernel.5.cloned.1.call-start
scs
__scs_entry_jumppad:
0x0: {  	(pc) =	sbr.rel $0x88, $3  }
0x1: {  	(tag) =	ssettag $0x0;
	lr =	simm.s32 $0x1  }
0x2: {  	[smem:$0x3F97] =	sst lr;
	_ =	strace $0xD0000000  }
0x3: {  	_ = 	snop  }
0x4: {  	_ = 	snop  }
0x5: {  	_ = 	snop  }
0x6: {  	_ = 	snop  }
0x7: {  	_ = 	snop  }
__scs_overlays_trampoline_lowered:
0x8: {  	[smem:$0x3FA6] =	sst s0  }
0x9: {  	[smem:$0x3FA7] =	sst s1  }
0xa: {  	[smem:$0x3FA8] =	sst s2  }
0xb: {  	[smem:$0x3FA9] =	sst s3  }
0xc: {  	[smem:$0x3FAA] =	sst s4  }
0xd: {  	[smem:$0x3FAB] =	sst s5  }
0xe: {  	[smem:$0x3FAC] =	sst s6  }
0xf: {  	[smem:$0x3FAD] =	sst s7  }
0x10: {  	[smem:$0x3FAE] =	sst s8  }
0x11: {  	[smem:$0x3FAF] =	sst s9;
	s0 =	simm.s32 @!p0 $0x0  }
0x12: {  	s1 =	sld [smem:$0x3F95];
	s0 =	simm.s32 @p0 $0x1  }
0x13: {  	[smem:$0x3FB0] =	sst s0;
	s0 =	simm.s32 @!p1 $0x0  }
0x14: {  	s2 =	sld [smem:$0x3F94];
	s0 =	simm.s32 @p1 $0x1  }
0x15: {  	[smem:$0x3FB1] =	sst s0;
	s0 =	simm.s32 @!p2 $0x0  }
0x16: {  	s3 =	sld [smem:$0x3FDB];
	s0 =	simm.s32 @p2 $0x1  }
0x17: {  	s4 =	simm.s32 $0x1BF5;
	[smem:$0x3FB3] =	sst s0  }
0x18: {  	s0 =	sld [smem:$0x3F96];
	_ =	swait.ge [sflag:s4], $0x0  }
0x19: {  	s7 =	sld [smem:$0x3F97]  }
0x1a: {  	s8 =	sadd.s32 $0xFFFFE003, lr  }
0x1b: {  	s9 =	sadd.s32 $0xFFFFFEF7, lr;
	s5 =	simm.s32 $0xFFFFFFFF;
	p2 =	slt.u32 s8, $0xFFFFF086  }
0x1c: {  	p1 =	slt.u32 s9, $0xF7A;
	s5 =	simm.s32 @!p2 $0x0  }
0x1d: {  	s5 =	simm.s32 @p1 $0x1;
	p0 =	seq.s32 s7, s2  }
0x1e: {  	s7 =	smul.u32 @!p0 $0xF7A, s2;
	p2 =	seq.s32 @!p0 s5, $0x0  }
0x1f: {  	s9 =	smul.u32 $0xF7A, s1;
	s8 =	simm.s32 @!p0 $0x1BF5;
	p2 =	por !p2, p0  }
0x20: {  	[sflag:s8] =	ssyncset.s32 @!p0 $0xFFFFF086;
	s6 =	sadd.s32 @!p0 s3, s7;
	s7 =	simm.s32 @!p0 $0x108  }
0x21: {  	s3 =	sadd.s32 s3, s9;
	s6 =	sadd.s32 @!p0 $0x88, s6;
	s7 =	simm.s32 @p2 $0x1082  }
0x22: {  	[simem:s7], [sflag:s8] =	dma.local @!p0 [hbm:s6], $0xF7A  }
0x23: {  	s9 =	sor.u32 $0xD0000000, s2;
	s6 =	simm.s32 $0x108;
	_ =	swait.ge @!p0 [sflag:s8], $0x0  }
0x24: {  	s3 =	sadd.s32 $0x88, s3;
	s6 =	simm.s32 @!p1 $0x1082;
	[sflag:s4] =	ssyncset.s32 $0xFFFFF086  }
0x25: {  	[simem:s6], [sflag:s4] =	dma.local [hbm:s3], $0xF7A  }
0x26: {  	[smem:$0x3F97] =	sst s1;
	(tag) =	ssettag s2;
	_ =	strace s9  }
0x27: {  	s1 =	sld [smem:$0x3FA7]  }
0x28: {  	s2 =	sld [smem:$0x3FA8]  }
0x29: {  	s4 =	sld [smem:$0x3FAA]  }
0x2a: {  	p0 =	seq.s32 s5, $0x0;
	s5 =	sld [smem:$0x3FAB]  }
0x2b: {  	s6 =	sld [smem:$0x3FAC]  }
0x2c: {  	s7 =	sld [smem:$0x3FAD]  }
0x2d: {  	s3 =	simm.s32 $0x108;
	s8 =	sld [smem:$0x3FAE]  }
0x2e: {  	s3 =	simm.s32 @!p0 $0x1082;
	s9 =	sld [smem:$0x3FAF]  }
0x2f: {  	lr =	sadd.s32 s0, s3;
	s0 =	sld [smem:$0x3FA6]  }
0x30: {  	s3 =	sld [smem:$0x3FA9]  }
0x31: {  	[smem:$0x3FB2] =	sst s10  }
0x32: {  	s10 =	sld [smem:$0x3FB0];
	_ =	sdelay $0x3  }
0x33: {  	p0 =	seq.s32 s10, $0x1;
	s10 =	sld [smem:$0x3FB2];
	_ =	sdelay $0x3  }
0x34: {  	[smem:$0x3FB2] =	sst s10  }
0x35: {  	s10 =	sld [smem:$0x3FB1];
	_ =	sdelay $0x3  }
0x36: {  	p1 =	seq.s32 s10, $0x1;
	s10 =	sld [smem:$0x3FB2];
	_ =	sdelay $0x3  }
0x37: {  	[smem:$0x3FB2] =	sst s10  }
0x38: {  	s10 =	sld [smem:$0x3FB3]  }
0x39: {  	_ = 	snop;
	(pc) =	sbr.ind lr, $3  }
0x3a: {  	_ = 	snop  }
0x3b: {  	_ = 	snop  }
0x3c: {  	p2 =	seq.s32 s10, $0x1;
	s10 =	sld [smem:$0x3FB2]  }
0x3d: {  	_ =	shalt  }
0x3e: {  	_ =	shalt  }
0x3f: {  	_ =	shalt  }
0x40: {  	_ =	shalt  }
0x41: {  	_ =	shalt  }
0x42: {  	_ =	shalt  }
0x43: {  	_ =	shalt  }
0x44: {  	_ =	shalt  }
0x45: {  	_ =	shalt  }
0x46: {  	_ =	shalt  }
0x47: {  	_ =	shalt  }
0x48: {  	_ =	shalt  }
0x49: {  	_ =	shalt  }
0x4a: {  	_ =	shalt  }
0x4b: {  	_ =	shalt  }
0x4c: {  	_ =	shalt  }
0x4d: {  	_ =	shalt  }
0x4e: {  	_ =	shalt  }
0x4f: {  	_ =	shalt  }
0x50: {  	_ =	shalt  }
0x51: {  	_ =	shalt  }
0x52: {  	_ =	shalt  }
0x53: {  	_ =	shalt  }
0x54: {  	_ =	shalt  }
0x55: {  	_ =	shalt  }
0x56: {  	_ =	shalt  }
0x57: {  	_ =	shalt  }
0x58: {  	_ =	shalt  }
0x59: {  	_ =	shalt  }
0x5a: {  	_ =	shalt  }
0x5b: {  	_ =	shalt  }
0x5c: {  	_ =	shalt  }
0x5d: {  	_ =	shalt  }
0x5e: {  	_ =	shalt  }
0x5f: {  	_ =	shalt  }
0x60: {  	_ =	shalt  }
0x61: {  	_ =	shalt  }
0x62: {  	_ =	shalt  }
0x63: {  	_ =	shalt  }
0x64: {  	_ =	shalt  }
0x65: {  	_ =	shalt  }
0x66: {  	_ =	shalt  }
0x67: {  	_ =	shalt  }
0x68: {  	_ =	shalt  }
0x69: {  	_ =	shalt  }
0x6a: {  	_ =	shalt  }
0x6b: {  	_ =	shalt  }
0x6c: {  	_ =	shalt  }
0x6d: {  	_ =	shalt  }
0x6e: {  	_ =	shalt  }
0x6f: {  	_ =	shalt  }
0x70: {  	_ =	shalt  }
0x71: {  	_ =	shalt  }
0x72: {  	_ =	shalt  }
0x73: {  	_ =	shalt  }
0x74: {  	_ =	shalt  }
0x75: {  	_ =	shalt  }
0x76: {  	_ =	shalt  }
0x77: {  	_ =	shalt  }
0x78: {  	_ =	shalt  }
0x79: {  	_ =	shalt  }
0x7a: {  	_ =	shalt  }
0x7b: {  	_ =	shalt  }
0x7c: {  	_ =	shalt  }
0x7d: {  	_ =	shalt  }
0x7e: {  	_ =	shalt  }
0x7f: {  	_ =	shalt  }
0x80: {  	_ =	shalt  }
0x81: {  	_ =	shalt  }
0x82: {  	_ =	shalt  }
0x83: {  	_ =	shalt  }
0x84: {  	_ =	shalt  }
0x85: {  	_ =	shalt  }
0x86: {  	_ =	shalt  }
0x87: {  	_ =	shalt  }
.Lfunc_end0:
.L_simem_size_0:
called_computation_lowered:
.L_overlay_start_0:
0x88: {  	s2 =	sld [smem:$0x3FD9]  }
0x89: {  	s3 =	sld [smem:$0x3FFE];
	_ =	sdelay $0x1  }
0x8a: {  	s1 =	srdreg.scid  }
0x8b: {  	s0 =	sand.u32 $0x1, s1  }
0x8c: {  	s17 =	sshll.u32 s0, $0xA;
	s2 =	sadd.s32 s3, s2  }
0x8d: {  	s2 =	sadd.s32 s2, s17  }
0x8e: {  	[smem:$0x3FBE] =	sst s2  }
0x8f: {  	_ = 	snop  }
0x90: {  	s2 =	sld [smem:$0x3FC9];
	(tm) =	ssettm $0x1  }
0x91: {  	s18 =	sld [smem:$0x3FFB];
	_ =	sdelay $0x3  }
0x92: {  	_ =	strace s18  }
0x93: {  	s3 =	sld [smem:$0x3FFC];
	_ =	sdelay $0x3  }
0x94: {  	_ =	strace s3  }
0x95: {  	s3 =	sld [smem:$0x3FFD];
	_ =	sdelay $0x3  }
0x96: {  	_ =	strace s3  }
0x97: {  	_ =	strace $0x8FFFFFFF  }
0x98: {  	s19 =	sld [smem:$0x3FDB];
	_ =	sdelay $0x1  }
0x99: {  	s4 =	simm.s32 $_scs_section_size  }
0x9a: {  	s5 =	simm.s32 $_size__tile_overlayer_lowered;
	s6 =	simm.s32 $_tile_overlayer_lowered  }
0x9b: {  	s22 =	simm.s32 $0x1BFF;
	s21 =	sshll.u32 s6, $0x1;
	s3 =	sadd.s32 s4, s19  }
0x9c: {  	s7 =	simm.s32 $0x0;
	s20 =	sshll.u32 s5, $0x1;
	s5 =	sadd.s32 s21, s3  }
0x9d: {  	[timem:s7], [sflag:s22] =	dma.local [hbm:s5], s20  }
0x9e: {  	_ =	swait.ge [sflag:s22], s20  }
0x9f: {  	s4 =	ssub.s32 $0x0, s20;
	[sflag:s22] =	ssyncset.done $0x0  }
0xa0: {  	[sflag:s22] =	ssyncadd.s32 s4;
	_ =	sdelay $0x1  }
0xa1: {  	s23 =	simm.s32 $0x1B8B  }
0xa2: {  	_ =	swait.ge [sflag:s23], $0x1  }
0xa3: {  	[sflag:s23] =	ssyncset.done $0x0  }
0xa4: {  	s25 =	simm.s32 $0x1B8E;
	s24 =	sld [smem:$0x3FFE];
	[sflag:s23] =	ssyncadd.s32 $0xFFFFFFFF  }
0xa5: {  	s26 =	simm.s32 $execute0_lowered;
	[smem:$0x3FD2] =	sst s25  }
0xa6: {  	s5 =	sshll.u32 s26, $0x1;
	_ =	strace $0x80000046;
	[dreg:$0x1] =	wrdreg $0xFFFFFFFF  }
0xa7: {  	s28 =	simm.s32 $_size_execute0_lowered;
	s3 =	sadd.s32 s3, s5;
	[dreg:$0x0] =	wrdreg $0x0  }
0xa8: {  	s5 =	sshll.u32 s28, $0x1;
	[dreg:$0x2] =	wrdreg s3  }
0xa9: {  	[dreg:$0x3] =	wrdreg s5  }
0xaa: {  	[dreg:$0x4] =	wrdreg $0xC0  }
0xab: {  	_ =	task [dreg:s7], $0x5FFFF  }
0xac: {  	[dreg:$0x1] =	wrdreg $0xFFFFFFFF  }
0xad: {  	[dreg:$0x0] =	wrdreg $0x60  }
0xae: {  	[dreg:$0x2] =	wrdreg s24  }
0xaf: {  	[dreg:$0x3] =	wrdreg s2  }
0xb0: {  	[dreg:$0x4] =	wrdreg $0xA4000  }
0xb1: {  	[dreg:$0x5] =	wrdreg $0x9  }
0xb2: {  	_ =	task.clear_ibuf [dreg:s7], $0x6FFFF;
	_ =	strace $0x90000046  }
0xb3: {  	s29 =	simm.s32 $0x9;
	_ =	strace $0x80000048  }
0xb4: {  	_ =	swait.ge [sflag:s29], $0x1  }
0xb5: {  	[sflag:s29] =	ssyncadd.s32 $0xFFFFFFFF  }
0xb6: {  	_ =	strace $0x90000048  }
0xb7: {  	_ =	sfence  }
0xb8: {  	s30 =	sld [smem:$0x0];
	_ =	sdelay $0x2  }
0xb9: {  	s31 =	sshll.u32 s1, $0xD;
	s1 =	sshrl.u32 s1, $0x2  }
0xba: {  	s3 =	sand.u32 $0x4000, s31;
	s1 =	sadd.s32 s1, s30  }
0xbb: {  	s0 =	sor.u32 s3, s0;
	s1 =	sshll.u32 s1, $0x11  }
0xbc: {  	s0 =	sor.u32 s1, s0  }
0xbd: {  	s0 =	sadd.s32 $0x8F2B, s0  }
0xbe: {  	[sflag:s0] =	ssyncadd.remote.s32 $0x1  }
0xbf: {  	_ =	sfence.sel $0xFFFF  }
0xc0: {  	[dreg:$0x0] =	wrdreg $0xFFFFFFFF;
	(pc) =	sbr.abs _section_cstart, $3  }
0xc1: {  	[dreg:$0x1] =	wrdreg $0xFFFFFFFF  }
0xc2: {  	_ =	task.clear_ibuf [dreg:s7], $0x2FFFF;
	_ =	strace $0x9FFFFFFF  }
0xc3: {  	(tm) =	ssettm $0x7FFFFFFF  }
tec
execute0_lowered:
.L_overlay_start_1:
0x0: {  	(tag) =	ssettag $0x1  }
0x1: {  	s0 =	rddreg [dreg:$0x0]  }
0x2: {  	s1 =	rddreg [dreg:$0x1]  }
0x3: {  	s2 =	rddreg [dreg:$0x2]  }
0x4: {  	s3 =	simm.s32 $0x0;
	s4 =	srdreg.scid;
	s13 =	stileid.u32  }
0x5: {  	s31 =	simm.s32 $0x100;
	[smem:$0x7FF] =	sst s3;
	s5 =	sadd.s32 $0x4E3800, s0  }
0x6: {  	s6 =	sadd.s32 $0x502C00, s0;
	s7 =	sadd.s32 $0x1800, s0;
	s4 =	sand.u32 $0x1, s4  }
0x7: {  	s28 =	sshll.u32 s13, $0x1;
	s10 =	smul.u32 $0x4E000, s13;
	s0 =	sadd.s32 $0x4000, s0  }
0x8: {  	s14 =	sadd.s32 $0x124800, s2;
	s17 =	smul.u32 $0x13800, s13;
	p0 =	seq.s32 s13, $0xF  }
0x9: {  	s13 =	simm.s32 $0x2;
	_ =	strace $0x80000047;
	[dreg:$0x4] =	wrdreg s7  }
0xa: {  	s9 =	ssub.s32 $0x2, s4;
	s7 =	sor.u32 s4, s28;
	s4 =	smul.u32 $0x138800, s4  }
0xb: {  	[dreg:$0x6] =	wrdreg s14;
	s14 =	simm.s32 $0x2C00;
	s8 =	smul.u32 $0x7D00, s7  }
0xc: {  	s11 =	sshrl.u32 s9, $0x1;
	s10 =	sshrl.u32 s10, $0x2;
	s12 =	smul.u32 $0x138800, s7  }
0xd: {  	s11 =	ssub.s32 s9, s11;
	s9 =	smul.u32 $0x2710, s7;
	s10 =	sadd.s32 s10, s2  }
0xe: {  	s7 =	smul.u32 $0x27100, s7;
	[dreg:$0x5] =	wrdreg s10;
	s26 =	smax.u32 s11, $0x1  }
0xf: {  	s22 =	sadd.s32 s17, s4;
	s28 =	sadd.s32 $0x600, s8;
	[dreg:$0x14] =	wrdreg s26  }
0x10: {  	s4 =	sshrl.u32 s4, $0x3;
	s7 =	sadd.s32 s6, s7;
	[dreg:$0x15] =	wrdreg s28  }
0x11: {  	s17 =	simm.s32 $0x7;
	s20 =	sadd.s32 $0xA0, s9;
	[dreg:$0xa] =	wrdreg s7  }
0x12: {  	s29 =	sshrl.u32 s8, $0x3;
	s21 =	sadd.s32 $0xF0, s9;
	[dreg:$0xd] =	wrdreg s20  }
0x13: {  	s30 =	sadd.s32 s5, s29;
	s29 =	sadd.s32 $0x700, s8;
	[dreg:$0xe] =	wrdreg s21  }
0x14: {  	s15 =	sshrl.u32 s12, $0x3;
	s11 =	simm.s32 $0x5400;
	[dreg:$0x16] =	wrdreg s29  }
0x15: {  	s12 =	simm.s32 $0x4;
	s10 =	sadd.s32 $0x20, s30;
	[dreg:$0x7] =	wrdreg s30  }
0x16: {  	s16 =	sadd.s32 $0x40, s30;
	s19 =	sadd.s32 $0x60, s30;
	[dreg:$0x8] =	wrdreg s10  }
0x17: {  	s7 =	sshrl.u32 s22, $0x3;
	s30 =	sadd.s32 $0xF80, s30;
	[dreg:$0x9] =	wrdreg s16  }
0x18: {  	s21 =	simm.s32 $0x300;
	s22 =	simm.s32 $0x3;
	[dreg:$0xc] =	wrdreg s19  }
0x19: {  	s10 =	sadd.s32 s6, s15;
	s7 =	sadd.s32 s0, s7;
	[dreg:$0x17] =	wrdreg s30  }
0x1a: {  	s0 =	sadd.s32 s0, s4;
	s18 =	sadd.s32 $0x500, s10;
	[dreg:$0x10] =	wrdreg s7  }
0x1b: {  	s4 =	simm.s32 $0x50;
	s23 =	sadd.s32 $0x26200, s10;
	[dreg:$0xb] =	wrdreg s18  }
0x1c: {  	s16 =	simm.s32 $0x5;
	s24 =	sadd.s32 $0x26700, s10;
	[dreg:$0xf] =	wrdreg s23  }
0x1d: {  	s19 =	simm.s32 $0x0;
	s25 =	sadd.s32 $0x26C00, s10;
	[dreg:$0x11] =	wrdreg s24  }
0x1e: {  	s0 =	sadd.s32 $0x24900, s0;
	s10 =	simm.s32 $0x400;
	[dreg:$0x12] =	wrdreg s25  }
0x1f: {  	s7 =	simm.s32 $0xA;
	[dreg:$0x13] =	wrdreg s0;
	s0 =	simm.s32 $0x1  }
0x20: {  	s23 =	simm.s32 $0x9;
	s24 =	simm.s32 $0x6;
	s25 =	simm.s32 $0x8  }
.LBB2_1:
0x21: {  	[dreg:$0x18] =	wrdreg s19  }
0x22: {  	s15 =	rddreg [dreg:$0x6]  }
0x23: {  	s19 =	rddreg [dreg:$0x4];
	s18 =	sshrl.u32 @p0 s15, $0x3  }
0x24: {  	s15 =	simm.s32 @p0 $0x1FCB;
	[dreg:$0x19] =	wrdreg s18  }
0x25: {  	[spmem:s18], [sflag:s15] =	dma.local @p0 [hbm:s19], $0x2800  }
0x26: {  	s15 =	simm.s32 @p0 $0xB  }
0x27: {  	s18 =	stileid.u32;
	_ =	swait.ge @p0 [sflag:s15], $0x2800  }
0x28: {  	s18 =	sshll.u32 @!p0 s18, $0x6;
	[sflag:s15] =	ssyncset.done @p0 $0x0  }
0x29: {  	s18 =	sor.u32 @!p0 $0x1C0B, s18;
	[sflag:s15] =	ssyncadd.s32 @p0 $0xFFFFD800;
	s15 =	rddreg [dreg:$0x5]  }
0x2a: {  	[dreg:$0x1a] =	wrdreg s18;
	s15 =	sshrl.u32 @!p0 s15, $0x3  }
0x2b: {  	[dreg:$0x1b] =	wrdreg s15  }
0x2c: {  	[spmem:s15], [sflag:s18] =	dma.local @!p0 [hbm:s19], $0x2700  }
0x2d: {  	s15 =	simm.s32 @!p0 $0xB  }
0x2e: {  	_ =	swait.ge @!p0 [sflag:s15], $0x2700  }
0x2f: {  	[sflag:s15] =	ssyncset.done @!p0 $0x0  }
0x30: {  	[sflag:s15] =	ssyncadd.s32 @!p0 $0xFFFFD900  }
0x31: {  	[bflag:$0x0] =	sbarrier.arrive $0xFFFF  }
0x32: {  	s26 =	rddreg [dreg:$0x7]  }
0x33: {  	[tilespmem:s3], [sflag:$0x1] =	stream.linear.gather [hbm4b:s26+s3], $0x100, $0x38;
	[tilespmem:$0x1DC80] =	vst v63  }
0x34: {  	s30 =	rddreg [dreg:$0x8]  }
0x35: {  	[tilespmem:s31], [sflag:$0x2] =	stream.linear.gather [hbm4b:s30+s3], $0x100, $0x38;
	[tilespmem:$0x1DC80] =	vst v63  }
0x36: {  	s19 =	simm.s32 $0x200;
	s18 =	rddreg [dreg:$0x9]  }
0x37: {  	[tilespmem:s19], [sflag:$0x3] =	stream.linear.gather [hbm4b:s18+s3], $0x100, $0x38;
	[tilespmem:$0x1DC80] =	vst v63  }
0x38: {  	_ =	swait.ge [sflag:s0], $0x100  }
0x39: {  	[sflag:s0] =	ssyncset.done $0x0  }
0x3a: {  	[sflag:s0] =	ssyncadd.s32 $0xFFFFFF00  }
0x3b: {  	[tilespmem:s10], [sflag:$0x5] =	stream.indirect.gather [hbm4b:s1+s4], $0x80, s3, s4, $0xb8;
	[tilespmem:$0x1DC80] =	vst v63  }
0x3c: {  	s20 =	rddreg [dreg:$0xa]  }
0x3d: {  	[tilespmem:s11], [sflag:$0x7] =	stream.linear.gather [hbm4b:s20+s3], $0x2800, $0x38;
	[tilespmem:$0x1DC80] =	vst v63  }
0x3e: {  	_ =	swait.ge [sflag:s13], $0x100  }
0x3f: {  	[sflag:s13] =	ssyncset.done $0x0  }
0x40: {  	[sflag:s13] =	ssyncadd.s32 $0xFFFFFF00  }
0x41: {  	[tilespmem:s14], [sflag:$0x6] =	stream.indirect.gather [hbm4b:s1+s4], $0x80, s31, s4, $0xb8;
	[tilespmem:$0x1DC80] =	vst v63  }
0x42: {  	s30 =	simm.s32 $0x7C00;
	s26 =	rddreg [dreg:$0xb]  }
0x43: {  	[tilespmem:s30], [sflag:$0x8] =	stream.linear.gather [hbm4b:s26+s3], $0x2800, $0x38;
	[tilespmem:$0x1DC80] =	vst v63  }
0x44: {  	_ =	swait.ge [sflag:s16], $0x2800  }
0x45: {  	[sflag:s16] =	ssyncset.done $0x0  }
0x46: {  	[sflag:s16] =	ssyncadd.s32 $0xFFFFD800  }
0x47: {  	_ =	swait.ge [sflag:s17], $0x2800  }
0x48: {  	[sflag:s17] =	ssyncset.done $0x0  }
0x49: {  	s31 =	simm.s32 $0x5480;
	[sflag:s17] =	ssyncadd.s32 $0xFFFFD800  }
0x4a: {  	s18 =	simm.s32 $0x480;
	v0 =	vld [tilespmem:s31+$0x0]  }
0x4b: {  	v1 =	vld [tilespmem:s18+$0x0]  }
0x4c: {  	v2 =	vld [tilespmem:s18+$0x40];
	_ =	sdelay $0x2  }
0x4d: {  	v3 =	vshll.u32 v0, $0x10  }
0x4e: {  	v4 =	vld [tilespmem:s31+$0xFFFFFF80];
	v0 =	vand.u32 $0xFFFF0000, v0;
	v1 =	vadd.f32 v3, v1  }
0x4f: {  	v3 =	vld [tilespmem:s18+$0xFFFFFF80];
	v0 =	vadd.f32 v0, v2  }
0x50: {  	v2 =	vld [tilespmem:s18+$0xFFFFFFC0];
	v1 =	vmax.f32 v1, $0.0e+00  }
0x51: {  	v0 =	vmax.f32 v0, $0.0e+00;
	[tilespmem:s18+$0x0] =	vst v1  }
0x52: {  	[tilespmem:s18+$0x40] =	vst v0  }
0x53: {  	v0 =	vshll.u32 v4, $0x10;
	v5 =	vld [tilespmem:s31+$0x10]  }
0x54: {  	v4 =	vand.u32 $0xFFFF0000, v4;
	v0 =	vadd.f32 v0, v3;
	v3 =	vld [tilespmem:s18+$0x10]  }
0x55: {  	v2 =	vadd.f32 v4, v2;
	v4 =	vld [tilespmem:s18+$0x50]  }
0x56: {  	v6 =	vld [tilespmem:s18+$0xFFFFFFD0];
	v0 =	vmax.f32 v0, $0.0e+00  }
0x57: {  	v7 =	vld [tilespmem:s18+$0x30];
	[tilespmem:s18+$0xFFFFFF80] =	vst v0;
	v0 =	vmax.f32 v2, $0.0e+00  }
0x58: {  	s20 =	simm.s32 $0x5580;
	v9 =	vld [tilespmem:s18+$0x60];
	[tilespmem:s18+$0xFFFFFFC0] =	vst v0;
	v0 =	vshll.u32 v5, $0x10  }
0x59: {  	s19 =	simm.s32 $0x580;
	v10 =	vld [tilespmem:s20+$0x0];
	v5 =	vand.u32 $0xFFFF0000, v5;
	v0 =	vadd.f32 v0, v3  }
0x5a: {  	v12 =	vld [tilespmem:s19+$0x0];
	v4 =	vadd.f32 v5, v4  }
0x5b: {  	v2 =	vld [tilespmem:s31+$0xFFFFFF90];
	v0 =	vmax.f32 v0, $0.0e+00  }
0x5c: {  	v1 =	vld [tilespmem:s18+$0xFFFFFF90];
	v4 =	vmax.f32 v4, $0.0e+00;
	[tilespmem:s18+$0x10] =	vst v0  }
0x5d: {  	v13 =	vld [tilespmem:s19+$0x40];
	[tilespmem:s18+$0x50] =	vst v4  }
0x5e: {  	v8 =	vld [tilespmem:s31+$0x20]  }
0x5f: {  	v4 =	vld [tilespmem:s18+$0x20]  }
0x60: {  	v14 =	vld [tilespmem:s20+$0xFFFFFF80];
	v11 =	vshll.u32 v2, $0x10;
	v2 =	vand.u32 $0xFFFF0000, v2  }
0x61: {  	v57 =	vld [tilespmem:s19+$0x50];
	v11 =	vadd.f32 v11, v1;
	v2 =	vadd.f32 v2, v6  }
0x62: {  	v58 =	vld [tilespmem:s18+$0x70]  }
0x63: {  	v3 =	vld [tilespmem:s18+$0xFFFFFFA0];
	v11 =	vmax.f32 v11, $0.0e+00;
	v2 =	vmax.f32 v2, $0.0e+00;
	v6 =	vshll.u32 v8, $0x10  }
0x64: {  	v5 =	vld [tilespmem:s18+$0xFFFFFFE0];
	v8 =	vand.u32 $0xFFFF0000, v8;
	[tilespmem:s18+$0xFFFFFF90] =	vst v11;
	v11 =	vshll.u32 v10, $0x10;
	v4 =	vadd.f32 v6, v4  }
0x65: {  	[tilespmem:s18+$0xFFFFFFD0] =	vst v2;
	v2 =	vld [tilespmem:s19+$0xFFFFFFC0];
	v8 =	vadd.f32 v8, v9;
	v9 =	vand.u32 $0xFFFF0000, v10;
	v10 =	vadd.f32 v11, v12  }
0x66: {  	v6 =	vld [tilespmem:s19+$0xFFFFFF80];
	v4 =	vmax.f32 v4, $0.0e+00  }
0x67: {  	v0 =	vld [tilespmem:s18+$0xFFFFFFB0];
	v9 =	vadd.f32 v9, v13;
	v10 =	vmax.f32 v10, $0.0e+00;
	[tilespmem:s18+$0x20] =	vst v4  }
0x68: {  	v56 =	vld [tilespmem:s31+$0xFFFFFFA0];
	v4 =	vmax.f32 v8, $0.0e+00;
	[tilespmem:s19+$0x0] =	vst v10  }
0x69: {  	v1 =	vld [tilespmem:s18+$0xFFFFFFF0];
	v9 =	vmax.f32 v9, $0.0e+00;
	v10 =	vand.u32 $0xFFFF0000, v14;
	[tilespmem:s18+$0x60] =	vst v4  }
0x6a: {  	v4 =	vshll.u32 v14, $0x10;
	[tilespmem:s19+$0x40] =	vst v9;
	v2 =	vadd.f32 v10, v2;
	v10 =	vld [tilespmem:s19+$0x10]  }
0x6b: {  	v4 =	vadd.f32 v4, v6;
	v9 =	vld [tilespmem:s20+$0x10]  }
0x6c: {  	v6 =	vld [tilespmem:s31+$0x30];
	v2 =	vmax.f32 v2, $0.0e+00  }
0x6d: {  	v11 =	vld [tilespmem:s19+$0xFFFFFF90];
	v4 =	vmax.f32 v4, $0.0e+00;
	[tilespmem:s19+$0xFFFFFFC0] =	vst v2;
	v2 =	vshll.u32 v56, $0x10  }
0x6e: {  	v8 =	vld [tilespmem:s19+$0xFFFFFFD0];
	[tilespmem:s19+$0xFFFFFF80] =	vst v4;
	v2 =	vadd.f32 v2, v3  }
0x6f: {  	v4 =	vand.u32 $0xFFFF0000, v56;
	v59 =	vld [tilespmem:s20+$0xFFFFFF90]  }
0x70: {  	v3 =	vld [tilespmem:s19+$0xFFFFFFA0];
	v5 =	vadd.f32 v4, v5;
	v15 =	vshll.u32 v9, $0x10;
	v2 =	vmax.f32 v2, $0.0e+00  }
0x71: {  	v4 =	vld [tilespmem:s19+$0xFFFFFFE0];
	v9 =	vand.u32 $0xFFFF0000, v9;
	v60 =	vand.u32 $0xFFFF0000, v6;
	v10 =	vadd.f32 v15, v10  }
0x72: {  	v61 =	vshll.u32 v6, $0x10;
	v6 =	vld [tilespmem:s19+$0xFFFFFFF0];
	v16 =	vmax.f32 v5, $0.0e+00;
	[tilespmem:s18+$0xFFFFFFA0] =	vst v2;
	v9 =	vadd.f32 v9, v57  }
0x73: {  	v5 =	vld [tilespmem:s19+$0xFFFFFFB0];
	v14 =	vadd.f32 v60, v58;
	[tilespmem:s18+$0xFFFFFFE0] =	vst v16;
	v10 =	vmax.f32 v10, $0.0e+00  }
0x74: {  	v2 =	vld [tilespmem:s19+$0x30];
	v13 =	vadd.f32 v61, v7;
	v9 =	vmax.f32 v9, $0.0e+00;
	v7 =	vshll.u32 v59, $0x10;
	[tilespmem:s19+$0x10] =	vst v10  }
0x75: {  	v10 =	vmax.f32 v14, $0.0e+00;
	v12 =	vand.u32 $0xFFFF0000, v59;
	[tilespmem:s19+$0x50] =	vst v9;
	v11 =	vadd.f32 v7, v11;
	v7 =	vld [tilespmem:s31+$0xFFFFFFB0]  }
0x76: {  	v62 =	vmax.f32 v13, $0.0e+00;
	[tilespmem:s18+$0x70] =	vst v10;
	v10 =	vadd.f32 v12, v8;
	v8 =	vld [tilespmem:s19+$0x20]  }
0x77: {  	[tilespmem:s18+$0x30] =	vst v62;
	v9 =	vld [tilespmem:s20+$0x20];
	v63 =	vmax.f32 v11, $0.0e+00  }
0x78: {  	s28 =	simm.s32 $0x5680;
	s29 =	simm.s32 $0x580;
	s26 =	simm.s32 $0x2;
	v11 =	vmax.f32 v10, $0.0e+00;
	v10 =	vld [tilespmem:s19+$0x60];
	[tilespmem:s19+$0xFFFFFF90] =	vst v63  }
.LBB2_2:
0x79: {  	v12 =	vld [tilespmem:s28+$0x0];
	[tilespmem:s19+$0xFFFFFFD0] =	vst v11;
	s29 =	sadd.s32 $0x100, s29  }
0x7a: {  	v11 =	vld [tilespmem:s29+$0x0];
	v13 =	vshll.u32 v7, $0x10;
	v7 =	vand.u32 $0xFFFF0000, v7  }
0x7b: {  	v14 =	vld [tilespmem:s29+$0x40];
	v13 =	vadd.f32 v13, v0;
	v7 =	vadd.f32 v7, v1;
	v0 =	vmovc v5;
	v1 =	vmov v6  }
0x7c: {  	s26 =	sadd.s32 $0x2, s26;
	v5 =	vld [tilespmem:s28+$0xFFFFFF80];
	v6 =	vshll.u32 v9, $0x10  }
0x7d: {  	p1 =	slt.u32 s26, $0x4E;
	v9 =	vand.u32 $0xFFFF0000, v9;
	v15 =	vld [tilespmem:s29+$0xFFFFFF80];
	v6 =	vadd.f32 v6, v8;
	v8 =	vmax.f32 v13, $0.0e+00  }
0x7e: {  	v9 =	vadd.f32 v9, v10;
	v7 =	vmax.f32 v7, $0.0e+00;
	v13 =	vld [tilespmem:s29+$0xFFFFFFC0];
	v16 =	vshll.u32 v12, $0x10;
	[tilespmem:s18+$0xFFFFFFB0] =	vst v8  }
0x7f: {  	v10 =	vand.u32 $0xFFFF0000, v12;
	v8 =	vld [tilespmem:s29+$0xFFFFFF90];
	v11 =	vadd.f32 v16, v11;
	v6 =	vmax.f32 v6, $0.0e+00;
	[tilespmem:s18+$0xFFFFFFF0] =	vst v7;
	s18 =	smov.u32 s19;
	s19 =	smov.u32 s29  }
0x80: {  	v7 =	vld [tilespmem:s29+$0xFFFFFFD0];
	v10 =	vadd.f32 v10, v14;
	[tilespmem:s18+$0x20] =	vst v6;
	v6 =	vmax.f32 v9, $0.0e+00  }
0x81: {  	v9 =	vshll.u32 v5, $0x10;
	v5 =	vand.u32 $0xFFFF0000, v5;
	v11 =	vmax.f32 v11, $0.0e+00;
	v12 =	vld [tilespmem:s20+$0xFFFFFFA0];
	[tilespmem:s18+$0x60] =	vst v6  }
0x82: {  	v6 =	vadd.f32 v9, v15;
	[tilespmem:s29+$0x0] =	vst v11;
	v9 =	vmax.f32 v10, $0.0e+00;
	v10 =	vld [tilespmem:s20+$0x30]  }
0x83: {  	v5 =	vadd.f32 v5, v13;
	[tilespmem:s29+$0x40] =	vst v9;
	v9 =	vld [tilespmem:s18+$0x70]  }
0x84: {  	v6 =	vmax.f32 v6, $0.0e+00;
	v11 =	vld [tilespmem:s28+$0x10]  }
0x85: {  	[tilespmem:s29+$0xFFFFFF80] =	vst v6;
	v5 =	vmax.f32 v5, $0.0e+00;
	v6 =	vld [tilespmem:s29+$0x10]  }
0x86: {  	[tilespmem:s29+$0xFFFFFFC0] =	vst v5;
	v13 =	vld [tilespmem:s29+$0x50];
	v5 =	vshll.u32 v12, $0x10;
	v12 =	vand.u32 $0xFFFF0000, v12  }
0x87: {  	v14 =	vld [tilespmem:s28+$0xFFFFFF90];
	v5 =	vadd.f32 v5, v3;
	v12 =	vadd.f32 v12, v4;
	v4 =	vand.u32 $0xFFFF0000, v10  }
0x88: {  	v10 =	vshll.u32 v10, $0x10;
	v3 =	vld [tilespmem:s29+$0xFFFFFFA0];
	v9 =	vadd.f32 v4, v9  }
0x89: {  	v4 =	vld [tilespmem:s29+$0xFFFFFFE0];
	v15 =	vshll.u32 v11, $0x10;
	v16 =	vmax.f32 v5, $0.0e+00;
	v12 =	vmax.f32 v12, $0.0e+00  }
0x8a: {  	v11 =	vand.u32 $0xFFFF0000, v11;
	v5 =	vld [tilespmem:s29+$0xFFFFFFB0];
	v15 =	vadd.f32 v15, v6;
	[tilespmem:s18+$0xFFFFFFA0] =	vst v16;
	v9 =	vmax.f32 v9, $0.0e+00  }
0x8b: {  	v10 =	vadd.f32 v10, v2;
	v6 =	vld [tilespmem:s29+$0xFFFFFFF0];
	v11 =	vadd.f32 v11, v13;
	[tilespmem:s18+$0x70] =	vst v9  }
.Ltmp0:
0x8c: {  	v9 =	vshll.u32 v14, $0x10;
	v13 =	vand.u32 $0xFFFF0000, v14;
	v14 =	vmax.f32 v15, $0.0e+00;
	v2 =	vld [tilespmem:s29+$0x30];
	[tilespmem:s18+$0xFFFFFFE0] =	vst v12;
	(pc) =	sbr.rel @p1 .LBB2_2-.Ltmp0, $4  }
0x8d: {  	v9 =	vadd.f32 v9, v8;
	v12 =	vadd.f32 v13, v7;
	[tilespmem:s29+$0x10] =	vst v14;
	v8 =	vmax.f32 v11, $0.0e+00;
	v7 =	vld [tilespmem:s20+$0xFFFFFFB0];
	s20 =	smov.u32 s28  }
0x8e: {  	v10 =	vmax.f32 v10, $0.0e+00;
	[tilespmem:s29+$0x50] =	vst v8;
	v8 =	vld [tilespmem:s29+$0x20]  }
0x8f: {  	v13 =	vmax.f32 v9, $0.0e+00;
	v11 =	vmax.f32 v12, $0.0e+00;
	v9 =	vld [tilespmem:s28+$0x20];
	[tilespmem:s18+$0x30] =	vst v10  }
0x90: {  	s28 =	sadd.s32 $0x100, s28;
	[tilespmem:s29+$0xFFFFFF90] =	vst v13;
	v10 =	vld [tilespmem:s29+$0x60]  }
0x91: {  	[tilespmem:s19+$0xFFFFFFD0] =	vst v11  }
0x92: {  	v11 =	vld [tilespmem:s20+$0xFFFFFFA0];
	_ =	sdelay $0x2  }
0x93: {  	v12 =	vshll.u32 v9, $0x10  }
0x94: {  	v48 =	vand.u32 $0xFFFF0000, v9;
	v8 =	vadd.f32 v12, v8  }
0x95: {  	v9 =	vadd.f32 v48, v10;
	v49 =	vshll.u32 v11, $0x10  }
0x96: {  	v8 =	vmax.f32 v8, $0.0e+00;
	v11 =	vand.u32 $0xFFFF0000, v11;
	v3 =	vadd.f32 v49, v3  }
0x97: {  	v50 =	vmax.f32 v9, $0.0e+00;
	[tilespmem:s19+$0x20] =	vst v8;
	v4 =	vadd.f32 v11, v4  }
0x98: {  	[tilespmem:s19+$0x60] =	vst v50;
	v3 =	vmax.f32 v3, $0.0e+00  }
0x99: {  	v8 =	vld [tilespmem:s20+$0x30];
	v4 =	vmax.f32 v4, $0.0e+00;
	[tilespmem:s19+$0xFFFFFFA0] =	vst v3  }
0x9a: {  	v51 =	vld [tilespmem:s19+$0x70];
	[tilespmem:s19+$0xFFFFFFE0] =	vst v4  }
0x9b: {  	v4 =	vld [tilespmem:s20+$0xFFFFFFB0]  }
0x9c: {  	v52 =	vshll.u32 v7, $0x10  }
0x9d: {  	v53 =	vand.u32 $0xFFFF0000, v7;
	v0 =	vadd.f32 v52, v0  }
0x9e: {  	v1 =	vadd.f32 v53, v1;
	v54 =	vand.u32 $0xFFFF0000, v8  }
0x9f: {  	v0 =	vmax.f32 v0, $0.0e+00;
	v8 =	vshll.u32 v8, $0x10;
	v3 =	vadd.f32 v54, v51  }
0xa0: {  	v55 =	vmax.f32 v1, $0.0e+00;
	[tilespmem:s18+$0xFFFFFFB0] =	vst v0;
	v56 =	vadd.f32 v8, v2;
	v57 =	vshll.u32 v4, $0x10  }
0xa1: {  	[tilespmem:s18+$0xFFFFFFF0] =	vst v55;
	v58 =	vmax.f32 v3, $0.0e+00;
	v59 =	vand.u32 $0xFFFF0000, v4;
	v2 =	vadd.f32 v57, v5  }
0xa2: {  	v60 =	vmax.f32 v56, $0.0e+00;
	[tilespmem:s19+$0x70] =	vst v58;
	v61 =	vadd.f32 v59, v6  }
0xa3: {  	[tilespmem:s19+$0x30] =	vst v60;
	v62 =	vmax.f32 v2, $0.0e+00  }
0xa4: {  	v63 =	vmax.f32 v61, $0.0e+00;
	[tilespmem:s19+$0xFFFFFFB0] =	vst v62  }
0xa5: {  	s15 =	simm.s32 $0x80;
	[tilespmem:s19+$0xFFFFFFF0] =	vst v63  }
0xa6: {  	[spmem:s2] =	stream.indirect.scatter.add.f32 [tilespmem:s10], [sflag:$0x9], $0x80, s15, s4, $0xb8;
	[tilespmem:$0x1DC80] =	vst v63  }
0xa7: {  	s29 =	simm.s32 $0x0;
	s31 =	rddreg [dreg:$0xc]  }
0xa8: {  	[tilespmem:s21], [sflag:$0x4] =	stream.linear.gather [hbm4b:s31+s29], $0x100, $0x38;
	[tilespmem:$0x1DC80] =	vst v63  }
.LBB2_4:
0xa9: {  	_ =	swait.ge [sflag:s22], $0x100  }
0xaa: {  	[sflag:s22] =	ssyncset.done $0x0  }
0xab: {  	[sflag:s22] =	ssyncadd.s32 $0xFFFFFF00  }
0xac: {  	_ =	swait.ge [sflag:s23], $0x2800  }
0xad: {  	s18 =	smul.u32 $0x140, s29;
	[sflag:s23] =	ssyncset.done $0x0  }
0xae: {  	s15 =	simm.s32 $0x200;
	s26 =	rddreg [dreg:$0xd];
	[sflag:s23] =	ssyncadd.s32 $0xFFFFD800  }
0xaf: {  	[tilespmem:s10], [sflag:$0x5] =	stream.indirect.gather [hbm4b:s1+s4], $0x80, s15, s4, $0xb8;
	[tilespmem:$0x1DC80] =	vst v63  }
0xb0: {  	s15 =	sadd.s32 s18, s26  }
0xb1: {  	s15 =	sshll.u32 s15, $0x4  }
0xb2: {  	s15 =	sadd.s32 s6, s15  }
0xb3: {  	[tilespmem:s11], [sflag:$0x7] =	stream.linear.gather [hbm4b:s15+s3], $0x2800, $0x38;
	[tilespmem:$0x1DC80] =	vst v63  }
0xb4: {  	_ =	swait.ge [sflag:s24], $0x2800  }
0xb5: {  	[sflag:s24] =	ssyncset.done $0x0  }
0xb6: {  	[sflag:s24] =	ssyncadd.s32 $0xFFFFD800  }
0xb7: {  	_ =	swait.ge [sflag:s25], $0x2800  }
0xb8: {  	[sflag:s25] =	ssyncset.done $0x0  }
0xb9: {  	s15 =	simm.s32 $0x7CB0;
	[sflag:s25] =	ssyncadd.s32 $0xFFFFD800  }
0xba: {  	s19 =	simm.s32 $0x2CF0;
	v0 =	vld [tilespmem:s15+$0xFFFFFFD0]  }
0xbb: {  	v1 =	vld [tilespmem:s19+$0xFFFFFF90]  }
0xbc: {  	v2 =	vld [tilespmem:s19+$0xFFFFFFD0];
	_ =	sdelay $0x2  }
0xbd: {  	v3 =	vshll.u32 v0, $0x10  }
0xbe: {  	v4 =	vld [tilespmem:s15+$0xFFFFFF50];
	v0 =	vand.u32 $0xFFFF0000, v0;
	v1 =	vadd.f32 v3, v1  }
0xbf: {  	v3 =	vld [tilespmem:s19+$0xFFFFFF10];
	v0 =	vadd.f32 v0, v2  }
0xc0: {  	v2 =	vld [tilespmem:s19+$0xFFFFFF50];
	v1 =	vmax.f32 v1, $0.0e+00  }
0xc1: {  	v0 =	vmax.f32 v0, $0.0e+00;
	[tilespmem:s19+$0xFFFFFF90] =	vst v1  }
0xc2: {  	[tilespmem:s19+$0xFFFFFFD0] =	vst v0  }
0xc3: {  	v0 =	vshll.u32 v4, $0x10;
	v5 =	vld [tilespmem:s15+$0xFFFFFFE0]  }
0xc4: {  	v4 =	vand.u32 $0xFFFF0000, v4;
	v0 =	vadd.f32 v0, v3;
	v3 =	vld [tilespmem:s19+$0xFFFFFFA0]  }
0xc5: {  	v2 =	vadd.f32 v4, v2;
	v4 =	vld [tilespmem:s19+$0xFFFFFFE0]  }
0xc6: {  	v6 =	vld [tilespmem:s19+$0xFFFFFF60];
	v0 =	vmax.f32 v0, $0.0e+00  }
0xc7: {  	v7 =	vld [tilespmem:s19+$0xFFFFFFC0];
	[tilespmem:s19+$0xFFFFFF10] =	vst v0;
	v0 =	vmax.f32 v2, $0.0e+00  }
0xc8: {  	s26 =	simm.s32 $0x7DB0;
	v9 =	vld [tilespmem:s19+$0xFFFFFFF0];
	[tilespmem:s19+$0xFFFFFF50] =	vst v0;
	v0 =	vshll.u32 v5, $0x10  }
0xc9: {  	s20 =	simm.s32 $0x2DF0;
	v10 =	vld [tilespmem:s26+$0xFFFFFFD0];
	v5 =	vand.u32 $0xFFFF0000, v5;
	v0 =	vadd.f32 v0, v3  }
0xca: {  	v12 =	vld [tilespmem:s20+$0xFFFFFF90];
	v4 =	vadd.f32 v5, v4  }
0xcb: {  	v2 =	vld [tilespmem:s15+$0xFFFFFF60];
	v0 =	vmax.f32 v0, $0.0e+00  }
0xcc: {  	v1 =	vld [tilespmem:s19+$0xFFFFFF20];
	v4 =	vmax.f32 v4, $0.0e+00;
	[tilespmem:s19+$0xFFFFFFA0] =	vst v0  }
0xcd: {  	v13 =	vld [tilespmem:s20+$0xFFFFFFD0];
	[tilespmem:s19+$0xFFFFFFE0] =	vst v4  }
0xce: {  	v8 =	vld [tilespmem:s15+$0xFFFFFFF0]  }
0xcf: {  	v4 =	vld [tilespmem:s19+$0xFFFFFFB0]  }
0xd0: {  	v14 =	vld [tilespmem:s26+$0xFFFFFF50];
	v11 =	vshll.u32 v2, $0x10;
	v2 =	vand.u32 $0xFFFF0000, v2  }
0xd1: {  	v57 =	vld [tilespmem:s20+$0xFFFFFFE0];
	v11 =	vadd.f32 v11, v1;
	v2 =	vadd.f32 v2, v6  }
0xd2: {  	v58 =	vld [tilespmem:s19+$0x0]  }
0xd3: {  	v3 =	vld [tilespmem:s19+$0xFFFFFF30];
	v11 =	vmax.f32 v11, $0.0e+00;
	v2 =	vmax.f32 v2, $0.0e+00;
	v6 =	vshll.u32 v8, $0x10  }
0xd4: {  	v5 =	vld [tilespmem:s19+$0xFFFFFF70];
	v8 =	vand.u32 $0xFFFF0000, v8;
	[tilespmem:s19+$0xFFFFFF20] =	vst v11;
	v11 =	vshll.u32 v10, $0x10;
	v4 =	vadd.f32 v6, v4  }
0xd5: {  	[tilespmem:s19+$0xFFFFFF60] =	vst v2;
	v2 =	vld [tilespmem:s20+$0xFFFFFF50];
	v8 =	vadd.f32 v8, v9;
	v9 =	vand.u32 $0xFFFF0000, v10;
	v10 =	vadd.f32 v11, v12  }
0xd6: {  	v6 =	vld [tilespmem:s20+$0xFFFFFF10];
	v4 =	vmax.f32 v4, $0.0e+00  }
0xd7: {  	v0 =	vld [tilespmem:s19+$0xFFFFFF40];
	v9 =	vadd.f32 v9, v13;
	v10 =	vmax.f32 v10, $0.0e+00;
	[tilespmem:s19+$0xFFFFFFB0] =	vst v4  }
0xd8: {  	v56 =	vld [tilespmem:s15+$0xFFFFFF70];
	v4 =	vmax.f32 v8, $0.0e+00;
	[tilespmem:s20+$0xFFFFFF90] =	vst v10  }
0xd9: {  	v1 =	vld [tilespmem:s19+$0xFFFFFF80];
	v9 =	vmax.f32 v9, $0.0e+00;
	v10 =	vand.u32 $0xFFFF0000, v14;
	[tilespmem:s19+$0xFFFFFFF0] =	vst v4  }
0xda: {  	v4 =	vshll.u32 v14, $0x10;
	[tilespmem:s20+$0xFFFFFFD0] =	vst v9;
	v2 =	vadd.f32 v10, v2;
	v10 =	vld [tilespmem:s20+$0xFFFFFFA0]  }
0xdb: {  	v4 =	vadd.f32 v4, v6;
	v9 =	vld [tilespmem:s26+$0xFFFFFFE0]  }
0xdc: {  	v6 =	vld [tilespmem:s15+$0x0];
	v2 =	vmax.f32 v2, $0.0e+00  }
0xdd: {  	v11 =	vld [tilespmem:s20+$0xFFFFFF20];
	v4 =	vmax.f32 v4, $0.0e+00;
	[tilespmem:s20+$0xFFFFFF50] =	vst v2;
	v2 =	vshll.u32 v56, $0x10  }
0xde: {  	v8 =	vld [tilespmem:s20+$0xFFFFFF60];
	[tilespmem:s20+$0xFFFFFF10] =	vst v4;
	v2 =	vadd.f32 v2, v3  }
0xdf: {  	v4 =	vand.u32 $0xFFFF0000, v56;
	v59 =	vld [tilespmem:s26+$0xFFFFFF60]  }
0xe0: {  	v3 =	vld [tilespmem:s20+$0xFFFFFF30];
	v5 =	vadd.f32 v4, v5;
	v15 =	vshll.u32 v9, $0x10;
	v2 =	vmax.f32 v2, $0.0e+00  }
0xe1: {  	v4 =	vld [tilespmem:s20+$0xFFFFFF70];
	v9 =	vand.u32 $0xFFFF0000, v9;
	v60 =	vand.u32 $0xFFFF0000, v6;
	v10 =	vadd.f32 v15, v10  }
0xe2: {  	v61 =	vshll.u32 v6, $0x10;
	v6 =	vld [tilespmem:s20+$0xFFFFFF80];
	v16 =	vmax.f32 v5, $0.0e+00;
	[tilespmem:s19+$0xFFFFFF30] =	vst v2;
	v9 =	vadd.f32 v9, v57  }
0xe3: {  	v5 =	vld [tilespmem:s20+$0xFFFFFF40];
	v14 =	vadd.f32 v60, v58;
	[tilespmem:s19+$0xFFFFFF70] =	vst v16;
	v10 =	vmax.f32 v10, $0.0e+00  }
0xe4: {  	v2 =	vld [tilespmem:s20+$0xFFFFFFC0];
	v13 =	vadd.f32 v61, v7;
	v9 =	vmax.f32 v9, $0.0e+00;
	v7 =	vshll.u32 v59, $0x10;
	[tilespmem:s20+$0xFFFFFFA0] =	vst v10  }
0xe5: {  	v10 =	vmax.f32 v14, $0.0e+00;
	v12 =	vand.u32 $0xFFFF0000, v59;
	[tilespmem:s20+$0xFFFFFFE0] =	vst v9;
	v11 =	vadd.f32 v7, v11;
	v7 =	vld [tilespmem:s15+$0xFFFFFF80]  }
0xe6: {  	v62 =	vmax.f32 v13, $0.0e+00;
	[tilespmem:s19+$0x0] =	vst v10;
	v10 =	vadd.f32 v12, v8;
	v8 =	vld [tilespmem:s20+$0xFFFFFFB0]  }
0xe7: {  	[tilespmem:s19+$0xFFFFFFC0] =	vst v62;
	v9 =	vld [tilespmem:s26+$0xFFFFFFF0];
	v63 =	vmax.f32 v11, $0.0e+00  }
0xe8: {  	s28 =	simm.s32 $0x2;
	s30 =	simm.s32 $0x7EB0;
	s31 =	simm.s32 $0x2DF0;
	v11 =	vmax.f32 v10, $0.0e+00;
	v10 =	vld [tilespmem:s20+$0xFFFFFFF0];
	[tilespmem:s20+$0xFFFFFF20] =	vst v63  }
.LBB2_5:
0xe9: {  	v12 =	vld [tilespmem:s30+$0xFFFFFFD0];
	[tilespmem:s20+$0xFFFFFF60] =	vst v11;
	s31 =	sadd.s32 $0x100, s31  }
0xea: {  	v11 =	vld [tilespmem:s31+$0xFFFFFF90];
	v13 =	vshll.u32 v7, $0x10;
	v7 =	vand.u32 $0xFFFF0000, v7  }
0xeb: {  	v14 =	vld [tilespmem:s31+$0xFFFFFFD0];
	v13 =	vadd.f32 v13, v0;
	v7 =	vadd.f32 v7, v1;
	v0 =	vmovc v5;
	v1 =	vmov v6  }
0xec: {  	s28 =	sadd.s32 $0x2, s28;
	v5 =	vld [tilespmem:s30+$0xFFFFFF50];
	v6 =	vshll.u32 v9, $0x10  }
0xed: {  	p1 =	slt.u32 s28, $0x4E;
	v9 =	vand.u32 $0xFFFF0000, v9;
	v15 =	vld [tilespmem:s31+$0xFFFFFF10];
	v6 =	vadd.f32 v6, v8;
	v8 =	vmax.f32 v13, $0.0e+00  }
0xee: {  	v9 =	vadd.f32 v9, v10;
	v7 =	vmax.f32 v7, $0.0e+00;
	v13 =	vld [tilespmem:s31+$0xFFFFFF50];
	v16 =	vshll.u32 v12, $0x10;
	[tilespmem:s19+$0xFFFFFF40] =	vst v8  }
0xef: {  	v10 =	vand.u32 $0xFFFF0000, v12;
	v8 =	vld [tilespmem:s31+$0xFFFFFF20];
	v11 =	vadd.f32 v16, v11;
	v6 =	vmax.f32 v6, $0.0e+00;
	[tilespmem:s19+$0xFFFFFF80] =	vst v7;
	s19 =	smov.u32 s20;
	s20 =	smov.u32 s31  }
0xf0: {  	v7 =	vld [tilespmem:s31+$0xFFFFFF60];
	v10 =	vadd.f32 v10, v14;
	[tilespmem:s19+$0xFFFFFFB0] =	vst v6;
	v6 =	vmax.f32 v9, $0.0e+00  }
0xf1: {  	v9 =	vshll.u32 v5, $0x10;
	v5 =	vand.u32 $0xFFFF0000, v5;
	v11 =	vmax.f32 v11, $0.0e+00;
	v12 =	vld [tilespmem:s26+$0xFFFFFF70];
	[tilespmem:s19+$0xFFFFFFF0] =	vst v6  }
0xf2: {  	v6 =	vadd.f32 v9, v15;
	[tilespmem:s31+$0xFFFFFF90] =	vst v11;
	v9 =	vmax.f32 v10, $0.0e+00;
	v10 =	vld [tilespmem:s26+$0x0]  }
0xf3: {  	v5 =	vadd.f32 v5, v13;
	[tilespmem:s31+$0xFFFFFFD0] =	vst v9;
	v9 =	vld [tilespmem:s19+$0x0]  }
0xf4: {  	v6 =	vmax.f32 v6, $0.0e+00;
	v11 =	vld [tilespmem:s30+$0xFFFFFFE0]  }
0xf5: {  	[tilespmem:s31+$0xFFFFFF10] =	vst v6;
	v5 =	vmax.f32 v5, $0.0e+00;
	v6 =	vld [tilespmem:s31+$0xFFFFFFA0]  }
0xf6: {  	[tilespmem:s31+$0xFFFFFF50] =	vst v5;
	v13 =	vld [tilespmem:s31+$0xFFFFFFE0];
	v5 =	vshll.u32 v12, $0x10;
	v12 =	vand.u32 $0xFFFF0000, v12  }
0xf7: {  	v14 =	vld [tilespmem:s30+$0xFFFFFF60];
	v5 =	vadd.f32 v5, v3;
	v12 =	vadd.f32 v12, v4;
	v4 =	vand.u32 $0xFFFF0000, v10  }
0xf8: {  	v10 =	vshll.u32 v10, $0x10;
	v3 =	vld [tilespmem:s31+$0xFFFFFF30];
	v9 =	vadd.f32 v4, v9  }
0xf9: {  	v4 =	vld [tilespmem:s31+$0xFFFFFF70];
	v15 =	vshll.u32 v11, $0x10;
	v16 =	vmax.f32 v5, $0.0e+00;
	v12 =	vmax.f32 v12, $0.0e+00  }
0xfa: {  	v11 =	vand.u32 $0xFFFF0000, v11;
	v5 =	vld [tilespmem:s31+$0xFFFFFF40];
	v15 =	vadd.f32 v15, v6;
	[tilespmem:s19+$0xFFFFFF30] =	vst v16;
	v9 =	vmax.f32 v9, $0.0e+00  }
0xfb: {  	v10 =	vadd.f32 v10, v2;
	v6 =	vld [tilespmem:s31+$0xFFFFFF80];
	v11 =	vadd.f32 v11, v13;
	[tilespmem:s19+$0x0] =	vst v9  }
.Ltmp1:
0xfc: {  	v9 =	vshll.u32 v14, $0x10;
	v13 =	vand.u32 $0xFFFF0000, v14;
	v14 =	vmax.f32 v15, $0.0e+00;
	v2 =	vld [tilespmem:s31+$0xFFFFFFC0];
	[tilespmem:s19+$0xFFFFFF70] =	vst v12;
	(pc) =	sbr.rel @p1 .LBB2_5-.Ltmp1, $4  }
0xfd: {  	v9 =	vadd.f32 v9, v8;
	v12 =	vadd.f32 v13, v7;
	[tilespmem:s31+$0xFFFFFFA0] =	vst v14;
	v8 =	vmax.f32 v11, $0.0e+00;
	v7 =	vld [tilespmem:s26+$0xFFFFFF80];
	s26 =	smov.u32 s30  }
0xfe: {  	v10 =	vmax.f32 v10, $0.0e+00;
	[tilespmem:s31+$0xFFFFFFE0] =	vst v8;
	v8 =	vld [tilespmem:s31+$0xFFFFFFB0]  }
0xff: {  	v13 =	vmax.f32 v9, $0.0e+00;
	v11 =	vmax.f32 v12, $0.0e+00;
	v9 =	vld [tilespmem:s30+$0xFFFFFFF0];
	[tilespmem:s19+$0xFFFFFFC0] =	vst v10  }
0x100: {  	s30 =	sadd.s32 $0x100, s30;
	[tilespmem:s31+$0xFFFFFF20] =	vst v13;
	v10 =	vld [tilespmem:s31+$0xFFFFFFF0]  }
0x101: {  	[tilespmem:s20+$0xFFFFFF60] =	vst v11  }
0x102: {  	v11 =	vld [tilespmem:s26+$0xFFFFFF70];
	_ =	sdelay $0x2  }
0x103: {  	v12 =	vshll.u32 v9, $0x10  }
0x104: {  	v9 =	vand.u32 $0xFFFF0000, v9;
	v8 =	vadd.f32 v12, v8  }
0x105: {  	v9 =	vadd.f32 v9, v10;
	v10 =	vshll.u32 v11, $0x10  }
0x106: {  	v8 =	vmax.f32 v8, $0.0e+00;
	v11 =	vand.u32 $0xFFFF0000, v11;
	v3 =	vadd.f32 v10, v3  }
0x107: {  	[tilespmem:s20+$0xFFFFFFB0] =	vst v8;
	v8 =	vmax.f32 v9, $0.0e+00;
	v4 =	vadd.f32 v11, v4  }
0x108: {  	[tilespmem:s20+$0xFFFFFFF0] =	vst v8;
	v3 =	vmax.f32 v3, $0.0e+00  }
0x109: {  	v8 =	vld [tilespmem:s26+$0x0];
	v4 =	vmax.f32 v4, $0.0e+00;
	[tilespmem:s20+$0xFFFFFF30] =	vst v3  }
0x10a: {  	v3 =	vld [tilespmem:s20+$0x0];
	[tilespmem:s20+$0xFFFFFF70] =	vst v4  }
0x10b: {  	v4 =	vld [tilespmem:s26+$0xFFFFFF80]  }
0x10c: {  	v9 =	vshll.u32 v7, $0x10  }
0x10d: {  	v7 =	vand.u32 $0xFFFF0000, v7;
	v0 =	vadd.f32 v9, v0  }
0x10e: {  	v1 =	vadd.f32 v7, v1;
	v7 =	vand.u32 $0xFFFF0000, v8  }
0x10f: {  	v0 =	vmax.f32 v0, $0.0e+00;
	v8 =	vshll.u32 v8, $0x10;
	v3 =	vadd.f32 v7, v3  }
0x110: {  	[tilespmem:s19+$0xFFFFFF40] =	vst v0;
	v0 =	vmax.f32 v1, $0.0e+00;
	v1 =	vadd.f32 v8, v2;
	v2 =	vshll.u32 v4, $0x10  }
0x111: {  	[tilespmem:s19+$0xFFFFFF80] =	vst v0;
	v0 =	vmax.f32 v3, $0.0e+00;
	v3 =	vand.u32 $0xFFFF0000, v4;
	v2 =	vadd.f32 v2, v5  }
0x112: {  	[tilespmem:s20+$0x0] =	vst v0;
	v0 =	vmax.f32 v1, $0.0e+00;
	v1 =	vadd.f32 v3, v6  }
0x113: {  	[tilespmem:s20+$0xFFFFFFC0] =	vst v0;
	v0 =	vmax.f32 v2, $0.0e+00  }
0x114: {  	s19 =	sshll.u32 s29, $0x2;
	[tilespmem:s20+$0xFFFFFF40] =	vst v0;
	v0 =	vmax.f32 v1, $0.0e+00  }
0x115: {  	s15 =	simm.s32 $0x180;
	[tilespmem:s20+$0xFFFFFF80] =	vst v0;
	s20 =	sadd.s32 $0x4, s19  }
0x116: {  	[spmem:s2] =	stream.indirect.scatter.add.f32 [tilespmem:s14], [sflag:$0xA], $0x80, s15, s4, $0xb8;
	[tilespmem:$0x1DC80] =	vst v63  }
0x117: {  	s26 =	sshll.u32 s20, $0x8  }
0x118: {  	s15 =	sadd.s32 s8, s26  }
0x119: {  	s15 =	sshrl.u32 s15, $0x3  }
0x11a: {  	s15 =	sadd.s32 s5, s15  }
0x11b: {  	[tilespmem:s3], [sflag:$0x1] =	stream.linear.gather [hbm4b:s15+s3], $0x100, $0x38;
	[tilespmem:$0x1DC80] =	vst v63  }
0x11c: {  	_ =	swait.ge [sflag:s12], $0x100  }
0x11d: {  	[sflag:s12] =	ssyncset.done $0x0  }
0x11e: {  	[sflag:s12] =	ssyncadd.s32 $0xFFFFFF00  }
0x11f: {  	_ =	swait.ge [sflag:s7], $0x2800  }
0x120: {  	[sflag:s7] =	ssyncset.done $0x0;
	s26 =	rddreg [dreg:$0xe]  }
0x121: {  	[sflag:s7] =	ssyncadd.s32 $0xFFFFD800;
	s15 =	sadd.s32 s18, s26  }
0x122: {  	[tilespmem:s14], [sflag:$0x6] =	stream.indirect.gather [hbm4b:s1+s4], $0x80, s21, s4, $0xb8;
	[tilespmem:$0x1DC80] =	vst v63  }
0x123: {  	s15 =	sshll.u32 s15, $0x4  }
0x124: {  	s26 =	simm.s32 $0x7C00;
	s15 =	sadd.s32 s6, s15  }
0x125: {  	[tilespmem:s26], [sflag:$0x8] =	stream.linear.gather [hbm4b:s15+s3], $0x2800, $0x38;
	[tilespmem:$0x1DC80] =	vst v63  }
0x126: {  	_ =	swait.ge [sflag:s16], $0x2800  }
0x127: {  	[sflag:s16] =	ssyncset.done $0x0  }
0x128: {  	[sflag:s16] =	ssyncadd.s32 $0xFFFFD800  }
0x129: {  	_ =	swait.ge [sflag:s17], $0x2800  }
0x12a: {  	[sflag:s17] =	ssyncset.done $0x0  }
0x12b: {  	s15 =	simm.s32 $0x5480;
	[sflag:s17] =	ssyncadd.s32 $0xFFFFD800  }
0x12c: {  	s18 =	simm.s32 $0x480;
	v0 =	vld [tilespmem:s15+$0x0]  }
0x12d: {  	v1 =	vld [tilespmem:s18+$0x0]  }
0x12e: {  	v2 =	vld [tilespmem:s18+$0x40];
	_ =	sdelay $0x2  }
0x12f: {  	v3 =	vshll.u32 v0, $0x10  }
0x130: {  	v4 =	vld [tilespmem:s15+$0xFFFFFF80];
	v0 =	vand.u32 $0xFFFF0000, v0;
	v1 =	vadd.f32 v3, v1  }
0x131: {  	v3 =	vld [tilespmem:s18+$0xFFFFFF80];
	v0 =	vadd.f32 v0, v2  }
0x132: {  	v2 =	vld [tilespmem:s18+$0xFFFFFFC0];
	v1 =	vmax.f32 v1, $0.0e+00  }
0x133: {  	v0 =	vmax.f32 v0, $0.0e+00;
	[tilespmem:s18+$0x0] =	vst v1  }
0x134: {  	[tilespmem:s18+$0x40] =	vst v0  }
0x135: {  	v0 =	vshll.u32 v4, $0x10;
	v5 =	vld [tilespmem:s15+$0x10]  }
0x136: {  	v4 =	vand.u32 $0xFFFF0000, v4;
	v0 =	vadd.f32 v0, v3;
	v3 =	vld [tilespmem:s18+$0x10]  }
0x137: {  	v2 =	vadd.f32 v4, v2;
	v4 =	vld [tilespmem:s18+$0x50]  }
0x138: {  	v6 =	vld [tilespmem:s18+$0xFFFFFFD0];
	v0 =	vmax.f32 v0, $0.0e+00  }
0x139: {  	v7 =	vld [tilespmem:s18+$0x30];
	[tilespmem:s18+$0xFFFFFF80] =	vst v0;
	v0 =	vmax.f32 v2, $0.0e+00  }
0x13a: {  	s28 =	simm.s32 $0x5580;
	v9 =	vld [tilespmem:s18+$0x60];
	[tilespmem:s18+$0xFFFFFFC0] =	vst v0;
	v0 =	vshll.u32 v5, $0x10  }
0x13b: {  	s26 =	simm.s32 $0x580;
	v10 =	vld [tilespmem:s28+$0x0];
	v5 =	vand.u32 $0xFFFF0000, v5;
	v0 =	vadd.f32 v0, v3  }
0x13c: {  	v55 =	vld [tilespmem:s26+$0x0];
	v4 =	vadd.f32 v5, v4  }
0x13d: {  	v2 =	vld [tilespmem:s15+$0xFFFFFF90];
	v0 =	vmax.f32 v0, $0.0e+00  }
0x13e: {  	v1 =	vld [tilespmem:s18+$0xFFFFFF90];
	v4 =	vmax.f32 v4, $0.0e+00;
	[tilespmem:s18+$0x10] =	vst v0  }
0x13f: {  	v13 =	vld [tilespmem:s26+$0x40];
	[tilespmem:s18+$0x50] =	vst v4  }
0x140: {  	v8 =	vld [tilespmem:s15+$0x20]  }
0x141: {  	v4 =	vld [tilespmem:s18+$0x20]  }
0x142: {  	v14 =	vld [tilespmem:s28+$0xFFFFFF80];
	v11 =	vshll.u32 v2, $0x10;
	v2 =	vand.u32 $0xFFFF0000, v2  }
0x143: {  	v57 =	vld [tilespmem:s26+$0x50];
	v11 =	vadd.f32 v11, v1;
	v2 =	vadd.f32 v2, v6  }
0x144: {  	v58 =	vld [tilespmem:s18+$0x70]  }
0x145: {  	v3 =	vld [tilespmem:s18+$0xFFFFFFA0];
	v11 =	vmax.f32 v11, $0.0e+00;
	v2 =	vmax.f32 v2, $0.0e+00;
	v6 =	vshll.u32 v8, $0x10  }
0x146: {  	v5 =	vld [tilespmem:s18+$0xFFFFFFE0];
	v8 =	vand.u32 $0xFFFF0000, v8;
	[tilespmem:s18+$0xFFFFFF90] =	vst v11;
	v11 =	vshll.u32 v10, $0x10;
	v4 =	vadd.f32 v6, v4  }
0x147: {  	[tilespmem:s18+$0xFFFFFFD0] =	vst v2;
	v2 =	vld [tilespmem:s26+$0xFFFFFFC0];
	v8 =	vadd.f32 v8, v9;
	v9 =	vand.u32 $0xFFFF0000, v10;
	v10 =	vadd.f32 v11, v55  }
0x148: {  	v6 =	vld [tilespmem:s26+$0xFFFFFF80];
	v4 =	vmax.f32 v4, $0.0e+00  }
0x149: {  	v0 =	vld [tilespmem:s18+$0xFFFFFFB0];
	v9 =	vadd.f32 v9, v13;
	v10 =	vmax.f32 v10, $0.0e+00;
	[tilespmem:s18+$0x20] =	vst v4  }
0x14a: {  	v56 =	vld [tilespmem:s15+$0xFFFFFFA0];
	v4 =	vmax.f32 v8, $0.0e+00;
	[tilespmem:s26+$0x0] =	vst v10  }
0x14b: {  	v1 =	vld [tilespmem:s18+$0xFFFFFFF0];
	v9 =	vmax.f32 v9, $0.0e+00;
	v10 =	vand.u32 $0xFFFF0000, v14;
	[tilespmem:s18+$0x60] =	vst v4  }
0x14c: {  	v4 =	vshll.u32 v14, $0x10;
	[tilespmem:s26+$0x40] =	vst v9;
	v2 =	vadd.f32 v10, v2;
	v10 =	vld [tilespmem:s26+$0x10]  }
0x14d: {  	v4 =	vadd.f32 v4, v6;
	v9 =	vld [tilespmem:s28+$0x10]  }
0x14e: {  	v6 =	vld [tilespmem:s15+$0x30];
	v2 =	vmax.f32 v2, $0.0e+00  }
0x14f: {  	v11 =	vld [tilespmem:s26+$0xFFFFFF90];
	v4 =	vmax.f32 v4, $0.0e+00;
	[tilespmem:s26+$0xFFFFFFC0] =	vst v2;
	v2 =	vshll.u32 v56, $0x10  }
0x150: {  	v8 =	vld [tilespmem:s26+$0xFFFFFFD0];
	[tilespmem:s26+$0xFFFFFF80] =	vst v4;
	v2 =	vadd.f32 v2, v3  }
0x151: {  	v4 =	vand.u32 $0xFFFF0000, v56;
	v59 =	vld [tilespmem:s28+$0xFFFFFF90]  }
0x152: {  	v3 =	vld [tilespmem:s26+$0xFFFFFFA0];
	v5 =	vadd.f32 v4, v5;
	v15 =	vshll.u32 v9, $0x10;
	v2 =	vmax.f32 v2, $0.0e+00  }
0x153: {  	v4 =	vld [tilespmem:s26+$0xFFFFFFE0];
	v9 =	vand.u32 $0xFFFF0000, v9;
	v60 =	vand.u32 $0xFFFF0000, v6;
	v10 =	vadd.f32 v15, v10  }
0x154: {  	v61 =	vshll.u32 v6, $0x10;
	v6 =	vld [tilespmem:s26+$0xFFFFFFF0];
	v16 =	vmax.f32 v5, $0.0e+00;
	[tilespmem:s18+$0xFFFFFFA0] =	vst v2;
	v9 =	vadd.f32 v9, v57  }
0x155: {  	v5 =	vld [tilespmem:s26+$0xFFFFFFB0];
	v14 =	vadd.f32 v60, v58;
	[tilespmem:s18+$0xFFFFFFE0] =	vst v16;
	v10 =	vmax.f32 v10, $0.0e+00  }
0x156: {  	v2 =	vld [tilespmem:s26+$0x30];
	v13 =	vadd.f32 v61, v7;
	v9 =	vmax.f32 v9, $0.0e+00;
	v7 =	vshll.u32 v59, $0x10;
	[tilespmem:s26+$0x10] =	vst v10  }
0x157: {  	v10 =	vmax.f32 v14, $0.0e+00;
	v12 =	vand.u32 $0xFFFF0000, v59;
	[tilespmem:s26+$0x50] =	vst v9;
	v11 =	vadd.f32 v7, v11;
	v7 =	vld [tilespmem:s15+$0xFFFFFFB0]  }
0x158: {  	v62 =	vmax.f32 v13, $0.0e+00;
	[tilespmem:s18+$0x70] =	vst v10;
	v10 =	vadd.f32 v12, v8;
	v8 =	vld [tilespmem:s26+$0x20]  }
0x159: {  	[tilespmem:s18+$0x30] =	vst v62;
	v9 =	vld [tilespmem:s28+$0x20];
	v63 =	vmax.f32 v11, $0.0e+00  }
0x15a: {  	s30 =	simm.s32 $0x2;
	s31 =	simm.s32 $0x5680;
	s15 =	simm.s32 $0x580;
	v11 =	vmax.f32 v10, $0.0e+00;
	v10 =	vld [tilespmem:s26+$0x60];
	[tilespmem:s26+$0xFFFFFF90] =	vst v63  }
.LBB2_7:
0x15b: {  	v12 =	vld [tilespmem:s31+$0x0];
	[tilespmem:s26+$0xFFFFFFD0] =	vst v11;
	s15 =	sadd.s32 $0x100, s15  }
0x15c: {  	v11 =	vld [tilespmem:s15+$0x0];
	v13 =	vshll.u32 v7, $0x10;
	v7 =	vand.u32 $0xFFFF0000, v7  }
0x15d: {  	v14 =	vld [tilespmem:s15+$0x40];
	v13 =	vadd.f32 v13, v0;
	v7 =	vadd.f32 v7, v1;
	v0 =	vmovc v5;
	v1 =	vmov v6  }
0x15e: {  	s30 =	sadd.s32 $0x2, s30;
	v5 =	vld [tilespmem:s31+$0xFFFFFF80];
	v6 =	vshll.u32 v9, $0x10  }
0x15f: {  	p1 =	slt.u32 s30, $0x4E;
	v9 =	vand.u32 $0xFFFF0000, v9;
	v15 =	vld [tilespmem:s15+$0xFFFFFF80];
	v6 =	vadd.f32 v6, v8;
	v8 =	vmax.f32 v13, $0.0e+00  }
0x160: {  	v9 =	vadd.f32 v9, v10;
	v7 =	vmax.f32 v7, $0.0e+00;
	v13 =	vld [tilespmem:s15+$0xFFFFFFC0];
	v16 =	vshll.u32 v12, $0x10;
	[tilespmem:s18+$0xFFFFFFB0] =	vst v8  }
0x161: {  	v10 =	vand.u32 $0xFFFF0000, v12;
	v8 =	vld [tilespmem:s15+$0xFFFFFF90];
	v11 =	vadd.f32 v16, v11;
	v6 =	vmax.f32 v6, $0.0e+00;
	[tilespmem:s18+$0xFFFFFFF0] =	vst v7;
	s18 =	smov.u32 s26;
	s26 =	smov.u32 s15  }
0x162: {  	v7 =	vld [tilespmem:s15+$0xFFFFFFD0];
	v10 =	vadd.f32 v10, v14;
	[tilespmem:s18+$0x20] =	vst v6;
	v6 =	vmax.f32 v9, $0.0e+00  }
0x163: {  	v9 =	vshll.u32 v5, $0x10;
	v5 =	vand.u32 $0xFFFF0000, v5;
	v11 =	vmax.f32 v11, $0.0e+00;
	v12 =	vld [tilespmem:s28+$0xFFFFFFA0];
	[tilespmem:s18+$0x60] =	vst v6  }
0x164: {  	v6 =	vadd.f32 v9, v15;
	[tilespmem:s15+$0x0] =	vst v11;
	v9 =	vmax.f32 v10, $0.0e+00;
	v10 =	vld [tilespmem:s28+$0x30]  }
0x165: {  	v5 =	vadd.f32 v5, v13;
	[tilespmem:s15+$0x40] =	vst v9;
	v9 =	vld [tilespmem:s18+$0x70]  }
0x166: {  	v6 =	vmax.f32 v6, $0.0e+00;
	v11 =	vld [tilespmem:s31+$0x10]  }
0x167: {  	[tilespmem:s15+$0xFFFFFF80] =	vst v6;
	v5 =	vmax.f32 v5, $0.0e+00;
	v6 =	vld [tilespmem:s15+$0x10]  }
0x168: {  	[tilespmem:s15+$0xFFFFFFC0] =	vst v5;
	v13 =	vld [tilespmem:s15+$0x50];
	v5 =	vshll.u32 v12, $0x10;
	v12 =	vand.u32 $0xFFFF0000, v12  }
0x169: {  	v14 =	vld [tilespmem:s31+$0xFFFFFF90];
	v5 =	vadd.f32 v5, v3;
	v12 =	vadd.f32 v12, v4;
	v4 =	vand.u32 $0xFFFF0000, v10  }
0x16a: {  	v10 =	vshll.u32 v10, $0x10;
	v3 =	vld [tilespmem:s15+$0xFFFFFFA0];
	v9 =	vadd.f32 v4, v9  }
0x16b: {  	v4 =	vld [tilespmem:s15+$0xFFFFFFE0];
	v15 =	vshll.u32 v11, $0x10;
	v16 =	vmax.f32 v5, $0.0e+00;
	v12 =	vmax.f32 v12, $0.0e+00  }
0x16c: {  	v11 =	vand.u32 $0xFFFF0000, v11;
	v5 =	vld [tilespmem:s15+$0xFFFFFFB0];
	v15 =	vadd.f32 v15, v6;
	[tilespmem:s18+$0xFFFFFFA0] =	vst v16;
	v9 =	vmax.f32 v9, $0.0e+00  }
0x16d: {  	v10 =	vadd.f32 v10, v2;
	v6 =	vld [tilespmem:s15+$0xFFFFFFF0];
	v11 =	vadd.f32 v11, v13;
	[tilespmem:s18+$0x70] =	vst v9  }
.Ltmp2:
0x16e: {  	v9 =	vshll.u32 v14, $0x10;
	v13 =	vand.u32 $0xFFFF0000, v14;
	v14 =	vmax.f32 v15, $0.0e+00;
	v2 =	vld [tilespmem:s15+$0x30];
	[tilespmem:s18+$0xFFFFFFE0] =	vst v12;
	(pc) =	sbr.rel @p1 .LBB2_7-.Ltmp2, $4  }
0x16f: {  	v9 =	vadd.f32 v9, v8;
	v12 =	vadd.f32 v13, v7;
	[tilespmem:s15+$0x10] =	vst v14;
	v8 =	vmax.f32 v11, $0.0e+00;
	v7 =	vld [tilespmem:s28+$0xFFFFFFB0];
	s28 =	smov.u32 s31  }
0x170: {  	v10 =	vmax.f32 v10, $0.0e+00;
	[tilespmem:s15+$0x50] =	vst v8;
	v8 =	vld [tilespmem:s15+$0x20]  }
0x171: {  	v13 =	vmax.f32 v9, $0.0e+00;
	v11 =	vmax.f32 v12, $0.0e+00;
	v9 =	vld [tilespmem:s31+$0x20];
	[tilespmem:s18+$0x30] =	vst v10  }
0x172: {  	s31 =	sadd.s32 $0x100, s31;
	[tilespmem:s15+$0xFFFFFF90] =	vst v13;
	v10 =	vld [tilespmem:s15+$0x60]  }
0x173: {  	[tilespmem:s26+$0xFFFFFFD0] =	vst v11  }
0x174: {  	v11 =	vld [tilespmem:s28+$0xFFFFFFA0];
	_ =	sdelay $0x2  }
0x175: {  	v12 =	vshll.u32 v9, $0x10  }
0x176: {  	v9 =	vand.u32 $0xFFFF0000, v9;
	v8 =	vadd.f32 v12, v8  }
0x177: {  	v9 =	vadd.f32 v9, v10;
	v10 =	vshll.u32 v11, $0x10  }
0x178: {  	v8 =	vmax.f32 v8, $0.0e+00;
	v11 =	vand.u32 $0xFFFF0000, v11;
	v3 =	vadd.f32 v10, v3  }
0x179: {  	[tilespmem:s26+$0x20] =	vst v8;
	v8 =	vmax.f32 v9, $0.0e+00;
	v4 =	vadd.f32 v11, v4  }
0x17a: {  	[tilespmem:s26+$0x60] =	vst v8;
	v3 =	vmax.f32 v3, $0.0e+00  }
0x17b: {  	v8 =	vld [tilespmem:s28+$0x30];
	v4 =	vmax.f32 v4, $0.0e+00;
	[tilespmem:s26+$0xFFFFFFA0] =	vst v3  }
0x17c: {  	v3 =	vld [tilespmem:s26+$0x70];
	[tilespmem:s26+$0xFFFFFFE0] =	vst v4  }
0x17d: {  	v4 =	vld [tilespmem:s28+$0xFFFFFFB0]  }
0x17e: {  	v9 =	vshll.u32 v7, $0x10  }
0x17f: {  	v7 =	vand.u32 $0xFFFF0000, v7;
	v0 =	vadd.f32 v9, v0  }
0x180: {  	v1 =	vadd.f32 v7, v1;
	v7 =	vand.u32 $0xFFFF0000, v8  }
0x181: {  	v0 =	vmax.f32 v0, $0.0e+00;
	v8 =	vshll.u32 v8, $0x10;
	v3 =	vadd.f32 v7, v3  }
0x182: {  	[tilespmem:s18+$0xFFFFFFB0] =	vst v0;
	v0 =	vmax.f32 v1, $0.0e+00;
	v1 =	vadd.f32 v8, v2;
	v2 =	vshll.u32 v4, $0x10  }
0x183: {  	[tilespmem:s18+$0xFFFFFFF0] =	vst v0;
	v0 =	vmax.f32 v3, $0.0e+00;
	v3 =	vand.u32 $0xFFFF0000, v4;
	v2 =	vadd.f32 v2, v5  }
0x184: {  	[tilespmem:s26+$0x70] =	vst v0;
	v0 =	vmax.f32 v1, $0.0e+00;
	v1 =	vadd.f32 v3, v6  }
0x185: {  	[tilespmem:s26+$0x30] =	vst v0;
	v0 =	vmax.f32 v2, $0.0e+00  }
0x186: {  	s18 =	sadd.s32 $0x5, s19;
	[tilespmem:s26+$0xFFFFFFB0] =	vst v0;
	v0 =	vmax.f32 v1, $0.0e+00  }
0x187: {  	s15 =	simm.s32 $0x280;
	s19 =	sshll.u32 s18, $0x8;
	[tilespmem:s26+$0xFFFFFFF0] =	vst v0  }
0x188: {  	[spmem:s2] =	stream.indirect.scatter.add.f32 [tilespmem:s10], [sflag:$0x9], $0x80, s15, s4, $0xb8;
	[tilespmem:$0x1DC80] =	vst v63  }
0x189: {  	s15 =	sadd.s32 s8, s19  }
0x18a: {  	s15 =	sshrl.u32 s15, $0x3  }
0x18b: {  	s31 =	simm.s32 $0x100;
	s15 =	sadd.s32 s5, s15  }
0x18c: {  	[tilespmem:s31], [sflag:$0x2] =	stream.linear.gather [hbm4b:s15+s3], $0x100, $0x38;
	[tilespmem:$0x1DC80] =	vst v63  }
0x18d: {  	_ =	swait.ge [sflag:s0], $0x100  }
0x18e: {  	[sflag:s0] =	ssyncset.done $0x0  }
0x18f: {  	s26 =	smul.u32 $0x50, s20;
	[sflag:s0] =	ssyncadd.s32 $0xFFFFFF00  }
0x190: {  	_ =	swait.ge [sflag:s23], $0x2800  }
0x191: {  	s15 =	sadd.s32 s9, s26;
	[sflag:s23] =	ssyncset.done $0x0  }
0x192: {  	s15 =	sshll.u32 s15, $0x4;
	[sflag:s23] =	ssyncadd.s32 $0xFFFFD800  }
0x193: {  	[tilespmem:s10], [sflag:$0x5] =	stream.indirect.gather [hbm4b:s1+s4], $0x80, s3, s4, $0xb8;
	[tilespmem:$0x1DC80] =	vst v63  }
0x194: {  	s15 =	sadd.s32 s6, s15  }
0x195: {  	[tilespmem:s11], [sflag:$0x7] =	stream.linear.gather [hbm4b:s15+s3], $0x2800, $0x38;
	[tilespmem:$0x1DC80] =	vst v63  }
0x196: {  	_ =	swait.ge [sflag:s24], $0x2800  }
0x197: {  	[sflag:s24] =	ssyncset.done $0x0  }
0x198: {  	[sflag:s24] =	ssyncadd.s32 $0xFFFFD800  }
0x199: {  	_ =	swait.ge [sflag:s25], $0x2800  }
0x19a: {  	[sflag:s25] =	ssyncset.done $0x0  }
0x19b: {  	s15 =	simm.s32 $0x7CB0;
	[sflag:s25] =	ssyncadd.s32 $0xFFFFD800  }
0x19c: {  	s19 =	simm.s32 $0x2CF0;
	v0 =	vld [tilespmem:s15+$0xFFFFFFD0]  }
0x19d: {  	v1 =	vld [tilespmem:s19+$0xFFFFFF90]  }
0x19e: {  	v2 =	vld [tilespmem:s19+$0xFFFFFFD0];
	_ =	sdelay $0x2  }
0x19f: {  	v3 =	vshll.u32 v0, $0x10  }
0x1a0: {  	v4 =	vld [tilespmem:s15+$0xFFFFFF50];
	v0 =	vand.u32 $0xFFFF0000, v0;
	v1 =	vadd.f32 v3, v1  }
0x1a1: {  	v3 =	vld [tilespmem:s19+$0xFFFFFF10];
	v0 =	vadd.f32 v0, v2  }
0x1a2: {  	v2 =	vld [tilespmem:s19+$0xFFFFFF50];
	v1 =	vmax.f32 v1, $0.0e+00  }
0x1a3: {  	v0 =	vmax.f32 v0, $0.0e+00;
	[tilespmem:s19+$0xFFFFFF90] =	vst v1  }
0x1a4: {  	[tilespmem:s19+$0xFFFFFFD0] =	vst v0  }
0x1a5: {  	v0 =	vshll.u32 v4, $0x10;
	v5 =	vld [tilespmem:s15+$0xFFFFFFE0]  }
0x1a6: {  	v4 =	vand.u32 $0xFFFF0000, v4;
	v0 =	vadd.f32 v0, v3;
	v3 =	vld [tilespmem:s19+$0xFFFFFFA0]  }
0x1a7: {  	v2 =	vadd.f32 v4, v2;
	v4 =	vld [tilespmem:s19+$0xFFFFFFE0]  }
0x1a8: {  	v6 =	vld [tilespmem:s19+$0xFFFFFF60];
	v0 =	vmax.f32 v0, $0.0e+00  }
0x1a9: {  	v7 =	vld [tilespmem:s19+$0xFFFFFFC0];
	[tilespmem:s19+$0xFFFFFF10] =	vst v0;
	v0 =	vmax.f32 v2, $0.0e+00  }
0x1aa: {  	s26 =	simm.s32 $0x7DB0;
	v9 =	vld [tilespmem:s19+$0xFFFFFFF0];
	[tilespmem:s19+$0xFFFFFF50] =	vst v0;
	v0 =	vshll.u32 v5, $0x10  }
0x1ab: {  	s20 =	simm.s32 $0x2DF0;
	v10 =	vld [tilespmem:s26+$0xFFFFFFD0];
	v5 =	vand.u32 $0xFFFF0000, v5;
	v0 =	vadd.f32 v0, v3  }
0x1ac: {  	v55 =	vld [tilespmem:s20+$0xFFFFFF90];
	v4 =	vadd.f32 v5, v4  }
0x1ad: {  	v2 =	vld [tilespmem:s15+$0xFFFFFF60];
	v0 =	vmax.f32 v0, $0.0e+00  }
0x1ae: {  	v1 =	vld [tilespmem:s19+$0xFFFFFF20];
	v4 =	vmax.f32 v4, $0.0e+00;
	[tilespmem:s19+$0xFFFFFFA0] =	vst v0  }
0x1af: {  	v13 =	vld [tilespmem:s20+$0xFFFFFFD0];
	[tilespmem:s19+$0xFFFFFFE0] =	vst v4  }
0x1b0: {  	v8 =	vld [tilespmem:s15+$0xFFFFFFF0]  }
0x1b1: {  	v4 =	vld [tilespmem:s19+$0xFFFFFFB0]  }
0x1b2: {  	v14 =	vld [tilespmem:s26+$0xFFFFFF50];
	v11 =	vshll.u32 v2, $0x10;
	v2 =	vand.u32 $0xFFFF0000, v2  }
0x1b3: {  	v57 =	vld [tilespmem:s20+$0xFFFFFFE0];
	v11 =	vadd.f32 v11, v1;
	v2 =	vadd.f32 v2, v6  }
0x1b4: {  	v58 =	vld [tilespmem:s19+$0x0]  }
0x1b5: {  	v3 =	vld [tilespmem:s19+$0xFFFFFF30];
	v11 =	vmax.f32 v11, $0.0e+00;
	v2 =	vmax.f32 v2, $0.0e+00;
	v6 =	vshll.u32 v8, $0x10  }
0x1b6: {  	v5 =	vld [tilespmem:s19+$0xFFFFFF70];
	v8 =	vand.u32 $0xFFFF0000, v8;
	[tilespmem:s19+$0xFFFFFF20] =	vst v11;
	v11 =	vshll.u32 v10, $0x10;
	v4 =	vadd.f32 v6, v4  }
0x1b7: {  	[tilespmem:s19+$0xFFFFFF60] =	vst v2;
	v2 =	vld [tilespmem:s20+$0xFFFFFF50];
	v8 =	vadd.f32 v8, v9;
	v9 =	vand.u32 $0xFFFF0000, v10;
	v10 =	vadd.f32 v11, v55  }
0x1b8: {  	v6 =	vld [tilespmem:s20+$0xFFFFFF10];
	v4 =	vmax.f32 v4, $0.0e+00  }
0x1b9: {  	v0 =	vld [tilespmem:s19+$0xFFFFFF40];
	v9 =	vadd.f32 v9, v13;
	v10 =	vmax.f32 v10, $0.0e+00;
	[tilespmem:s19+$0xFFFFFFB0] =	vst v4  }
0x1ba: {  	v56 =	vld [tilespmem:s15+$0xFFFFFF70];
	v4 =	vmax.f32 v8, $0.0e+00;
	[tilespmem:s20+$0xFFFFFF90] =	vst v10  }
0x1bb: {  	v1 =	vld [tilespmem:s19+$0xFFFFFF80];
	v9 =	vmax.f32 v9, $0.0e+00;
	v10 =	vand.u32 $0xFFFF0000, v14;
	[tilespmem:s19+$0xFFFFFFF0] =	vst v4  }
0x1bc: {  	v4 =	vshll.u32 v14, $0x10;
	[tilespmem:s20+$0xFFFFFFD0] =	vst v9;
	v2 =	vadd.f32 v10, v2;
	v10 =	vld [tilespmem:s20+$0xFFFFFFA0]  }
0x1bd: {  	v4 =	vadd.f32 v4, v6;
	v9 =	vld [tilespmem:s26+$0xFFFFFFE0]  }
0x1be: {  	v6 =	vld [tilespmem:s15+$0x0];
	v2 =	vmax.f32 v2, $0.0e+00  }
0x1bf: {  	v11 =	vld [tilespmem:s20+$0xFFFFFF20];
	v4 =	vmax.f32 v4, $0.0e+00;
	[tilespmem:s20+$0xFFFFFF50] =	vst v2;
	v2 =	vshll.u32 v56, $0x10  }
0x1c0: {  	v8 =	vld [tilespmem:s20+$0xFFFFFF60];
	[tilespmem:s20+$0xFFFFFF10] =	vst v4;
	v2 =	vadd.f32 v2, v3  }
0x1c1: {  	v4 =	vand.u32 $0xFFFF0000, v56;
	v59 =	vld [tilespmem:s26+$0xFFFFFF60]  }
0x1c2: {  	v3 =	vld [tilespmem:s20+$0xFFFFFF30];
	v5 =	vadd.f32 v4, v5;
	v15 =	vshll.u32 v9, $0x10;
	v2 =	vmax.f32 v2, $0.0e+00  }
0x1c3: {  	v4 =	vld [tilespmem:s20+$0xFFFFFF70];
	v9 =	vand.u32 $0xFFFF0000, v9;
	v60 =	vand.u32 $0xFFFF0000, v6;
	v10 =	vadd.f32 v15, v10  }
0x1c4: {  	v61 =	vshll.u32 v6, $0x10;
	v6 =	vld [tilespmem:s20+$0xFFFFFF80];
	v16 =	vmax.f32 v5, $0.0e+00;
	[tilespmem:s19+$0xFFFFFF30] =	vst v2;
	v9 =	vadd.f32 v9, v57  }
0x1c5: {  	v5 =	vld [tilespmem:s20+$0xFFFFFF40];
	v14 =	vadd.f32 v60, v58;
	[tilespmem:s19+$0xFFFFFF70] =	vst v16;
	v10 =	vmax.f32 v10, $0.0e+00  }
0x1c6: {  	v2 =	vld [tilespmem:s20+$0xFFFFFFC0];
	v13 =	vadd.f32 v61, v7;
	v9 =	vmax.f32 v9, $0.0e+00;
	v7 =	vshll.u32 v59, $0x10;
	[tilespmem:s20+$0xFFFFFFA0] =	vst v10  }
0x1c7: {  	v10 =	vmax.f32 v14, $0.0e+00;
	v12 =	vand.u32 $0xFFFF0000, v59;
	[tilespmem:s20+$0xFFFFFFE0] =	vst v9;
	v11 =	vadd.f32 v7, v11;
	v7 =	vld [tilespmem:s15+$0xFFFFFF80]  }
0x1c8: {  	v62 =	vmax.f32 v13, $0.0e+00;
	[tilespmem:s19+$0x0] =	vst v10;
	v10 =	vadd.f32 v12, v8;
	v8 =	vld [tilespmem:s20+$0xFFFFFFB0]  }
0x1c9: {  	[tilespmem:s19+$0xFFFFFFC0] =	vst v62;
	v9 =	vld [tilespmem:s26+$0xFFFFFFF0];
	v63 =	vmax.f32 v11, $0.0e+00  }
0x1ca: {  	s30 =	simm.s32 $0x7EB0;
	s28 =	simm.s32 $0x2;
	s15 =	simm.s32 $0x2DF0;
	v11 =	vmax.f32 v10, $0.0e+00;
	v10 =	vld [tilespmem:s20+$0xFFFFFFF0];
	[tilespmem:s20+$0xFFFFFF20] =	vst v63  }
.LBB2_9:
0x1cb: {  	v12 =	vld [tilespmem:s30+$0xFFFFFFD0];
	[tilespmem:s20+$0xFFFFFF60] =	vst v11;
	s15 =	sadd.s32 $0x100, s15  }
0x1cc: {  	v11 =	vld [tilespmem:s15+$0xFFFFFF90];
	v13 =	vshll.u32 v7, $0x10;
	v7 =	vand.u32 $0xFFFF0000, v7  }
0x1cd: {  	v14 =	vld [tilespmem:s15+$0xFFFFFFD0];
	v13 =	vadd.f32 v13, v0;
	v7 =	vadd.f32 v7, v1;
	v0 =	vmovc v5;
	v1 =	vmov v6  }
0x1ce: {  	s28 =	sadd.s32 $0x2, s28;
	v5 =	vld [tilespmem:s30+$0xFFFFFF50];
	v6 =	vshll.u32 v9, $0x10  }
0x1cf: {  	p1 =	slt.u32 s28, $0x4E;
	v9 =	vand.u32 $0xFFFF0000, v9;
	v15 =	vld [tilespmem:s15+$0xFFFFFF10];
	v6 =	vadd.f32 v6, v8;
	v8 =	vmax.f32 v13, $0.0e+00  }
0x1d0: {  	v9 =	vadd.f32 v9, v10;
	v7 =	vmax.f32 v7, $0.0e+00;
	v13 =	vld [tilespmem:s15+$0xFFFFFF50];
	v16 =	vshll.u32 v12, $0x10;
	[tilespmem:s19+$0xFFFFFF40] =	vst v8  }
0x1d1: {  	v10 =	vand.u32 $0xFFFF0000, v12;
	v8 =	vld [tilespmem:s15+$0xFFFFFF20];
	v11 =	vadd.f32 v16, v11;
	v6 =	vmax.f32 v6, $0.0e+00;
	[tilespmem:s19+$0xFFFFFF80] =	vst v7;
	s19 =	smov.u32 s20;
	s20 =	smov.u32 s15  }
0x1d2: {  	v7 =	vld [tilespmem:s15+$0xFFFFFF60];
	v10 =	vadd.f32 v10, v14;
	[tilespmem:s19+$0xFFFFFFB0] =	vst v6;
	v6 =	vmax.f32 v9, $0.0e+00  }
0x1d3: {  	v9 =	vshll.u32 v5, $0x10;
	v5 =	vand.u32 $0xFFFF0000, v5;
	v11 =	vmax.f32 v11, $0.0e+00;
	v12 =	vld [tilespmem:s26+$0xFFFFFF70];
	[tilespmem:s19+$0xFFFFFFF0] =	vst v6  }
0x1d4: {  	v6 =	vadd.f32 v9, v15;
	[tilespmem:s15+$0xFFFFFF90] =	vst v11;
	v9 =	vmax.f32 v10, $0.0e+00;
	v10 =	vld [tilespmem:s26+$0x0]  }
0x1d5: {  	v5 =	vadd.f32 v5, v13;
	[tilespmem:s15+$0xFFFFFFD0] =	vst v9;
	v9 =	vld [tilespmem:s19+$0x0]  }
0x1d6: {  	v6 =	vmax.f32 v6, $0.0e+00;
	v11 =	vld [tilespmem:s30+$0xFFFFFFE0]  }
0x1d7: {  	[tilespmem:s15+$0xFFFFFF10] =	vst v6;
	v5 =	vmax.f32 v5, $0.0e+00;
	v6 =	vld [tilespmem:s15+$0xFFFFFFA0]  }
0x1d8: {  	[tilespmem:s15+$0xFFFFFF50] =	vst v5;
	v13 =	vld [tilespmem:s15+$0xFFFFFFE0];
	v5 =	vshll.u32 v12, $0x10;
	v12 =	vand.u32 $0xFFFF0000, v12  }
0x1d9: {  	v14 =	vld [tilespmem:s30+$0xFFFFFF60];
	v5 =	vadd.f32 v5, v3;
	v12 =	vadd.f32 v12, v4;
	v4 =	vand.u32 $0xFFFF0000, v10  }
0x1da: {  	v10 =	vshll.u32 v10, $0x10;
	v3 =	vld [tilespmem:s15+$0xFFFFFF30];
	v9 =	vadd.f32 v4, v9  }
0x1db: {  	v4 =	vld [tilespmem:s15+$0xFFFFFF70];
	v15 =	vshll.u32 v11, $0x10;
	v16 =	vmax.f32 v5, $0.0e+00;
	v12 =	vmax.f32 v12, $0.0e+00  }
0x1dc: {  	v11 =	vand.u32 $0xFFFF0000, v11;
	v5 =	vld [tilespmem:s15+$0xFFFFFF40];
	v15 =	vadd.f32 v15, v6;
	[tilespmem:s19+$0xFFFFFF30] =	vst v16;
	v9 =	vmax.f32 v9, $0.0e+00  }
0x1dd: {  	v10 =	vadd.f32 v10, v2;
	v6 =	vld [tilespmem:s15+$0xFFFFFF80];
	v11 =	vadd.f32 v11, v13;
	[tilespmem:s19+$0x0] =	vst v9  }
.Ltmp3:
0x1de: {  	v9 =	vshll.u32 v14, $0x10;
	v13 =	vand.u32 $0xFFFF0000, v14;
	v14 =	vmax.f32 v15, $0.0e+00;
	v2 =	vld [tilespmem:s15+$0xFFFFFFC0];
	[tilespmem:s19+$0xFFFFFF70] =	vst v12;
	(pc) =	sbr.rel @p1 .LBB2_9-.Ltmp3, $4  }
0x1df: {  	v9 =	vadd.f32 v9, v8;
	v12 =	vadd.f32 v13, v7;
	[tilespmem:s15+$0xFFFFFFA0] =	vst v14;
	v8 =	vmax.f32 v11, $0.0e+00;
	v7 =	vld [tilespmem:s26+$0xFFFFFF80];
	s26 =	smov.u32 s30  }
0x1e0: {  	v10 =	vmax.f32 v10, $0.0e+00;
	[tilespmem:s15+$0xFFFFFFE0] =	vst v8;
	v8 =	vld [tilespmem:s15+$0xFFFFFFB0]  }
0x1e1: {  	v13 =	vmax.f32 v9, $0.0e+00;
	v11 =	vmax.f32 v12, $0.0e+00;
	v9 =	vld [tilespmem:s30+$0xFFFFFFF0];
	[tilespmem:s19+$0xFFFFFFC0] =	vst v10  }
0x1e2: {  	s30 =	sadd.s32 $0x100, s30;
	[tilespmem:s15+$0xFFFFFF20] =	vst v13;
	v10 =	vld [tilespmem:s15+$0xFFFFFFF0]  }
0x1e3: {  	[tilespmem:s20+$0xFFFFFF60] =	vst v11  }
0x1e4: {  	v11 =	vld [tilespmem:s26+$0xFFFFFF70];
	_ =	sdelay $0x2  }
0x1e5: {  	v12 =	vshll.u32 v9, $0x10  }
0x1e6: {  	v9 =	vand.u32 $0xFFFF0000, v9;
	v8 =	vadd.f32 v12, v8  }
0x1e7: {  	v9 =	vadd.f32 v9, v10;
	v10 =	vshll.u32 v11, $0x10  }
0x1e8: {  	v8 =	vmax.f32 v8, $0.0e+00;
	v11 =	vand.u32 $0xFFFF0000, v11;
	v3 =	vadd.f32 v10, v3  }
0x1e9: {  	[tilespmem:s20+$0xFFFFFFB0] =	vst v8;
	v8 =	vmax.f32 v9, $0.0e+00;
	v4 =	vadd.f32 v11, v4  }
0x1ea: {  	[tilespmem:s20+$0xFFFFFFF0] =	vst v8;
	v3 =	vmax.f32 v3, $0.0e+00  }
0x1eb: {  	v8 =	vld [tilespmem:s26+$0x0];
	v4 =	vmax.f32 v4, $0.0e+00;
	[tilespmem:s20+$0xFFFFFF30] =	vst v3  }
0x1ec: {  	v3 =	vld [tilespmem:s20+$0x0];
	[tilespmem:s20+$0xFFFFFF70] =	vst v4  }
0x1ed: {  	v4 =	vld [tilespmem:s26+$0xFFFFFF80]  }
0x1ee: {  	v9 =	vshll.u32 v7, $0x10  }
0x1ef: {  	v7 =	vand.u32 $0xFFFF0000, v7;
	v0 =	vadd.f32 v9, v0  }
0x1f0: {  	v1 =	vadd.f32 v7, v1;
	v7 =	vand.u32 $0xFFFF0000, v8  }
0x1f1: {  	v0 =	vmax.f32 v0, $0.0e+00;
	v8 =	vshll.u32 v8, $0x10;
	v3 =	vadd.f32 v7, v3  }
0x1f2: {  	[tilespmem:s19+$0xFFFFFF40] =	vst v0;
	v0 =	vmax.f32 v1, $0.0e+00;
	v1 =	vadd.f32 v8, v2;
	v2 =	vshll.u32 v4, $0x10  }
0x1f3: {  	[tilespmem:s19+$0xFFFFFF80] =	vst v0;
	v0 =	vmax.f32 v3, $0.0e+00;
	v3 =	vand.u32 $0xFFFF0000, v4;
	v2 =	vadd.f32 v2, v5  }
0x1f4: {  	[tilespmem:s20+$0x0] =	vst v0;
	v0 =	vmax.f32 v1, $0.0e+00;
	v1 =	vadd.f32 v3, v6  }
0x1f5: {  	[tilespmem:s20+$0xFFFFFFC0] =	vst v0;
	v0 =	vmax.f32 v2, $0.0e+00  }
0x1f6: {  	[tilespmem:s20+$0xFFFFFF40] =	vst v0;
	v0 =	vmax.f32 v1, $0.0e+00  }
0x1f7: {  	s15 =	simm.s32 $0x380;
	[tilespmem:s20+$0xFFFFFF80] =	vst v0  }
0x1f8: {  	[spmem:s2] =	stream.indirect.scatter.add.f32 [tilespmem:s14], [sflag:$0xA], $0x80, s15, s4, $0xb8;
	[tilespmem:$0x1DC80] =	vst v63  }
0x1f9: {  	s19 =	sshll.u32 s29, $0xA;
	s20 =	rddreg [dreg:$0x15]  }
0x1fa: {  	s15 =	sadd.s32 s19, s20  }
0x1fb: {  	s15 =	sshrl.u32 s15, $0x3  }
0x1fc: {  	s26 =	simm.s32 $0x200;
	s15 =	sadd.s32 s5, s15  }
0x1fd: {  	[tilespmem:s26], [sflag:$0x3] =	stream.linear.gather [hbm4b:s15+s3], $0x100, $0x38;
	[tilespmem:$0x1DC80] =	vst v63  }
0x1fe: {  	_ =	swait.ge [sflag:s13], $0x100  }
0x1ff: {  	[sflag:s13] =	ssyncset.done $0x0  }
0x200: {  	s20 =	smul.u32 $0x50, s18;
	[sflag:s13] =	ssyncadd.s32 $0xFFFFFF00  }
0x201: {  	_ =	swait.ge [sflag:s7], $0x2800  }
0x202: {  	s15 =	sadd.s32 s9, s20;
	[sflag:s7] =	ssyncset.done $0x0  }
0x203: {  	s15 =	sshll.u32 s15, $0x4;
	[sflag:s7] =	ssyncadd.s32 $0xFFFFD800  }
0x204: {  	[tilespmem:s14], [sflag:$0x6] =	stream.indirect.gather [hbm4b:s1+s4], $0x80, s31, s4, $0xb8;
	[tilespmem:$0x1DC80] =	vst v63  }
0x205: {  	s26 =	simm.s32 $0x7C00;
	s15 =	sadd.s32 s6, s15  }
0x206: {  	[tilespmem:s26], [sflag:$0x8] =	stream.linear.gather [hbm4b:s15+s3], $0x2800, $0x38;
	[tilespmem:$0x1DC80] =	vst v63  }
0x207: {  	_ =	swait.ge [sflag:s16], $0x2800  }
0x208: {  	[sflag:s16] =	ssyncset.done $0x0  }
0x209: {  	[sflag:s16] =	ssyncadd.s32 $0xFFFFD800  }
0x20a: {  	_ =	swait.ge [sflag:s17], $0x2800  }
0x20b: {  	[sflag:s17] =	ssyncset.done $0x0  }
0x20c: {  	s15 =	simm.s32 $0x5480;
	[sflag:s17] =	ssyncadd.s32 $0xFFFFD800  }
0x20d: {  	s18 =	simm.s32 $0x480;
	v0 =	vld [tilespmem:s15+$0x0]  }
0x20e: {  	v1 =	vld [tilespmem:s18+$0x0]  }
0x20f: {  	v2 =	vld [tilespmem:s18+$0x40];
	_ =	sdelay $0x2  }
0x210: {  	v3 =	vshll.u32 v0, $0x10  }
0x211: {  	v4 =	vld [tilespmem:s15+$0xFFFFFF80];
	v0 =	vand.u32 $0xFFFF0000, v0;
	v1 =	vadd.f32 v3, v1  }
0x212: {  	v3 =	vld [tilespmem:s18+$0xFFFFFF80];
	v0 =	vadd.f32 v0, v2  }
0x213: {  	v2 =	vld [tilespmem:s18+$0xFFFFFFC0];
	v1 =	vmax.f32 v1, $0.0e+00  }
0x214: {  	v0 =	vmax.f32 v0, $0.0e+00;
	[tilespmem:s18+$0x0] =	vst v1  }
0x215: {  	[tilespmem:s18+$0x40] =	vst v0  }
0x216: {  	v0 =	vshll.u32 v4, $0x10;
	v5 =	vld [tilespmem:s15+$0x10]  }
0x217: {  	v4 =	vand.u32 $0xFFFF0000, v4;
	v0 =	vadd.f32 v0, v3;
	v3 =	vld [tilespmem:s18+$0x10]  }
0x218: {  	v2 =	vadd.f32 v4, v2;
	v4 =	vld [tilespmem:s18+$0x50]  }
0x219: {  	v6 =	vld [tilespmem:s18+$0xFFFFFFD0];
	v0 =	vmax.f32 v0, $0.0e+00  }
0x21a: {  	v7 =	vld [tilespmem:s18+$0x30];
	[tilespmem:s18+$0xFFFFFF80] =	vst v0;
	v0 =	vmax.f32 v2, $0.0e+00  }
0x21b: {  	s26 =	simm.s32 $0x5580;
	v9 =	vld [tilespmem:s18+$0x60];
	[tilespmem:s18+$0xFFFFFFC0] =	vst v0;
	v0 =	vshll.u32 v5, $0x10  }
0x21c: {  	s20 =	simm.s32 $0x580;
	v10 =	vld [tilespmem:s26+$0x0];
	v5 =	vand.u32 $0xFFFF0000, v5;
	v0 =	vadd.f32 v0, v3  }
0x21d: {  	v55 =	vld [tilespmem:s20+$0x0];
	v4 =	vadd.f32 v5, v4  }
0x21e: {  	v2 =	vld [tilespmem:s15+$0xFFFFFF90];
	v0 =	vmax.f32 v0, $0.0e+00  }
0x21f: {  	v1 =	vld [tilespmem:s18+$0xFFFFFF90];
	v4 =	vmax.f32 v4, $0.0e+00;
	[tilespmem:s18+$0x10] =	vst v0  }
0x220: {  	v13 =	vld [tilespmem:s20+$0x40];
	[tilespmem:s18+$0x50] =	vst v4  }
0x221: {  	v8 =	vld [tilespmem:s15+$0x20]  }
0x222: {  	v4 =	vld [tilespmem:s18+$0x20]  }
0x223: {  	v14 =	vld [tilespmem:s26+$0xFFFFFF80];
	v11 =	vshll.u32 v2, $0x10;
	v2 =	vand.u32 $0xFFFF0000, v2  }
0x224: {  	v57 =	vld [tilespmem:s20+$0x50];
	v11 =	vadd.f32 v11, v1;
	v2 =	vadd.f32 v2, v6  }
0x225: {  	v58 =	vld [tilespmem:s18+$0x70]  }
0x226: {  	v3 =	vld [tilespmem:s18+$0xFFFFFFA0];
	v11 =	vmax.f32 v11, $0.0e+00;
	v2 =	vmax.f32 v2, $0.0e+00;
	v6 =	vshll.u32 v8, $0x10  }
0x227: {  	v5 =	vld [tilespmem:s18+$0xFFFFFFE0];
	v8 =	vand.u32 $0xFFFF0000, v8;
	[tilespmem:s18+$0xFFFFFF90] =	vst v11;
	v11 =	vshll.u32 v10, $0x10;
	v4 =	vadd.f32 v6, v4  }
0x228: {  	[tilespmem:s18+$0xFFFFFFD0] =	vst v2;
	v2 =	vld [tilespmem:s20+$0xFFFFFFC0];
	v8 =	vadd.f32 v8, v9;
	v9 =	vand.u32 $0xFFFF0000, v10;
	v10 =	vadd.f32 v11, v55  }
0x229: {  	v6 =	vld [tilespmem:s20+$0xFFFFFF80];
	v4 =	vmax.f32 v4, $0.0e+00  }
0x22a: {  	v0 =	vld [tilespmem:s18+$0xFFFFFFB0];
	v9 =	vadd.f32 v9, v13;
	v10 =	vmax.f32 v10, $0.0e+00;
	[tilespmem:s18+$0x20] =	vst v4  }
0x22b: {  	v56 =	vld [tilespmem:s15+$0xFFFFFFA0];
	v4 =	vmax.f32 v8, $0.0e+00;
	[tilespmem:s20+$0x0] =	vst v10  }
0x22c: {  	v1 =	vld [tilespmem:s18+$0xFFFFFFF0];
	v9 =	vmax.f32 v9, $0.0e+00;
	v10 =	vand.u32 $0xFFFF0000, v14;
	[tilespmem:s18+$0x60] =	vst v4  }
0x22d: {  	v4 =	vshll.u32 v14, $0x10;
	[tilespmem:s20+$0x40] =	vst v9;
	v2 =	vadd.f32 v10, v2;
	v10 =	vld [tilespmem:s20+$0x10]  }
0x22e: {  	v4 =	vadd.f32 v4, v6;
	v9 =	vld [tilespmem:s26+$0x10]  }
0x22f: {  	v6 =	vld [tilespmem:s15+$0x30];
	v2 =	vmax.f32 v2, $0.0e+00  }
0x230: {  	v11 =	vld [tilespmem:s20+$0xFFFFFF90];
	v4 =	vmax.f32 v4, $0.0e+00;
	[tilespmem:s20+$0xFFFFFFC0] =	vst v2;
	v2 =	vshll.u32 v56, $0x10  }
0x231: {  	v8 =	vld [tilespmem:s20+$0xFFFFFFD0];
	[tilespmem:s20+$0xFFFFFF80] =	vst v4;
	v2 =	vadd.f32 v2, v3  }
0x232: {  	v4 =	vand.u32 $0xFFFF0000, v56;
	v59 =	vld [tilespmem:s26+$0xFFFFFF90]  }
0x233: {  	v3 =	vld [tilespmem:s20+$0xFFFFFFA0];
	v5 =	vadd.f32 v4, v5;
	v15 =	vshll.u32 v9, $0x10;
	v2 =	vmax.f32 v2, $0.0e+00  }
0x234: {  	v4 =	vld [tilespmem:s20+$0xFFFFFFE0];
	v9 =	vand.u32 $0xFFFF0000, v9;
	v60 =	vand.u32 $0xFFFF0000, v6;
	v10 =	vadd.f32 v15, v10  }
0x235: {  	v61 =	vshll.u32 v6, $0x10;
	v6 =	vld [tilespmem:s20+$0xFFFFFFF0];
	v16 =	vmax.f32 v5, $0.0e+00;
	[tilespmem:s18+$0xFFFFFFA0] =	vst v2;
	v9 =	vadd.f32 v9, v57  }
0x236: {  	v5 =	vld [tilespmem:s20+$0xFFFFFFB0];
	v14 =	vadd.f32 v60, v58;
	[tilespmem:s18+$0xFFFFFFE0] =	vst v16;
	v10 =	vmax.f32 v10, $0.0e+00  }
0x237: {  	v2 =	vld [tilespmem:s20+$0x30];
	v13 =	vadd.f32 v61, v7;
	v9 =	vmax.f32 v9, $0.0e+00;
	v7 =	vshll.u32 v59, $0x10;
	[tilespmem:s20+$0x10] =	vst v10  }
0x238: {  	v10 =	vmax.f32 v14, $0.0e+00;
	v12 =	vand.u32 $0xFFFF0000, v59;
	[tilespmem:s20+$0x50] =	vst v9;
	v11 =	vadd.f32 v7, v11;
	v7 =	vld [tilespmem:s15+$0xFFFFFFB0]  }
0x239: {  	v62 =	vmax.f32 v13, $0.0e+00;
	[tilespmem:s18+$0x70] =	vst v10;
	v10 =	vadd.f32 v12, v8;
	v8 =	vld [tilespmem:s20+$0x20]  }
0x23a: {  	[tilespmem:s18+$0x30] =	vst v62;
	v9 =	vld [tilespmem:s26+$0x20];
	v63 =	vmax.f32 v11, $0.0e+00  }
0x23b: {  	s28 =	simm.s32 $0x2;
	s30 =	simm.s32 $0x5680;
	s15 =	simm.s32 $0x580;
	v11 =	vmax.f32 v10, $0.0e+00;
	v10 =	vld [tilespmem:s20+$0x60];
	[tilespmem:s20+$0xFFFFFF90] =	vst v63  }
.LBB2_11:
0x23c: {  	v12 =	vld [tilespmem:s30+$0x0];
	[tilespmem:s20+$0xFFFFFFD0] =	vst v11;
	s15 =	sadd.s32 $0x100, s15  }
0x23d: {  	v11 =	vld [tilespmem:s15+$0x0];
	v13 =	vshll.u32 v7, $0x10;
	v7 =	vand.u32 $0xFFFF0000, v7  }
0x23e: {  	v14 =	vld [tilespmem:s15+$0x40];
	v13 =	vadd.f32 v13, v0;
	v7 =	vadd.f32 v7, v1;
	v0 =	vmovc v5;
	v1 =	vmov v6  }
0x23f: {  	s28 =	sadd.s32 $0x2, s28;
	v5 =	vld [tilespmem:s30+$0xFFFFFF80];
	v6 =	vshll.u32 v9, $0x10  }
0x240: {  	p1 =	slt.u32 s28, $0x4E;
	v9 =	vand.u32 $0xFFFF0000, v9;
	v15 =	vld [tilespmem:s15+$0xFFFFFF80];
	v6 =	vadd.f32 v6, v8;
	v8 =	vmax.f32 v13, $0.0e+00  }
0x241: {  	v9 =	vadd.f32 v9, v10;
	v7 =	vmax.f32 v7, $0.0e+00;
	v13 =	vld [tilespmem:s15+$0xFFFFFFC0];
	v16 =	vshll.u32 v12, $0x10;
	[tilespmem:s18+$0xFFFFFFB0] =	vst v8  }
0x242: {  	v10 =	vand.u32 $0xFFFF0000, v12;
	v8 =	vld [tilespmem:s15+$0xFFFFFF90];
	v11 =	vadd.f32 v16, v11;
	v6 =	vmax.f32 v6, $0.0e+00;
	[tilespmem:s18+$0xFFFFFFF0] =	vst v7;
	s18 =	smov.u32 s20;
	s20 =	smov.u32 s15  }
0x243: {  	v7 =	vld [tilespmem:s15+$0xFFFFFFD0];
	v10 =	vadd.f32 v10, v14;
	[tilespmem:s18+$0x20] =	vst v6;
	v6 =	vmax.f32 v9, $0.0e+00  }
0x244: {  	v9 =	vshll.u32 v5, $0x10;
	v5 =	vand.u32 $0xFFFF0000, v5;
	v11 =	vmax.f32 v11, $0.0e+00;
	v12 =	vld [tilespmem:s26+$0xFFFFFFA0];
	[tilespmem:s18+$0x60] =	vst v6  }
0x245: {  	v6 =	vadd.f32 v9, v15;
	[tilespmem:s15+$0x0] =	vst v11;
	v9 =	vmax.f32 v10, $0.0e+00;
	v10 =	vld [tilespmem:s26+$0x30]  }
0x246: {  	v5 =	vadd.f32 v5, v13;
	[tilespmem:s15+$0x40] =	vst v9;
	v9 =	vld [tilespmem:s18+$0x70]  }
0x247: {  	v6 =	vmax.f32 v6, $0.0e+00;
	v11 =	vld [tilespmem:s30+$0x10]  }
0x248: {  	[tilespmem:s15+$0xFFFFFF80] =	vst v6;
	v5 =	vmax.f32 v5, $0.0e+00;
	v6 =	vld [tilespmem:s15+$0x10]  }
0x249: {  	[tilespmem:s15+$0xFFFFFFC0] =	vst v5;
	v13 =	vld [tilespmem:s15+$0x50];
	v5 =	vshll.u32 v12, $0x10;
	v12 =	vand.u32 $0xFFFF0000, v12  }
0x24a: {  	v14 =	vld [tilespmem:s30+$0xFFFFFF90];
	v5 =	vadd.f32 v5, v3;
	v12 =	vadd.f32 v12, v4;
	v4 =	vand.u32 $0xFFFF0000, v10  }
0x24b: {  	v10 =	vshll.u32 v10, $0x10;
	v3 =	vld [tilespmem:s15+$0xFFFFFFA0];
	v9 =	vadd.f32 v4, v9  }
0x24c: {  	v4 =	vld [tilespmem:s15+$0xFFFFFFE0];
	v15 =	vshll.u32 v11, $0x10;
	v16 =	vmax.f32 v5, $0.0e+00;
	v12 =	vmax.f32 v12, $0.0e+00  }
0x24d: {  	v11 =	vand.u32 $0xFFFF0000, v11;
	v5 =	vld [tilespmem:s15+$0xFFFFFFB0];
	v15 =	vadd.f32 v15, v6;
	[tilespmem:s18+$0xFFFFFFA0] =	vst v16;
	v9 =	vmax.f32 v9, $0.0e+00  }
0x24e: {  	v10 =	vadd.f32 v10, v2;
	v6 =	vld [tilespmem:s15+$0xFFFFFFF0];
	v11 =	vadd.f32 v11, v13;
	[tilespmem:s18+$0x70] =	vst v9  }
.Ltmp4:
0x24f: {  	v9 =	vshll.u32 v14, $0x10;
	v13 =	vand.u32 $0xFFFF0000, v14;
	v14 =	vmax.f32 v15, $0.0e+00;
	v2 =	vld [tilespmem:s15+$0x30];
	[tilespmem:s18+$0xFFFFFFE0] =	vst v12;
	(pc) =	sbr.rel @p1 .LBB2_11-.Ltmp4, $4  }
0x250: {  	v9 =	vadd.f32 v9, v8;
	v12 =	vadd.f32 v13, v7;
	[tilespmem:s15+$0x10] =	vst v14;
	v8 =	vmax.f32 v11, $0.0e+00;
	v7 =	vld [tilespmem:s26+$0xFFFFFFB0];
	s26 =	smov.u32 s30  }
0x251: {  	v10 =	vmax.f32 v10, $0.0e+00;
	[tilespmem:s15+$0x50] =	vst v8;
	v8 =	vld [tilespmem:s15+$0x20]  }
0x252: {  	v13 =	vmax.f32 v9, $0.0e+00;
	v11 =	vmax.f32 v12, $0.0e+00;
	v9 =	vld [tilespmem:s30+$0x20];
	[tilespmem:s18+$0x30] =	vst v10  }
0x253: {  	s30 =	sadd.s32 $0x100, s30;
	[tilespmem:s15+$0xFFFFFF90] =	vst v13;
	v10 =	vld [tilespmem:s15+$0x60]  }
0x254: {  	[tilespmem:s20+$0xFFFFFFD0] =	vst v11  }
0x255: {  	v11 =	vld [tilespmem:s26+$0xFFFFFFA0];
	_ =	sdelay $0x2  }
0x256: {  	v12 =	vshll.u32 v9, $0x10  }
0x257: {  	v48 =	vand.u32 $0xFFFF0000, v9;
	v8 =	vadd.f32 v12, v8  }
0x258: {  	v9 =	vadd.f32 v48, v10;
	v49 =	vshll.u32 v11, $0x10  }
0x259: {  	v8 =	vmax.f32 v8, $0.0e+00;
	v11 =	vand.u32 $0xFFFF0000, v11;
	v3 =	vadd.f32 v49, v3  }
0x25a: {  	v50 =	vmax.f32 v9, $0.0e+00;
	[tilespmem:s20+$0x20] =	vst v8;
	v4 =	vadd.f32 v11, v4  }
0x25b: {  	[tilespmem:s20+$0x60] =	vst v50;
	v3 =	vmax.f32 v3, $0.0e+00  }
0x25c: {  	v8 =	vld [tilespmem:s26+$0x30];
	v4 =	vmax.f32 v4, $0.0e+00;
	[tilespmem:s20+$0xFFFFFFA0] =	vst v3  }
0x25d: {  	v51 =	vld [tilespmem:s20+$0x70];
	[tilespmem:s20+$0xFFFFFFE0] =	vst v4  }
0x25e: {  	v4 =	vld [tilespmem:s26+$0xFFFFFFB0]  }
0x25f: {  	v52 =	vshll.u32 v7, $0x10  }
0x260: {  	v53 =	vand.u32 $0xFFFF0000, v7;
	v0 =	vadd.f32 v52, v0  }
0x261: {  	v1 =	vadd.f32 v53, v1;
	v54 =	vand.u32 $0xFFFF0000, v8  }
0x262: {  	v0 =	vmax.f32 v0, $0.0e+00;
	v8 =	vshll.u32 v8, $0x10;
	v3 =	vadd.f32 v54, v51  }
0x263: {  	v55 =	vmax.f32 v1, $0.0e+00;
	[tilespmem:s18+$0xFFFFFFB0] =	vst v0;
	v56 =	vadd.f32 v8, v2;
	v57 =	vshll.u32 v4, $0x10  }
0x264: {  	[tilespmem:s18+$0xFFFFFFF0] =	vst v55;
	v58 =	vmax.f32 v3, $0.0e+00;
	v59 =	vand.u32 $0xFFFF0000, v4;
	v2 =	vadd.f32 v57, v5  }
0x265: {  	v60 =	vmax.f32 v56, $0.0e+00;
	[tilespmem:s20+$0x70] =	vst v58;
	v61 =	vadd.f32 v59, v6  }
0x266: {  	[tilespmem:s20+$0x30] =	vst v60;
	v62 =	vmax.f32 v2, $0.0e+00  }
0x267: {  	s29 =	sadd.s32 $0x1, s29;
	v63 =	vmax.f32 v61, $0.0e+00;
	[tilespmem:s20+$0xFFFFFFB0] =	vst v62  }
0x268: {  	s15 =	simm.s32 $0x80;
	p1 =	sne.s32 s29, $0x1E;
	[tilespmem:s20+$0xFFFFFFF0] =	vst v63  }
0x269: {  	[spmem:s2] =	stream.indirect.scatter.add.f32 [tilespmem:s10], [sflag:$0x9], $0x80, s15, s4, $0xb8;
	[tilespmem:$0x1DC80] =	vst v63  }
.Ltmp5:
0x26a: {  	s30 =	rddreg [dreg:$0x16];
	(pc) =	sbr.rel @p1 .LBB2_4-.Ltmp5, $4  }
0x26b: {  	s15 =	sadd.s32 s19, s30  }
0x26c: {  	s15 =	sshrl.u32 s15, $0x3  }
0x26d: {  	s15 =	sadd.s32 s5, s15  }
0x26e: {  	[tilespmem:s21], [sflag:$0x4] =	stream.linear.gather [hbm4b:s15+s3], $0x100, $0x38;
	[tilespmem:$0x1DC80] =	vst v63  }
0x26f: {  	_ =	swait.ge [sflag:s22], $0x100  }
0x270: {  	[sflag:s22] =	ssyncset.done $0x0  }
0x271: {  	[sflag:s22] =	ssyncadd.s32 $0xFFFFFF00  }
0x272: {  	_ =	swait.ge [sflag:s23], $0x2800  }
0x273: {  	[sflag:s23] =	ssyncset.done $0x0  }
0x274: {  	s15 =	simm.s32 $0x200;
	[sflag:s23] =	ssyncadd.s32 $0xFFFFD800  }
0x275: {  	[tilespmem:s10], [sflag:$0x5] =	stream.indirect.gather [hbm4b:s1+s4], $0x80, s15, s4, $0xb8;
	[tilespmem:$0x1DC80] =	vst v63  }
0x276: {  	s29 =	rddreg [dreg:$0xf]  }
0x277: {  	[tilespmem:s11], [sflag:$0x7] =	stream.linear.gather [hbm4b:s29+s3], $0x2800, $0x38;
	[tilespmem:$0x1DC80] =	vst v63  }
0x278: {  	_ =	swait.ge [sflag:s24], $0x2800  }
0x279: {  	[sflag:s24] =	ssyncset.done $0x0  }
0x27a: {  	[sflag:s24] =	ssyncadd.s32 $0xFFFFD800  }
0x27b: {  	_ =	swait.ge [sflag:s25], $0x2800  }
0x27c: {  	[sflag:s25] =	ssyncset.done $0x0  }
0x27d: {  	s30 =	simm.s32 $0x7CB0;
	[sflag:s25] =	ssyncadd.s32 $0xFFFFD800  }
0x27e: {  	s18 =	simm.s32 $0x2CF0;
	v0 =	vld [tilespmem:s30+$0xFFFFFFD0]  }
0x27f: {  	v1 =	vld [tilespmem:s18+$0xFFFFFF90]  }
0x280: {  	v2 =	vld [tilespmem:s18+$0xFFFFFFD0];
	_ =	sdelay $0x2  }
0x281: {  	v3 =	vshll.u32 v0, $0x10  }
0x282: {  	v4 =	vld [tilespmem:s30+$0xFFFFFF50];
	v0 =	vand.u32 $0xFFFF0000, v0;
	v1 =	vadd.f32 v3, v1  }
0x283: {  	v3 =	vld [tilespmem:s18+$0xFFFFFF10];
	v0 =	vadd.f32 v0, v2  }
0x284: {  	v2 =	vld [tilespmem:s18+$0xFFFFFF50];
	v1 =	vmax.f32 v1, $0.0e+00  }
0x285: {  	v0 =	vmax.f32 v0, $0.0e+00;
	[tilespmem:s18+$0xFFFFFF90] =	vst v1  }
0x286: {  	[tilespmem:s18+$0xFFFFFFD0] =	vst v0  }
0x287: {  	v0 =	vshll.u32 v4, $0x10;
	v5 =	vld [tilespmem:s30+$0xFFFFFFE0]  }
0x288: {  	v4 =	vand.u32 $0xFFFF0000, v4;
	v0 =	vadd.f32 v0, v3;
	v3 =	vld [tilespmem:s18+$0xFFFFFFA0]  }
0x289: {  	v2 =	vadd.f32 v4, v2;
	v4 =	vld [tilespmem:s18+$0xFFFFFFE0]  }
0x28a: {  	v6 =	vld [tilespmem:s18+$0xFFFFFF60];
	v0 =	vmax.f32 v0, $0.0e+00  }
0x28b: {  	v7 =	vld [tilespmem:s18+$0xFFFFFFC0];
	[tilespmem:s18+$0xFFFFFF10] =	vst v0;
	v0 =	vmax.f32 v2, $0.0e+00  }
0x28c: {  	s20 =	simm.s32 $0x7DB0;
	v9 =	vld [tilespmem:s18+$0xFFFFFFF0];
	[tilespmem:s18+$0xFFFFFF50] =	vst v0;
	v0 =	vshll.u32 v5, $0x10  }
0x28d: {  	s19 =	simm.s32 $0x2DF0;
	v10 =	vld [tilespmem:s20+$0xFFFFFFD0];
	v5 =	vand.u32 $0xFFFF0000, v5;
	v0 =	vadd.f32 v0, v3  }
0x28e: {  	v12 =	vld [tilespmem:s19+$0xFFFFFF90];
	v4 =	vadd.f32 v5, v4  }
0x28f: {  	v2 =	vld [tilespmem:s30+$0xFFFFFF60];
	v0 =	vmax.f32 v0, $0.0e+00  }
0x290: {  	v1 =	vld [tilespmem:s18+$0xFFFFFF20];
	v4 =	vmax.f32 v4, $0.0e+00;
	[tilespmem:s18+$0xFFFFFFA0] =	vst v0  }
0x291: {  	v13 =	vld [tilespmem:s19+$0xFFFFFFD0];
	[tilespmem:s18+$0xFFFFFFE0] =	vst v4  }
0x292: {  	v8 =	vld [tilespmem:s30+$0xFFFFFFF0]  }
0x293: {  	v4 =	vld [tilespmem:s18+$0xFFFFFFB0]  }
0x294: {  	v14 =	vld [tilespmem:s20+$0xFFFFFF50];
	v11 =	vshll.u32 v2, $0x10;
	v2 =	vand.u32 $0xFFFF0000, v2  }
0x295: {  	v57 =	vld [tilespmem:s19+$0xFFFFFFE0];
	v11 =	vadd.f32 v11, v1;
	v2 =	vadd.f32 v2, v6  }
0x296: {  	v58 =	vld [tilespmem:s18+$0x0]  }
0x297: {  	v3 =	vld [tilespmem:s18+$0xFFFFFF30];
	v11 =	vmax.f32 v11, $0.0e+00;
	v2 =	vmax.f32 v2, $0.0e+00;
	v6 =	vshll.u32 v8, $0x10  }
0x298: {  	v5 =	vld [tilespmem:s18+$0xFFFFFF70];
	v8 =	vand.u32 $0xFFFF0000, v8;
	[tilespmem:s18+$0xFFFFFF20] =	vst v11;
	v11 =	vshll.u32 v10, $0x10;
	v4 =	vadd.f32 v6, v4  }
0x299: {  	[tilespmem:s18+$0xFFFFFF60] =	vst v2;
	v2 =	vld [tilespmem:s19+$0xFFFFFF50];
	v8 =	vadd.f32 v8, v9;
	v9 =	vand.u32 $0xFFFF0000, v10;
	v10 =	vadd.f32 v11, v12  }
0x29a: {  	v6 =	vld [tilespmem:s19+$0xFFFFFF10];
	v4 =	vmax.f32 v4, $0.0e+00  }
0x29b: {  	v0 =	vld [tilespmem:s18+$0xFFFFFF40];
	v9 =	vadd.f32 v9, v13;
	v10 =	vmax.f32 v10, $0.0e+00;
	[tilespmem:s18+$0xFFFFFFB0] =	vst v4  }
0x29c: {  	v56 =	vld [tilespmem:s30+$0xFFFFFF70];
	v4 =	vmax.f32 v8, $0.0e+00;
	[tilespmem:s19+$0xFFFFFF90] =	vst v10  }
0x29d: {  	v1 =	vld [tilespmem:s18+$0xFFFFFF80];
	v9 =	vmax.f32 v9, $0.0e+00;
	v10 =	vand.u32 $0xFFFF0000, v14;
	[tilespmem:s18+$0xFFFFFFF0] =	vst v4  }
0x29e: {  	v4 =	vshll.u32 v14, $0x10;
	[tilespmem:s19+$0xFFFFFFD0] =	vst v9;
	v2 =	vadd.f32 v10, v2;
	v10 =	vld [tilespmem:s19+$0xFFFFFFA0]  }
0x29f: {  	v4 =	vadd.f32 v4, v6;
	v9 =	vld [tilespmem:s20+$0xFFFFFFE0]  }
0x2a0: {  	v6 =	vld [tilespmem:s30+$0x0];
	v2 =	vmax.f32 v2, $0.0e+00  }
0x2a1: {  	v11 =	vld [tilespmem:s19+$0xFFFFFF20];
	v4 =	vmax.f32 v4, $0.0e+00;
	[tilespmem:s19+$0xFFFFFF50] =	vst v2;
	v2 =	vshll.u32 v56, $0x10  }
0x2a2: {  	v8 =	vld [tilespmem:s19+$0xFFFFFF60];
	[tilespmem:s19+$0xFFFFFF10] =	vst v4;
	v2 =	vadd.f32 v2, v3  }
0x2a3: {  	v4 =	vand.u32 $0xFFFF0000, v56;
	v59 =	vld [tilespmem:s20+$0xFFFFFF60]  }
0x2a4: {  	v3 =	vld [tilespmem:s19+$0xFFFFFF30];
	v5 =	vadd.f32 v4, v5;
	v15 =	vshll.u32 v9, $0x10;
	v2 =	vmax.f32 v2, $0.0e+00  }
0x2a5: {  	v4 =	vld [tilespmem:s19+$0xFFFFFF70];
	v9 =	vand.u32 $0xFFFF0000, v9;
	v60 =	vand.u32 $0xFFFF0000, v6;
	v10 =	vadd.f32 v15, v10  }
0x2a6: {  	v61 =	vshll.u32 v6, $0x10;
	v6 =	vld [tilespmem:s19+$0xFFFFFF80];
	v16 =	vmax.f32 v5, $0.0e+00;
	[tilespmem:s18+$0xFFFFFF30] =	vst v2;
	v9 =	vadd.f32 v9, v57  }
0x2a7: {  	v5 =	vld [tilespmem:s19+$0xFFFFFF40];
	v14 =	vadd.f32 v60, v58;
	[tilespmem:s18+$0xFFFFFF70] =	vst v16;
	v10 =	vmax.f32 v10, $0.0e+00  }
0x2a8: {  	v2 =	vld [tilespmem:s19+$0xFFFFFFC0];
	v13 =	vadd.f32 v61, v7;
	v9 =	vmax.f32 v9, $0.0e+00;
	v7 =	vshll.u32 v59, $0x10;
	[tilespmem:s19+$0xFFFFFFA0] =	vst v10  }
0x2a9: {  	v10 =	vmax.f32 v14, $0.0e+00;
	v12 =	vand.u32 $0xFFFF0000, v59;
	[tilespmem:s19+$0xFFFFFFE0] =	vst v9;
	v11 =	vadd.f32 v7, v11;
	v7 =	vld [tilespmem:s30+$0xFFFFFF80]  }
0x2aa: {  	v62 =	vmax.f32 v13, $0.0e+00;
	[tilespmem:s18+$0x0] =	vst v10;
	v10 =	vadd.f32 v12, v8;
	v8 =	vld [tilespmem:s19+$0xFFFFFFB0]  }
0x2ab: {  	[tilespmem:s18+$0xFFFFFFC0] =	vst v62;
	v9 =	vld [tilespmem:s20+$0xFFFFFFF0];
	v63 =	vmax.f32 v11, $0.0e+00  }
0x2ac: {  	s26 =	simm.s32 $0x2;
	s28 =	simm.s32 $0x7EB0;
	s15 =	simm.s32 $0x2DF0;
	v11 =	vmax.f32 v10, $0.0e+00;
	v10 =	vld [tilespmem:s19+$0xFFFFFFF0];
	[tilespmem:s19+$0xFFFFFF20] =	vst v63  }
.LBB2_14:
0x2ad: {  	v12 =	vld [tilespmem:s28+$0xFFFFFFD0];
	[tilespmem:s19+$0xFFFFFF60] =	vst v11;
	s15 =	sadd.s32 $0x100, s15  }
0x2ae: {  	v11 =	vld [tilespmem:s15+$0xFFFFFF90];
	v13 =	vshll.u32 v7, $0x10;
	v7 =	vand.u32 $0xFFFF0000, v7  }
0x2af: {  	v14 =	vld [tilespmem:s15+$0xFFFFFFD0];
	v13 =	vadd.f32 v13, v0;
	v7 =	vadd.f32 v7, v1;
	v0 =	vmovc v5;
	v1 =	vmov v6  }
0x2b0: {  	s26 =	sadd.s32 $0x2, s26;
	v5 =	vld [tilespmem:s28+$0xFFFFFF50];
	v6 =	vshll.u32 v9, $0x10  }
0x2b1: {  	p1 =	slt.u32 s26, $0x4E;
	v9 =	vand.u32 $0xFFFF0000, v9;
	v15 =	vld [tilespmem:s15+$0xFFFFFF10];
	v6 =	vadd.f32 v6, v8;
	v8 =	vmax.f32 v13, $0.0e+00  }
0x2b2: {  	v9 =	vadd.f32 v9, v10;
	v7 =	vmax.f32 v7, $0.0e+00;
	v13 =	vld [tilespmem:s15+$0xFFFFFF50];
	v16 =	vshll.u32 v12, $0x10;
	[tilespmem:s18+$0xFFFFFF40] =	vst v8  }
0x2b3: {  	v10 =	vand.u32 $0xFFFF0000, v12;
	v8 =	vld [tilespmem:s15+$0xFFFFFF20];
	v11 =	vadd.f32 v16, v11;
	v6 =	vmax.f32 v6, $0.0e+00;
	[tilespmem:s18+$0xFFFFFF80] =	vst v7;
	s18 =	smov.u32 s19;
	s19 =	smov.u32 s15  }
0x2b4: {  	v7 =	vld [tilespmem:s15+$0xFFFFFF60];
	v10 =	vadd.f32 v10, v14;
	[tilespmem:s18+$0xFFFFFFB0] =	vst v6;
	v6 =	vmax.f32 v9, $0.0e+00  }
0x2b5: {  	v9 =	vshll.u32 v5, $0x10;
	v5 =	vand.u32 $0xFFFF0000, v5;
	v11 =	vmax.f32 v11, $0.0e+00;
	v12 =	vld [tilespmem:s20+$0xFFFFFF70];
	[tilespmem:s18+$0xFFFFFFF0] =	vst v6  }
0x2b6: {  	v6 =	vadd.f32 v9, v15;
	[tilespmem:s15+$0xFFFFFF90] =	vst v11;
	v9 =	vmax.f32 v10, $0.0e+00;
	v10 =	vld [tilespmem:s20+$0x0]  }
0x2b7: {  	v5 =	vadd.f32 v5, v13;
	[tilespmem:s15+$0xFFFFFFD0] =	vst v9;
	v9 =	vld [tilespmem:s18+$0x0]  }
0x2b8: {  	v6 =	vmax.f32 v6, $0.0e+00;
	v11 =	vld [tilespmem:s28+$0xFFFFFFE0]  }
0x2b9: {  	[tilespmem:s15+$0xFFFFFF10] =	vst v6;
	v5 =	vmax.f32 v5, $0.0e+00;
	v6 =	vld [tilespmem:s15+$0xFFFFFFA0]  }
0x2ba: {  	[tilespmem:s15+$0xFFFFFF50] =	vst v5;
	v13 =	vld [tilespmem:s15+$0xFFFFFFE0];
	v5 =	vshll.u32 v12, $0x10;
	v12 =	vand.u32 $0xFFFF0000, v12  }
0x2bb: {  	v14 =	vld [tilespmem:s28+$0xFFFFFF60];
	v5 =	vadd.f32 v5, v3;
	v12 =	vadd.f32 v12, v4;
	v4 =	vand.u32 $0xFFFF0000, v10  }
0x2bc: {  	v10 =	vshll.u32 v10, $0x10;
	v3 =	vld [tilespmem:s15+$0xFFFFFF30];
	v9 =	vadd.f32 v4, v9  }
0x2bd: {  	v4 =	vld [tilespmem:s15+$0xFFFFFF70];
	v15 =	vshll.u32 v11, $0x10;
	v16 =	vmax.f32 v5, $0.0e+00;
	v12 =	vmax.f32 v12, $0.0e+00  }
0x2be: {  	v11 =	vand.u32 $0xFFFF0000, v11;
	v5 =	vld [tilespmem:s15+$0xFFFFFF40];
	v15 =	vadd.f32 v15, v6;
	[tilespmem:s18+$0xFFFFFF30] =	vst v16;
	v9 =	vmax.f32 v9, $0.0e+00  }
0x2bf: {  	v10 =	vadd.f32 v10, v2;
	v6 =	vld [tilespmem:s15+$0xFFFFFF80];
	v11 =	vadd.f32 v11, v13;
	[tilespmem:s18+$0x0] =	vst v9  }
.Ltmp6:
0x2c0: {  	v9 =	vshll.u32 v14, $0x10;
	v13 =	vand.u32 $0xFFFF0000, v14;
	v14 =	vmax.f32 v15, $0.0e+00;
	v2 =	vld [tilespmem:s15+$0xFFFFFFC0];
	[tilespmem:s18+$0xFFFFFF70] =	vst v12;
	(pc) =	sbr.rel @p1 .LBB2_14-.Ltmp6, $4  }
0x2c1: {  	v9 =	vadd.f32 v9, v8;
	v12 =	vadd.f32 v13, v7;
	[tilespmem:s15+$0xFFFFFFA0] =	vst v14;
	v8 =	vmax.f32 v11, $0.0e+00;
	v7 =	vld [tilespmem:s20+$0xFFFFFF80];
	s20 =	smov.u32 s28  }
0x2c2: {  	v10 =	vmax.f32 v10, $0.0e+00;
	[tilespmem:s15+$0xFFFFFFE0] =	vst v8;
	v8 =	vld [tilespmem:s15+$0xFFFFFFB0]  }
0x2c3: {  	v13 =	vmax.f32 v9, $0.0e+00;
	v11 =	vmax.f32 v12, $0.0e+00;
	v9 =	vld [tilespmem:s28+$0xFFFFFFF0];
	[tilespmem:s18+$0xFFFFFFC0] =	vst v10  }
0x2c4: {  	s28 =	sadd.s32 $0x100, s28;
	[tilespmem:s15+$0xFFFFFF20] =	vst v13;
	v10 =	vld [tilespmem:s15+$0xFFFFFFF0]  }
0x2c5: {  	[tilespmem:s19+$0xFFFFFF60] =	vst v11  }
0x2c6: {  	v11 =	vld [tilespmem:s20+$0xFFFFFF70];
	_ =	sdelay $0x2  }
0x2c7: {  	v12 =	vshll.u32 v9, $0x10  }
0x2c8: {  	v9 =	vand.u32 $0xFFFF0000, v9;
	v8 =	vadd.f32 v12, v8  }
0x2c9: {  	v9 =	vadd.f32 v9, v10;
	v10 =	vshll.u32 v11, $0x10  }
0x2ca: {  	v8 =	vmax.f32 v8, $0.0e+00;
	v11 =	vand.u32 $0xFFFF0000, v11;
	v3 =	vadd.f32 v10, v3  }
0x2cb: {  	[tilespmem:s19+$0xFFFFFFB0] =	vst v8;
	v8 =	vmax.f32 v9, $0.0e+00;
	v4 =	vadd.f32 v11, v4  }
0x2cc: {  	[tilespmem:s19+$0xFFFFFFF0] =	vst v8;
	v3 =	vmax.f32 v3, $0.0e+00  }
0x2cd: {  	v8 =	vld [tilespmem:s20+$0x0];
	v4 =	vmax.f32 v4, $0.0e+00;
	[tilespmem:s19+$0xFFFFFF30] =	vst v3  }
0x2ce: {  	v3 =	vld [tilespmem:s19+$0x0];
	[tilespmem:s19+$0xFFFFFF70] =	vst v4  }
0x2cf: {  	v4 =	vld [tilespmem:s20+$0xFFFFFF80]  }
0x2d0: {  	v9 =	vshll.u32 v7, $0x10  }
0x2d1: {  	v7 =	vand.u32 $0xFFFF0000, v7;
	v0 =	vadd.f32 v9, v0  }
0x2d2: {  	v1 =	vadd.f32 v7, v1;
	v7 =	vand.u32 $0xFFFF0000, v8  }
0x2d3: {  	v0 =	vmax.f32 v0, $0.0e+00;
	v8 =	vshll.u32 v8, $0x10;
	v3 =	vadd.f32 v7, v3  }
0x2d4: {  	[tilespmem:s18+$0xFFFFFF40] =	vst v0;
	v0 =	vmax.f32 v1, $0.0e+00;
	v1 =	vadd.f32 v8, v2;
	v2 =	vshll.u32 v4, $0x10  }
0x2d5: {  	[tilespmem:s18+$0xFFFFFF80] =	vst v0;
	v0 =	vmax.f32 v3, $0.0e+00;
	v3 =	vand.u32 $0xFFFF0000, v4;
	v2 =	vadd.f32 v2, v5  }
0x2d6: {  	[tilespmem:s19+$0x0] =	vst v0;
	v0 =	vmax.f32 v1, $0.0e+00;
	v1 =	vadd.f32 v3, v6  }
0x2d7: {  	[tilespmem:s19+$0xFFFFFFC0] =	vst v0;
	v0 =	vmax.f32 v2, $0.0e+00  }
0x2d8: {  	[tilespmem:s19+$0xFFFFFF40] =	vst v0;
	v0 =	vmax.f32 v1, $0.0e+00  }
0x2d9: {  	s15 =	simm.s32 $0x180;
	[tilespmem:s19+$0xFFFFFF80] =	vst v0  }
0x2da: {  	[spmem:s2] =	stream.indirect.scatter.add.f32 [tilespmem:s14], [sflag:$0xA], $0x80, s15, s4, $0xb8;
	[tilespmem:$0x1DC80] =	vst v63  }
0x2db: {  	s20 =	rddreg [dreg:$0x17]  }
0x2dc: {  	[tilespmem:s3], [sflag:$0x1] =	stream.linear.gather [hbm4b:s20+s3], $0x100, $0x38;
	[tilespmem:$0x1DC80] =	vst v63  }
0x2dd: {  	_ =	swait.ge [sflag:s12], $0x100  }
0x2de: {  	[sflag:s12] =	ssyncset.done $0x0  }
0x2df: {  	[sflag:s12] =	ssyncadd.s32 $0xFFFFFF00  }
0x2e0: {  	_ =	swait.ge [sflag:s7], $0x2800  }
0x2e1: {  	[sflag:s7] =	ssyncset.done $0x0  }
0x2e2: {  	[sflag:s7] =	ssyncadd.s32 $0xFFFFD800  }
0x2e3: {  	[tilespmem:s14], [sflag:$0x6] =	stream.indirect.gather [hbm4b:s1+s4], $0x80, s21, s4, $0xb8;
	[tilespmem:$0x1DC80] =	vst v63  }
0x2e4: {  	s29 =	simm.s32 $0x7C00;
	s26 =	rddreg [dreg:$0x11]  }
0x2e5: {  	[tilespmem:s29], [sflag:$0x8] =	stream.linear.gather [hbm4b:s26+s3], $0x2800, $0x38;
	[tilespmem:$0x1DC80] =	vst v63  }
0x2e6: {  	_ =	swait.ge [sflag:s16], $0x2800  }
0x2e7: {  	[sflag:s16] =	ssyncset.done $0x0  }
0x2e8: {  	[sflag:s16] =	ssyncadd.s32 $0xFFFFD800  }
0x2e9: {  	_ =	swait.ge [sflag:s17], $0x2800  }
0x2ea: {  	[sflag:s17] =	ssyncset.done $0x0  }
0x2eb: {  	s30 =	simm.s32 $0x5480;
	[sflag:s17] =	ssyncadd.s32 $0xFFFFD800  }
0x2ec: {  	s18 =	simm.s32 $0x480;
	v0 =	vld [tilespmem:s30+$0x0]  }
0x2ed: {  	v1 =	vld [tilespmem:s18+$0x0]  }
0x2ee: {  	v2 =	vld [tilespmem:s18+$0x40];
	_ =	sdelay $0x2  }
0x2ef: {  	v3 =	vshll.u32 v0, $0x10  }
0x2f0: {  	v4 =	vld [tilespmem:s30+$0xFFFFFF80];
	v0 =	vand.u32 $0xFFFF0000, v0;
	v1 =	vadd.f32 v3, v1  }
0x2f1: {  	v3 =	vld [tilespmem:s18+$0xFFFFFF80];
	v0 =	vadd.f32 v0, v2  }
0x2f2: {  	v2 =	vld [tilespmem:s18+$0xFFFFFFC0];
	v1 =	vmax.f32 v1, $0.0e+00  }
0x2f3: {  	v0 =	vmax.f32 v0, $0.0e+00;
	[tilespmem:s18+$0x0] =	vst v1  }
0x2f4: {  	[tilespmem:s18+$0x40] =	vst v0  }
0x2f5: {  	v0 =	vshll.u32 v4, $0x10;
	v5 =	vld [tilespmem:s30+$0x10]  }
0x2f6: {  	v4 =	vand.u32 $0xFFFF0000, v4;
	v0 =	vadd.f32 v0, v3;
	v3 =	vld [tilespmem:s18+$0x10]  }
0x2f7: {  	v2 =	vadd.f32 v4, v2;
	v4 =	vld [tilespmem:s18+$0x50]  }
0x2f8: {  	v6 =	vld [tilespmem:s18+$0xFFFFFFD0];
	v0 =	vmax.f32 v0, $0.0e+00  }
0x2f9: {  	v7 =	vld [tilespmem:s18+$0x30];
	[tilespmem:s18+$0xFFFFFF80] =	vst v0;
	v0 =	vmax.f32 v2, $0.0e+00  }
0x2fa: {  	s20 =	simm.s32 $0x5580;
	v9 =	vld [tilespmem:s18+$0x60];
	[tilespmem:s18+$0xFFFFFFC0] =	vst v0;
	v0 =	vshll.u32 v5, $0x10  }
0x2fb: {  	s19 =	simm.s32 $0x580;
	v10 =	vld [tilespmem:s20+$0x0];
	v5 =	vand.u32 $0xFFFF0000, v5;
	v0 =	vadd.f32 v0, v3  }
0x2fc: {  	v55 =	vld [tilespmem:s19+$0x0];
	v4 =	vadd.f32 v5, v4  }
0x2fd: {  	v2 =	vld [tilespmem:s30+$0xFFFFFF90];
	v0 =	vmax.f32 v0, $0.0e+00  }
0x2fe: {  	v1 =	vld [tilespmem:s18+$0xFFFFFF90];
	v4 =	vmax.f32 v4, $0.0e+00;
	[tilespmem:s18+$0x10] =	vst v0  }
0x2ff: {  	v13 =	vld [tilespmem:s19+$0x40];
	[tilespmem:s18+$0x50] =	vst v4  }
0x300: {  	v8 =	vld [tilespmem:s30+$0x20]  }
0x301: {  	v4 =	vld [tilespmem:s18+$0x20]  }
0x302: {  	v14 =	vld [tilespmem:s20+$0xFFFFFF80];
	v11 =	vshll.u32 v2, $0x10;
	v2 =	vand.u32 $0xFFFF0000, v2  }
0x303: {  	v57 =	vld [tilespmem:s19+$0x50];
	v11 =	vadd.f32 v11, v1;
	v2 =	vadd.f32 v2, v6  }
0x304: {  	v58 =	vld [tilespmem:s18+$0x70]  }
0x305: {  	v3 =	vld [tilespmem:s18+$0xFFFFFFA0];
	v11 =	vmax.f32 v11, $0.0e+00;
	v2 =	vmax.f32 v2, $0.0e+00;
	v6 =	vshll.u32 v8, $0x10  }
0x306: {  	v5 =	vld [tilespmem:s18+$0xFFFFFFE0];
	v8 =	vand.u32 $0xFFFF0000, v8;
	[tilespmem:s18+$0xFFFFFF90] =	vst v11;
	v11 =	vshll.u32 v10, $0x10;
	v4 =	vadd.f32 v6, v4  }
0x307: {  	[tilespmem:s18+$0xFFFFFFD0] =	vst v2;
	v2 =	vld [tilespmem:s19+$0xFFFFFFC0];
	v8 =	vadd.f32 v8, v9;
	v9 =	vand.u32 $0xFFFF0000, v10;
	v10 =	vadd.f32 v11, v55  }
0x308: {  	v6 =	vld [tilespmem:s19+$0xFFFFFF80];
	v4 =	vmax.f32 v4, $0.0e+00  }
0x309: {  	v0 =	vld [tilespmem:s18+$0xFFFFFFB0];
	v9 =	vadd.f32 v9, v13;
	v10 =	vmax.f32 v10, $0.0e+00;
	[tilespmem:s18+$0x20] =	vst v4  }
0x30a: {  	v56 =	vld [tilespmem:s30+$0xFFFFFFA0];
	v4 =	vmax.f32 v8, $0.0e+00;
	[tilespmem:s19+$0x0] =	vst v10  }
0x30b: {  	v1 =	vld [tilespmem:s18+$0xFFFFFFF0];
	v9 =	vmax.f32 v9, $0.0e+00;
	v10 =	vand.u32 $0xFFFF0000, v14;
	[tilespmem:s18+$0x60] =	vst v4  }
0x30c: {  	v4 =	vshll.u32 v14, $0x10;
	[tilespmem:s19+$0x40] =	vst v9;
	v2 =	vadd.f32 v10, v2;
	v10 =	vld [tilespmem:s19+$0x10]  }
0x30d: {  	v4 =	vadd.f32 v4, v6;
	v9 =	vld [tilespmem:s20+$0x10]  }
0x30e: {  	v6 =	vld [tilespmem:s30+$0x30];
	v2 =	vmax.f32 v2, $0.0e+00  }
0x30f: {  	v11 =	vld [tilespmem:s19+$0xFFFFFF90];
	v4 =	vmax.f32 v4, $0.0e+00;
	[tilespmem:s19+$0xFFFFFFC0] =	vst v2;
	v2 =	vshll.u32 v56, $0x10  }
0x310: {  	v8 =	vld [tilespmem:s19+$0xFFFFFFD0];
	[tilespmem:s19+$0xFFFFFF80] =	vst v4;
	v2 =	vadd.f32 v2, v3  }
0x311: {  	v4 =	vand.u32 $0xFFFF0000, v56;
	v59 =	vld [tilespmem:s20+$0xFFFFFF90]  }
0x312: {  	v3 =	vld [tilespmem:s19+$0xFFFFFFA0];
	v5 =	vadd.f32 v4, v5;
	v15 =	vshll.u32 v9, $0x10;
	v2 =	vmax.f32 v2, $0.0e+00  }
0x313: {  	v4 =	vld [tilespmem:s19+$0xFFFFFFE0];
	v9 =	vand.u32 $0xFFFF0000, v9;
	v60 =	vand.u32 $0xFFFF0000, v6;
	v10 =	vadd.f32 v15, v10  }
0x314: {  	v61 =	vshll.u32 v6, $0x10;
	v6 =	vld [tilespmem:s19+$0xFFFFFFF0];
	v16 =	vmax.f32 v5, $0.0e+00;
	[tilespmem:s18+$0xFFFFFFA0] =	vst v2;
	v9 =	vadd.f32 v9, v57  }
0x315: {  	v5 =	vld [tilespmem:s19+$0xFFFFFFB0];
	v14 =	vadd.f32 v60, v58;
	[tilespmem:s18+$0xFFFFFFE0] =	vst v16;
	v10 =	vmax.f32 v10, $0.0e+00  }
0x316: {  	v2 =	vld [tilespmem:s19+$0x30];
	v13 =	vadd.f32 v61, v7;
	v9 =	vmax.f32 v9, $0.0e+00;
	v7 =	vshll.u32 v59, $0x10;
	[tilespmem:s19+$0x10] =	vst v10  }
0x317: {  	v10 =	vmax.f32 v14, $0.0e+00;
	v12 =	vand.u32 $0xFFFF0000, v59;
	[tilespmem:s19+$0x50] =	vst v9;
	v11 =	vadd.f32 v7, v11;
	v7 =	vld [tilespmem:s30+$0xFFFFFFB0]  }
0x318: {  	v62 =	vmax.f32 v13, $0.0e+00;
	[tilespmem:s18+$0x70] =	vst v10;
	v10 =	vadd.f32 v12, v8;
	v8 =	vld [tilespmem:s19+$0x20]  }
0x319: {  	[tilespmem:s18+$0x30] =	vst v62;
	v9 =	vld [tilespmem:s20+$0x20];
	v63 =	vmax.f32 v11, $0.0e+00  }
0x31a: {  	s28 =	simm.s32 $0x5680;
	s15 =	simm.s32 $0x580;
	s26 =	simm.s32 $0x2;
	v11 =	vmax.f32 v10, $0.0e+00;
	v10 =	vld [tilespmem:s19+$0x60];
	[tilespmem:s19+$0xFFFFFF90] =	vst v63  }
.LBB2_16:
0x31b: {  	v12 =	vld [tilespmem:s28+$0x0];
	[tilespmem:s19+$0xFFFFFFD0] =	vst v11;
	s15 =	sadd.s32 $0x100, s15  }
0x31c: {  	v11 =	vld [tilespmem:s15+$0x0];
	v13 =	vshll.u32 v7, $0x10;
	v7 =	vand.u32 $0xFFFF0000, v7  }
0x31d: {  	v14 =	vld [tilespmem:s15+$0x40];
	v13 =	vadd.f32 v13, v0;
	v7 =	vadd.f32 v7, v1;
	v0 =	vmovc v5;
	v1 =	vmov v6  }
0x31e: {  	s26 =	sadd.s32 $0x2, s26;
	v5 =	vld [tilespmem:s28+$0xFFFFFF80];
	v6 =	vshll.u32 v9, $0x10  }
0x31f: {  	p1 =	slt.u32 s26, $0x4E;
	v9 =	vand.u32 $0xFFFF0000, v9;
	v15 =	vld [tilespmem:s15+$0xFFFFFF80];
	v6 =	vadd.f32 v6, v8;
	v8 =	vmax.f32 v13, $0.0e+00  }
0x320: {  	v9 =	vadd.f32 v9, v10;
	v7 =	vmax.f32 v7, $0.0e+00;
	v13 =	vld [tilespmem:s15+$0xFFFFFFC0];
	v16 =	vshll.u32 v12, $0x10;
	[tilespmem:s18+$0xFFFFFFB0] =	vst v8  }
0x321: {  	v10 =	vand.u32 $0xFFFF0000, v12;
	v8 =	vld [tilespmem:s15+$0xFFFFFF90];
	v11 =	vadd.f32 v16, v11;
	v6 =	vmax.f32 v6, $0.0e+00;
	[tilespmem:s18+$0xFFFFFFF0] =	vst v7;
	s18 =	smov.u32 s19;
	s19 =	smov.u32 s15  }
0x322: {  	v7 =	vld [tilespmem:s15+$0xFFFFFFD0];
	v10 =	vadd.f32 v10, v14;
	[tilespmem:s18+$0x20] =	vst v6;
	v6 =	vmax.f32 v9, $0.0e+00  }
0x323: {  	v9 =	vshll.u32 v5, $0x10;
	v5 =	vand.u32 $0xFFFF0000, v5;
	v11 =	vmax.f32 v11, $0.0e+00;
	v12 =	vld [tilespmem:s20+$0xFFFFFFA0];
	[tilespmem:s18+$0x60] =	vst v6  }
0x324: {  	v6 =	vadd.f32 v9, v15;
	[tilespmem:s15+$0x0] =	vst v11;
	v9 =	vmax.f32 v10, $0.0e+00;
	v10 =	vld [tilespmem:s20+$0x30]  }
0x325: {  	v5 =	vadd.f32 v5, v13;
	[tilespmem:s15+$0x40] =	vst v9;
	v9 =	vld [tilespmem:s18+$0x70]  }
0x326: {  	v6 =	vmax.f32 v6, $0.0e+00;
	v11 =	vld [tilespmem:s28+$0x10]  }
0x327: {  	[tilespmem:s15+$0xFFFFFF80] =	vst v6;
	v5 =	vmax.f32 v5, $0.0e+00;
	v6 =	vld [tilespmem:s15+$0x10]  }
0x328: {  	[tilespmem:s15+$0xFFFFFFC0] =	vst v5;
	v13 =	vld [tilespmem:s15+$0x50];
	v5 =	vshll.u32 v12, $0x10;
	v12 =	vand.u32 $0xFFFF0000, v12  }
0x329: {  	v14 =	vld [tilespmem:s28+$0xFFFFFF90];
	v5 =	vadd.f32 v5, v3;
	v12 =	vadd.f32 v12, v4;
	v4 =	vand.u32 $0xFFFF0000, v10  }
0x32a: {  	v10 =	vshll.u32 v10, $0x10;
	v3 =	vld [tilespmem:s15+$0xFFFFFFA0];
	v9 =	vadd.f32 v4, v9  }
0x32b: {  	v4 =	vld [tilespmem:s15+$0xFFFFFFE0];
	v15 =	vshll.u32 v11, $0x10;
	v16 =	vmax.f32 v5, $0.0e+00;
	v12 =	vmax.f32 v12, $0.0e+00  }
0x32c: {  	v11 =	vand.u32 $0xFFFF0000, v11;
	v5 =	vld [tilespmem:s15+$0xFFFFFFB0];
	v15 =	vadd.f32 v15, v6;
	[tilespmem:s18+$0xFFFFFFA0] =	vst v16;
	v9 =	vmax.f32 v9, $0.0e+00  }
0x32d: {  	v10 =	vadd.f32 v10, v2;
	v6 =	vld [tilespmem:s15+$0xFFFFFFF0];
	v11 =	vadd.f32 v11, v13;
	[tilespmem:s18+$0x70] =	vst v9  }
.Ltmp7:
0x32e: {  	v9 =	vshll.u32 v14, $0x10;
	v13 =	vand.u32 $0xFFFF0000, v14;
	v14 =	vmax.f32 v15, $0.0e+00;
	v2 =	vld [tilespmem:s15+$0x30];
	[tilespmem:s18+$0xFFFFFFE0] =	vst v12;
	(pc) =	sbr.rel @p1 .LBB2_16-.Ltmp7, $4  }
0x32f: {  	v9 =	vadd.f32 v9, v8;
	v12 =	vadd.f32 v13, v7;
	[tilespmem:s15+$0x10] =	vst v14;
	v8 =	vmax.f32 v11, $0.0e+00;
	v7 =	vld [tilespmem:s20+$0xFFFFFFB0];
	s20 =	smov.u32 s28  }
0x330: {  	v10 =	vmax.f32 v10, $0.0e+00;
	[tilespmem:s15+$0x50] =	vst v8;
	v8 =	vld [tilespmem:s15+$0x20]  }
0x331: {  	v13 =	vmax.f32 v9, $0.0e+00;
	v11 =	vmax.f32 v12, $0.0e+00;
	v9 =	vld [tilespmem:s28+$0x20];
	[tilespmem:s18+$0x30] =	vst v10  }
0x332: {  	s28 =	sadd.s32 $0x100, s28;
	[tilespmem:s15+$0xFFFFFF90] =	vst v13;
	v10 =	vld [tilespmem:s15+$0x60]  }
0x333: {  	[tilespmem:s19+$0xFFFFFFD0] =	vst v11  }
0x334: {  	v11 =	vld [tilespmem:s20+$0xFFFFFFA0];
	_ =	sdelay $0x2  }
0x335: {  	v12 =	vshll.u32 v9, $0x10  }
0x336: {  	v9 =	vand.u32 $0xFFFF0000, v9;
	v8 =	vadd.f32 v12, v8  }
0x337: {  	v9 =	vadd.f32 v9, v10;
	v10 =	vshll.u32 v11, $0x10  }
0x338: {  	v8 =	vmax.f32 v8, $0.0e+00;
	v11 =	vand.u32 $0xFFFF0000, v11;
	v3 =	vadd.f32 v10, v3  }
0x339: {  	[tilespmem:s19+$0x20] =	vst v8;
	v8 =	vmax.f32 v9, $0.0e+00;
	v4 =	vadd.f32 v11, v4  }
0x33a: {  	[tilespmem:s19+$0x60] =	vst v8;
	v3 =	vmax.f32 v3, $0.0e+00  }
0x33b: {  	v8 =	vld [tilespmem:s20+$0x30];
	v4 =	vmax.f32 v4, $0.0e+00;
	[tilespmem:s19+$0xFFFFFFA0] =	vst v3  }
0x33c: {  	v3 =	vld [tilespmem:s19+$0x70];
	[tilespmem:s19+$0xFFFFFFE0] =	vst v4  }
0x33d: {  	v4 =	vld [tilespmem:s20+$0xFFFFFFB0]  }
0x33e: {  	v9 =	vshll.u32 v7, $0x10  }
0x33f: {  	v7 =	vand.u32 $0xFFFF0000, v7;
	v0 =	vadd.f32 v9, v0  }
0x340: {  	v1 =	vadd.f32 v7, v1;
	v7 =	vand.u32 $0xFFFF0000, v8  }
0x341: {  	v0 =	vmax.f32 v0, $0.0e+00;
	v8 =	vshll.u32 v8, $0x10;
	v3 =	vadd.f32 v7, v3  }
0x342: {  	[tilespmem:s18+$0xFFFFFFB0] =	vst v0;
	v0 =	vmax.f32 v1, $0.0e+00;
	v1 =	vadd.f32 v8, v2;
	v2 =	vshll.u32 v4, $0x10  }
0x343: {  	[tilespmem:s18+$0xFFFFFFF0] =	vst v0;
	v0 =	vmax.f32 v3, $0.0e+00;
	v3 =	vand.u32 $0xFFFF0000, v4;
	v2 =	vadd.f32 v2, v5  }
0x344: {  	[tilespmem:s19+$0x70] =	vst v0;
	v0 =	vmax.f32 v1, $0.0e+00;
	v1 =	vadd.f32 v3, v6  }
0x345: {  	[tilespmem:s19+$0x30] =	vst v0;
	v0 =	vmax.f32 v2, $0.0e+00  }
0x346: {  	[tilespmem:s19+$0xFFFFFFB0] =	vst v0;
	v0 =	vmax.f32 v1, $0.0e+00  }
0x347: {  	s15 =	simm.s32 $0x280;
	[tilespmem:s19+$0xFFFFFFF0] =	vst v0  }
0x348: {  	[spmem:s2] =	stream.indirect.scatter.add.f32 [tilespmem:s10], [sflag:$0x9], $0x80, s15, s4, $0xb8;
	[tilespmem:$0x1DC80] =	vst v63  }
0x349: {  	_ =	swait.ge [sflag:s0], $0x100  }
0x34a: {  	[sflag:s0] =	ssyncset.done $0x0  }
0x34b: {  	[sflag:s0] =	ssyncadd.s32 $0xFFFFFF00  }
0x34c: {  	_ =	swait.ge [sflag:s23], $0x2800  }
0x34d: {  	[sflag:s23] =	ssyncset.done $0x0  }
0x34e: {  	[sflag:s23] =	ssyncadd.s32 $0xFFFFD800  }
0x34f: {  	[tilespmem:s10], [sflag:$0x5] =	stream.indirect.gather [hbm4b:s1+s4], $0x80, s3, s4, $0xb8;
	[tilespmem:$0x1DC80] =	vst v63  }
0x350: {  	s29 =	rddreg [dreg:$0x12]  }
0x351: {  	[tilespmem:s11], [sflag:$0x7] =	stream.linear.gather [hbm4b:s29+s3], $0x2800, $0x38;
	[tilespmem:$0x1DC80] =	vst v63  }
0x352: {  	_ =	swait.ge [sflag:s24], $0x2800  }
0x353: {  	[sflag:s24] =	ssyncset.done $0x0  }
0x354: {  	[sflag:s24] =	ssyncadd.s32 $0xFFFFD800  }
0x355: {  	_ =	swait.ge [sflag:s25], $0x2800  }
0x356: {  	[sflag:s25] =	ssyncset.done $0x0  }
0x357: {  	s30 =	simm.s32 $0x7CB0;
	[sflag:s25] =	ssyncadd.s32 $0xFFFFD800  }
0x358: {  	s18 =	simm.s32 $0x2CF0;
	v0 =	vld [tilespmem:s30+$0xFFFFFFD0]  }
0x359: {  	v1 =	vld [tilespmem:s18+$0xFFFFFF90]  }
0x35a: {  	v2 =	vld [tilespmem:s18+$0xFFFFFFD0];
	_ =	sdelay $0x2  }
0x35b: {  	v3 =	vshll.u32 v0, $0x10  }
0x35c: {  	v4 =	vld [tilespmem:s30+$0xFFFFFF50];
	v0 =	vand.u32 $0xFFFF0000, v0;
	v1 =	vadd.f32 v3, v1  }
0x35d: {  	v3 =	vld [tilespmem:s18+$0xFFFFFF10];
	v0 =	vadd.f32 v0, v2  }
0x35e: {  	v2 =	vld [tilespmem:s18+$0xFFFFFF50];
	v1 =	vmax.f32 v1, $0.0e+00  }
0x35f: {  	v0 =	vmax.f32 v0, $0.0e+00;
	[tilespmem:s18+$0xFFFFFF90] =	vst v1  }
0x360: {  	[tilespmem:s18+$0xFFFFFFD0] =	vst v0  }
0x361: {  	v0 =	vshll.u32 v4, $0x10;
	v5 =	vld [tilespmem:s30+$0xFFFFFFE0]  }
0x362: {  	v4 =	vand.u32 $0xFFFF0000, v4;
	v0 =	vadd.f32 v0, v3;
	v3 =	vld [tilespmem:s18+$0xFFFFFFA0]  }
0x363: {  	v2 =	vadd.f32 v4, v2;
	v4 =	vld [tilespmem:s18+$0xFFFFFFE0]  }
0x364: {  	v6 =	vld [tilespmem:s18+$0xFFFFFF60];
	v0 =	vmax.f32 v0, $0.0e+00  }
0x365: {  	v7 =	vld [tilespmem:s18+$0xFFFFFFC0];
	[tilespmem:s18+$0xFFFFFF10] =	vst v0;
	v0 =	vmax.f32 v2, $0.0e+00  }
0x366: {  	s20 =	simm.s32 $0x7DB0;
	v9 =	vld [tilespmem:s18+$0xFFFFFFF0];
	[tilespmem:s18+$0xFFFFFF50] =	vst v0;
	v0 =	vshll.u32 v5, $0x10  }
0x367: {  	s19 =	simm.s32 $0x2DF0;
	v10 =	vld [tilespmem:s20+$0xFFFFFFD0];
	v5 =	vand.u32 $0xFFFF0000, v5;
	v0 =	vadd.f32 v0, v3  }
0x368: {  	v55 =	vld [tilespmem:s19+$0xFFFFFF90];
	v4 =	vadd.f32 v5, v4  }
0x369: {  	v2 =	vld [tilespmem:s30+$0xFFFFFF60];
	v0 =	vmax.f32 v0, $0.0e+00  }
0x36a: {  	v1 =	vld [tilespmem:s18+$0xFFFFFF20];
	v4 =	vmax.f32 v4, $0.0e+00;
	[tilespmem:s18+$0xFFFFFFA0] =	vst v0  }
0x36b: {  	v13 =	vld [tilespmem:s19+$0xFFFFFFD0];
	[tilespmem:s18+$0xFFFFFFE0] =	vst v4  }
0x36c: {  	v8 =	vld [tilespmem:s30+$0xFFFFFFF0]  }
0x36d: {  	v4 =	vld [tilespmem:s18+$0xFFFFFFB0]  }
0x36e: {  	v14 =	vld [tilespmem:s20+$0xFFFFFF50];
	v11 =	vshll.u32 v2, $0x10;
	v2 =	vand.u32 $0xFFFF0000, v2  }
0x36f: {  	v57 =	vld [tilespmem:s19+$0xFFFFFFE0];
	v11 =	vadd.f32 v11, v1;
	v2 =	vadd.f32 v2, v6  }
0x370: {  	v58 =	vld [tilespmem:s18+$0x0]  }
0x371: {  	v3 =	vld [tilespmem:s18+$0xFFFFFF30];
	v11 =	vmax.f32 v11, $0.0e+00;
	v2 =	vmax.f32 v2, $0.0e+00;
	v6 =	vshll.u32 v8, $0x10  }
0x372: {  	v5 =	vld [tilespmem:s18+$0xFFFFFF70];
	v8 =	vand.u32 $0xFFFF0000, v8;
	[tilespmem:s18+$0xFFFFFF20] =	vst v11;
	v11 =	vshll.u32 v10, $0x10;
	v4 =	vadd.f32 v6, v4  }
0x373: {  	[tilespmem:s18+$0xFFFFFF60] =	vst v2;
	v2 =	vld [tilespmem:s19+$0xFFFFFF50];
	v8 =	vadd.f32 v8, v9;
	v9 =	vand.u32 $0xFFFF0000, v10;
	v10 =	vadd.f32 v11, v55  }
0x374: {  	v6 =	vld [tilespmem:s19+$0xFFFFFF10];
	v4 =	vmax.f32 v4, $0.0e+00  }
0x375: {  	v0 =	vld [tilespmem:s18+$0xFFFFFF40];
	v9 =	vadd.f32 v9, v13;
	v10 =	vmax.f32 v10, $0.0e+00;
	[tilespmem:s18+$0xFFFFFFB0] =	vst v4  }
0x376: {  	v56 =	vld [tilespmem:s30+$0xFFFFFF70];
	v4 =	vmax.f32 v8, $0.0e+00;
	[tilespmem:s19+$0xFFFFFF90] =	vst v10  }
0x377: {  	v1 =	vld [tilespmem:s18+$0xFFFFFF80];
	v9 =	vmax.f32 v9, $0.0e+00;
	v10 =	vand.u32 $0xFFFF0000, v14;
	[tilespmem:s18+$0xFFFFFFF0] =	vst v4  }
0x378: {  	v4 =	vshll.u32 v14, $0x10;
	[tilespmem:s19+$0xFFFFFFD0] =	vst v9;
	v2 =	vadd.f32 v10, v2;
	v10 =	vld [tilespmem:s19+$0xFFFFFFA0]  }
0x379: {  	v4 =	vadd.f32 v4, v6;
	v9 =	vld [tilespmem:s20+$0xFFFFFFE0]  }
0x37a: {  	v6 =	vld [tilespmem:s30+$0x0];
	v2 =	vmax.f32 v2, $0.0e+00  }
0x37b: {  	v11 =	vld [tilespmem:s19+$0xFFFFFF20];
	v4 =	vmax.f32 v4, $0.0e+00;
	[tilespmem:s19+$0xFFFFFF50] =	vst v2;
	v2 =	vshll.u32 v56, $0x10  }
0x37c: {  	v8 =	vld [tilespmem:s19+$0xFFFFFF60];
	[tilespmem:s19+$0xFFFFFF10] =	vst v4;
	v2 =	vadd.f32 v2, v3  }
0x37d: {  	v4 =	vand.u32 $0xFFFF0000, v56;
	v59 =	vld [tilespmem:s20+$0xFFFFFF60]  }
0x37e: {  	v3 =	vld [tilespmem:s19+$0xFFFFFF30];
	v5 =	vadd.f32 v4, v5;
	v15 =	vshll.u32 v9, $0x10;
	v2 =	vmax.f32 v2, $0.0e+00  }
0x37f: {  	v4 =	vld [tilespmem:s19+$0xFFFFFF70];
	v9 =	vand.u32 $0xFFFF0000, v9;
	v60 =	vand.u32 $0xFFFF0000, v6;
	v10 =	vadd.f32 v15, v10  }
0x380: {  	v61 =	vshll.u32 v6, $0x10;
	v6 =	vld [tilespmem:s19+$0xFFFFFF80];
	v16 =	vmax.f32 v5, $0.0e+00;
	[tilespmem:s18+$0xFFFFFF30] =	vst v2;
	v9 =	vadd.f32 v9, v57  }
0x381: {  	v5 =	vld [tilespmem:s19+$0xFFFFFF40];
	v14 =	vadd.f32 v60, v58;
	[tilespmem:s18+$0xFFFFFF70] =	vst v16;
	v10 =	vmax.f32 v10, $0.0e+00  }
0x382: {  	v2 =	vld [tilespmem:s19+$0xFFFFFFC0];
	v13 =	vadd.f32 v61, v7;
	v9 =	vmax.f32 v9, $0.0e+00;
	v7 =	vshll.u32 v59, $0x10;
	[tilespmem:s19+$0xFFFFFFA0] =	vst v10  }
0x383: {  	v10 =	vmax.f32 v14, $0.0e+00;
	v12 =	vand.u32 $0xFFFF0000, v59;
	[tilespmem:s19+$0xFFFFFFE0] =	vst v9;
	v11 =	vadd.f32 v7, v11;
	v7 =	vld [tilespmem:s30+$0xFFFFFF80]  }
0x384: {  	v62 =	vmax.f32 v13, $0.0e+00;
	[tilespmem:s18+$0x0] =	vst v10;
	v10 =	vadd.f32 v12, v8;
	v8 =	vld [tilespmem:s19+$0xFFFFFFB0]  }
0x385: {  	[tilespmem:s18+$0xFFFFFFC0] =	vst v62;
	v9 =	vld [tilespmem:s20+$0xFFFFFFF0];
	v63 =	vmax.f32 v11, $0.0e+00  }
0x386: {  	s26 =	simm.s32 $0x2;
	s28 =	simm.s32 $0x7EB0;
	s15 =	simm.s32 $0x2DF0;
	v11 =	vmax.f32 v10, $0.0e+00;
	v10 =	vld [tilespmem:s19+$0xFFFFFFF0];
	[tilespmem:s19+$0xFFFFFF20] =	vst v63  }
.LBB2_18:
0x387: {  	v12 =	vld [tilespmem:s28+$0xFFFFFFD0];
	[tilespmem:s19+$0xFFFFFF60] =	vst v11;
	s15 =	sadd.s32 $0x100, s15  }
0x388: {  	v11 =	vld [tilespmem:s15+$0xFFFFFF90];
	v13 =	vshll.u32 v7, $0x10;
	v7 =	vand.u32 $0xFFFF0000, v7  }
0x389: {  	v14 =	vld [tilespmem:s15+$0xFFFFFFD0];
	v13 =	vadd.f32 v13, v0;
	v7 =	vadd.f32 v7, v1;
	v0 =	vmovc v5;
	v1 =	vmov v6  }
0x38a: {  	s26 =	sadd.s32 $0x2, s26;
	v5 =	vld [tilespmem:s28+$0xFFFFFF50];
	v6 =	vshll.u32 v9, $0x10  }
0x38b: {  	p1 =	slt.u32 s26, $0x4E;
	v9 =	vand.u32 $0xFFFF0000, v9;
	v15 =	vld [tilespmem:s15+$0xFFFFFF10];
	v6 =	vadd.f32 v6, v8;
	v8 =	vmax.f32 v13, $0.0e+00  }
0x38c: {  	v9 =	vadd.f32 v9, v10;
	v7 =	vmax.f32 v7, $0.0e+00;
	v13 =	vld [tilespmem:s15+$0xFFFFFF50];
	v16 =	vshll.u32 v12, $0x10;
	[tilespmem:s18+$0xFFFFFF40] =	vst v8  }
0x38d: {  	v10 =	vand.u32 $0xFFFF0000, v12;
	v8 =	vld [tilespmem:s15+$0xFFFFFF20];
	v11 =	vadd.f32 v16, v11;
	v6 =	vmax.f32 v6, $0.0e+00;
	[tilespmem:s18+$0xFFFFFF80] =	vst v7;
	s18 =	smov.u32 s19;
	s19 =	smov.u32 s15  }
0x38e: {  	v7 =	vld [tilespmem:s15+$0xFFFFFF60];
	v10 =	vadd.f32 v10, v14;
	[tilespmem:s18+$0xFFFFFFB0] =	vst v6;
	v6 =	vmax.f32 v9, $0.0e+00  }
0x38f: {  	v9 =	vshll.u32 v5, $0x10;
	v5 =	vand.u32 $0xFFFF0000, v5;
	v11 =	vmax.f32 v11, $0.0e+00;
	v12 =	vld [tilespmem:s20+$0xFFFFFF70];
	[tilespmem:s18+$0xFFFFFFF0] =	vst v6  }
0x390: {  	v6 =	vadd.f32 v9, v15;
	[tilespmem:s15+$0xFFFFFF90] =	vst v11;
	v9 =	vmax.f32 v10, $0.0e+00;
	v10 =	vld [tilespmem:s20+$0x0]  }
0x391: {  	v5 =	vadd.f32 v5, v13;
	[tilespmem:s15+$0xFFFFFFD0] =	vst v9;
	v9 =	vld [tilespmem:s18+$0x0]  }
0x392: {  	v6 =	vmax.f32 v6, $0.0e+00;
	v11 =	vld [tilespmem:s28+$0xFFFFFFE0]  }
0x393: {  	[tilespmem:s15+$0xFFFFFF10] =	vst v6;
	v5 =	vmax.f32 v5, $0.0e+00;
	v6 =	vld [tilespmem:s15+$0xFFFFFFA0]  }
0x394: {  	[tilespmem:s15+$0xFFFFFF50] =	vst v5;
	v13 =	vld [tilespmem:s15+$0xFFFFFFE0];
	v5 =	vshll.u32 v12, $0x10;
	v12 =	vand.u32 $0xFFFF0000, v12  }
0x395: {  	v14 =	vld [tilespmem:s28+$0xFFFFFF60];
	v5 =	vadd.f32 v5, v3;
	v12 =	vadd.f32 v12, v4;
	v4 =	vand.u32 $0xFFFF0000, v10  }
0x396: {  	v10 =	vshll.u32 v10, $0x10;
	v3 =	vld [tilespmem:s15+$0xFFFFFF30];
	v9 =	vadd.f32 v4, v9  }
0x397: {  	v4 =	vld [tilespmem:s15+$0xFFFFFF70];
	v15 =	vshll.u32 v11, $0x10;
	v16 =	vmax.f32 v5, $0.0e+00;
	v12 =	vmax.f32 v12, $0.0e+00  }
0x398: {  	v11 =	vand.u32 $0xFFFF0000, v11;
	v5 =	vld [tilespmem:s15+$0xFFFFFF40];
	v15 =	vadd.f32 v15, v6;
	[tilespmem:s18+$0xFFFFFF30] =	vst v16;
	v9 =	vmax.f32 v9, $0.0e+00  }
0x399: {  	v10 =	vadd.f32 v10, v2;
	v6 =	vld [tilespmem:s15+$0xFFFFFF80];
	v11 =	vadd.f32 v11, v13;
	[tilespmem:s18+$0x0] =	vst v9  }
.Ltmp8:
0x39a: {  	v9 =	vshll.u32 v14, $0x10;
	v13 =	vand.u32 $0xFFFF0000, v14;
	v14 =	vmax.f32 v15, $0.0e+00;
	v2 =	vld [tilespmem:s15+$0xFFFFFFC0];
	[tilespmem:s18+$0xFFFFFF70] =	vst v12;
	(pc) =	sbr.rel @p1 .LBB2_18-.Ltmp8, $4  }
0x39b: {  	v9 =	vadd.f32 v9, v8;
	v12 =	vadd.f32 v13, v7;
	[tilespmem:s15+$0xFFFFFFA0] =	vst v14;
	v8 =	vmax.f32 v11, $0.0e+00;
	v7 =	vld [tilespmem:s20+$0xFFFFFF80];
	s20 =	smov.u32 s28  }
0x39c: {  	v10 =	vmax.f32 v10, $0.0e+00;
	[tilespmem:s15+$0xFFFFFFE0] =	vst v8;
	v8 =	vld [tilespmem:s15+$0xFFFFFFB0]  }
0x39d: {  	v13 =	vmax.f32 v9, $0.0e+00;
	v11 =	vmax.f32 v12, $0.0e+00;
	v9 =	vld [tilespmem:s28+$0xFFFFFFF0];
	[tilespmem:s18+$0xFFFFFFC0] =	vst v10  }
0x39e: {  	s28 =	sadd.s32 $0x100, s28;
	[tilespmem:s15+$0xFFFFFF20] =	vst v13;
	v10 =	vld [tilespmem:s15+$0xFFFFFFF0]  }
0x39f: {  	[tilespmem:s19+$0xFFFFFF60] =	vst v11  }
0x3a0: {  	v11 =	vld [tilespmem:s20+$0xFFFFFF70];
	_ =	sdelay $0x2  }
0x3a1: {  	v12 =	vshll.u32 v9, $0x10  }
0x3a2: {  	v9 =	vand.u32 $0xFFFF0000, v9;
	v8 =	vadd.f32 v12, v8  }
0x3a3: {  	v9 =	vadd.f32 v9, v10;
	v10 =	vshll.u32 v11, $0x10  }
0x3a4: {  	v8 =	vmax.f32 v8, $0.0e+00;
	v11 =	vand.u32 $0xFFFF0000, v11;
	v3 =	vadd.f32 v10, v3  }
0x3a5: {  	[tilespmem:s19+$0xFFFFFFB0] =	vst v8;
	v8 =	vmax.f32 v9, $0.0e+00;
	v4 =	vadd.f32 v11, v4  }
0x3a6: {  	[tilespmem:s19+$0xFFFFFFF0] =	vst v8;
	v3 =	vmax.f32 v3, $0.0e+00  }
0x3a7: {  	v8 =	vld [tilespmem:s20+$0x0];
	v4 =	vmax.f32 v4, $0.0e+00;
	[tilespmem:s19+$0xFFFFFF30] =	vst v3  }
0x3a8: {  	v3 =	vld [tilespmem:s19+$0x0];
	[tilespmem:s19+$0xFFFFFF70] =	vst v4  }
0x3a9: {  	v4 =	vld [tilespmem:s20+$0xFFFFFF80]  }
0x3aa: {  	v9 =	vshll.u32 v7, $0x10  }
0x3ab: {  	v7 =	vand.u32 $0xFFFF0000, v7;
	v0 =	vadd.f32 v9, v0  }
0x3ac: {  	v1 =	vadd.f32 v7, v1;
	v7 =	vand.u32 $0xFFFF0000, v8  }
0x3ad: {  	v0 =	vmax.f32 v0, $0.0e+00;
	v8 =	vshll.u32 v8, $0x10;
	v3 =	vadd.f32 v7, v3  }
0x3ae: {  	[tilespmem:s18+$0xFFFFFF40] =	vst v0;
	v0 =	vmax.f32 v1, $0.0e+00;
	v1 =	vadd.f32 v8, v2;
	v2 =	vshll.u32 v4, $0x10  }
0x3af: {  	[tilespmem:s18+$0xFFFFFF80] =	vst v0;
	v0 =	vmax.f32 v3, $0.0e+00;
	v3 =	vand.u32 $0xFFFF0000, v4;
	v2 =	vadd.f32 v2, v5  }
0x3b0: {  	[tilespmem:s19+$0x0] =	vst v0;
	v0 =	vmax.f32 v1, $0.0e+00;
	v1 =	vadd.f32 v3, v6  }
0x3b1: {  	[tilespmem:s19+$0xFFFFFFC0] =	vst v0;
	v0 =	vmax.f32 v2, $0.0e+00  }
0x3b2: {  	[tilespmem:s19+$0xFFFFFF40] =	vst v0;
	v0 =	vmax.f32 v1, $0.0e+00  }
0x3b3: {  	s15 =	simm.s32 $0x380;
	[tilespmem:s19+$0xFFFFFF80] =	vst v0  }
0x3b4: {  	[spmem:s2] =	stream.indirect.scatter.add.f32 [tilespmem:s14], [sflag:$0xA], $0x80, s15, s4, $0xb8;
	[tilespmem:$0x1DC80] =	vst v63  }
0x3b5: {  	_ =	swait.ge [sflag:s16], $0x2800  }
0x3b6: {  	[sflag:s16] =	ssyncset.done $0x0  }
0x3b7: {  	[sflag:s16] =	ssyncadd.s32 $0xFFFFD800  }
0x3b8: {  	_ =	swait.ge [sflag:s17], $0x2800  }
0x3b9: {  	[sflag:s17] =	ssyncset.done $0x0  }
0x3ba: {  	s30 =	simm.s32 $0x5480;
	[sflag:s17] =	ssyncadd.s32 $0xFFFFD800  }
0x3bb: {  	s18 =	simm.s32 $0x480;
	v0 =	vld [tilespmem:s30+$0x0]  }
0x3bc: {  	v1 =	vld [tilespmem:s18+$0x0]  }
0x3bd: {  	v2 =	vld [tilespmem:s18+$0x40];
	_ =	sdelay $0x2  }
0x3be: {  	v3 =	vshll.u32 v0, $0x10  }
0x3bf: {  	v4 =	vld [tilespmem:s30+$0xFFFFFF80];
	v0 =	vand.u32 $0xFFFF0000, v0;
	v1 =	vadd.f32 v3, v1  }
0x3c0: {  	v3 =	vld [tilespmem:s18+$0xFFFFFF80];
	v0 =	vadd.f32 v0, v2  }
0x3c1: {  	v2 =	vld [tilespmem:s18+$0xFFFFFFC0];
	v1 =	vmax.f32 v1, $0.0e+00  }
0x3c2: {  	v0 =	vmax.f32 v0, $0.0e+00;
	[tilespmem:s18+$0x0] =	vst v1  }
0x3c3: {  	[tilespmem:s18+$0x40] =	vst v0  }
0x3c4: {  	v0 =	vshll.u32 v4, $0x10;
	v5 =	vld [tilespmem:s30+$0x10]  }
0x3c5: {  	v4 =	vand.u32 $0xFFFF0000, v4;
	v0 =	vadd.f32 v0, v3;
	v3 =	vld [tilespmem:s18+$0x10]  }
0x3c6: {  	v2 =	vadd.f32 v4, v2;
	v4 =	vld [tilespmem:s18+$0x50]  }
0x3c7: {  	v6 =	vld [tilespmem:s18+$0xFFFFFFD0];
	v0 =	vmax.f32 v0, $0.0e+00  }
0x3c8: {  	v7 =	vld [tilespmem:s18+$0x30];
	[tilespmem:s18+$0xFFFFFF80] =	vst v0;
	v0 =	vmax.f32 v2, $0.0e+00  }
0x3c9: {  	s20 =	simm.s32 $0x5580;
	v9 =	vld [tilespmem:s18+$0x60];
	[tilespmem:s18+$0xFFFFFFC0] =	vst v0;
	v0 =	vshll.u32 v5, $0x10  }
0x3ca: {  	s19 =	simm.s32 $0x580;
	v10 =	vld [tilespmem:s20+$0x0];
	v5 =	vand.u32 $0xFFFF0000, v5;
	v0 =	vadd.f32 v0, v3  }
0x3cb: {  	v55 =	vld [tilespmem:s19+$0x0];
	v4 =	vadd.f32 v5, v4  }
0x3cc: {  	v2 =	vld [tilespmem:s30+$0xFFFFFF90];
	v0 =	vmax.f32 v0, $0.0e+00  }
0x3cd: {  	v1 =	vld [tilespmem:s18+$0xFFFFFF90];
	v4 =	vmax.f32 v4, $0.0e+00;
	[tilespmem:s18+$0x10] =	vst v0  }
0x3ce: {  	v13 =	vld [tilespmem:s19+$0x40];
	[tilespmem:s18+$0x50] =	vst v4  }
0x3cf: {  	v8 =	vld [tilespmem:s30+$0x20]  }
0x3d0: {  	v4 =	vld [tilespmem:s18+$0x20]  }
0x3d1: {  	v14 =	vld [tilespmem:s20+$0xFFFFFF80];
	v11 =	vshll.u32 v2, $0x10;
	v2 =	vand.u32 $0xFFFF0000, v2  }
0x3d2: {  	v57 =	vld [tilespmem:s19+$0x50];
	v11 =	vadd.f32 v11, v1;
	v2 =	vadd.f32 v2, v6  }
0x3d3: {  	v58 =	vld [tilespmem:s18+$0x70]  }
0x3d4: {  	v3 =	vld [tilespmem:s18+$0xFFFFFFA0];
	v11 =	vmax.f32 v11, $0.0e+00;
	v2 =	vmax.f32 v2, $0.0e+00;
	v6 =	vshll.u32 v8, $0x10  }
0x3d5: {  	v5 =	vld [tilespmem:s18+$0xFFFFFFE0];
	v8 =	vand.u32 $0xFFFF0000, v8;
	[tilespmem:s18+$0xFFFFFF90] =	vst v11;
	v11 =	vshll.u32 v10, $0x10;
	v4 =	vadd.f32 v6, v4  }
0x3d6: {  	[tilespmem:s18+$0xFFFFFFD0] =	vst v2;
	v2 =	vld [tilespmem:s19+$0xFFFFFFC0];
	v8 =	vadd.f32 v8, v9;
	v9 =	vand.u32 $0xFFFF0000, v10;
	v10 =	vadd.f32 v11, v55  }
0x3d7: {  	v6 =	vld [tilespmem:s19+$0xFFFFFF80];
	v4 =	vmax.f32 v4, $0.0e+00  }
0x3d8: {  	v0 =	vld [tilespmem:s18+$0xFFFFFFB0];
	v9 =	vadd.f32 v9, v13;
	v10 =	vmax.f32 v10, $0.0e+00;
	[tilespmem:s18+$0x20] =	vst v4  }
0x3d9: {  	v56 =	vld [tilespmem:s30+$0xFFFFFFA0];
	v4 =	vmax.f32 v8, $0.0e+00;
	[tilespmem:s19+$0x0] =	vst v10  }
0x3da: {  	v1 =	vld [tilespmem:s18+$0xFFFFFFF0];
	v9 =	vmax.f32 v9, $0.0e+00;
	v10 =	vand.u32 $0xFFFF0000, v14;
	[tilespmem:s18+$0x60] =	vst v4  }
0x3db: {  	v4 =	vshll.u32 v14, $0x10;
	[tilespmem:s19+$0x40] =	vst v9;
	v2 =	vadd.f32 v10, v2;
	v10 =	vld [tilespmem:s19+$0x10]  }
0x3dc: {  	v4 =	vadd.f32 v4, v6;
	v9 =	vld [tilespmem:s20+$0x10]  }
0x3dd: {  	v6 =	vld [tilespmem:s30+$0x30];
	v2 =	vmax.f32 v2, $0.0e+00  }
0x3de: {  	v11 =	vld [tilespmem:s19+$0xFFFFFF90];
	v4 =	vmax.f32 v4, $0.0e+00;
	[tilespmem:s19+$0xFFFFFFC0] =	vst v2;
	v2 =	vshll.u32 v56, $0x10  }
0x3df: {  	v8 =	vld [tilespmem:s19+$0xFFFFFFD0];
	[tilespmem:s19+$0xFFFFFF80] =	vst v4;
	v2 =	vadd.f32 v2, v3  }
0x3e0: {  	v4 =	vand.u32 $0xFFFF0000, v56;
	v59 =	vld [tilespmem:s20+$0xFFFFFF90]  }
0x3e1: {  	v3 =	vld [tilespmem:s19+$0xFFFFFFA0];
	v5 =	vadd.f32 v4, v5;
	v15 =	vshll.u32 v9, $0x10;
	v2 =	vmax.f32 v2, $0.0e+00  }
0x3e2: {  	v4 =	vld [tilespmem:s19+$0xFFFFFFE0];
	v9 =	vand.u32 $0xFFFF0000, v9;
	v60 =	vand.u32 $0xFFFF0000, v6;
	v10 =	vadd.f32 v15, v10  }
0x3e3: {  	v61 =	vshll.u32 v6, $0x10;
	v6 =	vld [tilespmem:s19+$0xFFFFFFF0];
	v16 =	vmax.f32 v5, $0.0e+00;
	[tilespmem:s18+$0xFFFFFFA0] =	vst v2;
	v9 =	vadd.f32 v9, v57  }
0x3e4: {  	v5 =	vld [tilespmem:s19+$0xFFFFFFB0];
	v14 =	vadd.f32 v60, v58;
	[tilespmem:s18+$0xFFFFFFE0] =	vst v16;
	v10 =	vmax.f32 v10, $0.0e+00  }
0x3e5: {  	v2 =	vld [tilespmem:s19+$0x30];
	v13 =	vadd.f32 v61, v7;
	v9 =	vmax.f32 v9, $0.0e+00;
	v7 =	vshll.u32 v59, $0x10;
	[tilespmem:s19+$0x10] =	vst v10  }
0x3e6: {  	v10 =	vmax.f32 v14, $0.0e+00;
	v12 =	vand.u32 $0xFFFF0000, v59;
	[tilespmem:s19+$0x50] =	vst v9;
	v11 =	vadd.f32 v7, v11;
	v7 =	vld [tilespmem:s30+$0xFFFFFFB0]  }
0x3e7: {  	v62 =	vmax.f32 v13, $0.0e+00;
	[tilespmem:s18+$0x70] =	vst v10;
	v10 =	vadd.f32 v12, v8;
	v8 =	vld [tilespmem:s19+$0x20]  }
0x3e8: {  	[tilespmem:s18+$0x30] =	vst v62;
	v9 =	vld [tilespmem:s20+$0x20];
	v63 =	vmax.f32 v11, $0.0e+00  }
0x3e9: {  	s26 =	simm.s32 $0x2;
	s28 =	simm.s32 $0x5680;
	s15 =	simm.s32 $0x580;
	v11 =	vmax.f32 v10, $0.0e+00;
	v10 =	vld [tilespmem:s19+$0x60];
	[tilespmem:s19+$0xFFFFFF90] =	vst v63  }
.LBB2_20:
0x3ea: {  	v12 =	vld [tilespmem:s28+$0x0];
	[tilespmem:s19+$0xFFFFFFD0] =	vst v11;
	s15 =	sadd.s32 $0x100, s15  }
0x3eb: {  	v11 =	vld [tilespmem:s15+$0x0];
	v13 =	vshll.u32 v7, $0x10;
	v7 =	vand.u32 $0xFFFF0000, v7  }
0x3ec: {  	v14 =	vld [tilespmem:s15+$0x40];
	v13 =	vadd.f32 v13, v0;
	v7 =	vadd.f32 v7, v1;
	v0 =	vmovc v5;
	v1 =	vmov v6  }
0x3ed: {  	s26 =	sadd.s32 $0x2, s26;
	v5 =	vld [tilespmem:s28+$0xFFFFFF80];
	v6 =	vshll.u32 v9, $0x10  }
0x3ee: {  	p1 =	slt.u32 s26, $0x4E;
	v9 =	vand.u32 $0xFFFF0000, v9;
	v15 =	vld [tilespmem:s15+$0xFFFFFF80];
	v6 =	vadd.f32 v6, v8;
	v8 =	vmax.f32 v13, $0.0e+00  }
0x3ef: {  	v9 =	vadd.f32 v9, v10;
	v7 =	vmax.f32 v7, $0.0e+00;
	v13 =	vld [tilespmem:s15+$0xFFFFFFC0];
	v16 =	vshll.u32 v12, $0x10;
	[tilespmem:s18+$0xFFFFFFB0] =	vst v8  }
0x3f0: {  	v10 =	vand.u32 $0xFFFF0000, v12;
	v8 =	vld [tilespmem:s15+$0xFFFFFF90];
	v11 =	vadd.f32 v16, v11;
	v6 =	vmax.f32 v6, $0.0e+00;
	[tilespmem:s18+$0xFFFFFFF0] =	vst v7;
	s18 =	smov.u32 s19;
	s19 =	smov.u32 s15  }
0x3f1: {  	v7 =	vld [tilespmem:s15+$0xFFFFFFD0];
	v10 =	vadd.f32 v10, v14;
	[tilespmem:s18+$0x20] =	vst v6;
	v6 =	vmax.f32 v9, $0.0e+00  }
0x3f2: {  	v9 =	vshll.u32 v5, $0x10;
	v5 =	vand.u32 $0xFFFF0000, v5;
	v11 =	vmax.f32 v11, $0.0e+00;
	v12 =	vld [tilespmem:s20+$0xFFFFFFA0];
	[tilespmem:s18+$0x60] =	vst v6  }
0x3f3: {  	v6 =	vadd.f32 v9, v15;
	[tilespmem:s15+$0x0] =	vst v11;
	v9 =	vmax.f32 v10, $0.0e+00;
	v10 =	vld [tilespmem:s20+$0x30]  }
0x3f4: {  	v5 =	vadd.f32 v5, v13;
	[tilespmem:s15+$0x40] =	vst v9;
	v9 =	vld [tilespmem:s18+$0x70]  }
0x3f5: {  	v6 =	vmax.f32 v6, $0.0e+00;
	v11 =	vld [tilespmem:s28+$0x10]  }
0x3f6: {  	[tilespmem:s15+$0xFFFFFF80] =	vst v6;
	v5 =	vmax.f32 v5, $0.0e+00;
	v6 =	vld [tilespmem:s15+$0x10]  }
0x3f7: {  	[tilespmem:s15+$0xFFFFFFC0] =	vst v5;
	v13 =	vld [tilespmem:s15+$0x50];
	v5 =	vshll.u32 v12, $0x10;
	v12 =	vand.u32 $0xFFFF0000, v12  }
0x3f8: {  	v14 =	vld [tilespmem:s28+$0xFFFFFF90];
	v5 =	vadd.f32 v5, v3;
	v12 =	vadd.f32 v12, v4;
	v4 =	vand.u32 $0xFFFF0000, v10  }
0x3f9: {  	v10 =	vshll.u32 v10, $0x10;
	v3 =	vld [tilespmem:s15+$0xFFFFFFA0];
	v9 =	vadd.f32 v4, v9  }
0x3fa: {  	v4 =	vld [tilespmem:s15+$0xFFFFFFE0];
	v15 =	vshll.u32 v11, $0x10;
	v16 =	vmax.f32 v5, $0.0e+00;
	v12 =	vmax.f32 v12, $0.0e+00  }
0x3fb: {  	v11 =	vand.u32 $0xFFFF0000, v11;
	v5 =	vld [tilespmem:s15+$0xFFFFFFB0];
	v15 =	vadd.f32 v15, v6;
	[tilespmem:s18+$0xFFFFFFA0] =	vst v16;
	v9 =	vmax.f32 v9, $0.0e+00  }
0x3fc: {  	v10 =	vadd.f32 v10, v2;
	v6 =	vld [tilespmem:s15+$0xFFFFFFF0];
	v11 =	vadd.f32 v11, v13;
	[tilespmem:s18+$0x70] =	vst v9  }
.Ltmp9:
0x3fd: {  	v9 =	vshll.u32 v14, $0x10;
	v13 =	vand.u32 $0xFFFF0000, v14;
	v14 =	vmax.f32 v15, $0.0e+00;
	v2 =	vld [tilespmem:s15+$0x30];
	[tilespmem:s18+$0xFFFFFFE0] =	vst v12;
	(pc) =	sbr.rel @p1 .LBB2_20-.Ltmp9, $4  }
0x3fe: {  	v9 =	vadd.f32 v9, v8;
	v12 =	vadd.f32 v13, v7;
	[tilespmem:s15+$0x10] =	vst v14;
	v8 =	vmax.f32 v11, $0.0e+00;
	v7 =	vld [tilespmem:s20+$0xFFFFFFB0];
	s20 =	smov.u32 s28  }
0x3ff: {  	v10 =	vmax.f32 v10, $0.0e+00;
	[tilespmem:s15+$0x50] =	vst v8;
	v8 =	vld [tilespmem:s15+$0x20]  }
0x400: {  	v13 =	vmax.f32 v9, $0.0e+00;
	v11 =	vmax.f32 v12, $0.0e+00;
	v9 =	vld [tilespmem:s28+$0x20];
	[tilespmem:s18+$0x30] =	vst v10  }
0x401: {  	s28 =	sadd.s32 $0x100, s28;
	[tilespmem:s15+$0xFFFFFF90] =	vst v13;
	v10 =	vld [tilespmem:s15+$0x60]  }
0x402: {  	[tilespmem:s19+$0xFFFFFFD0] =	vst v11  }
0x403: {  	v11 =	vld [tilespmem:s20+$0xFFFFFFA0];
	_ =	sdelay $0x2  }
0x404: {  	v12 =	vshll.u32 v9, $0x10  }
0x405: {  	v48 =	vand.u32 $0xFFFF0000, v9;
	v8 =	vadd.f32 v12, v8  }
0x406: {  	v9 =	vadd.f32 v48, v10;
	v49 =	vshll.u32 v11, $0x10  }
0x407: {  	v8 =	vmax.f32 v8, $0.0e+00;
	v11 =	vand.u32 $0xFFFF0000, v11;
	v3 =	vadd.f32 v49, v3  }
0x408: {  	v50 =	vmax.f32 v9, $0.0e+00;
	[tilespmem:s19+$0x20] =	vst v8;
	v4 =	vadd.f32 v11, v4  }
0x409: {  	[tilespmem:s19+$0x60] =	vst v50;
	v3 =	vmax.f32 v3, $0.0e+00  }
0x40a: {  	v8 =	vld [tilespmem:s20+$0x30];
	v4 =	vmax.f32 v4, $0.0e+00;
	[tilespmem:s19+$0xFFFFFFA0] =	vst v3  }
0x40b: {  	v51 =	vld [tilespmem:s19+$0x70];
	[tilespmem:s19+$0xFFFFFFE0] =	vst v4  }
0x40c: {  	v4 =	vld [tilespmem:s20+$0xFFFFFFB0]  }
0x40d: {  	v52 =	vshll.u32 v7, $0x10  }
0x40e: {  	v53 =	vand.u32 $0xFFFF0000, v7;
	v0 =	vadd.f32 v52, v0  }
0x40f: {  	v1 =	vadd.f32 v53, v1;
	v54 =	vand.u32 $0xFFFF0000, v8  }
0x410: {  	v0 =	vmax.f32 v0, $0.0e+00;
	v8 =	vshll.u32 v8, $0x10;
	v3 =	vadd.f32 v54, v51  }
0x411: {  	v55 =	vmax.f32 v1, $0.0e+00;
	[tilespmem:s18+$0xFFFFFFB0] =	vst v0;
	v56 =	vadd.f32 v8, v2;
	v57 =	vshll.u32 v4, $0x10  }
0x412: {  	[tilespmem:s18+$0xFFFFFFF0] =	vst v55;
	v58 =	vmax.f32 v3, $0.0e+00;
	v59 =	vand.u32 $0xFFFF0000, v4;
	v2 =	vadd.f32 v57, v5  }
0x413: {  	v60 =	vmax.f32 v56, $0.0e+00;
	[tilespmem:s19+$0x70] =	vst v58;
	v61 =	vadd.f32 v59, v6  }
0x414: {  	[tilespmem:s19+$0x30] =	vst v60;
	v62 =	vmax.f32 v2, $0.0e+00  }
0x415: {  	v63 =	vmax.f32 v61, $0.0e+00;
	[tilespmem:s19+$0xFFFFFFB0] =	vst v62  }
0x416: {  	s15 =	simm.s32 $0x80;
	[tilespmem:s19+$0xFFFFFFF0] =	vst v63  }
0x417: {  	[spmem:s2] =	stream.indirect.scatter.add.f32 [tilespmem:s10], [sflag:$0x9], $0x80, s15, s4, $0xb8;
	[tilespmem:$0x1DC80] =	vst v63  }
0x418: {  	_ =	swait.ge [sflag:s7], $0x2800  }
0x419: {  	[sflag:s7] =	ssyncset.done $0x0  }
0x41a: {  	[sflag:s7] =	ssyncadd.s32 $0xFFFFD800  }
0x41b: {  	_ =	swait.ge [sflag:s23], $0x2800  }
0x41c: {  	[sflag:s23] =	ssyncset.done $0x0  }
0x41d: {  	[sflag:s23] =	ssyncadd.s32 $0xFFFFD800  }
0x41e: {  	[bflag:$0x0] =	sbarrier.arrive $0xFFFF  }
0x41f: {  	s18 =	rddreg [dreg:$0x13]  }
0x420: {  	s15 =	simm.s32 @p0 $0x1FCB;
	s19 =	rddreg [dreg:$0x19]  }
0x421: {  	[hbm:s18], [sflag:s15] =	dma.local @p0 [spmem:s19], $0x2800  }
0x422: {  	s15 =	simm.s32 @p0 $0xB  }
0x423: {  	_ =	swait.ge @p0 [sflag:s15], $0x2800  }
0x424: {  	s18 =	rddreg [dreg:$0x1a]  }
0x425: {  	[sflag:s15] =	ssyncset.done @p0 $0x0;
	s19 =	rddreg [dreg:$0x1b]  }
0x426: {  	[sflag:s15] =	ssyncadd.s32 @p0 $0xFFFFD800;
	s15 =	rddreg [dreg:$0x10]  }
0x427: {  	[hbm:s15], [sflag:s18] =	dma.local @!p0 [spmem:s19], $0x2700  }
0x428: {  	s15 =	simm.s32 @!p0 $0xB  }
0x429: {  	_ =	swait.ge @!p0 [sflag:s15], $0x2700  }
0x42a: {  	s29 =	rddreg [dreg:$0x18]  }
0x42b: {  	s30 =	rddreg [dreg:$0x14];
	s19 =	sadd.s32 $0x1, s29  }
0x42c: {  	p1 =	sne.s32 s19, s30  }
.Ltmp10:
0x42d: {  	_ = 	snop;
	(pc) =	sbr.rel @p1 .LBB2_1-.Ltmp10, $3  }
0x42e: {  	_ =	sdelay $0x1  }
0x42f: {  	[sflag:s15] =	ssyncset.done @!p0 $0x0  }
0x430: {  	[sflag:s15] =	ssyncadd.s32 @!p0 $0xFFFFD900  }
0x431: {  	_ =	sfence.sel $0x180000  }
0x432: {  	[bflag:$0x0] =	sbarrier.arrive $0xFFFF  }
0x433: {  	_ =	strace $0x90000047  }
0x434: {  	s0 =	stileid.u32;
	[bflag:$0x2] =	sbarrier.arrive $0xFFFF  }
0x435: {  	p0 =	sne.s32 s0, $0x0;
	s0 =	rddreg [dreg:$0x3]  }
0x436: {  	s0 =	sadd.s32 @!p0 $0x100000, s0  }
0x437: {  	[sflag:s0] =	ssyncadd.tile.s32 @!p0 $0x1;
	_ =	shalt  }
.Lfunc_end2:
_tile_overlayer_lowered:
.L_overlay_start_2:
0x438: {  	(tag) =	ssettag $0x2  }
0x439: {  	s0 =	rddreg [dreg:$0x0];
	s2 =	stileid.u32  }
0x43a: {  	s1 =	rddreg [dreg:$0x1];
	p0 =	sne.s32 s2, $0x0  }
0x43b: {  	s3 =	rddreg [dreg:$0x2];
	[bflag:$0x3] =	sbarrier.arrive $0xFFFF;
	s2 =	simm.s32 @!p0 $0x1C0B  }
0x43c: {  	[timem:s3], [sflag:s2] =	dma.local @!p0 [hbm:s0], s1  }
0x43d: {  	s0 =	simm.s32 @!p0 $0xB  }
0x43e: {  	_ =	swait.ge @!p0 [sflag:s0], s1  }
0x43f: {  	s1 =	ssub.s32 @!p0 $0x0, s1;
	[sflag:s0] =	ssyncset.done @!p0 $0x0  }
0x440: {  	[sflag:s0] =	ssyncadd.s32 @!p0 s1  }
0x441: {  	[bflag:$0x3] =	sbarrier.arrive $0xFFFF  }
0x442: {  	_ =	shalt  }

</sc_bundles>
